<compile_context>
chip_gen: v7x
topology: tpu7x:2x2x1
jax: 0.10.2.dev20260603
libtpu: 0.0.44.dev20260713+nightly
codegen_flags: <defaults>
</compile_context>

<pallas_src>
import dataclasses
import functools

import jax
import jax.numpy as jnp
from jax import lax
from jax.experimental import pallas as pl
from jax.experimental.pallas import tpu as pltpu
from jax.experimental.pallas import tpu_sc as plsc

EPS_C = 0.1
KW_C = 0.5
NC = 2
NS = 16
NW = NC * NS
LANES = 16
CHUNK = 128


def _sc_params():
    cp = pltpu.CompilerParams()
    if "needs_layout_passes" in pltpu.CompilerParams.__dataclass_fields__:
        cp = dataclasses.replace(cp, needs_layout_passes=False)
    return cp


def _round_up(v, m):
    return (v + m - 1) // m * m


def _tc_dense_x(hp, W1, b1, npad):
    br = 1024

    def body(h_ref, w1_ref, b1_ref, x_ref):
        x = lax.dot_general(h_ref[...], w1_ref[...], (((1,), (1,)), ((), ())),
                            preferred_element_type=jnp.float32) + b1_ref[...]
        x_ref[...] = jnp.maximum(x, 0.0)

    return pl.pallas_call(
        body,
        grid=(npad // br,),
        in_specs=[
            pl.BlockSpec((br, 128), lambda i: (i, 0)),
            pl.BlockSpec((128, 128), lambda i: (0, 0)),
            pl.BlockSpec((1, 128), lambda i: (0, 0)),
        ],
        out_specs=pl.BlockSpec((br, 128), lambda i: (i, 0)),
        out_shape=jax.ShapeDtypeStruct((npad, 128), jnp.float32),
    )(hp, W1, b1.reshape(1, 128))


def _table_rows(x, g6_ref, b6_ref, dg_ref):
    s = lax.dot_general(g6_ref[...], x, (((1,), (1,)), ((), ())),
                        preferred_element_type=jnp.float32) + b6_ref[...]
    deg = jnp.sum(dg_ref[...], axis=1)
    dis = lax.rsqrt(jnp.maximum(deg, 1.0))
    return s, dis


def _tc_tables(x, degs, G6, bias6, npad):
    bn = 2048

    def body(x_ref, dg_ref, g6_ref, b6_ref, t_ref):
        s, dis = _table_rows(x_ref[...], g6_ref, b6_ref, dg_ref)
        t_ref[0:2] = s[0:2]
        t_ref[2:3] = dis[0:1]
        t_ref[3:5] = s[3:5]
        t_ref[5:6] = dis[1:2] * KW_C ** 0.5

    return pl.pallas_call(
        body,
        grid=(npad // bn,),
        in_specs=[
            pl.BlockSpec((bn, 128), lambda i: (i, 0)),
            pl.BlockSpec((2, NW, bn), lambda i: (0, 0, i)),
            pl.BlockSpec((6, 128), lambda i: (0, 0)),
            pl.BlockSpec((6, 1), lambda i: (0, 0)),
        ],
        out_specs=pl.BlockSpec((6, bn), lambda i: (0, i)),
        out_shape=jax.ShapeDtypeStruct((6, npad), jnp.float32),
    )(x, degs, G6, bias6)


def _tc_combine_tables(p, xr, degs, G6, bias6, npad):
    bn = 2048

    def body(p_ref, x_ref, dg_ref, g6_ref, b6_ref, x1_ref, t_ref):
        x1 = EPS_C * x_ref[...] + p_ref[0] + p_ref[1]
        x1_ref[...] = x1
        s, dis = _table_rows(x1, g6_ref, b6_ref, dg_ref)
        t_ref[0:2] = s[0:2]
        t_ref[2:3] = dis[0:1]
        t_ref[3:5] = s[3:5]
        t_ref[5:6] = dis[1:2] * KW_C ** 0.5

    return pl.pallas_call(
        body,
        grid=(npad // bn,),
        in_specs=[
            pl.BlockSpec((2, bn, 128), lambda i: (0, i, 0)),
            pl.BlockSpec((bn, 128), lambda i: (i, 0)),
            pl.BlockSpec((2, NW, bn), lambda i: (0, 0, i)),
            pl.BlockSpec((6, 128), lambda i: (0, 0)),
            pl.BlockSpec((6, 1), lambda i: (0, 0)),
        ],
        out_specs=[
            pl.BlockSpec((bn, 128), lambda i: (i, 0)),
            pl.BlockSpec((6, bn), lambda i: (0, i)),
        ],
        out_shape=[
            jax.ShapeDtypeStruct((npad, 128), jnp.float32),
            jax.ShapeDtypeStruct((6, npad), jnp.float32),
        ],
    )(p, xr, degs, G6, bias6)


def _tc_final(q, xr, W2, b2, n, c):
    br = 1000

    def body(q_ref, x_ref, w2_ref, b2_ref, o_ref):
        x2 = EPS_C * x_ref[...] + q_ref[0] + q_ref[1]
        logits = lax.dot_general(x2, w2_ref[...], (((1,), (1,)), ((), ())),
                                 preferred_element_type=jnp.float32) + b2_ref[...]
        m = jnp.max(logits, axis=1, keepdims=True)
        lse = jnp.log(jnp.sum(jnp.exp(logits - m), axis=1, keepdims=True)) + m
        o_ref[...] = logits - lse

    return pl.pallas_call(
        body,
        grid=(n // br,),
        in_specs=[
            pl.BlockSpec((2, br, 128), lambda i: (0, i, 0)),
            pl.BlockSpec((br, 128), lambda i: (i, 0)),
            pl.BlockSpec((c, 128), lambda i: (0, 0)),
            pl.BlockSpec((1, c), lambda i: (0, 0)),
        ],
        out_specs=pl.BlockSpec((br, c), lambda i: (i, 0)),
        out_shape=jax.ShapeDtypeStruct((n, c), jnp.float32),
    )(q, xr, W2, b2.reshape(1, c))


def _sc_degree(ro, rk, zeros_n, npad):
    mesh = plsc.VectorSubcoreMesh(core_axis_name="c", subcore_axis_name="s")
    dc_o = ro.shape[0] // NW
    dc_k = rk.shape[0] // NW

    @functools.partial(
        pl.kernel,
        out_type=jax.ShapeDtypeStruct((2, NW, npad), jnp.float32),
        mesh=mesh,
        compiler_params=_sc_params(),
        scratch_types=[
            pltpu.VMEM((npad,), jnp.float32),
            pltpu.VMEM((npad,), jnp.float32),
            pltpu.VMEM((dc_o,), jnp.int32),
            pltpu.VMEM((dc_k,), jnp.int32),
        ],
    )
    def deg_kernel(ro_hbm, rk_hbm, z_hbm, out_hbm, ho_v, hk_v, io_v, ik_v):
        ci = lax.axis_index("c")
        si = lax.axis_index("s")
        wid = ci * NS + si
        pltpu.sync_copy(z_hbm, ho_v)
        pltpu.sync_copy(z_hbm, hk_v)
        pltpu.sync_copy(ro_hbm.at[pl.ds(wid * dc_o, dc_o)], io_v)
        pltpu.sync_copy(rk_hbm.at[pl.ds(wid * dc_k, dc_k)], ik_v)
        ones = jnp.full((LANES,), 1.0, jnp.float32)

        @pl.loop(0, dc_o, step=LANES)
        def _(i):
            plsc.addupdate_scatter(ho_v, [io_v[pl.ds(i, LANES)]], ones)

        @pl.loop(0, dc_k, step=LANES)
        def _(i):
            plsc.addupdate_scatter(hk_v, [ik_v[pl.ds(i, LANES)]], ones)

        pltpu.sync_copy(ho_v, out_hbm.at[0, wid])
        pltpu.sync_copy(hk_v, out_hbm.at[1, wid])

    return deg_kernel(ro, rk, zeros_n)


def _sc_edge_pass(x, t_tab, rc_o, rc_k, zeros_blk, npad,
                  nt_o, pt_o, pt_k):
    mesh = plsc.VectorSubcoreMesh(core_axis_name="c", subcore_axis_name="s")
    rpt = npad // NS

    @functools.partial(
        pl.kernel,
        out_type=jax.ShapeDtypeStruct((NC, npad, 128), jnp.float32),
        mesh=mesh,
        compiler_params=_sc_params(),
        scratch_types=[
            pltpu.VMEM((3 * npad,), jnp.float32),
            pltpu.VMEM((CHUNK, 128), jnp.float32),
            pltpu.VMEM((2, CHUNK), jnp.int32),
            pltpu.VMEM((CHUNK,), jnp.float32),
            pltpu.VMEM_SHARED((npad, 128), jnp.float32),
            pltpu.SemaphoreType.DMA,
        ],
    )
    def edge_kernel(x_hbm, t_hbm, rco_hbm, rck_hbm, z_hbm, p_hbm,
                    t_v, r_v, rc_v, c_v, acc, sem):
        ci = lax.axis_index("c")
        si = lax.axis_index("s")
        wid = ci * NS + si
        is_org = wid < nt_o
        pltpu.sync_copy(z_hbm, acc.at[pl.ds(si * rpt, rpt)])
        tb = jnp.where(is_org, 0, 3 * npad)
        pltpu.sync_copy(t_hbm.at[pl.ds(tb, 3 * npad)], t_v)
        plsc.subcore_barrier()

        aoff = jnp.full((LANES,), 0, jnp.int32)
        boff = jnp.full((LANES,), npad, jnp.int32)
        doff = jnp.full((LANES,), 2 * npad, jnp.int32)

        def family(rc_hbm, per_tile, tid):
            nch = per_tile // CHUNK
            base = tid * nch

            @pl.loop(0, nch)
            def _(i):
                pltpu.sync_copy(rc_hbm.at[base + i], rc_v)
                gat = pltpu.async_copy(x_hbm.at[rc_v.at[0]], r_v, sem)
                for g in range(CHUNK // LANES):
                    r16 = rc_v[0, pl.ds(g * LANES, LANES)]
                    c16 = rc_v[1, pl.ds(g * LANES, LANES)]
                    a = plsc.load_gather(t_v, [r16 + aoff])
                    b = plsc.load_gather(t_v, [c16 + boff])
                    dr = plsc.load_gather(t_v, [r16 + doff])
                    dc = plsc.load_gather(t_v, [c16 + doff])
                    z2 = (a + b) * 2.0
                    gate = 1.0 - 2.0 / (jnp.exp(z2) + 1.0)
                    c_v[pl.ds(g * LANES, LANES)] = gate * dr * dc
                gat.wait()

                @plsc.parallel_loop(0, CHUNK, unroll=8)
                def _(e):
                    ev = jnp.full((LANES,), e, jnp.int32)
                    cb = plsc.load_gather(c_v, [ev])
                    for j in range(128 // LANES):
                        sl = pl.ds(j * LANES, LANES)
                        r_v[e, sl] = r_v[e, sl] * cb

                pltpu.sync_copy(r_v, acc.at[rc_v.at[1]], add=True)

        @pl.when(is_org)
        def _():
            family(rco_hbm, pt_o, wid)

        @pl.when(jnp.logical_not(is_org))
        def _():
            family(rck_hbm, pt_k, wid - nt_o)

        plsc.subcore_barrier()
        pltpu.sync_copy(acc.at[pl.ds(si * rpt, rpt)],
                        p_hbm.at[ci, pl.ds(si * rpt, rpt)])

    return edge_kernel(x, t_tab, rc_o, rc_k, zeros_blk)


def kernel(h, edge_index, edge_index_knn, W1, b1, W2, b2,
           Wg0, bg0, Wg1, bg1, Wk0, bk0, Wk1, bk1):
    n, f = h.shape
    c = W2.shape[0]
    npad = _round_up(n + 1, 2048)
    e_o = edge_index.shape[1]
    e_k = edge_index_knn.shape[1]

    nt_o = max(1, min(NW - 1, int(round(NW * e_o / (e_o + e_k)))))
    nt_k = NW - nt_o
    pt_o = _round_up(-(-e_o // nt_o), CHUNK)
    pt_k = _round_up(-(-e_k // nt_k), CHUNK)

    def pad_idx(a, total):
        return jnp.pad(a, (0, total - a.shape[0]), constant_values=n)

    tot_o = _round_up(nt_o * pt_o, NW * CHUNK)
    tot_k = _round_up(nt_k * pt_k, NW * CHUNK)
    ro, co = pad_idx(edge_index[0], tot_o), pad_idx(edge_index[1], tot_o)
    rk, ck = pad_idx(edge_index_knn[0], tot_k), pad_idx(edge_index_knn[1], tot_k)
    hp = jnp.pad(h, ((0, npad - n), (0, 0)))

    def interleave(r, c, used):
        return jnp.stack([r[:used].reshape(-1, CHUNK),
                          c[:used].reshape(-1, CHUNK)], axis=1)

    rc_o = interleave(ro, co, nt_o * pt_o)
    rc_k = interleave(rk, ck, nt_k * pt_k)

    def gate_mat(Wg, bg, Wk, bk):
        zv = jnp.zeros((1, f), jnp.float32)
        G6 = jnp.concatenate(
            [Wg[0:1, :f], Wg[0:1, f:], zv, Wk[0:1, :f], Wk[0:1, f:], zv])
        z1 = jnp.zeros((1,), jnp.float32)
        bias6 = jnp.concatenate([z1, bg, z1, z1, bk, z1]).reshape(6, 1)
        return G6, bias6

    G6_0, bias6_0 = gate_mat(Wg0, bg0, Wk0, bk0)
    G6_1, bias6_1 = gate_mat(Wg1, bg1, Wk1, bk1)

    zeros_n = jnp.zeros((npad,), jnp.float32)
    zeros_blk = jnp.zeros((npad // NS, 128), jnp.float32)

    degs = _sc_degree(ro, rk, zeros_n, npad)
    x = _tc_dense_x(hp, W1, b1, npad)
    t0 = _tc_tables(x, degs, G6_0, bias6_0, npad).reshape(6 * npad)
    p = _sc_edge_pass(x, t0, rc_o, rc_k, zeros_blk, npad,
                      nt_o, pt_o, pt_k)
    x1, t1 = _tc_combine_tables(p, x, degs, G6_1, bias6_1, npad)
    q = _sc_edge_pass(x1, t1.reshape(6 * npad), rc_o, rc_k, zeros_blk,
                      npad, nt_o, pt_o, pt_k)
    return _tc_final(q, x, W2, b2, n, c)

# --- scband reference (transcript-rebuilt; emitter-appended) ---
"""Pipeline reference for scband-gnn-classifier-90589450207539 (READ-ONLY COPY).

The authoritative reference and input builder live on the scoring server;
editing this copy changes nothing except your own understanding.
"""

import jax, jax.numpy as jnp
import numpy as np

N = 10000
E = 320000
EK = 160000
F = 128
H = 128
C = 40
EPS = 0.1
KW = 0.5


def _xavier(key, shape, gain=1.414):
    fan_out, fan_in = shape[0], shape[1]
    std = gain * np.sqrt(2.0 / (fan_in + fan_out))
    return jax.random.normal(key, shape, dtype=jnp.float32) * std


def setup_inputs(seed: int = 0) -> dict:
    key = jax.random.key(seed)
    ks = jax.random.split(key, 12)
    h = jax.random.normal(ks[0], (N, F), dtype=jnp.float32)
    edge_index = jax.random.randint(ks[1], (2, E), 0, N, dtype=jnp.int32)
    edge_index_knn = jax.random.randint(ks[2], (2, EK), 0, N, dtype=jnp.int32)
    W1 = _xavier(ks[3], (H, F)); b1 = jnp.zeros((H,), jnp.float32)
    W2 = _xavier(ks[4], (C, H)); b2 = jnp.zeros((C,), jnp.float32)
    Wg0 = _xavier(ks[5], (1, 2 * H)); bg0 = jnp.zeros((1,), jnp.float32)
    Wg1 = _xavier(ks[6], (1, 2 * H)); bg1 = jnp.zeros((1,), jnp.float32)
    Wk0 = _xavier(ks[7], (1, 2 * H)); bk0 = jnp.zeros((1,), jnp.float32)
    Wk1 = _xavier(ks[8], (1, 2 * H)); bk1 = jnp.zeros((1,), jnp.float32)
    return {"h": h, "edge_index": edge_index, "edge_index_knn": edge_index_knn,
            "W1": W1, "b1": b1, "W2": W2, "b2": b2,
            "Wg0": Wg0, "bg0": bg0, "Wg1": Wg1, "bg1": bg1,
            "Wk0": Wk0, "bk0": bk0, "Wk1": Wk1, "bk1": bk1}


def _deg_inv_sqrt(row, n):
    deg = jax.ops.segment_sum(jnp.ones(row.shape[0], jnp.float32), row, num_segments=n)
    return jnp.clip(deg, 1.0, None) ** -0.5


def _gnn_layer(x, row, col, dis, Wg, bg):
    # message: norm * x_j  where x_j = x[row] (source), aggregated (add) at col (target)
    h2 = jnp.concatenate([x[row], x[col]], axis=1)
    g = jnp.tanh(h2 @ Wg.T + bg).squeeze(-1)
    norm = g * dis[row] * dis[col]
    msg = norm[:, None] * x[row]
    return jax.ops.segment_sum(msg, col, num_segments=x.shape[0])


def reference(h, edge_index, edge_index_knn, W1, b1, W2, b2,
              Wg0, bg0, Wg1, bg1, Wk0, bk0, Wk1, bk1):
    row, col = edge_index[0], edge_index[1]
    rk, ck = edge_index_knn[0], edge_index_knn[1]
    dis = _deg_inv_sqrt(row, h.shape[0])
    disk = _deg_inv_sqrt(rk, h.shape[0])
    # dropout is inactive (p=0.0 / eval mode)
    x = jax.nn.relu(h @ W1.T + b1)
    raw = x
    for (Wg, bg, Wk, bk) in ((Wg0, bg0, Wk0, bk0), (Wg1, bg1, Wk1, bk1)):
        h_org = _gnn_layer(x, row, col, dis, Wg, bg)
        h_knn = _gnn_layer(x, rk, ck, disk, Wk, bk)
        x = EPS * raw + h_org + KW * h_knn
    logits = x @ W2.T + b2
    return jax.nn.log_softmax(logits, axis=1)

if __name__ == "__main__":
    import jax
    _d = setup_inputs()
    print(jax.jit(kernel)(*tuple(_d.values())))

</pallas_src>

<mosaic_0001>
#map = affine_map<(d0, d1) -> (0)>
#map1 = affine_map<(d0, d1) -> (0, 0, 0)>
module attributes {stable_mosaic.version = 14 : i64} {
  func.func @deg_kernel(%arg0: i32, %arg1: i32, %arg2: memref<323584xi32, #tpu.memory_space<hbm>>, %arg3: memref<163840xi32, #tpu.memory_space<hbm>>, %arg4: memref<10240xf32, #tpu.memory_space<hbm>>, %arg5: memref<2x32x10240xf32, #tpu.memory_space<hbm>>, %arg6: memref<10240xf32, #tpu.memory_space<vmem>>, %arg7: memref<10240xf32, #tpu.memory_space<vmem>>, %arg8: memref<10112xi32, #tpu.memory_space<vmem>>, %arg9: memref<5120xi32, #tpu.memory_space<vmem>>) attributes {dimension_semantics = [#tpu.dimension_semantics<core_parallel>, #tpu.dimension_semantics<subcore_parallel>], iteration_bounds = array<i64: 2, 16>, scalar_prefetch = 0 : i64, scratch_operands = 4 : i64, tpu.core_type = #tpu.core_type<sc_vector_subcore>, window_params = [{transform_indices = #map}, {transform_indices = #map}, {transform_indices = #map}, {transform_indices = #map1}]} {
    %mul3A = arith.constant 16 : i32
    %mul3A_0 = arith.muli %arg0, %mul3A : i32
    %add3A = arith.addi %mul3A_0, %arg1 : i32
    "tpu.region"() ({
      %run_scoped3A_16 = tpu.sem_alloc : memref<!tpu.dma_semaphore, #tpu.memory_space<semaphore_mem>>
      tpu.enqueue_dma source(%arg4 : memref<10240xf32, #tpu.memory_space<hbm>>) target(%arg6 : memref<10240xf32, #tpu.memory_space<vmem>>) target_semaphore(%run_scoped3A_16 : memref<!tpu.dma_semaphore, #tpu.memory_space<semaphore_mem>>)
      tpu.wait_dma2 semaphore(%run_scoped3A_16 : memref<!tpu.dma_semaphore, #tpu.memory_space<semaphore_mem>>) src(%arg4 : memref<10240xf32, #tpu.memory_space<hbm>>) dst(%arg6 : memref<10240xf32, #tpu.memory_space<vmem>>)
      tpu.yield
    }) : () -> ()
    "tpu.region"() ({
      %run_scoped3A_16 = tpu.sem_alloc : memref<!tpu.dma_semaphore, #tpu.memory_space<semaphore_mem>>
      tpu.enqueue_dma source(%arg4 : memref<10240xf32, #tpu.memory_space<hbm>>) target(%arg7 : memref<10240xf32, #tpu.memory_space<vmem>>) target_semaphore(%run_scoped3A_16 : memref<!tpu.dma_semaphore, #tpu.memory_space<semaphore_mem>>)
      tpu.wait_dma2 semaphore(%run_scoped3A_16 : memref<!tpu.dma_semaphore, #tpu.memory_space<semaphore_mem>>) src(%arg4 : memref<10240xf32, #tpu.memory_space<hbm>>) dst(%arg7 : memref<10240xf32, #tpu.memory_space<vmem>>)
      tpu.yield
    }) : () -> ()
    %mul3A_1 = arith.constant 10112 : i32
    %mul3A_2 = arith.muli %add3A, %mul3A_1 : i32
    "tpu.region"() ({
      %run_scoped3A_16 = tpu.sem_alloc : memref<!tpu.dma_semaphore, #tpu.memory_space<semaphore_mem>>
      %dma_start3A = tpu.memref_slice %arg2[%mul3A_2] : memref<323584xi32, #tpu.memory_space<hbm>> -> memref<10112xi32, #tpu.memory_space<hbm>>
      %dma_start3A_17 = tpu.memref_slice %arg2[%mul3A_2] : memref<323584xi32, #tpu.memory_space<hbm>> -> memref<10112xi32, #tpu.memory_space<hbm>>
      tpu.enqueue_dma source(%dma_start3A_17 : memref<10112xi32, #tpu.memory_space<hbm>>) target(%arg8 : memref<10112xi32, #tpu.memory_space<vmem>>) target_semaphore(%run_scoped3A_16 : memref<!tpu.dma_semaphore, #tpu.memory_space<semaphore_mem>>)
      %dma_wait3A = tpu.memref_slice %arg2[%mul3A_2] : memref<323584xi32, #tpu.memory_space<hbm>> -> memref<10112xi32, #tpu.memory_space<hbm>>
      %dma_wait3A_18 = tpu.memref_slice %arg2[%mul3A_2] : memref<323584xi32, #tpu.memory_space<hbm>> -> memref<10112xi32, #tpu.memory_space<hbm>>
      tpu.wait_dma2 semaphore(%run_scoped3A_16 : memref<!tpu.dma_semaphore, #tpu.memory_space<semaphore_mem>>) src(%dma_wait3A_18 : memref<10112xi32, #tpu.memory_space<hbm>>) dst(%arg8 : memref<10112xi32, #tpu.memory_space<vmem>>)
      tpu.yield
    }) : () -> ()
    %mul3A_3 = arith.constant 5120 : i32
    %mul3A_4 = arith.muli %add3A, %mul3A_3 : i32
    "tpu.region"() ({
      %run_scoped3A_16 = tpu.sem_alloc : memref<!tpu.dma_semaphore, #tpu.memory_space<semaphore_mem>>
      %dma_start3A = tpu.memref_slice %arg3[%mul3A_4] : memref<163840xi32, #tpu.memory_space<hbm>> -> memref<5120xi32, #tpu.memory_space<hbm>>
      %dma_start3A_17 = tpu.memref_slice %arg3[%mul3A_4] : memref<163840xi32, #tpu.memory_space<hbm>> -> memref<5120xi32, #tpu.memory_space<hbm>>
      tpu.enqueue_dma source(%dma_start3A_17 : memref<5120xi32, #tpu.memory_space<hbm>>) target(%arg9 : memref<5120xi32, #tpu.memory_space<vmem>>) target_semaphore(%run_scoped3A_16 : memref<!tpu.dma_semaphore, #tpu.memory_space<semaphore_mem>>)
      %dma_wait3A = tpu.memref_slice %arg3[%mul3A_4] : memref<163840xi32, #tpu.memory_space<hbm>> -> memref<5120xi32, #tpu.memory_space<hbm>>
      %dma_wait3A_18 = tpu.memref_slice %arg3[%mul3A_4] : memref<163840xi32, #tpu.memory_space<hbm>> -> memref<5120xi32, #tpu.memory_space<hbm>>
      tpu.wait_dma2 semaphore(%run_scoped3A_16 : memref<!tpu.dma_semaphore, #tpu.memory_space<semaphore_mem>>) src(%dma_wait3A_18 : memref<5120xi32, #tpu.memory_space<hbm>>) dst(%arg9 : memref<5120xi32, #tpu.memory_space<vmem>>)
      tpu.yield
    }) : () -> ()
    %broadcast_in_dim3A = arith.constant 1.000000e+00 : f32
    %broadcast_in_dim3A_5 = vector.broadcast %broadcast_in_dim3A : f32 to vector<16xf32>
    %scan3A = arith.constant 0 : i32
    %scan3A_6 = arith.constant 632 : i32
    %scan3A_7 = arith.addi %scan3A, %scan3A_6 : i32
    %scan3A_8 = arith.constant 1 : i32
    scf.for %scan3A_16 = %scan3A to %scan3A_7 step %scan3A_8  : i32 {
      %mul3A_17 = arith.constant 16 : i32
      %mul3A_18 = arith.muli %scan3A_16, %mul3A_17 : i32
      %add3A_19 = arith.constant 0 : i32
      %add3A_20 = arith.addi %add3A_19, %mul3A_18 : i32
      %get3A = arith.index_cast %add3A_20 : i32 to index
      %get3A_21 = tpu.vector_load %arg8[%get3A] {strides = array<i32>} : memref<10112xi32, #tpu.memory_space<vmem>>, vector<16xi32>,
      tpu.vector_store_idx %arg6[%get3A_21], %broadcast_in_dim3A_5 {add = true} : memref<10240xf32, #tpu.memory_space<vmem>>[vector<16xi32>], vector<16xf32>,
    }
    %scan3A_9 = arith.constant 632 : i32
    %scan3A_10 = arith.constant 0 : i32
    %scan3A_11 = arith.constant 320 : i32
    %scan3A_12 = arith.addi %scan3A_10, %scan3A_11 : i32
    %scan3A_13 = arith.constant 1 : i32
    scf.for %scan3A_16 = %scan3A_10 to %scan3A_12 step %scan3A_13  : i32 {
      %mul3A_17 = arith.constant 16 : i32
      %mul3A_18 = arith.muli %scan3A_16, %mul3A_17 : i32
      %add3A_19 = arith.constant 0 : i32
      %add3A_20 = arith.addi %add3A_19, %mul3A_18 : i32
      %get3A = arith.index_cast %add3A_20 : i32 to index
      %get3A_21 = tpu.vector_load %arg9[%get3A] {strides = array<i32>} : memref<5120xi32, #tpu.memory_space<vmem>>, vector<16xi32>,
      tpu.vector_store_idx %arg7[%get3A_21], %broadcast_in_dim3A_5 {add = true} : memref<10240xf32, #tpu.memory_space<vmem>>[vector<16xi32>], vector<16xf32>,
    }
    %scan3A_14 = arith.constant 320 : i32
    %run_scoped3A = arith.constant 0 : i32
    "tpu.region"() ({
      %run_scoped3A_16 = tpu.sem_alloc : memref<!tpu.dma_semaphore, #tpu.memory_space<semaphore_mem>>
      %dma_start3A = arith.constant 0 : i32
      %dma_start3A_17 = tpu.memref_slice %arg5[%run_scoped3A, %add3A, %dma_start3A] : memref<2x32x10240xf32, #tpu.memory_space<hbm>> -> memref<1x1x10240xf32, #tpu.memory_space<hbm>>
      %dma_start3A_18 = tpu.memref_squeeze %dma_start3A_17 : memref<1x1x10240xf32, #tpu.memory_space<hbm>> -> memref<10240xf32, #tpu.memory_space<hbm>>
      %dma_start3A_19 = arith.constant 0 : i32
      %dma_start3A_20 = tpu.memref_slice %arg5[%run_scoped3A, %add3A, %dma_start3A_19] : memref<2x32x10240xf32, #tpu.memory_space<hbm>> -> memref<1x1x10240xf32, #tpu.memory_space<hbm>>
      %dma_start3A_21 = tpu.memref_squeeze %dma_start3A_20 : memref<1x1x10240xf32, #tpu.memory_space<hbm>> -> memref<10240xf32, #tpu.memory_space<hbm>>
      tpu.enqueue_dma source(%arg6 : memref<10240xf32, #tpu.memory_space<vmem>>) target(%dma_start3A_21 : memref<10240xf32, #tpu.memory_space<hbm>>) target_semaphore(%run_scoped3A_16 : memref<!tpu.dma_semaphore, #tpu.memory_space<semaphore_mem>>)
      %dma_wait3A = arith.constant 0 : i32
      %dma_wait3A_22 = tpu.memref_slice %arg5[%run_scoped3A, %add3A, %dma_wait3A] : memref<2x32x10240xf32, #tpu.memory_space<hbm>> -> memref<1x1x10240xf32, #tpu.memory_space<hbm>>
      %dma_wait3A_23 = tpu.memref_squeeze %dma_wait3A_22 : memref<1x1x10240xf32, #tpu.memory_space<hbm>> -> memref<10240xf32, #tpu.memory_space<hbm>>
      %dma_wait3A_24 = arith.constant 0 : i32
      %dma_wait3A_25 = tpu.memref_slice %arg5[%run_scoped3A, %add3A, %dma_wait3A_24] : memref<2x32x10240xf32, #tpu.memory_space<hbm>> -> memref<1x1x10240xf32, #tpu.memory_space<hbm>>
      %dma_wait3A_26 = tpu.memref_squeeze %dma_wait3A_25 : memref<1x1x10240xf32, #tpu.memory_space<hbm>> -> memref<10240xf32, #tpu.memory_space<hbm>>
      tpu.wait_dma2 semaphore(%run_scoped3A_16 : memref<!tpu.dma_semaphore, #tpu.memory_space<semaphore_mem>>) src(%arg6 : memref<10240xf32, #tpu.memory_space<vmem>>) dst(%dma_wait3A_26 : memref<10240xf32, #tpu.memory_space<hbm>>)
      tpu.yield
    }) : () -> ()
    %run_scoped3A_15 = arith.constant 1 : i32
    "tpu.region"() ({
      %run_scoped3A_16 = tpu.sem_alloc : memref<!tpu.dma_semaphore, #tpu.memory_space<semaphore_mem>>
      %dma_start3A = arith.constant 0 : i32
      %dma_start3A_17 = tpu.memref_slice %arg5[%run_scoped3A_15, %add3A, %dma_start3A] : memref<2x32x10240xf32, #tpu.memory_space<hbm>> -> memref<1x1x10240xf32, #tpu.memory_space<hbm>>
      %dma_start3A_18 = tpu.memref_squeeze %dma_start3A_17 : memref<1x1x10240xf32, #tpu.memory_space<hbm>> -> memref<10240xf32, #tpu.memory_space<hbm>>
      %dma_start3A_19 = arith.constant 0 : i32
      %dma_start3A_20 = tpu.memref_slice %arg5[%run_scoped3A_15, %add3A, %dma_start3A_19] : memref<2x32x10240xf32, #tpu.memory_space<hbm>> -> memref<1x1x10240xf32, #tpu.memory_space<hbm>>
      %dma_start3A_21 = tpu.memref_squeeze %dma_start3A_20 : memref<1x1x10240xf32, #tpu.memory_space<hbm>> -> memref<10240xf32, #tpu.memory_space<hbm>>
      tpu.enqueue_dma source(%arg7 : memref<10240xf32, #tpu.memory_space<vmem>>) target(%dma_start3A_21 : memref<10240xf32, #tpu.memory_space<hbm>>) target_semaphore(%run_scoped3A_16 : memref<!tpu.dma_semaphore, #tpu.memory_space<semaphore_mem>>)
      %dma_wait3A = arith.constant 0 : i32
      %dma_wait3A_22 = tpu.memref_slice %arg5[%run_scoped3A_15, %add3A, %dma_wait3A] : memref<2x32x10240xf32, #tpu.memory_space<hbm>> -> memref<1x1x10240xf32, #tpu.memory_space<hbm>>
      %dma_wait3A_23 = tpu.memref_squeeze %dma_wait3A_22 : memref<1x1x10240xf32, #tpu.memory_space<hbm>> -> memref<10240xf32, #tpu.memory_space<hbm>>
      %dma_wait3A_24 = arith.constant 0 : i32
      %dma_wait3A_25 = tpu.memref_slice %arg5[%run_scoped3A_15, %add3A, %dma_wait3A_24] : memref<2x32x10240xf32, #tpu.memory_space<hbm>> -> memref<1x1x10240xf32, #tpu.memory_space<hbm>>
      %dma_wait3A_26 = tpu.memref_squeeze %dma_wait3A_25 : memref<1x1x10240xf32, #tpu.memory_space<hbm>> -> memref<10240xf32, #tpu.memory_space<hbm>>
      tpu.wait_dma2 semaphore(%run_scoped3A_16 : memref<!tpu.dma_semaphore, #tpu.memory_space<semaphore_mem>>) src(%arg7 : memref<10240xf32, #tpu.memory_space<vmem>>) dst(%dma_wait3A_26 : memref<10240xf32, #tpu.memory_space<hbm>>)
      tpu.yield
    }) : () -> ()
    return
  }
}

#map = affine_map<(d0, d1) -> (0, 0)>
#map1 = affine_map<(d0, d1) -> (0)>
#map2 = affine_map<(d0, d1) -> (0, 0, 0)>
module attributes {stable_mosaic.version = 14 : i64} {
  func.func @edge_kernel(%arg0: i32, %arg1: i32, %arg2: memref<10240x128xf32, #tpu.memory_space<hbm>>, %arg3: memref<61440xf32, #tpu.memory_space<hbm>>, %arg4: memref<2520x2x128xi32, #tpu.memory_space<hbm>>, %arg5: memref<1254x2x128xi32, #tpu.memory_space<hbm>>, %arg6: memref<640x128xf32, #tpu.memory_space<hbm>>, %arg7: memref<2x10240x128xf32, #tpu.memory_space<hbm>>, %arg8: memref<30720xf32, #tpu.memory_space<vmem>>, %arg9: memref<128x128xf32, #tpu.memory_space<vmem>>, %arg10: memref<2x128xi32, #tpu.memory_space<vmem>>, %arg11: memref<128xf32, #tpu.memory_space<vmem>>, %arg12: memref<10240x128xf32, #tpu.memory_space<vmem_shared>>, %arg13: memref<!tpu.dma_semaphore, #tpu.memory_space<semaphore_mem>>) attributes {dimension_semantics = [#tpu.dimension_semantics<core_parallel>, #tpu.dimension_semantics<subcore_parallel>], iteration_bounds = array<i64: 2, 16>, scalar_prefetch = 0 : i64, scratch_operands = 6 : i64, tpu.core_type = #tpu.core_type<sc_vector_subcore>, window_params = [{transform_indices = #map}, {transform_indices = #map1}, {transform_indices = #map2}, {transform_indices = #map2}, {transform_indices = #map}, {transform_indices = #map2}]} {
    %mul3A = arith.constant 16 : i32
    %mul3A_0 = arith.muli %arg0, %mul3A : i32
    %add3A = arith.addi %mul3A_0, %arg1 : i32
    %lt3A = arith.constant 21 : i32
    %lt3A_1 = arith.cmpi slt, %add3A, %lt3A : i32
    %mul3A_2 = arith.constant 640 : i32
    %mul3A_3 = arith.muli %arg1, %mul3A_2 : i32
    "tpu.region"() ({
      %run_scoped3A = tpu.sem_alloc : memref<!tpu.dma_semaphore, #tpu.memory_space<semaphore_mem>>
      %dma_start3A = arith.constant 0 : i32
      %dma_start3A_20 = tpu.memref_slice %arg12[%mul3A_3, %dma_start3A] : memref<10240x128xf32, #tpu.memory_space<vmem_shared>> -> memref<640x128xf32, #tpu.memory_space<vmem_shared>>
      tpu.enqueue_dma source(%arg6 : memref<640x128xf32, #tpu.memory_space<hbm>>) target(%dma_start3A_20 : memref<640x128xf32, #tpu.memory_space<vmem_shared>>) target_semaphore(%run_scoped3A : memref<!tpu.dma_semaphore, #tpu.memory_space<semaphore_mem>>)
      %dma_wait3A = arith.constant 0 : i32
      %dma_wait3A_21 = tpu.memref_slice %arg12[%mul3A_3, %dma_wait3A] : memref<10240x128xf32, #tpu.memory_space<vmem_shared>> -> memref<640x128xf32, #tpu.memory_space<vmem_shared>>
      tpu.wait_dma2 semaphore(%run_scoped3A : memref<!tpu.dma_semaphore, #tpu.memory_space<semaphore_mem>>) src(%arg6 : memref<640x128xf32, #tpu.memory_space<hbm>>) dst(%dma_wait3A_21 : memref<640x128xf32, #tpu.memory_space<vmem_shared>>)
      tpu.yield
    }) : () -> ()
    %jit3A = arith.constant 0 : i32
    %jit3A_4 = arith.constant 30720 : i32
    %select_n3A = arith.select %lt3A_1, %jit3A, %jit3A_4 : i32
    "tpu.region"() ({
      %run_scoped3A = tpu.sem_alloc : memref<!tpu.dma_semaphore, #tpu.memory_space<semaphore_mem>>
      %dma_start3A = tpu.memref_slice %arg3[%select_n3A] : memref<61440xf32, #tpu.memory_space<hbm>> -> memref<30720xf32, #tpu.memory_space<hbm>>
      %dma_start3A_20 = tpu.memref_slice %arg3[%select_n3A] : memref<61440xf32, #tpu.memory_space<hbm>> -> memref<30720xf32, #tpu.memory_space<hbm>>
      tpu.enqueue_dma source(%dma_start3A_20 : memref<30720xf32, #tpu.memory_space<hbm>>) target(%arg8 : memref<30720xf32, #tpu.memory_space<vmem>>) target_semaphore(%run_scoped3A : memref<!tpu.dma_semaphore, #tpu.memory_space<semaphore_mem>>)
      %dma_wait3A = tpu.memref_slice %arg3[%select_n3A] : memref<61440xf32, #tpu.memory_space<hbm>> -> memref<30720xf32, #tpu.memory_space<hbm>>
      %dma_wait3A_21 = tpu.memref_slice %arg3[%select_n3A] : memref<61440xf32, #tpu.memory_space<hbm>> -> memref<30720xf32, #tpu.memory_space<hbm>>
      tpu.wait_dma2 semaphore(%run_scoped3A : memref<!tpu.dma_semaphore, #tpu.memory_space<semaphore_mem>>) src(%dma_wait3A_21 : memref<30720xf32, #tpu.memory_space<hbm>>) dst(%arg8 : memref<30720xf32, #tpu.memory_space<vmem>>)
      tpu.yield
    }) : () -> ()
    %barrier3A = arith.constant 0 : index
    tpu.barrier barrier_id(%barrier3A)
    %broadcast_in_dim3A = arith.constant 0 : i32
    %broadcast_in_dim3A_5 = vector.broadcast %broadcast_in_dim3A : i32 to vector<16xi32>
    %broadcast_in_dim3A_6 = arith.constant 10240 : i32
    %broadcast_in_dim3A_7 = vector.broadcast %broadcast_in_dim3A_6 : i32 to vector<16xi32>
    %broadcast_in_dim3A_8 = arith.constant 20480 : i32
    %broadcast_in_dim3A_9 = vector.broadcast %broadcast_in_dim3A_8 : i32 to vector<16xi32>
    %convert_element_type3A = arith.extui %lt3A_1 : i1 to i32
    %cond3A = arith.constant 0 : i32
    %cond3A_10 = arith.cmpi ne, %convert_element_type3A, %cond3A : i32
    scf.if %cond3A_10 {
      %mul3A_20 = arith.constant 120 : i32
      %mul3A_21 = arith.muli %add3A, %mul3A_20 : i32
      %scan3A = arith.constant 0 : i32
      %scan3A_22 = arith.constant 120 : i32
      %scan3A_23 = arith.addi %scan3A, %scan3A_22 : i32
      %scan3A_24 = arith.constant 1 : i32
      scf.for %scan3A_26 = %scan3A to %scan3A_23 step %scan3A_24  : i32 {
        %mul3A_27 = arith.constant 1 : i32
        %mul3A_28 = arith.muli %scan3A_26, %mul3A_27 : i32
        %add3A_29 = arith.constant 0 : i32
        %add3A_30 = arith.addi %add3A_29, %mul3A_28 : i32
        %add3A_31 = arith.addi %mul3A_21, %add3A_30 : i32
        "tpu.region"() ({
          %run_scoped3A_312 = tpu.sem_alloc : memref<!tpu.dma_semaphore, #tpu.memory_space<semaphore_mem>>
          %dma_start3A_313 = arith.constant 0 : i32
          %dma_start3A_314 = arith.constant 0 : i32
          %dma_start3A_315 = tpu.memref_slice %arg4[%add3A_31, %dma_start3A_313, %dma_start3A_314] : memref<2520x2x128xi32, #tpu.memory_space<hbm>> -> memref<1x2x128xi32, #tpu.memory_space<hbm>>
          %dma_start3A_316 = tpu.memref_squeeze %dma_start3A_315 : memref<1x2x128xi32, #tpu.memory_space<hbm>> -> memref<2x128xi32, #tpu.memory_space<hbm>>
          %dma_start3A_317 = arith.constant 0 : i32
          %dma_start3A_318 = arith.constant 0 : i32
          %dma_start3A_319 = tpu.memref_slice %arg4[%add3A_31, %dma_start3A_317, %dma_start3A_318] : memref<2520x2x128xi32, #tpu.memory_space<hbm>> -> memref<1x2x128xi32, #tpu.memory_space<hbm>>
          %dma_start3A_320 = tpu.memref_squeeze %dma_start3A_319 : memref<1x2x128xi32, #tpu.memory_space<hbm>> -> memref<2x128xi32, #tpu.memory_space<hbm>>
          tpu.enqueue_dma source(%dma_start3A_320 : memref<2x128xi32, #tpu.memory_space<hbm>>) target(%arg10 : memref<2x128xi32, #tpu.memory_space<vmem>>) target_semaphore(%run_scoped3A_312 : memref<!tpu.dma_semaphore, #tpu.memory_space<semaphore_mem>>)
          %dma_wait3A_321 = arith.constant 0 : i32
          %dma_wait3A_322 = arith.constant 0 : i32
          %dma_wait3A_323 = tpu.memref_slice %arg4[%add3A_31, %dma_wait3A_321, %dma_wait3A_322] : memref<2520x2x128xi32, #tpu.memory_space<hbm>> -> memref<1x2x128xi32, #tpu.memory_space<hbm>>
          %dma_wait3A_324 = tpu.memref_squeeze %dma_wait3A_323 : memref<1x2x128xi32, #tpu.memory_space<hbm>> -> memref<2x128xi32, #tpu.memory_space<hbm>>
          %dma_wait3A_325 = arith.constant 0 : i32
          %dma_wait3A_326 = arith.constant 0 : i32
          %dma_wait3A_327 = tpu.memref_slice %arg4[%add3A_31, %dma_wait3A_325, %dma_wait3A_326] : memref<2520x2x128xi32, #tpu.memory_space<hbm>> -> memref<1x2x128xi32, #tpu.memory_space<hbm>>
          %dma_wait3A_328 = tpu.memref_squeeze %dma_wait3A_327 : memref<1x2x128xi32, #tpu.memory_space<hbm>> -> memref<2x128xi32, #tpu.memory_space<hbm>>
          tpu.wait_dma2 semaphore(%run_scoped3A_312 : memref<!tpu.dma_semaphore, #tpu.memory_space<semaphore_mem>>) src(%dma_wait3A_328 : memref<2x128xi32, #tpu.memory_space<hbm>>) dst(%arg10 : memref<2x128xi32, #tpu.memory_space<vmem>>)
          tpu.yield
        }) : () -> ()
        %dma_start3A = arith.constant 0 : i32
        %dma_start3A_32 = arith.constant 0 : i32
        %dma_start3A_33 = tpu.memref_slice %arg10[%dma_start3A, %dma_start3A_32] : memref<2x128xi32, #tpu.memory_space<vmem>> -> memref<1x128xi32, #tpu.memory_space<vmem>>
        %dma_start3A_34 = tpu.memref_squeeze %dma_start3A_33 : memref<1x128xi32, #tpu.memory_space<vmem>> -> memref<128xi32, #tpu.memory_space<vmem>>
        %dma_start3A_35 = arith.constant 0 : i32
        %dma_start3A_36 = arith.constant 0 : i32
        %dma_start3A_37 = tpu.memref_slice %arg2[%dma_start3A_35, %dma_start3A_36] : memref<10240x128xf32, #tpu.memory_space<hbm>> -> memref<10240x128xf32, #tpu.memory_space<hbm>>
        tpu.enqueue_indirect_dma source(%dma_start3A_37 : memref<10240x128xf32, #tpu.memory_space<hbm>>) target(%arg9 : memref<128x128xf32, #tpu.memory_space<vmem>>) offsets(%dma_start3A_34 : memref<128xi32, #tpu.memory_space<vmem>>) semaphore(%arg13 : memref<!tpu.dma_semaphore, #tpu.memory_space<semaphore_mem>>)
        %get3A = arith.constant 0 : i32
        %get3A_38 = arith.index_cast %get3A : i32 to index
        %get3A_39 = arith.constant 0 : index
        %get3A_40 = tpu.vector_load %arg10[%get3A_38, %get3A_39] {strides = array<i32>} : memref<2x128xi32, #tpu.memory_space<vmem>>, vector<16xi32>,
        %get3A_41 = arith.constant 1 : i32
        %get3A_42 = arith.index_cast %get3A_41 : i32 to index
        %get3A_43 = arith.constant 0 : index
        %get3A_44 = tpu.vector_load %arg10[%get3A_42, %get3A_43] {strides = array<i32>} : memref<2x128xi32, #tpu.memory_space<vmem>>, vector<16xi32>,
        %add3A_45 = arith.addi %get3A_40, %broadcast_in_dim3A_5 : vector<16xi32>
        %gather3A = tpu.vector_load_idx %arg8[%add3A_45] : memref<30720xf32, #tpu.memory_space<vmem>>[vector<16xi32>], vector<16xf32>,
        %add3A_46 = arith.addi %get3A_44, %broadcast_in_dim3A_7 : vector<16xi32>
        %gather3A_47 = tpu.vector_load_idx %arg8[%add3A_46] : memref<30720xf32, #tpu.memory_space<vmem>>[vector<16xi32>], vector<16xf32>,
        %add3A_48 = arith.addi %get3A_40, %broadcast_in_dim3A_9 : vector<16xi32>
        %gather3A_49 = tpu.vector_load_idx %arg8[%add3A_48] : memref<30720xf32, #tpu.memory_space<vmem>>[vector<16xi32>], vector<16xf32>,
        %add3A_50 = arith.addi %get3A_44, %broadcast_in_dim3A_9 : vector<16xi32>
        %gather3A_51 = tpu.vector_load_idx %arg8[%add3A_50] : memref<30720xf32, #tpu.memory_space<vmem>>[vector<16xi32>], vector<16xf32>,
        %add3A_52 = arith.addf %gather3A, %gather3A_47 : vector<16xf32>
        %mul3A_53 = arith.constant 2.000000e+00 : f32
        %mul3A_54 = vector.broadcast %mul3A_53 : f32 to vector<16xf32>
        %mul3A_55 = arith.mulf %add3A_52, %mul3A_54 : vector<16xf32>
        %exp3A = math.exp %mul3A_55 : vector<16xf32>
        %add3A_56 = arith.constant 1.000000e+00 : f32
        %add3A_57 = vector.broadcast %add3A_56 : f32 to vector<16xf32>
        %add3A_58 = arith.addf %exp3A, %add3A_57 : vector<16xf32>
        %div3A = arith.constant 2.000000e+00 : f32
        %div3A_59 = vector.broadcast %div3A : f32 to vector<16xf32>
        %div3A_60 = arith.divf %div3A_59, %add3A_58 : vector<16xf32>
        %sub3A = arith.constant 1.000000e+00 : f32
        %sub3A_61 = vector.broadcast %sub3A : f32 to vector<16xf32>
        %sub3A_62 = arith.subf %sub3A_61, %div3A_60 : vector<16xf32>
        %mul3A_63 = arith.mulf %sub3A_62, %gather3A_49 : vector<16xf32>
        %mul3A_64 = arith.mulf %mul3A_63, %gather3A_51 : vector<16xf32>
        %swap3A = arith.constant 0 : index
        %swap3A_65 = tpu.vector_load %arg11[%swap3A] {strides = array<i32>} : memref<128xf32, #tpu.memory_space<vmem>>, vector<16xf32>,
        tpu.vector_store %arg11[%swap3A], %mul3A_64 {strides = array<i32>} : memref<128xf32, #tpu.memory_space<vmem>>, vector<16xf32>,
        %get3A_66 = arith.constant 0 : i32
        %get3A_67 = arith.index_cast %get3A_66 : i32 to index
        %get3A_68 = arith.constant 16 : index
        %get3A_69 = tpu.vector_load %arg10[%get3A_67, %get3A_68] {strides = array<i32>} : memref<2x128xi32, #tpu.memory_space<vmem>>, vector<16xi32>,
        %get3A_70 = arith.constant 1 : i32
        %get3A_71 = arith.index_cast %get3A_70 : i32 to index
        %get3A_72 = arith.constant 16 : index
        %get3A_73 = tpu.vector_load %arg10[%get3A_71, %get3A_72] {strides = array<i32>} : memref<2x128xi32, #tpu.memory_space<vmem>>, vector<16xi32>,
        %add3A_74 = arith.addi %get3A_69, %broadcast_in_dim3A_5 : vector<16xi32>
        %gather3A_75 = tpu.vector_load_idx %arg8[%add3A_74] : memref<30720xf32, #tpu.memory_space<vmem>>[vector<16xi32>], vector<16xf32>,
        %add3A_76 = arith.addi %get3A_73, %broadcast_in_dim3A_7 : vector<16xi32>
        %gather3A_77 = tpu.vector_load_idx %arg8[%add3A_76] : memref<30720xf32, #tpu.memory_space<vmem>>[vector<16xi32>], vector<16xf32>,
        %add3A_78 = arith.addi %get3A_69, %broadcast_in_dim3A_9 : vector<16xi32>
        %gather3A_79 = tpu.vector_load_idx %arg8[%add3A_78] : memref<30720xf32, #tpu.memory_space<vmem>>[vector<16xi32>], vector<16xf32>,
        %add3A_80 = arith.addi %get3A_73, %broadcast_in_dim3A_9 : vector<16xi32>
        %gather3A_81 = tpu.vector_load_idx %arg8[%add3A_80] : memref<30720xf32, #tpu.memory_space<vmem>>[vector<16xi32>], vector<16xf32>,
        %add3A_82 = arith.addf %gather3A_75, %gather3A_77 : vector<16xf32>
        %mul3A_83 = arith.constant 2.000000e+00 : f32
        %mul3A_84 = vector.broadcast %mul3A_83 : f32 to vector<16xf32>
        %mul3A_85 = arith.mulf %add3A_82, %mul3A_84 : vector<16xf32>
        %exp3A_86 = math.exp %mul3A_85 : vector<16xf32>
        %add3A_87 = arith.constant 1.000000e+00 : f32
        %add3A_88 = vector.broadcast %add3A_87 : f32 to vector<16xf32>
        %add3A_89 = arith.addf %exp3A_86, %add3A_88 : vector<16xf32>
        %div3A_90 = arith.constant 2.000000e+00 : f32
        %div3A_91 = vector.broadcast %div3A_90 : f32 to vector<16xf32>
        %div3A_92 = arith.divf %div3A_91, %add3A_89 : vector<16xf32>
        %sub3A_93 = arith.constant 1.000000e+00 : f32
        %sub3A_94 = vector.broadcast %sub3A_93 : f32 to vector<16xf32>
        %sub3A_95 = arith.subf %sub3A_94, %div3A_92 : vector<16xf32>
        %mul3A_96 = arith.mulf %sub3A_95, %gather3A_79 : vector<16xf32>
        %mul3A_97 = arith.mulf %mul3A_96, %gather3A_81 : vector<16xf32>
        %swap3A_98 = arith.constant 16 : index
        %swap3A_99 = tpu.vector_load %arg11[%swap3A_98] {strides = array<i32>} : memref<128xf32, #tpu.memory_space<vmem>>, vector<16xf32>,
        tpu.vector_store %arg11[%swap3A_98], %mul3A_97 {strides = array<i32>} : memref<128xf32, #tpu.memory_space<vmem>>, vector<16xf32>,
        %get3A_100 = arith.constant 0 : i32
        %get3A_101 = arith.index_cast %get3A_100 : i32 to index
        %get3A_102 = arith.constant 32 : index
        %get3A_103 = tpu.vector_load %arg10[%get3A_101, %get3A_102] {strides = array<i32>} : memref<2x128xi32, #tpu.memory_space<vmem>>, vector<16xi32>,
        %get3A_104 = arith.constant 1 : i32
        %get3A_105 = arith.index_cast %get3A_104 : i32 to index
        %get3A_106 = arith.constant 32 : index
        %get3A_107 = tpu.vector_load %arg10[%get3A_105, %get3A_106] {strides = array<i32>} : memref<2x128xi32, #tpu.memory_space<vmem>>, vector<16xi32>,
        %add3A_108 = arith.addi %get3A_103, %broadcast_in_dim3A_5 : vector<16xi32>
        %gather3A_109 = tpu.vector_load_idx %arg8[%add3A_108] : memref<30720xf32, #tpu.memory_space<vmem>>[vector<16xi32>], vector<16xf32>,
        %add3A_110 = arith.addi %get3A_107, %broadcast_in_dim3A_7 : vector<16xi32>
        %gather3A_111 = tpu.vector_load_idx %arg8[%add3A_110] : memref<30720xf32, #tpu.memory_space<vmem>>[vector<16xi32>], vector<16xf32>,
        %add3A_112 = arith.addi %get3A_103, %broadcast_in_dim3A_9 : vector<16xi32>
        %gather3A_113 = tpu.vector_load_idx %arg8[%add3A_112] : memref<30720xf32, #tpu.memory_space<vmem>>[vector<16xi32>], vector<16xf32>,
        %add3A_114 = arith.addi %get3A_107, %broadcast_in_dim3A_9 : vector<16xi32>
        %gather3A_115 = tpu.vector_load_idx %arg8[%add3A_114] : memref<30720xf32, #tpu.memory_space<vmem>>[vector<16xi32>], vector<16xf32>,
        %add3A_116 = arith.addf %gather3A_109, %gather3A_111 : vector<16xf32>
        %mul3A_117 = arith.constant 2.000000e+00 : f32
        %mul3A_118 = vector.broadcast %mul3A_117 : f32 to vector<16xf32>
        %mul3A_119 = arith.mulf %add3A_116, %mul3A_118 : vector<16xf32>
        %exp3A_120 = math.exp %mul3A_119 : vector<16xf32>
        %add3A_121 = arith.constant 1.000000e+00 : f32
        %add3A_122 = vector.broadcast %add3A_121 : f32 to vector<16xf32>
        %add3A_123 = arith.addf %exp3A_120, %add3A_122 : vector<16xf32>
        %div3A_124 = arith.constant 2.000000e+00 : f32
        %div3A_125 = vector.broadcast %div3A_124 : f32 to vector<16xf32>
        %div3A_126 = arith.divf %div3A_125, %add3A_123 : vector<16xf32>
        %sub3A_127 = arith.constant 1.000000e+00 : f32
        %sub3A_128 = vector.broadcast %sub3A_127 : f32 to vector<16xf32>
        %sub3A_129 = arith.subf %sub3A_128, %div3A_126 : vector<16xf32>
        %mul3A_130 = arith.mulf %sub3A_129, %gather3A_113 : vector<16xf32>
        %mul3A_131 = arith.mulf %mul3A_130, %gather3A_115 : vector<16xf32>
        %swap3A_132 = arith.constant 32 : index
        %swap3A_133 = tpu.vector_load %arg11[%swap3A_132] {strides = array<i32>} : memref<128xf32, #tpu.memory_space<vmem>>, vector<16xf32>,
        tpu.vector_store %arg11[%swap3A_132], %mul3A_131 {strides = array<i32>} : memref<128xf32, #tpu.memory_space<vmem>>, vector<16xf32>,
        %get3A_134 = arith.constant 0 : i32
        %get3A_135 = arith.index_cast %get3A_134 : i32 to index
        %get3A_136 = arith.constant 48 : index
        %get3A_137 = tpu.vector_load %arg10[%get3A_135, %get3A_136] {strides = array<i32>} : memref<2x128xi32, #tpu.memory_space<vmem>>, vector<16xi32>,
        %get3A_138 = arith.constant 1 : i32
        %get3A_139 = arith.index_cast %get3A_138 : i32 to index
        %get3A_140 = arith.constant 48 : index
        %get3A_141 = tpu.vector_load %arg10[%get3A_139, %get3A_140] {strides = array<i32>} : memref<2x128xi32, #tpu.memory_space<vmem>>, vector<16xi32>,
        %add3A_142 = arith.addi %get3A_137, %broadcast_in_dim3A_5 : vector<16xi32>
        %gather3A_143 = tpu.vector_load_idx %arg8[%add3A_142] : memref<30720xf32, #tpu.memory_space<vmem>>[vector<16xi32>], vector<16xf32>,
        %add3A_144 = arith.addi %get3A_141, %broadcast_in_dim3A_7 : vector<16xi32>
        %gather3A_145 = tpu.vector_load_idx %arg8[%add3A_144] : memref<30720xf32, #tpu.memory_space<vmem>>[vector<16xi32>], vector<16xf32>,
        %add3A_146 = arith.addi %get3A_137, %broadcast_in_dim3A_9 : vector<16xi32>
        %gather3A_147 = tpu.vector_load_idx %arg8[%add3A_146] : memref<30720xf32, #tpu.memory_space<vmem>>[vector<16xi32>], vector<16xf32>,
        %add3A_148 = arith.addi %get3A_141, %broadcast_in_dim3A_9 : vector<16xi32>
        %gather3A_149 = tpu.vector_load_idx %arg8[%add3A_148] : memref<30720xf32, #tpu.memory_space<vmem>>[vector<16xi32>], vector<16xf32>,
        %add3A_150 = arith.addf %gather3A_143, %gather3A_145 : vector<16xf32>
        %mul3A_151 = arith.constant 2.000000e+00 : f32
        %mul3A_152 = vector.broadcast %mul3A_151 : f32 to vector<16xf32>
        %mul3A_153 = arith.mulf %add3A_150, %mul3A_152 : vector<16xf32>
        %exp3A_154 = math.exp %mul3A_153 : vector<16xf32>
        %add3A_155 = arith.constant 1.000000e+00 : f32
        %add3A_156 = vector.broadcast %add3A_155 : f32 to vector<16xf32>
        %add3A_157 = arith.addf %exp3A_154, %add3A_156 : vector<16xf32>
        %div3A_158 = arith.constant 2.000000e+00 : f32
        %div3A_159 = vector.broadcast %div3A_158 : f32 to vector<16xf32>
        %div3A_160 = arith.divf %div3A_159, %add3A_157 : vector<16xf32>
        %sub3A_161 = arith.constant 1.000000e+00 : f32
        %sub3A_162 = vector.broadcast %sub3A_161 : f32 to vector<16xf32>
        %sub3A_163 = arith.subf %sub3A_162, %div3A_160 : vector<16xf32>
        %mul3A_164 = arith.mulf %sub3A_163, %gather3A_147 : vector<16xf32>
        %mul3A_165 = arith.mulf %mul3A_164, %gather3A_149 : vector<16xf32>
        %swap3A_166 = arith.constant 48 : index
        %swap3A_167 = tpu.vector_load %arg11[%swap3A_166] {strides = array<i32>} : memref<128xf32, #tpu.memory_space<vmem>>, vector<16xf32>,
        tpu.vector_store %arg11[%swap3A_166], %mul3A_165 {strides = array<i32>} : memref<128xf32, #tpu.memory_space<vmem>>, vector<16xf32>,
        %get3A_168 = arith.constant 0 : i32
        %get3A_169 = arith.index_cast %get3A_168 : i32 to index
        %get3A_170 = arith.constant 64 : index
        %get3A_171 = tpu.vector_load %arg10[%get3A_169, %get3A_170] {strides = array<i32>} : memref<2x128xi32, #tpu.memory_space<vmem>>, vector<16xi32>,
        %get3A_172 = arith.constant 1 : i32
        %get3A_173 = arith.index_cast %get3A_172 : i32 to index
        %get3A_174 = arith.constant 64 : index
        %get3A_175 = tpu.vector_load %arg10[%get3A_173, %get3A_174] {strides = array<i32>} : memref<2x128xi32, #tpu.memory_space<vmem>>, vector<16xi32>,
        %add3A_176 = arith.addi %get3A_171, %broadcast_in_dim3A_5 : vector<16xi32>
        %gather3A_177 = tpu.vector_load_idx %arg8[%add3A_176] : memref<30720xf32, #tpu.memory_space<vmem>>[vector<16xi32>], vector<16xf32>,
        %add3A_178 = arith.addi %get3A_175, %broadcast_in_dim3A_7 : vector<16xi32>
        %gather3A_179 = tpu.vector_load_idx %arg8[%add3A_178] : memref<30720xf32, #tpu.memory_space<vmem>>[vector<16xi32>], vector<16xf32>,
        %add3A_180 = arith.addi %get3A_171, %broadcast_in_dim3A_9 : vector<16xi32>
        %gather3A_181 = tpu.vector_load_idx %arg8[%add3A_180] : memref<30720xf32, #tpu.memory_space<vmem>>[vector<16xi32>], vector<16xf32>,
        %add3A_182 = arith.addi %get3A_175, %broadcast_in_dim3A_9 : vector<16xi32>
        %gather3A_183 = tpu.vector_load_idx %arg8[%add3A_182] : memref<30720xf32, #tpu.memory_space<vmem>>[vector<16xi32>], vector<16xf32>,
        %add3A_184 = arith.addf %gather3A_177, %gather3A_179 : vector<16xf32>
        %mul3A_185 = arith.constant 2.000000e+00 : f32
        %mul3A_186 = vector.broadcast %mul3A_185 : f32 to vector<16xf32>
        %mul3A_187 = arith.mulf %add3A_184, %mul3A_186 : vector<16xf32>
        %exp3A_188 = math.exp %mul3A_187 : vector<16xf32>
        %add3A_189 = arith.constant 1.000000e+00 : f32
        %add3A_190 = vector.broadcast %add3A_189 : f32 to vector<16xf32>
        %add3A_191 = arith.addf %exp3A_188, %add3A_190 : vector<16xf32>
        %div3A_192 = arith.constant 2.000000e+00 : f32
        %div3A_193 = vector.broadcast %div3A_192 : f32 to vector<16xf32>
        %div3A_194 = arith.divf %div3A_193, %add3A_191 : vector<16xf32>
        %sub3A_195 = arith.constant 1.000000e+00 : f32
        %sub3A_196 = vector.broadcast %sub3A_195 : f32 to vector<16xf32>
        %sub3A_197 = arith.subf %sub3A_196, %div3A_194 : vector<16xf32>
        %mul3A_198 = arith.mulf %sub3A_197, %gather3A_181 : vector<16xf32>
        %mul3A_199 = arith.mulf %mul3A_198, %gather3A_183 : vector<16xf32>
        %swap3A_200 = arith.constant 64 : index
        %swap3A_201 = tpu.vector_load %arg11[%swap3A_200] {strides = array<i32>} : memref<128xf32, #tpu.memory_space<vmem>>, vector<16xf32>,
        tpu.vector_store %arg11[%swap3A_200], %mul3A_199 {strides = array<i32>} : memref<128xf32, #tpu.memory_space<vmem>>, vector<16xf32>,
        %get3A_202 = arith.constant 0 : i32
        %get3A_203 = arith.index_cast %get3A_202 : i32 to index
        %get3A_204 = arith.constant 80 : index
        %get3A_205 = tpu.vector_load %arg10[%get3A_203, %get3A_204] {strides = array<i32>} : memref<2x128xi32, #tpu.memory_space<vmem>>, vector<16xi32>,
        %get3A_206 = arith.constant 1 : i32
        %get3A_207 = arith.index_cast %get3A_206 : i32 to index
        %get3A_208 = arith.constant 80 : index
        %get3A_209 = tpu.vector_load %arg10[%get3A_207, %get3A_208] {strides = array<i32>} : memref<2x128xi32, #tpu.memory_space<vmem>>, vector<16xi32>,
        %add3A_210 = arith.addi %get3A_205, %broadcast_in_dim3A_5 : vector<16xi32>
        %gather3A_211 = tpu.vector_load_idx %arg8[%add3A_210] : memref<30720xf32, #tpu.memory_space<vmem>>[vector<16xi32>], vector<16xf32>,
        %add3A_212 = arith.addi %get3A_209, %broadcast_in_dim3A_7 : vector<16xi32>
        %gather3A_213 = tpu.vector_load_idx %arg8[%add3A_212] : memref<30720xf32, #tpu.memory_space<vmem>>[vector<16xi32>], vector<16xf32>,
        %add3A_214 = arith.addi %get3A_205, %broadcast_in_dim3A_9 : vector<16xi32>
        %gather3A_215 = tpu.vector_load_idx %arg8[%add3A_214] : memref<30720xf32, #tpu.memory_space<vmem>>[vector<16xi32>], vector<16xf32>,
        %add3A_216 = arith.addi %get3A_209, %broadcast_in_dim3A_9 : vector<16xi32>
        %gather3A_217 = tpu.vector_load_idx %arg8[%add3A_216] : memref<30720xf32, #tpu.memory_space<vmem>>[vector<16xi32>], vector<16xf32>,
        %add3A_218 = arith.addf %gather3A_211, %gather3A_213 : vector<16xf32>
        %mul3A_219 = arith.constant 2.000000e+00 : f32
        %mul3A_220 = vector.broadcast %mul3A_219 : f32 to vector<16xf32>
        %mul3A_221 = arith.mulf %add3A_218, %mul3A_220 : vector<16xf32>
        %exp3A_222 = math.exp %mul3A_221 : vector<16xf32>
        %add3A_223 = arith.constant 1.000000e+00 : f32
        %add3A_224 = vector.broadcast %add3A_223 : f32 to vector<16xf32>
        %add3A_225 = arith.addf %exp3A_222, %add3A_224 : vector<16xf32>
        %div3A_226 = arith.constant 2.000000e+00 : f32
        %div3A_227 = vector.broadcast %div3A_226 : f32 to vector<16xf32>
        %div3A_228 = arith.divf %div3A_227, %add3A_225 : vector<16xf32>
        %sub3A_229 = arith.constant 1.000000e+00 : f32
        %sub3A_230 = vector.broadcast %sub3A_229 : f32 to vector<16xf32>
        %sub3A_231 = arith.subf %sub3A_230, %div3A_228 : vector<16xf32>
        %mul3A_232 = arith.mulf %sub3A_231, %gather3A_215 : vector<16xf32>
        %mul3A_233 = arith.mulf %mul3A_232, %gather3A_217 : vector<16xf32>
        %swap3A_234 = arith.constant 80 : index
        %swap3A_235 = tpu.vector_load %arg11[%swap3A_234] {strides = array<i32>} : memref<128xf32, #tpu.memory_space<vmem>>, vector<16xf32>,
        tpu.vector_store %arg11[%swap3A_234], %mul3A_233 {strides = array<i32>} : memref<128xf32, #tpu.memory_space<vmem>>, vector<16xf32>,
        %get3A_236 = arith.constant 0 : i32
        %get3A_237 = arith.index_cast %get3A_236 : i32 to index
        %get3A_238 = arith.constant 96 : index
        %get3A_239 = tpu.vector_load %arg10[%get3A_237, %get3A_238] {strides = array<i32>} : memref<2x128xi32, #tpu.memory_space<vmem>>, vector<16xi32>,
        %get3A_240 = arith.constant 1 : i32
        %get3A_241 = arith.index_cast %get3A_240 : i32 to index
        %get3A_242 = arith.constant 96 : index
        %get3A_243 = tpu.vector_load %arg10[%get3A_241, %get3A_242] {strides = array<i32>} : memref<2x128xi32, #tpu.memory_space<vmem>>, vector<16xi32>,
        %add3A_244 = arith.addi %get3A_239, %broadcast_in_dim3A_5 : vector<16xi32>
        %gather3A_245 = tpu.vector_load_idx %arg8[%add3A_244] : memref<30720xf32, #tpu.memory_space<vmem>>[vector<16xi32>], vector<16xf32>,
        %add3A_246 = arith.addi %get3A_243, %broadcast_in_dim3A_7 : vector<16xi32>
        %gather3A_247 = tpu.vector_load_idx %arg8[%add3A_246] : memref<30720xf32, #tpu.memory_space<vmem>>[vector<16xi32>], vector<16xf32>,
        %add3A_248 = arith.addi %get3A_239, %broadcast_in_dim3A_9 : vector<16xi32>
        %gather3A_249 = tpu.vector_load_idx %arg8[%add3A_248] : memref<30720xf32, #tpu.memory_space<vmem>>[vector<16xi32>], vector<16xf32>,
        %add3A_250 = arith.addi %get3A_243, %broadcast_in_dim3A_9 : vector<16xi32>
        %gather3A_251 = tpu.vector_load_idx %arg8[%add3A_250] : memref<30720xf32, #tpu.memory_space<vmem>>[vector<16xi32>], vector<16xf32>,
        %add3A_252 = arith.addf %gather3A_245, %gather3A_247 : vector<16xf32>
        %mul3A_253 = arith.constant 2.000000e+00 : f32
        %mul3A_254 = vector.broadcast %mul3A_253 : f32 to vector<16xf32>
        %mul3A_255 = arith.mulf %add3A_252, %mul3A_254 : vector<16xf32>
        %exp3A_256 = math.exp %mul3A_255 : vector<16xf32>
        %add3A_257 = arith.constant 1.000000e+00 : f32
        %add3A_258 = vector.broadcast %add3A_257 : f32 to vector<16xf32>
        %add3A_259 = arith.addf %exp3A_256, %add3A_258 : vector<16xf32>
        %div3A_260 = arith.constant 2.000000e+00 : f32
        %div3A_261 = vector.broadcast %div3A_260 : f32 to vector<16xf32>
        %div3A_262 = arith.divf %div3A_261, %add3A_259 : vector<16xf32>
        %sub3A_263 = arith.constant 1.000000e+00 : f32
        %sub3A_264 = vector.broadcast %sub3A_263 : f32 to vector<16xf32>
        %sub3A_265 = arith.subf %sub3A_264, %div3A_262 : vector<16xf32>
        %mul3A_266 = arith.mulf %sub3A_265, %gather3A_249 : vector<16xf32>
        %mul3A_267 = arith.mulf %mul3A_266, %gather3A_251 : vector<16xf32>
        %swap3A_268 = arith.constant 96 : index
        %swap3A_269 = tpu.vector_load %arg11[%swap3A_268] {strides = array<i32>} : memref<128xf32, #tpu.memory_space<vmem>>, vector<16xf32>,
        tpu.vector_store %arg11[%swap3A_268], %mul3A_267 {strides = array<i32>} : memref<128xf32, #tpu.memory_space<vmem>>, vector<16xf32>,
        %get3A_270 = arith.constant 0 : i32
        %get3A_271 = arith.index_cast %get3A_270 : i32 to index
        %get3A_272 = arith.constant 112 : index
        %get3A_273 = tpu.vector_load %arg10[%get3A_271, %get3A_272] {strides = array<i32>} : memref<2x128xi32, #tpu.memory_space<vmem>>, vector<16xi32>,
        %get3A_274 = arith.constant 1 : i32
        %get3A_275 = arith.index_cast %get3A_274 : i32 to index
        %get3A_276 = arith.constant 112 : index
        %get3A_277 = tpu.vector_load %arg10[%get3A_275, %get3A_276] {strides = array<i32>} : memref<2x128xi32, #tpu.memory_space<vmem>>, vector<16xi32>,
        %add3A_278 = arith.addi %get3A_273, %broadcast_in_dim3A_5 : vector<16xi32>
        %gather3A_279 = tpu.vector_load_idx %arg8[%add3A_278] : memref<30720xf32, #tpu.memory_space<vmem>>[vector<16xi32>], vector<16xf32>,
        %add3A_280 = arith.addi %get3A_277, %broadcast_in_dim3A_7 : vector<16xi32>
        %gather3A_281 = tpu.vector_load_idx %arg8[%add3A_280] : memref<30720xf32, #tpu.memory_space<vmem>>[vector<16xi32>], vector<16xf32>,
        %add3A_282 = arith.addi %get3A_273, %broadcast_in_dim3A_9 : vector<16xi32>
        %gather3A_283 = tpu.vector_load_idx %arg8[%add3A_282] : memref<30720xf32, #tpu.memory_space<vmem>>[vector<16xi32>], vector<16xf32>,
        %add3A_284 = arith.addi %get3A_277, %broadcast_in_dim3A_9 : vector<16xi32>
        %gather3A_285 = tpu.vector_load_idx %arg8[%add3A_284] : memref<30720xf32, #tpu.memory_space<vmem>>[vector<16xi32>], vector<16xf32>,
        %add3A_286 = arith.addf %gather3A_279, %gather3A_281 : vector<16xf32>
        %mul3A_287 = arith.constant 2.000000e+00 : f32
        %mul3A_288 = vector.broadcast %mul3A_287 : f32 to vector<16xf32>
        %mul3A_289 = arith.mulf %add3A_286, %mul3A_288 : vector<16xf32>
        %exp3A_290 = math.exp %mul3A_289 : vector<16xf32>
        %add3A_291 = arith.constant 1.000000e+00 : f32
        %add3A_292 = vector.broadcast %add3A_291 : f32 to vector<16xf32>
        %add3A_293 = arith.addf %exp3A_290, %add3A_292 : vector<16xf32>
        %div3A_294 = arith.constant 2.000000e+00 : f32
        %div3A_295 = vector.broadcast %div3A_294 : f32 to vector<16xf32>
        %div3A_296 = arith.divf %div3A_295, %add3A_293 : vector<16xf32>
        %sub3A_297 = arith.constant 1.000000e+00 : f32
        %sub3A_298 = vector.broadcast %sub3A_297 : f32 to vector<16xf32>
        %sub3A_299 = arith.subf %sub3A_298, %div3A_296 : vector<16xf32>
        %mul3A_300 = arith.mulf %sub3A_299, %gather3A_283 : vector<16xf32>
        %mul3A_301 = arith.mulf %mul3A_300, %gather3A_285 : vector<16xf32>
        %swap3A_302 = arith.constant 112 : index
        %swap3A_303 = tpu.vector_load %arg11[%swap3A_302] {strides = array<i32>} : memref<128xf32, #tpu.memory_space<vmem>>, vector<16xf32>,
        tpu.vector_store %arg11[%swap3A_302], %mul3A_301 {strides = array<i32>} : memref<128xf32, #tpu.memory_space<vmem>>, vector<16xf32>,
        %dma_wait3A = arith.constant 0 : i32
        %dma_wait3A_304 = arith.constant 0 : i32
        %dma_wait3A_305 = tpu.memref_slice %arg10[%dma_wait3A, %dma_wait3A_304] : memref<2x128xi32, #tpu.memory_space<vmem>> -> memref<1x128xi32, #tpu.memory_space<vmem>>
        %dma_wait3A_306 = tpu.memref_squeeze %dma_wait3A_305 : memref<1x128xi32, #tpu.memory_space<vmem>> -> memref<128xi32, #tpu.memory_space<vmem>>
        %dma_wait3A_307 = arith.constant 0 : i32
        %dma_wait3A_308 = arith.constant 0 : i32
        %dma_wait3A_309 = tpu.memref_slice %arg2[%dma_wait3A_307, %dma_wait3A_308] : memref<10240x128xf32, #tpu.memory_space<hbm>> -> memref<10240x128xf32, #tpu.memory_space<hbm>>
        tpu.wait_indirect_dma semaphore(%arg13 : memref<!tpu.dma_semaphore, #tpu.memory_space<semaphore_mem>>) src(%dma_wait3A_309 : memref<10240x128xf32, #tpu.memory_space<hbm>>) dst(%arg9 : memref<128x128xf32, #tpu.memory_space<vmem>>)
        %parallel_loop3A = arith.constant 0 : i32
        %parallel_loop3A_310 = arith.constant 128 : i32
        %parallel_loop3A_311 = arith.constant 1 : i32
        scf.for %parallel_loop3A_312 = %parallel_loop3A to %parallel_loop3A_310 step %parallel_loop3A_311  : i32 {
          %parallel_loop3A_313 = vector.broadcast %parallel_loop3A_312 : i32 to vector<16xi32>
          %parallel_loop3A_314 = tpu.vector_load_idx %arg11[%parallel_loop3A_313] : memref<128xf32, #tpu.memory_space<vmem>>[vector<16xi32>], vector<16xf32>,
          %parallel_loop3A_315 = arith.index_cast %parallel_loop3A_312 : i32 to index
          %parallel_loop3A_316 = arith.constant 0 : index
          %parallel_loop3A_317 = tpu.vector_load %arg9[%parallel_loop3A_315, %parallel_loop3A_316] {strides = array<i32>} : memref<128x128xf32, #tpu.memory_space<vmem>>, vector<16xf32>,
          %parallel_loop3A_318 = arith.mulf %parallel_loop3A_317, %parallel_loop3A_314 : vector<16xf32>
          %parallel_loop3A_319 = arith.index_cast %parallel_loop3A_312 : i32 to index
          %parallel_loop3A_320 = arith.constant 0 : index
          %parallel_loop3A_321 = tpu.vector_load %arg9[%parallel_loop3A_319, %parallel_loop3A_320] {strides = array<i32>} : memref<128x128xf32, #tpu.memory_space<vmem>>, vector<16xf32>,
          tpu.vector_store %arg9[%parallel_loop3A_319, %parallel_loop3A_320], %parallel_loop3A_318 {strides = array<i32>} : memref<128x128xf32, #tpu.memory_space<vmem>>, vector<16xf32>,
          %parallel_loop3A_322 = arith.index_cast %parallel_loop3A_312 : i32 to index
          %parallel_loop3A_323 = arith.constant 16 : index
          %parallel_loop3A_324 = tpu.vector_load %arg9[%parallel_loop3A_322, %parallel_loop3A_323] {strides = array<i32>} : memref<128x128xf32, #tpu.memory_space<vmem>>, vector<16xf32>,
          %parallel_loop3A_325 = arith.mulf %parallel_loop3A_324, %parallel_loop3A_314 : vector<16xf32>
          %parallel_loop3A_326 = arith.index_cast %parallel_loop3A_312 : i32 to index
          %parallel_loop3A_327 = arith.constant 16 : index
          %parallel_loop3A_328 = tpu.vector_load %arg9[%parallel_loop3A_326, %parallel_loop3A_327] {strides = array<i32>} : memref<128x128xf32, #tpu.memory_space<vmem>>, vector<16xf32>,
          tpu.vector_store %arg9[%parallel_loop3A_326, %parallel_loop3A_327], %parallel_loop3A_325 {strides = array<i32>} : memref<128x128xf32, #tpu.memory_space<vmem>>, vector<16xf32>,
          %parallel_loop3A_329 = arith.index_cast %parallel_loop3A_312 : i32 to index
          %parallel_loop3A_330 = arith.constant 32 : index
          %parallel_loop3A_331 = tpu.vector_load %arg9[%parallel_loop3A_329, %parallel_loop3A_330] {strides = array<i32>} : memref<128x128xf32, #tpu.memory_space<vmem>>, vector<16xf32>,
          %parallel_loop3A_332 = arith.mulf %parallel_loop3A_331, %parallel_loop3A_314 : vector<16xf32>
          %parallel_loop3A_333 = arith.index_cast %parallel_loop3A_312 : i32 to index
          %parallel_loop3A_334 = arith.constant 32 : index
          %parallel_loop3A_335 = tpu.vector_load %arg9[%parallel_loop3A_333, %parallel_loop3A_334] {strides = array<i32>} : memref<128x128xf32, #tpu.memory_space<vmem>>, vector<16xf32>,
          tpu.vector_store %arg9[%parallel_loop3A_333, %parallel_loop3A_334], %parallel_loop3A_332 {strides = array<i32>} : memref<128x128xf32, #tpu.memory_space<vmem>>, vector<16xf32>,
          %parallel_loop3A_336 = arith.index_cast %parallel_loop3A_312 : i32 to index
          %parallel_loop3A_337 = arith.constant 48 : index
          %parallel_loop3A_338 = tpu.vector_load %arg9[%parallel_loop3A_336, %parallel_loop3A_337] {strides = array<i32>} : memref<128x128xf32, #tpu.memory_space<vmem>>, vector<16xf32>,
          %parallel_loop3A_339 = arith.mulf %parallel_loop3A_338, %parallel_loop3A_314 : vector<16xf32>
          %parallel_loop3A_340 = arith.index_cast %parallel_loop3A_312 : i32 to index
          %parallel_loop3A_341 = arith.constant 48 : index
          %parallel_loop3A_342 = tpu.vector_load %arg9[%parallel_loop3A_340, %parallel_loop3A_341] {strides = array<i32>} : memref<128x128xf32, #tpu.memory_space<vmem>>, vector<16xf32>,
          tpu.vector_store %arg9[%parallel_loop3A_340, %parallel_loop3A_341], %parallel_loop3A_339 {strides = array<i32>} : memref<128x128xf32, #tpu.memory_space<vmem>>, vector<16xf32>,
          %parallel_loop3A_343 = arith.index_cast %parallel_loop3A_312 : i32 to index
          %parallel_loop3A_344 = arith.constant 64 : index
          %parallel_loop3A_345 = tpu.vector_load %arg9[%parallel_loop3A_343, %parallel_loop3A_344] {strides = array<i32>} : memref<128x128xf32, #tpu.memory_space<vmem>>, vector<16xf32>,
          %parallel_loop3A_346 = arith.mulf %parallel_loop3A_345, %parallel_loop3A_314 : vector<16xf32>
          %parallel_loop3A_347 = arith.index_cast %parallel_loop3A_312 : i32 to index
          %parallel_loop3A_348 = arith.constant 64 : index
          %parallel_loop3A_349 = tpu.vector_load %arg9[%parallel_loop3A_347, %parallel_loop3A_348] {strides = array<i32>} : memref<128x128xf32, #tpu.memory_space<vmem>>, vector<16xf32>,
          tpu.vector_store %arg9[%parallel_loop3A_347, %parallel_loop3A_348], %parallel_loop3A_346 {strides = array<i32>} : memref<128x128xf32, #tpu.memory_space<vmem>>, vector<16xf32>,
          %parallel_loop3A_350 = arith.index_cast %parallel_loop3A_312 : i32 to index
          %parallel_loop3A_351 = arith.constant 80 : index
          %parallel_loop3A_352 = tpu.vector_load %arg9[%parallel_loop3A_350, %parallel_loop3A_351] {strides = array<i32>} : memref<128x128xf32, #tpu.memory_space<vmem>>, vector<16xf32>,
          %parallel_loop3A_353 = arith.mulf %parallel_loop3A_352, %parallel_loop3A_314 : vector<16xf32>
          %parallel_loop3A_354 = arith.index_cast %parallel_loop3A_312 : i32 to index
          %parallel_loop3A_355 = arith.constant 80 : index
          %parallel_loop3A_356 = tpu.vector_load %arg9[%parallel_loop3A_354, %parallel_loop3A_355] {strides = array<i32>} : memref<128x128xf32, #tpu.memory_space<vmem>>, vector<16xf32>,
          tpu.vector_store %arg9[%parallel_loop3A_354, %parallel_loop3A_355], %parallel_loop3A_353 {strides = array<i32>} : memref<128x128xf32, #tpu.memory_space<vmem>>, vector<16xf32>,
          %parallel_loop3A_357 = arith.index_cast %parallel_loop3A_312 : i32 to index
          %parallel_loop3A_358 = arith.constant 96 : index
          %parallel_loop3A_359 = tpu.vector_load %arg9[%parallel_loop3A_357, %parallel_loop3A_358] {strides = array<i32>} : memref<128x128xf32, #tpu.memory_space<vmem>>, vector<16xf32>,
          %parallel_loop3A_360 = arith.mulf %parallel_loop3A_359, %parallel_loop3A_314 : vector<16xf32>
          %parallel_loop3A_361 = arith.index_cast %parallel_loop3A_312 : i32 to index
          %parallel_loop3A_362 = arith.constant 96 : index
          %parallel_loop3A_363 = tpu.vector_load %arg9[%parallel_loop3A_361, %parallel_loop3A_362] {strides = array<i32>} : memref<128x128xf32, #tpu.memory_space<vmem>>, vector<16xf32>,
          tpu.vector_store %arg9[%parallel_loop3A_361, %parallel_loop3A_362], %parallel_loop3A_360 {strides = array<i32>} : memref<128x128xf32, #tpu.memory_space<vmem>>, vector<16xf32>,
          %parallel_loop3A_364 = arith.index_cast %parallel_loop3A_312 : i32 to index
          %parallel_loop3A_365 = arith.constant 112 : index
          %parallel_loop3A_366 = tpu.vector_load %arg9[%parallel_loop3A_364, %parallel_loop3A_365] {strides = array<i32>} : memref<128x128xf32, #tpu.memory_space<vmem>>, vector<16xf32>,
          %parallel_loop3A_367 = arith.mulf %parallel_loop3A_366, %parallel_loop3A_314 : vector<16xf32>
          %parallel_loop3A_368 = arith.index_cast %parallel_loop3A_312 : i32 to index
          %parallel_loop3A_369 = arith.constant 112 : index
          %parallel_loop3A_370 = tpu.vector_load %arg9[%parallel_loop3A_368, %parallel_loop3A_369] {strides = array<i32>} : memref<128x128xf32, #tpu.memory_space<vmem>>, vector<16xf32>,
          tpu.vector_store %arg9[%parallel_loop3A_368, %parallel_loop3A_369], %parallel_loop3A_367 {strides = array<i32>} : memref<128x128xf32, #tpu.memory_space<vmem>>, vector<16xf32>,
        } {sc.loop_unroll_factor = 8 : i64, sc.parallel_access}
        %run_scoped3A = arith.constant 1 : i32
        "tpu.region"() ({
          %run_scoped3A_312 = tpu.sem_alloc : memref<!tpu.dma_semaphore, #tpu.memory_space<semaphore_mem>>
          %dma_start3A_313 = arith.constant 0 : i32
          %dma_start3A_314 = tpu.memref_slice %arg10[%run_scoped3A, %dma_start3A_313] : memref<2x128xi32, #tpu.memory_space<vmem>> -> memref<1x128xi32, #tpu.memory_space<vmem>>
          %dma_start3A_315 = tpu.memref_squeeze %dma_start3A_314 : memref<1x128xi32, #tpu.memory_space<vmem>> -> memref<128xi32, #tpu.memory_space<vmem>>
          %dma_start3A_316 = arith.constant 0 : i32
          %dma_start3A_317 = arith.constant 0 : i32
          %dma_start3A_318 = tpu.memref_slice %arg12[%dma_start3A_316, %dma_start3A_317] : memref<10240x128xf32, #tpu.memory_space<vmem_shared>> -> memref<10240x128xf32, #tpu.memory_space<vmem_shared>>
          tpu.enqueue_indirect_dma source(%arg9 : memref<128x128xf32, #tpu.memory_space<vmem>>) target(%dma_start3A_318 : memref<10240x128xf32, #tpu.memory_space<vmem_shared>>) offsets(%dma_start3A_315 : memref<128xi32, #tpu.memory_space<vmem>>) semaphore(%run_scoped3A_312 : memref<!tpu.dma_semaphore, #tpu.memory_space<semaphore_mem>>) {add = true}
          %dma_wait3A_319 = arith.constant 0 : i32
          %dma_wait3A_320 = tpu.memref_slice %arg10[%run_scoped3A, %dma_wait3A_319] : memref<2x128xi32, #tpu.memory_space<vmem>> -> memref<1x128xi32, #tpu.memory_space<vmem>>
          %dma_wait3A_321 = tpu.memref_squeeze %dma_wait3A_320 : memref<1x128xi32, #tpu.memory_space<vmem>> -> memref<128xi32, #tpu.memory_space<vmem>>
          %dma_wait3A_322 = arith.constant 0 : i32
          %dma_wait3A_323 = arith.constant 0 : i32
          %dma_wait3A_324 = tpu.memref_slice %arg12[%dma_wait3A_322, %dma_wait3A_323] : memref<10240x128xf32, #tpu.memory_space<vmem_shared>> -> memref<10240x128xf32, #tpu.memory_space<vmem_shared>>
          tpu.wait_indirect_dma semaphore(%run_scoped3A_312 : memref<!tpu.dma_semaphore, #tpu.memory_space<semaphore_mem>>) src(%arg9 : memref<128x128xf32, #tpu.memory_space<vmem>>) dst(%dma_wait3A_324 : memref<10240x128xf32, #tpu.memory_space<vmem_shared>>)
          tpu.yield
        }) : () -> ()
      }
      %scan3A_25 = arith.constant 120 : i32
    } else {
    }
    %not3A = arith.constant true
    %not3A_11 = arith.xori %lt3A_1, %not3A : i1
    %convert_element_type3A_12 = arith.extui %not3A_11 : i1 to i32
    %cond3A_13 = arith.constant 0 : i32
    %cond3A_14 = arith.cmpi ne, %convert_element_type3A_12, %cond3A_13 : i32
    scf.if %cond3A_14 {
      %sub3A = arith.constant 21 : i32
      %sub3A_20 = arith.subi %add3A, %sub3A : i32
      %mul3A_21 = arith.constant 114 : i32
      %mul3A_22 = arith.muli %sub3A_20, %mul3A_21 : i32
      %scan3A = arith.constant 0 : i32
      %scan3A_23 = arith.constant 114 : i32
      %scan3A_24 = arith.addi %scan3A, %scan3A_23 : i32
      %scan3A_25 = arith.constant 1 : i32
      scf.for %scan3A_27 = %scan3A to %scan3A_24 step %scan3A_25  : i32 {
        %mul3A_28 = arith.constant 1 : i32
        %mul3A_29 = arith.muli %scan3A_27, %mul3A_28 : i32
        %add3A_30 = arith.constant 0 : i32
        %add3A_31 = arith.addi %add3A_30, %mul3A_29 : i32
        %add3A_32 = arith.addi %mul3A_22, %add3A_31 : i32
        "tpu.region"() ({
          %run_scoped3A_314 = tpu.sem_alloc : memref<!tpu.dma_semaphore, #tpu.memory_space<semaphore_mem>>
          %dma_start3A_315 = arith.constant 0 : i32
          %dma_start3A_316 = arith.constant 0 : i32
          %dma_start3A_317 = tpu.memref_slice %arg5[%add3A_32, %dma_start3A_315, %dma_start3A_316] : memref<1254x2x128xi32, #tpu.memory_space<hbm>> -> memref<1x2x128xi32, #tpu.memory_space<hbm>>
          %dma_start3A_318 = tpu.memref_squeeze %dma_start3A_317 : memref<1x2x128xi32, #tpu.memory_space<hbm>> -> memref<2x128xi32, #tpu.memory_space<hbm>>
          %dma_start3A_319 = arith.constant 0 : i32
          %dma_start3A_320 = arith.constant 0 : i32
          %dma_start3A_321 = tpu.memref_slice %arg5[%add3A_32, %dma_start3A_319, %dma_start3A_320] : memref<1254x2x128xi32, #tpu.memory_space<hbm>> -> memref<1x2x128xi32, #tpu.memory_space<hbm>>
          %dma_start3A_322 = tpu.memref_squeeze %dma_start3A_321 : memref<1x2x128xi32, #tpu.memory_space<hbm>> -> memref<2x128xi32, #tpu.memory_space<hbm>>
          tpu.enqueue_dma source(%dma_start3A_322 : memref<2x128xi32, #tpu.memory_space<hbm>>) target(%arg10 : memref<2x128xi32, #tpu.memory_space<vmem>>) target_semaphore(%run_scoped3A_314 : memref<!tpu.dma_semaphore, #tpu.memory_space<semaphore_mem>>)
          %dma_wait3A_323 = arith.constant 0 : i32
          %dma_wait3A_324 = arith.constant 0 : i32
          %dma_wait3A_325 = tpu.memref_slice %arg5[%add3A_32, %dma_wait3A_323, %dma_wait3A_324] : memref<1254x2x128xi32, #tpu.memory_space<hbm>> -> memref<1x2x128xi32, #tpu.memory_space<hbm>>
          %dma_wait3A_326 = tpu.memref_squeeze %dma_wait3A_325 : memref<1x2x128xi32, #tpu.memory_space<hbm>> -> memref<2x128xi32, #tpu.memory_space<hbm>>
          %dma_wait3A_327 = arith.constant 0 : i32
          %dma_wait3A_328 = arith.constant 0 : i32
          %dma_wait3A_329 = tpu.memref_slice %arg5[%add3A_32, %dma_wait3A_327, %dma_wait3A_328] : memref<1254x2x128xi32, #tpu.memory_space<hbm>> -> memref<1x2x128xi32, #tpu.memory_space<hbm>>
          %dma_wait3A_330 = tpu.memref_squeeze %dma_wait3A_329 : memref<1x2x128xi32, #tpu.memory_space<hbm>> -> memref<2x128xi32, #tpu.memory_space<hbm>>
          tpu.wait_dma2 semaphore(%run_scoped3A_314 : memref<!tpu.dma_semaphore, #tpu.memory_space<semaphore_mem>>) src(%dma_wait3A_330 : memref<2x128xi32, #tpu.memory_space<hbm>>) dst(%arg10 : memref<2x128xi32, #tpu.memory_space<vmem>>)
          tpu.yield
        }) : () -> ()
        %dma_start3A = arith.constant 0 : i32
        %dma_start3A_33 = arith.constant 0 : i32
        %dma_start3A_34 = tpu.memref_slice %arg10[%dma_start3A, %dma_start3A_33] : memref<2x128xi32, #tpu.memory_space<vmem>> -> memref<1x128xi32, #tpu.memory_space<vmem>>
        %dma_start3A_35 = tpu.memref_squeeze %dma_start3A_34 : memref<1x128xi32, #tpu.memory_space<vmem>> -> memref<128xi32, #tpu.memory_space<vmem>>
        %dma_start3A_36 = arith.constant 0 : i32
        %dma_start3A_37 = arith.constant 0 : i32
        %dma_start3A_38 = tpu.memref_slice %arg2[%dma_start3A_36, %dma_start3A_37] : memref<10240x128xf32, #tpu.memory_space<hbm>> -> memref<10240x128xf32, #tpu.memory_space<hbm>>
        tpu.enqueue_indirect_dma source(%dma_start3A_38 : memref<10240x128xf32, #tpu.memory_space<hbm>>) target(%arg9 : memref<128x128xf32, #tpu.memory_space<vmem>>) offsets(%dma_start3A_35 : memref<128xi32, #tpu.memory_space<vmem>>) semaphore(%arg13 : memref<!tpu.dma_semaphore, #tpu.memory_space<semaphore_mem>>)
        %get3A = arith.constant 0 : i32
        %get3A_39 = arith.index_cast %get3A : i32 to index
        %get3A_40 = arith.constant 0 : index
        %get3A_41 = tpu.vector_load %arg10[%get3A_39, %get3A_40] {strides = array<i32>} : memref<2x128xi32, #tpu.memory_space<vmem>>, vector<16xi32>,
        %get3A_42 = arith.constant 1 : i32
        %get3A_43 = arith.index_cast %get3A_42 : i32 to index
        %get3A_44 = arith.constant 0 : index
        %get3A_45 = tpu.vector_load %arg10[%get3A_43, %get3A_44] {strides = array<i32>} : memref<2x128xi32, #tpu.memory_space<vmem>>, vector<16xi32>,
        %add3A_46 = arith.addi %get3A_41, %broadcast_in_dim3A_5 : vector<16xi32>
        %gather3A = tpu.vector_load_idx %arg8[%add3A_46] : memref<30720xf32, #tpu.memory_space<vmem>>[vector<16xi32>], vector<16xf32>,
        %add3A_47 = arith.addi %get3A_45, %broadcast_in_dim3A_7 : vector<16xi32>
        %gather3A_48 = tpu.vector_load_idx %arg8[%add3A_47] : memref<30720xf32, #tpu.memory_space<vmem>>[vector<16xi32>], vector<16xf32>,
        %add3A_49 = arith.addi %get3A_41, %broadcast_in_dim3A_9 : vector<16xi32>
        %gather3A_50 = tpu.vector_load_idx %arg8[%add3A_49] : memref<30720xf32, #tpu.memory_space<vmem>>[vector<16xi32>], vector<16xf32>,
        %add3A_51 = arith.addi %get3A_45, %broadcast_in_dim3A_9 : vector<16xi32>
        %gather3A_52 = tpu.vector_load_idx %arg8[%add3A_51] : memref<30720xf32, #tpu.memory_space<vmem>>[vector<16xi32>], vector<16xf32>,
        %add3A_53 = arith.addf %gather3A, %gather3A_48 : vector<16xf32>
        %mul3A_54 = arith.constant 2.000000e+00 : f32
        %mul3A_55 = vector.broadcast %mul3A_54 : f32 to vector<16xf32>
        %mul3A_56 = arith.mulf %add3A_53, %mul3A_55 : vector<16xf32>
        %exp3A = math.exp %mul3A_56 : vector<16xf32>
        %add3A_57 = arith.constant 1.000000e+00 : f32
        %add3A_58 = vector.broadcast %add3A_57 : f32 to vector<16xf32>
        %add3A_59 = arith.addf %exp3A, %add3A_58 : vector<16xf32>
        %div3A = arith.constant 2.000000e+00 : f32
        %div3A_60 = vector.broadcast %div3A : f32 to vector<16xf32>
        %div3A_61 = arith.divf %div3A_60, %add3A_59 : vector<16xf32>
        %sub3A_62 = arith.constant 1.000000e+00 : f32
        %sub3A_63 = vector.broadcast %sub3A_62 : f32 to vector<16xf32>
        %sub3A_64 = arith.subf %sub3A_63, %div3A_61 : vector<16xf32>
        %mul3A_65 = arith.mulf %sub3A_64, %gather3A_50 : vector<16xf32>
        %mul3A_66 = arith.mulf %mul3A_65, %gather3A_52 : vector<16xf32>
        %swap3A = arith.constant 0 : index
        %swap3A_67 = tpu.vector_load %arg11[%swap3A] {strides = array<i32>} : memref<128xf32, #tpu.memory_space<vmem>>, vector<16xf32>,
        tpu.vector_store %arg11[%swap3A], %mul3A_66 {strides = array<i32>} : memref<128xf32, #tpu.memory_space<vmem>>, vector<16xf32>,
        %get3A_68 = arith.constant 0 : i32
        %get3A_69 = arith.index_cast %get3A_68 : i32 to index
        %get3A_70 = arith.constant 16 : index
        %get3A_71 = tpu.vector_load %arg10[%get3A_69, %get3A_70] {strides = array<i32>} : memref<2x128xi32, #tpu.memory_space<vmem>>, vector<16xi32>,
        %get3A_72 = arith.constant 1 : i32
        %get3A_73 = arith.index_cast %get3A_72 : i32 to index
        %get3A_74 = arith.constant 16 : index
        %get3A_75 = tpu.vector_load %arg10[%get3A_73, %get3A_74] {strides = array<i32>} : memref<2x128xi32, #tpu.memory_space<vmem>>, vector<16xi32>,
        %add3A_76 = arith.addi %get3A_71, %broadcast_in_dim3A_5 : vector<16xi32>
        %gather3A_77 = tpu.vector_load_idx %arg8[%add3A_76] : memref<30720xf32, #tpu.memory_space<vmem>>[vector<16xi32>], vector<16xf32>,
        %add3A_78 = arith.addi %get3A_75, %broadcast_in_dim3A_7 : vector<16xi32>
        %gather3A_79 = tpu.vector_load_idx %arg8[%add3A_78] : memref<30720xf32, #tpu.memory_space<vmem>>[vector<16xi32>], vector<16xf32>,
        %add3A_80 = arith.addi %get3A_71, %broadcast_in_dim3A_9 : vector<16xi32>
        %gather3A_81 = tpu.vector_load_idx %arg8[%add3A_80] : memref<30720xf32, #tpu.memory_space<vmem>>[vector<16xi32>], vector<16xf32>,
        %add3A_82 = arith.addi %get3A_75, %broadcast_in_dim3A_9 : vector<16xi32>
        %gather3A_83 = tpu.vector_load_idx %arg8[%add3A_82] : memref<30720xf32, #tpu.memory_space<vmem>>[vector<16xi32>], vector<16xf32>,
        %add3A_84 = arith.addf %gather3A_77, %gather3A_79 : vector<16xf32>
        %mul3A_85 = arith.constant 2.000000e+00 : f32
        %mul3A_86 = vector.broadcast %mul3A_85 : f32 to vector<16xf32>
        %mul3A_87 = arith.mulf %add3A_84, %mul3A_86 : vector<16xf32>
        %exp3A_88 = math.exp %mul3A_87 : vector<16xf32>
        %add3A_89 = arith.constant 1.000000e+00 : f32
        %add3A_90 = vector.broadcast %add3A_89 : f32 to vector<16xf32>
        %add3A_91 = arith.addf %exp3A_88, %add3A_90 : vector<16xf32>
        %div3A_92 = arith.constant 2.000000e+00 : f32
        %div3A_93 = vector.broadcast %div3A_92 : f32 to vector<16xf32>
        %div3A_94 = arith.divf %div3A_93, %add3A_91 : vector<16xf32>
        %sub3A_95 = arith.constant 1.000000e+00 : f32
        %sub3A_96 = vector.broadcast %sub3A_95 : f32 to vector<16xf32>
        %sub3A_97 = arith.subf %sub3A_96, %div3A_94 : vector<16xf32>
        %mul3A_98 = arith.mulf %sub3A_97, %gather3A_81 : vector<16xf32>
        %mul3A_99 = arith.mulf %mul3A_98, %gather3A_83 : vector<16xf32>
        %swap3A_100 = arith.constant 16 : index
        %swap3A_101 = tpu.vector_load %arg11[%swap3A_100] {strides = array<i32>} : memref<128xf32, #tpu.memory_space<vmem>>, vector<16xf32>,
        tpu.vector_store %arg11[%swap3A_100], %mul3A_99 {strides = array<i32>} : memref<128xf32, #tpu.memory_space<vmem>>, vector<16xf32>,
        %get3A_102 = arith.constant 0 : i32
        %get3A_103 = arith.index_cast %get3A_102 : i32 to index
        %get3A_104 = arith.constant 32 : index
        %get3A_105 = tpu.vector_load %arg10[%get3A_103, %get3A_104] {strides = array<i32>} : memref<2x128xi32, #tpu.memory_space<vmem>>, vector<16xi32>,
        %get3A_106 = arith.constant 1 : i32
        %get3A_107 = arith.index_cast %get3A_106 : i32 to index
        %get3A_108 = arith.constant 32 : index
        %get3A_109 = tpu.vector_load %arg10[%get3A_107, %get3A_108] {strides = array<i32>} : memref<2x128xi32, #tpu.memory_space<vmem>>, vector<16xi32>,
        %add3A_110 = arith.addi %get3A_105, %broadcast_in_dim3A_5 : vector<16xi32>
        %gather3A_111 = tpu.vector_load_idx %arg8[%add3A_110] : memref<30720xf32, #tpu.memory_space<vmem>>[vector<16xi32>], vector<16xf32>,
        %add3A_112 = arith.addi %get3A_109, %broadcast_in_dim3A_7 : vector<16xi32>
        %gather3A_113 = tpu.vector_load_idx %arg8[%add3A_112] : memref<30720xf32, #tpu.memory_space<vmem>>[vector<16xi32>], vector<16xf32>,
        %add3A_114 = arith.addi %get3A_105, %broadcast_in_dim3A_9 : vector<16xi32>
        %gather3A_115 = tpu.vector_load_idx %arg8[%add3A_114] : memref<30720xf32, #tpu.memory_space<vmem>>[vector<16xi32>], vector<16xf32>,
        %add3A_116 = arith.addi %get3A_109, %broadcast_in_dim3A_9 : vector<16xi32>
        %gather3A_117 = tpu.vector_load_idx %arg8[%add3A_116] : memref<30720xf32, #tpu.memory_space<vmem>>[vector<16xi32>], vector<16xf32>,
        %add3A_118 = arith.addf %gather3A_111, %gather3A_113 : vector<16xf32>
        %mul3A_119 = arith.constant 2.000000e+00 : f32
        %mul3A_120 = vector.broadcast %mul3A_119 : f32 to vector<16xf32>
        %mul3A_121 = arith.mulf %add3A_118, %mul3A_120 : vector<16xf32>
        %exp3A_122 = math.exp %mul3A_121 : vector<16xf32>
        %add3A_123 = arith.constant 1.000000e+00 : f32
        %add3A_124 = vector.broadcast %add3A_123 : f32 to vector<16xf32>
        %add3A_125 = arith.addf %exp3A_122, %add3A_124 : vector<16xf32>
        %div3A_126 = arith.constant 2.000000e+00 : f32
        %div3A_127 = vector.broadcast %div3A_126 : f32 to vector<16xf32>
        %div3A_128 = arith.divf %div3A_127, %add3A_125 : vector<16xf32>
        %sub3A_129 = arith.constant 1.000000e+00 : f32
        %sub3A_130 = vector.broadcast %sub3A_129 : f32 to vector<16xf32>
        %sub3A_131 = arith.subf %sub3A_130, %div3A_128 : vector<16xf32>
        %mul3A_132 = arith.mulf %sub3A_131, %gather3A_115 : vector<16xf32>
        %mul3A_133 = arith.mulf %mul3A_132, %gather3A_117 : vector<16xf32>
        %swap3A_134 = arith.constant 32 : index
        %swap3A_135 = tpu.vector_load %arg11[%swap3A_134] {strides = array<i32>} : memref<128xf32, #tpu.memory_space<vmem>>, vector<16xf32>,
        tpu.vector_store %arg11[%swap3A_134], %mul3A_133 {strides = array<i32>} : memref<128xf32, #tpu.memory_space<vmem>>, vector<16xf32>,
        %get3A_136 = arith.constant 0 : i32
        %get3A_137 = arith.index_cast %get3A_136 : i32 to index
        %get3A_138 = arith.constant 48 : index
        %get3A_139 = tpu.vector_load %arg10[%get3A_137, %get3A_138] {strides = array<i32>} : memref<2x128xi32, #tpu.memory_space<vmem>>, vector<16xi32>,
        %get3A_140 = arith.constant 1 : i32
        %get3A_141 = arith.index_cast %get3A_140 : i32 to index
        %get3A_142 = arith.constant 48 : index
        %get3A_143 = tpu.vector_load %arg10[%get3A_141, %get3A_142] {strides = array<i32>} : memref<2x128xi32, #tpu.memory_space<vmem>>, vector<16xi32>,
        %add3A_144 = arith.addi %get3A_139, %broadcast_in_dim3A_5 : vector<16xi32>
        %gather3A_145 = tpu.vector_load_idx %arg8[%add3A_144] : memref<30720xf32, #tpu.memory_space<vmem>>[vector<16xi32>], vector<16xf32>,
        %add3A_146 = arith.addi %get3A_143, %broadcast_in_dim3A_7 : vector<16xi32>
        %gather3A_147 = tpu.vector_load_idx %arg8[%add3A_146] : memref<30720xf32, #tpu.memory_space<vmem>>[vector<16xi32>], vector<16xf32>,
        %add3A_148 = arith.addi %get3A_139, %broadcast_in_dim3A_9 : vector<16xi32>
        %gather3A_149 = tpu.vector_load_idx %arg8[%add3A_148] : memref<30720xf32, #tpu.memory_space<vmem>>[vector<16xi32>], vector<16xf32>,
        %add3A_150 = arith.addi %get3A_143, %broadcast_in_dim3A_9 : vector<16xi32>
        %gather3A_151 = tpu.vector_load_idx %arg8[%add3A_150] : memref<30720xf32, #tpu.memory_space<vmem>>[vector<16xi32>], vector<16xf32>,
        %add3A_152 = arith.addf %gather3A_145, %gather3A_147 : vector<16xf32>
        %mul3A_153 = arith.constant 2.000000e+00 : f32
        %mul3A_154 = vector.broadcast %mul3A_153 : f32 to vector<16xf32>
        %mul3A_155 = arith.mulf %add3A_152, %mul3A_154 : vector<16xf32>
        %exp3A_156 = math.exp %mul3A_155 : vector<16xf32>
        %add3A_157 = arith.constant 1.000000e+00 : f32
        %add3A_158 = vector.broadcast %add3A_157 : f32 to vector<16xf32>
        %add3A_159 = arith.addf %exp3A_156, %add3A_158 : vector<16xf32>
        %div3A_160 = arith.constant 2.000000e+00 : f32
        %div3A_161 = vector.broadcast %div3A_160 : f32 to vector<16xf32>
        %div3A_162 = arith.divf %div3A_161, %add3A_159 : vector<16xf32>
        %sub3A_163 = arith.constant 1.000000e+00 : f32
        %sub3A_164 = vector.broadcast %sub3A_163 : f32 to vector<16xf32>
        %sub3A_165 = arith.subf %sub3A_164, %div3A_162 : vector<16xf32>
        %mul3A_166 = arith.mulf %sub3A_165, %gather3A_149 : vector<16xf32>
        %mul3A_167 = arith.mulf %mul3A_166, %gather3A_151 : vector<16xf32>
        %swap3A_168 = arith.constant 48 : index
        %swap3A_169 = tpu.vector_load %arg11[%swap3A_168] {strides = array<i32>} : memref<128xf32, #tpu.memory_space<vmem>>, vector<16xf32>,
        tpu.vector_store %arg11[%swap3A_168], %mul3A_167 {strides = array<i32>} : memref<128xf32, #tpu.memory_space<vmem>>, vector<16xf32>,
        %get3A_170 = arith.constant 0 : i32
        %get3A_171 = arith.index_cast %get3A_170 : i32 to index
        %get3A_172 = arith.constant 64 : index
        %get3A_173 = tpu.vector_load %arg10[%get3A_171, %get3A_172] {strides = array<i32>} : memref<2x128xi32, #tpu.memory_space<vmem>>, vector<16xi32>,
        %get3A_174 = arith.constant 1 : i32
        %get3A_175 = arith.index_cast %get3A_174 : i32 to index
        %get3A_176 = arith.constant 64 : index
        %get3A_177 = tpu.vector_load %arg10[%get3A_175, %get3A_176] {strides = array<i32>} : memref<2x128xi32, #tpu.memory_space<vmem>>, vector<16xi32>,
        %add3A_178 = arith.addi %get3A_173, %broadcast_in_dim3A_5 : vector<16xi32>
        %gather3A_179 = tpu.vector_load_idx %arg8[%add3A_178] : memref<30720xf32, #tpu.memory_space<vmem>>[vector<16xi32>], vector<16xf32>,
        %add3A_180 = arith.addi %get3A_177, %broadcast_in_dim3A_7 : vector<16xi32>
        %gather3A_181 = tpu.vector_load_idx %arg8[%add3A_180] : memref<30720xf32, #tpu.memory_space<vmem>>[vector<16xi32>], vector<16xf32>,
        %add3A_182 = arith.addi %get3A_173, %broadcast_in_dim3A_9 : vector<16xi32>
        %gather3A_183 = tpu.vector_load_idx %arg8[%add3A_182] : memref<30720xf32, #tpu.memory_space<vmem>>[vector<16xi32>], vector<16xf32>,
        %add3A_184 = arith.addi %get3A_177, %broadcast_in_dim3A_9 : vector<16xi32>
        %gather3A_185 = tpu.vector_load_idx %arg8[%add3A_184] : memref<30720xf32, #tpu.memory_space<vmem>>[vector<16xi32>], vector<16xf32>,
        %add3A_186 = arith.addf %gather3A_179, %gather3A_181 : vector<16xf32>
        %mul3A_187 = arith.constant 2.000000e+00 : f32
        %mul3A_188 = vector.broadcast %mul3A_187 : f32 to vector<16xf32>
        %mul3A_189 = arith.mulf %add3A_186, %mul3A_188 : vector<16xf32>
        %exp3A_190 = math.exp %mul3A_189 : vector<16xf32>
        %add3A_191 = arith.constant 1.000000e+00 : f32
        %add3A_192 = vector.broadcast %add3A_191 : f32 to vector<16xf32>
        %add3A_193 = arith.addf %exp3A_190, %add3A_192 : vector<16xf32>
        %div3A_194 = arith.constant 2.000000e+00 : f32
        %div3A_195 = vector.broadcast %div3A_194 : f32 to vector<16xf32>
        %div3A_196 = arith.divf %div3A_195, %add3A_193 : vector<16xf32>
        %sub3A_197 = arith.constant 1.000000e+00 : f32
        %sub3A_198 = vector.broadcast %sub3A_197 : f32 to vector<16xf32>
        %sub3A_199 = arith.subf %sub3A_198, %div3A_196 : vector<16xf32>
        %mul3A_200 = arith.mulf %sub3A_199, %gather3A_183 : vector<16xf32>
        %mul3A_201 = arith.mulf %mul3A_200, %gather3A_185 : vector<16xf32>
        %swap3A_202 = arith.constant 64 : index
        %swap3A_203 = tpu.vector_load %arg11[%swap3A_202] {strides = array<i32>} : memref<128xf32, #tpu.memory_space<vmem>>, vector<16xf32>,
        tpu.vector_store %arg11[%swap3A_202], %mul3A_201 {strides = array<i32>} : memref<128xf32, #tpu.memory_space<vmem>>, vector<16xf32>,
        %get3A_204 = arith.constant 0 : i32
        %get3A_205 = arith.index_cast %get3A_204 : i32 to index
        %get3A_206 = arith.constant 80 : index
        %get3A_207 = tpu.vector_load %arg10[%get3A_205, %get3A_206] {strides = array<i32>} : memref<2x128xi32, #tpu.memory_space<vmem>>, vector<16xi32>,
        %get3A_208 = arith.constant 1 : i32
        %get3A_209 = arith.index_cast %get3A_208 : i32 to index
        %get3A_210 = arith.constant 80 : index
        %get3A_211 = tpu.vector_load %arg10[%get3A_209, %get3A_210] {strides = array<i32>} : memref<2x128xi32, #tpu.memory_space<vmem>>, vector<16xi32>,
        %add3A_212 = arith.addi %get3A_207, %broadcast_in_dim3A_5 : vector<16xi32>
        %gather3A_213 = tpu.vector_load_idx %arg8[%add3A_212] : memref<30720xf32, #tpu.memory_space<vmem>>[vector<16xi32>], vector<16xf32>,
        %add3A_214 = arith.addi %get3A_211, %broadcast_in_dim3A_7 : vector<16xi32>
        %gather3A_215 = tpu.vector_load_idx %arg8[%add3A_214] : memref<30720xf32, #tpu.memory_space<vmem>>[vector<16xi32>], vector<16xf32>,
        %add3A_216 = arith.addi %get3A_207, %broadcast_in_dim3A_9 : vector<16xi32>
        %gather3A_217 = tpu.vector_load_idx %arg8[%add3A_216] : memref<30720xf32, #tpu.memory_space<vmem>>[vector<16xi32>], vector<16xf32>,
        %add3A_218 = arith.addi %get3A_211, %broadcast_in_dim3A_9 : vector<16xi32>
        %gather3A_219 = tpu.vector_load_idx %arg8[%add3A_218] : memref<30720xf32, #tpu.memory_space<vmem>>[vector<16xi32>], vector<16xf32>,
        %add3A_220 = arith.addf %gather3A_213, %gather3A_215 : vector<16xf32>
        %mul3A_221 = arith.constant 2.000000e+00 : f32
        %mul3A_222 = vector.broadcast %mul3A_221 : f32 to vector<16xf32>
        %mul3A_223 = arith.mulf %add3A_220, %mul3A_222 : vector<16xf32>
        %exp3A_224 = math.exp %mul3A_223 : vector<16xf32>
        %add3A_225 = arith.constant 1.000000e+00 : f32
        %add3A_226 = vector.broadcast %add3A_225 : f32 to vector<16xf32>
        %add3A_227 = arith.addf %exp3A_224, %add3A_226 : vector<16xf32>
        %div3A_228 = arith.constant 2.000000e+00 : f32
        %div3A_229 = vector.broadcast %div3A_228 : f32 to vector<16xf32>
        %div3A_230 = arith.divf %div3A_229, %add3A_227 : vector<16xf32>
        %sub3A_231 = arith.constant 1.000000e+00 : f32
        %sub3A_232 = vector.broadcast %sub3A_231 : f32 to vector<16xf32>
        %sub3A_233 = arith.subf %sub3A_232, %div3A_230 : vector<16xf32>
        %mul3A_234 = arith.mulf %sub3A_233, %gather3A_217 : vector<16xf32>
        %mul3A_235 = arith.mulf %mul3A_234, %gather3A_219 : vector<16xf32>
        %swap3A_236 = arith.constant 80 : index
        %swap3A_237 = tpu.vector_load %arg11[%swap3A_236] {strides = array<i32>} : memref<128xf32, #tpu.memory_space<vmem>>, vector<16xf32>,
        tpu.vector_store %arg11[%swap3A_236], %mul3A_235 {strides = array<i32>} : memref<128xf32, #tpu.memory_space<vmem>>, vector<16xf32>,
        %get3A_238 = arith.constant 0 : i32
        %get3A_239 = arith.index_cast %get3A_238 : i32 to index
        %get3A_240 = arith.constant 96 : index
        %get3A_241 = tpu.vector_load %arg10[%get3A_239, %get3A_240] {strides = array<i32>} : memref<2x128xi32, #tpu.memory_space<vmem>>, vector<16xi32>,
        %get3A_242 = arith.constant 1 : i32
        %get3A_243 = arith.index_cast %get3A_242 : i32 to index
        %get3A_244 = arith.constant 96 : index
        %get3A_245 = tpu.vector_load %arg10[%get3A_243, %get3A_244] {strides = array<i32>} : memref<2x128xi32, #tpu.memory_space<vmem>>, vector<16xi32>,
        %add3A_246 = arith.addi %get3A_241, %broadcast_in_dim3A_5 : vector<16xi32>
        %gather3A_247 = tpu.vector_load_idx %arg8[%add3A_246] : memref<30720xf32, #tpu.memory_space<vmem>>[vector<16xi32>], vector<16xf32>,
        %add3A_248 = arith.addi %get3A_245, %broadcast_in_dim3A_7 : vector<16xi32>
        %gather3A_249 = tpu.vector_load_idx %arg8[%add3A_248] : memref<30720xf32, #tpu.memory_space<vmem>>[vector<16xi32>], vector<16xf32>,
        %add3A_250 = arith.addi %get3A_241, %broadcast_in_dim3A_9 : vector<16xi32>
        %gather3A_251 = tpu.vector_load_idx %arg8[%add3A_250] : memref<30720xf32, #tpu.memory_space<vmem>>[vector<16xi32>], vector<16xf32>,
        %add3A_252 = arith.addi %get3A_245, %broadcast_in_dim3A_9 : vector<16xi32>
        %gather3A_253 = tpu.vector_load_idx %arg8[%add3A_252] : memref<30720xf32, #tpu.memory_space<vmem>>[vector<16xi32>], vector<16xf32>,
        %add3A_254 = arith.addf %gather3A_247, %gather3A_249 : vector<16xf32>
        %mul3A_255 = arith.constant 2.000000e+00 : f32
        %mul3A_256 = vector.broadcast %mul3A_255 : f32 to vector<16xf32>
        %mul3A_257 = arith.mulf %add3A_254, %mul3A_256 : vector<16xf32>
        %exp3A_258 = math.exp %mul3A_257 : vector<16xf32>
        %add3A_259 = arith.constant 1.000000e+00 : f32
        %add3A_260 = vector.broadcast %add3A_259 : f32 to vector<16xf32>
        %add3A_261 = arith.addf %exp3A_258, %add3A_260 : vector<16xf32>
        %div3A_262 = arith.constant 2.000000e+00 : f32
        %div3A_263 = vector.broadcast %div3A_262 : f32 to vector<16xf32>
        %div3A_264 = arith.divf %div3A_263, %add3A_261 : vector<16xf32>
        %sub3A_265 = arith.constant 1.000000e+00 : f32
        %sub3A_266 = vector.broadcast %sub3A_265 : f32 to vector<16xf32>
        %sub3A_267 = arith.subf %sub3A_266, %div3A_264 : vector<16xf32>
        %mul3A_268 = arith.mulf %sub3A_267, %gather3A_251 : vector<16xf32>
        %mul3A_269 = arith.mulf %mul3A_268, %gather3A_253 : vector<16xf32>
        %swap3A_270 = arith.constant 96 : index
        %swap3A_271 = tpu.vector_load %arg11[%swap3A_270] {strides = array<i32>} : memref<128xf32, #tpu.memory_space<vmem>>, vector<16xf32>,
        tpu.vector_store %arg11[%swap3A_270], %mul3A_269 {strides = array<i32>} : memref<128xf32, #tpu.memory_space<vmem>>, vector<16xf32>,
        %get3A_272 = arith.constant 0 : i32
        %get3A_273 = arith.index_cast %get3A_272 : i32 to index
        %get3A_274 = arith.constant 112 : index
        %get3A_275 = tpu.vector_load %arg10[%get3A_273, %get3A_274] {strides = array<i32>} : memref<2x128xi32, #tpu.memory_space<vmem>>, vector<16xi32>,
        %get3A_276 = arith.constant 1 : i32
        %get3A_277 = arith.index_cast %get3A_276 : i32 to index
        %get3A_278 = arith.constant 112 : index
        %get3A_279 = tpu.vector_load %arg10[%get3A_277, %get3A_278] {strides = array<i32>} : memref<2x128xi32, #tpu.memory_space<vmem>>, vector<16xi32>,
        %add3A_280 = arith.addi %get3A_275, %broadcast_in_dim3A_5 : vector<16xi32>
        %gather3A_281 = tpu.vector_load_idx %arg8[%add3A_280] : memref<30720xf32, #tpu.memory_space<vmem>>[vector<16xi32>], vector<16xf32>,
        %add3A_282 = arith.addi %get3A_279, %broadcast_in_dim3A_7 : vector<16xi32>
        %gather3A_283 = tpu.vector_load_idx %arg8[%add3A_282] : memref<30720xf32, #tpu.memory_space<vmem>>[vector<16xi32>], vector<16xf32>,
        %add3A_284 = arith.addi %get3A_275, %broadcast_in_dim3A_9 : vector<16xi32>
        %gather3A_285 = tpu.vector_load_idx %arg8[%add3A_284] : memref<30720xf32, #tpu.memory_space<vmem>>[vector<16xi32>], vector<16xf32>,
        %add3A_286 = arith.addi %get3A_279, %broadcast_in_dim3A_9 : vector<16xi32>
        %gather3A_287 = tpu.vector_load_idx %arg8[%add3A_286] : memref<30720xf32, #tpu.memory_space<vmem>>[vector<16xi32>], vector<16xf32>,
        %add3A_288 = arith.addf %gather3A_281, %gather3A_283 : vector<16xf32>
        %mul3A_289 = arith.constant 2.000000e+00 : f32
        %mul3A_290 = vector.broadcast %mul3A_289 : f32 to vector<16xf32>
        %mul3A_291 = arith.mulf %add3A_288, %mul3A_290 : vector<16xf32>
        %exp3A_292 = math.exp %mul3A_291 : vector<16xf32>
        %add3A_293 = arith.constant 1.000000e+00 : f32
        %add3A_294 = vector.broadcast %add3A_293 : f32 to vector<16xf32>
        %add3A_295 = arith.addf %exp3A_292, %add3A_294 : vector<16xf32>
        %div3A_296 = arith.constant 2.000000e+00 : f32
        %div3A_297 = vector.broadcast %div3A_296 : f32 to vector<16xf32>
        %div3A_298 = arith.divf %div3A_297, %add3A_295 : vector<16xf32>
        %sub3A_299 = arith.constant 1.000000e+00 : f32
        %sub3A_300 = vector.broadcast %sub3A_299 : f32 to vector<16xf32>
        %sub3A_301 = arith.subf %sub3A_300, %div3A_298 : vector<16xf32>
        %mul3A_302 = arith.mulf %sub3A_301, %gather3A_285 : vector<16xf32>
        %mul3A_303 = arith.mulf %mul3A_302, %gather3A_287 : vector<16xf32>
        %swap3A_304 = arith.constant 112 : index
        %swap3A_305 = tpu.vector_load %arg11[%swap3A_304] {strides = array<i32>} : memref<128xf32, #tpu.memory_space<vmem>>, vector<16xf32>,
        tpu.vector_store %arg11[%swap3A_304], %mul3A_303 {strides = array<i32>} : memref<128xf32, #tpu.memory_space<vmem>>, vector<16xf32>,
        %dma_wait3A = arith.constant 0 : i32
        %dma_wait3A_306 = arith.constant 0 : i32
        %dma_wait3A_307 = tpu.memref_slice %arg10[%dma_wait3A, %dma_wait3A_306] : memref<2x128xi32, #tpu.memory_space<vmem>> -> memref<1x128xi32, #tpu.memory_space<vmem>>
        %dma_wait3A_308 = tpu.memref_squeeze %dma_wait3A_307 : memref<1x128xi32, #tpu.memory_space<vmem>> -> memref<128xi32, #tpu.memory_space<vmem>>
        %dma_wait3A_309 = arith.constant 0 : i32
        %dma_wait3A_310 = arith.constant 0 : i32
        %dma_wait3A_311 = tpu.memref_slice %arg2[%dma_wait3A_309, %dma_wait3A_310] : memref<10240x128xf32, #tpu.memory_space<hbm>> -> memref<10240x128xf32, #tpu.memory_space<hbm>>
        tpu.wait_indirect_dma semaphore(%arg13 : memref<!tpu.dma_semaphore, #tpu.memory_space<semaphore_mem>>) src(%dma_wait3A_311 : memref<10240x128xf32, #tpu.memory_space<hbm>>) dst(%arg9 : memref<128x128xf32, #tpu.memory_space<vmem>>)
        %parallel_loop3A = arith.constant 0 : i32
        %parallel_loop3A_312 = arith.constant 128 : i32
        %parallel_loop3A_313 = arith.constant 1 : i32
        scf.for %parallel_loop3A_314 = %parallel_loop3A to %parallel_loop3A_312 step %parallel_loop3A_313  : i32 {
          %parallel_loop3A_315 = vector.broadcast %parallel_loop3A_314 : i32 to vector<16xi32>
          %parallel_loop3A_316 = tpu.vector_load_idx %arg11[%parallel_loop3A_315] : memref<128xf32, #tpu.memory_space<vmem>>[vector<16xi32>], vector<16xf32>,
          %parallel_loop3A_317 = arith.index_cast %parallel_loop3A_314 : i32 to index
          %parallel_loop3A_318 = arith.constant 0 : index
          %parallel_loop3A_319 = tpu.vector_load %arg9[%parallel_loop3A_317, %parallel_loop3A_318] {strides = array<i32>} : memref<128x128xf32, #tpu.memory_space<vmem>>, vector<16xf32>,
          %parallel_loop3A_320 = arith.mulf %parallel_loop3A_319, %parallel_loop3A_316 : vector<16xf32>
          %parallel_loop3A_321 = arith.index_cast %parallel_loop3A_314 : i32 to index
          %parallel_loop3A_322 = arith.constant 0 : index
          %parallel_loop3A_323 = tpu.vector_load %arg9[%parallel_loop3A_321, %parallel_loop3A_322] {strides = array<i32>} : memref<128x128xf32, #tpu.memory_space<vmem>>, vector<16xf32>,
          tpu.vector_store %arg9[%parallel_loop3A_321, %parallel_loop3A_322], %parallel_loop3A_320 {strides = array<i32>} : memref<128x128xf32, #tpu.memory_space<vmem>>, vector<16xf32>,
          %parallel_loop3A_324 = arith.index_cast %parallel_loop3A_314 : i32 to index
          %parallel_loop3A_325 = arith.constant 16 : index
          %parallel_loop3A_326 = tpu.vector_load %arg9[%parallel_loop3A_324, %parallel_loop3A_325] {strides = array<i32>} : memref<128x128xf32, #tpu.memory_space<vmem>>, vector<16xf32>,
          %parallel_loop3A_327 = arith.mulf %parallel_loop3A_326, %parallel_loop3A_316 : vector<16xf32>
          %parallel_loop3A_328 = arith.index_cast %parallel_loop3A_314 : i32 to index
          %parallel_loop3A_329 = arith.constant 16 : index
          %parallel_loop3A_330 = tpu.vector_load %arg9[%parallel_loop3A_328, %parallel_loop3A_329] {strides = array<i32>} : memref<128x128xf32, #tpu.memory_space<vmem>>, vector<16xf32>,
          tpu.vector_store %arg9[%parallel_loop3A_328, %parallel_loop3A_329], %parallel_loop3A_327 {strides = array<i32>} : memref<128x128xf32, #tpu.memory_space<vmem>>, vector<16xf32>,
          %parallel_loop3A_331 = arith.index_cast %parallel_loop3A_314 : i32 to index
          %parallel_loop3A_332 = arith.constant 32 : index
          %parallel_loop3A_333 = tpu.vector_load %arg9[%parallel_loop3A_331, %parallel_loop3A_332] {strides = array<i32>} : memref<128x128xf32, #tpu.memory_space<vmem>>, vector<16xf32>,
          %parallel_loop3A_334 = arith.mulf %parallel_loop3A_333, %parallel_loop3A_316 : vector<16xf32>
          %parallel_loop3A_335 = arith.index_cast %parallel_loop3A_314 : i32 to index
          %parallel_loop3A_336 = arith.constant 32 : index
          %parallel_loop3A_337 = tpu.vector_load %arg9[%parallel_loop3A_335, %parallel_loop3A_336] {strides = array<i32>} : memref<128x128xf32, #tpu.memory_space<vmem>>, vector<16xf32>,
          tpu.vector_store %arg9[%parallel_loop3A_335, %parallel_loop3A_336], %parallel_loop3A_334 {strides = array<i32>} : memref<128x128xf32, #tpu.memory_space<vmem>>, vector<16xf32>,
          %parallel_loop3A_338 = arith.index_cast %parallel_loop3A_314 : i32 to index
          %parallel_loop3A_339 = arith.constant 48 : index
          %parallel_loop3A_340 = tpu.vector_load %arg9[%parallel_loop3A_338, %parallel_loop3A_339] {strides = array<i32>} : memref<128x128xf32, #tpu.memory_space<vmem>>, vector<16xf32>,
          %parallel_loop3A_341 = arith.mulf %parallel_loop3A_340, %parallel_loop3A_316 : vector<16xf32>
          %parallel_loop3A_342 = arith.index_cast %parallel_loop3A_314 : i32 to index
          %parallel_loop3A_343 = arith.constant 48 : index
          %parallel_loop3A_344 = tpu.vector_load %arg9[%parallel_loop3A_342, %parallel_loop3A_343] {strides = array<i32>} : memref<128x128xf32, #tpu.memory_space<vmem>>, vector<16xf32>,
          tpu.vector_store %arg9[%parallel_loop3A_342, %parallel_loop3A_343], %parallel_loop3A_341 {strides = array<i32>} : memref<128x128xf32, #tpu.memory_space<vmem>>, vector<16xf32>,
          %parallel_loop3A_345 = arith.index_cast %parallel_loop3A_314 : i32 to index
          %parallel_loop3A_346 = arith.constant 64 : index
          %parallel_loop3A_347 = tpu.vector_load %arg9[%parallel_loop3A_345, %parallel_loop3A_346] {strides = array<i32>} : memref<128x128xf32, #tpu.memory_space<vmem>>, vector<16xf32>,
          %parallel_loop3A_348 = arith.mulf %parallel_loop3A_347, %parallel_loop3A_316 : vector<16xf32>
          %parallel_loop3A_349 = arith.index_cast %parallel_loop3A_314 : i32 to index
          %parallel_loop3A_350 = arith.constant 64 : index
          %parallel_loop3A_351 = tpu.vector_load %arg9[%parallel_loop3A_349, %parallel_loop3A_350] {strides = array<i32>} : memref<128x128xf32, #tpu.memory_space<vmem>>, vector<16xf32>,
          tpu.vector_store %arg9[%parallel_loop3A_349, %parallel_loop3A_350], %parallel_loop3A_348 {strides = array<i32>} : memref<128x128xf32, #tpu.memory_space<vmem>>, vector<16xf32>,
          %parallel_loop3A_352 = arith.index_cast %parallel_loop3A_314 : i32 to index
          %parallel_loop3A_353 = arith.constant 80 : index
          %parallel_loop3A_354 = tpu.vector_load %arg9[%parallel_loop3A_352, %parallel_loop3A_353] {strides = array<i32>} : memref<128x128xf32, #tpu.memory_space<vmem>>, vector<16xf32>,
          %parallel_loop3A_355 = arith.mulf %parallel_loop3A_354, %parallel_loop3A_316 : vector<16xf32>
          %parallel_loop3A_356 = arith.index_cast %parallel_loop3A_314 : i32 to index
          %parallel_loop3A_357 = arith.constant 80 : index
          %parallel_loop3A_358 = tpu.vector_load %arg9[%parallel_loop3A_356, %parallel_loop3A_357] {strides = array<i32>} : memref<128x128xf32, #tpu.memory_space<vmem>>, vector<16xf32>,
          tpu.vector_store %arg9[%parallel_loop3A_356, %parallel_loop3A_357], %parallel_loop3A_355 {strides = array<i32>} : memref<128x128xf32, #tpu.memory_space<vmem>>, vector<16xf32>,
          %parallel_loop3A_359 = arith.index_cast %parallel_loop3A_314 : i32 to index
          %parallel_loop3A_360 = arith.constant 96 : index
          %parallel_loop3A_361 = tpu.vector_load %arg9[%parallel_loop3A_359, %parallel_loop3A_360] {strides = array<i32>} : memref<128x128xf32, #tpu.memory_space<vmem>>, vector<16xf32>,
          %parallel_loop3A_362 = arith.mulf %parallel_loop3A_361, %parallel_loop3A_316 : vector<16xf32>
          %parallel_loop3A_363 = arith.index_cast %parallel_loop3A_314 : i32 to index
          %parallel_loop3A_364 = arith.constant 96 : index
          %parallel_loop3A_365 = tpu.vector_load %arg9[%parallel_loop3A_363, %parallel_loop3A_364] {strides = array<i32>} : memref<128x128xf32, #tpu.memory_space<vmem>>, vector<16xf32>,
          tpu.vector_store %arg9[%parallel_loop3A_363, %parallel_loop3A_364], %parallel_loop3A_362 {strides = array<i32>} : memref<128x128xf32, #tpu.memory_space<vmem>>, vector<16xf32>,
          %parallel_loop3A_366 = arith.index_cast %parallel_loop3A_314 : i32 to index
          %parallel_loop3A_367 = arith.constant 112 : index
          %parallel_loop3A_368 = tpu.vector_load %arg9[%parallel_loop3A_366, %parallel_loop3A_367] {strides = array<i32>} : memref<128x128xf32, #tpu.memory_space<vmem>>, vector<16xf32>,
          %parallel_loop3A_369 = arith.mulf %parallel_loop3A_368, %parallel_loop3A_316 : vector<16xf32>
          %parallel_loop3A_370 = arith.index_cast %parallel_loop3A_314 : i32 to index
          %parallel_loop3A_371 = arith.constant 112 : index
          %parallel_loop3A_372 = tpu.vector_load %arg9[%parallel_loop3A_370, %parallel_loop3A_371] {strides = array<i32>} : memref<128x128xf32, #tpu.memory_space<vmem>>, vector<16xf32>,
          tpu.vector_store %arg9[%parallel_loop3A_370, %parallel_loop3A_371], %parallel_loop3A_369 {strides = array<i32>} : memref<128x128xf32, #tpu.memory_space<vmem>>, vector<16xf32>,
        } {sc.loop_unroll_factor = 8 : i64, sc.parallel_access}
        %run_scoped3A = arith.constant 1 : i32
        "tpu.region"() ({
          %run_scoped3A_314 = tpu.sem_alloc : memref<!tpu.dma_semaphore, #tpu.memory_space<semaphore_mem>>
          %dma_start3A_315 = arith.constant 0 : i32
          %dma_start3A_316 = tpu.memref_slice %arg10[%run_scoped3A, %dma_start3A_315] : memref<2x128xi32, #tpu.memory_space<vmem>> -> memref<1x128xi32, #tpu.memory_space<vmem>>
          %dma_start3A_317 = tpu.memref_squeeze %dma_start3A_316 : memref<1x128xi32, #tpu.memory_space<vmem>> -> memref<128xi32, #tpu.memory_space<vmem>>
          %dma_start3A_318 = arith.constant 0 : i32
          %dma_start3A_319 = arith.constant 0 : i32
          %dma_start3A_320 = tpu.memref_slice %arg12[%dma_start3A_318, %dma_start3A_319] : memref<10240x128xf32, #tpu.memory_space<vmem_shared>> -> memref<10240x128xf32, #tpu.memory_space<vmem_shared>>
          tpu.enqueue_indirect_dma source(%arg9 : memref<128x128xf32, #tpu.memory_space<vmem>>) target(%dma_start3A_320 : memref<10240x128xf32, #tpu.memory_space<vmem_shared>>) offsets(%dma_start3A_317 : memref<128xi32, #tpu.memory_space<vmem>>) semaphore(%run_scoped3A_314 : memref<!tpu.dma_semaphore, #tpu.memory_space<semaphore_mem>>) {add = true}
          %dma_wait3A_321 = arith.constant 0 : i32
          %dma_wait3A_322 = tpu.memref_slice %arg10[%run_scoped3A, %dma_wait3A_321] : memref<2x128xi32, #tpu.memory_space<vmem>> -> memref<1x128xi32, #tpu.memory_space<vmem>>
          %dma_wait3A_323 = tpu.memref_squeeze %dma_wait3A_322 : memref<1x128xi32, #tpu.memory_space<vmem>> -> memref<128xi32, #tpu.memory_space<vmem>>
          %dma_wait3A_324 = arith.constant 0 : i32
          %dma_wait3A_325 = arith.constant 0 : i32
          %dma_wait3A_326 = tpu.memref_slice %arg12[%dma_wait3A_324, %dma_wait3A_325] : memref<10240x128xf32, #tpu.memory_space<vmem_shared>> -> memref<10240x128xf32, #tpu.memory_space<vmem_shared>>
          tpu.wait_indirect_dma semaphore(%run_scoped3A_314 : memref<!tpu.dma_semaphore, #tpu.memory_space<semaphore_mem>>) src(%arg9 : memref<128x128xf32, #tpu.memory_space<vmem>>) dst(%dma_wait3A_326 : memref<10240x128xf32, #tpu.memory_space<vmem_shared>>)
          tpu.yield
        }) : () -> ()
      }
      %scan3A_26 = arith.constant 114 : i32
    } else {
    }
    %barrier3A_15 = arith.constant 0 : index
    tpu.barrier barrier_id(%barrier3A_15)
    %mul3A_16 = arith.constant 640 : i32
    %mul3A_17 = arith.muli %arg1, %mul3A_16 : i32
    %mul3A_18 = arith.constant 640 : i32
    %mul3A_19 = arith.muli %arg1, %mul3A_18 : i32
    "tpu.region"() ({
      %run_scoped3A = tpu.sem_alloc : memref<!tpu.dma_semaphore, #tpu.memory_space<semaphore_mem>>
      %dma_start3A = arith.constant 0 : i32
      %dma_start3A_20 = tpu.memref_slice %arg7[%arg0, %mul3A_19, %dma_start3A] : memref<2x10240x128xf32, #tpu.memory_space<hbm>> -> memref<1x640x128xf32, #tpu.memory_space<hbm>>
      %dma_start3A_21 = tpu.memref_squeeze %dma_start3A_20 : memref<1x640x128xf32, #tpu.memory_space<hbm>> -> memref<640x128xf32, #tpu.memory_space<hbm>>
      %dma_start3A_22 = arith.constant 0 : i32
      %dma_start3A_23 = tpu.memref_slice %arg12[%mul3A_17, %dma_start3A_22] : memref<10240x128xf32, #tpu.memory_space<vmem_shared>> -> memref<640x128xf32, #tpu.memory_space<vmem_shared>>
      tpu.enqueue_dma source(%dma_start3A_23 : memref<640x128xf32, #tpu.memory_space<vmem_shared>>) target(%dma_start3A_21 : memref<640x128xf32, #tpu.memory_space<hbm>>) target_semaphore(%run_scoped3A : memref<!tpu.dma_semaphore, #tpu.memory_space<semaphore_mem>>)
      %dma_wait3A = arith.constant 0 : i32
      %dma_wait3A_24 = tpu.memref_slice %arg7[%arg0, %mul3A_19, %dma_wait3A] : memref<2x10240x128xf32, #tpu.memory_space<hbm>> -> memref<1x640x128xf32, #tpu.memory_space<hbm>>
      %dma_wait3A_25 = tpu.memref_squeeze %dma_wait3A_24 : memref<1x640x128xf32, #tpu.memory_space<hbm>> -> memref<640x128xf32, #tpu.memory_space<hbm>>
      %dma_wait3A_26 = arith.constant 0 : i32
      %dma_wait3A_27 = tpu.memref_slice %arg12[%mul3A_17, %dma_wait3A_26] : memref<10240x128xf32, #tpu.memory_space<vmem_shared>> -> memref<640x128xf32, #tpu.memory_space<vmem_shared>>
      tpu.wait_dma2 semaphore(%run_scoped3A : memref<!tpu.dma_semaphore, #tpu.memory_space<semaphore_mem>>) src(%dma_wait3A_27 : memref<640x128xf32, #tpu.memory_space<vmem_shared>>) dst(%dma_wait3A_25 : memref<640x128xf32, #tpu.memory_space<hbm>>)
      tpu.yield
    }) : () -> ()
    return
  }
}

#map = affine_map<(d0, d1) -> (0, 0)>
#map1 = affine_map<(d0, d1) -> (0)>
#map2 = affine_map<(d0, d1) -> (0, 0, 0)>
module attributes {stable_mosaic.version = 14 : i64} {
  func.func @edge_kernel(%arg0: i32, %arg1: i32, %arg2: memref<10240x128xf32, #tpu.memory_space<hbm>>, %arg3: memref<61440xf32, #tpu.memory_space<hbm>>, %arg4: memref<2520x2x128xi32, #tpu.memory_space<hbm>>, %arg5: memref<1254x2x128xi32, #tpu.memory_space<hbm>>, %arg6: memref<640x128xf32, #tpu.memory_space<hbm>>, %arg7: memref<2x10240x128xf32, #tpu.memory_space<hbm>>, %arg8: memref<30720xf32, #tpu.memory_space<vmem>>, %arg9: memref<128x128xf32, #tpu.memory_space<vmem>>, %arg10: memref<2x128xi32, #tpu.memory_space<vmem>>, %arg11: memref<128xf32, #tpu.memory_space<vmem>>, %arg12: memref<10240x128xf32, #tpu.memory_space<vmem_shared>>, %arg13: memref<!tpu.dma_semaphore, #tpu.memory_space<semaphore_mem>>) attributes {dimension_semantics = [#tpu.dimension_semantics<core_parallel>, #tpu.dimension_semantics<subcore_parallel>], iteration_bounds = array<i64: 2, 16>, scalar_prefetch = 0 : i64, scratch_operands = 6 : i64, tpu.core_type = #tpu.core_type<sc_vector_subcore>, window_params = [{transform_indices = #map}, {transform_indices = #map1}, {transform_indices = #map2}, {transform_indices = #map2}, {transform_indices = #map}, {transform_indices = #map2}]} {
    %mul3A = arith.constant 16 : i32
    %mul3A_0 = arith.muli %arg0, %mul3A : i32
    %add3A = arith.addi %mul3A_0, %arg1 : i32
    %lt3A = arith.constant 21 : i32
    %lt3A_1 = arith.cmpi slt, %add3A, %lt3A : i32
    %mul3A_2 = arith.constant 640 : i32
    %mul3A_3 = arith.muli %arg1, %mul3A_2 : i32
    "tpu.region"() ({
      %run_scoped3A = tpu.sem_alloc : memref<!tpu.dma_semaphore, #tpu.memory_space<semaphore_mem>>
      %dma_start3A = arith.constant 0 : i32
      %dma_start3A_20 = tpu.memref_slice %arg12[%mul3A_3, %dma_start3A] : memref<10240x128xf32, #tpu.memory_space<vmem_shared>> -> memref<640x128xf32, #tpu.memory_space<vmem_shared>>
      tpu.enqueue_dma source(%arg6 : memref<640x128xf32, #tpu.memory_space<hbm>>) target(%dma_start3A_20 : memref<640x128xf32, #tpu.memory_space<vmem_shared>>) target_semaphore(%run_scoped3A : memref<!tpu.dma_semaphore, #tpu.memory_space<semaphore_mem>>)
      %dma_wait3A = arith.constant 0 : i32
      %dma_wait3A_21 = tpu.memref_slice %arg12[%mul3A_3, %dma_wait3A] : memref<10240x128xf32, #tpu.memory_space<vmem_shared>> -> memref<640x128xf32, #tpu.memory_space<vmem_shared>>
      tpu.wait_dma2 semaphore(%run_scoped3A : memref<!tpu.dma_semaphore, #tpu.memory_space<semaphore_mem>>) src(%arg6 : memref<640x128xf32, #tpu.memory_space<hbm>>) dst(%dma_wait3A_21 : memref<640x128xf32, #tpu.memory_space<vmem_shared>>)
      tpu.yield
    }) : () -> ()
    %jit3A = arith.constant 0 : i32
    %jit3A_4 = arith.constant 30720 : i32
    %select_n3A = arith.select %lt3A_1, %jit3A, %jit3A_4 : i32
    "tpu.region"() ({
      %run_scoped3A = tpu.sem_alloc : memref<!tpu.dma_semaphore, #tpu.memory_space<semaphore_mem>>
      %dma_start3A = tpu.memref_slice %arg3[%select_n3A] : memref<61440xf32, #tpu.memory_space<hbm>> -> memref<30720xf32, #tpu.memory_space<hbm>>
      %dma_start3A_20 = tpu.memref_slice %arg3[%select_n3A] : memref<61440xf32, #tpu.memory_space<hbm>> -> memref<30720xf32, #tpu.memory_space<hbm>>
      tpu.enqueue_dma source(%dma_start3A_20 : memref<30720xf32, #tpu.memory_space<hbm>>) target(%arg8 : memref<30720xf32, #tpu.memory_space<vmem>>) target_semaphore(%run_scoped3A : memref<!tpu.dma_semaphore, #tpu.memory_space<semaphore_mem>>)
      %dma_wait3A = tpu.memref_slice %arg3[%select_n3A] : memref<61440xf32, #tpu.memory_space<hbm>> -> memref<30720xf32, #tpu.memory_space<hbm>>
      %dma_wait3A_21 = tpu.memref_slice %arg3[%select_n3A] : memref<61440xf32, #tpu.memory_space<hbm>> -> memref<30720xf32, #tpu.memory_space<hbm>>
      tpu.wait_dma2 semaphore(%run_scoped3A : memref<!tpu.dma_semaphore, #tpu.memory_space<semaphore_mem>>) src(%dma_wait3A_21 : memref<30720xf32, #tpu.memory_space<hbm>>) dst(%arg8 : memref<30720xf32, #tpu.memory_space<vmem>>)
      tpu.yield
    }) : () -> ()
    %barrier3A = arith.constant 0 : index
    tpu.barrier barrier_id(%barrier3A)
    %broadcast_in_dim3A = arith.constant 0 : i32
    %broadcast_in_dim3A_5 = vector.broadcast %broadcast_in_dim3A : i32 to vector<16xi32>
    %broadcast_in_dim3A_6 = arith.constant 10240 : i32
    %broadcast_in_dim3A_7 = vector.broadcast %broadcast_in_dim3A_6 : i32 to vector<16xi32>
    %broadcast_in_dim3A_8 = arith.constant 20480 : i32
    %broadcast_in_dim3A_9 = vector.broadcast %broadcast_in_dim3A_8 : i32 to vector<16xi32>
    %convert_element_type3A = arith.extui %lt3A_1 : i1 to i32
    %cond3A = arith.constant 0 : i32
    %cond3A_10 = arith.cmpi ne, %convert_element_type3A, %cond3A : i32
    scf.if %cond3A_10 {
      %mul3A_20 = arith.constant 120 : i32
      %mul3A_21 = arith.muli %add3A, %mul3A_20 : i32
      %scan3A = arith.constant 0 : i32
      %scan3A_22 = arith.constant 120 : i32
      %scan3A_23 = arith.addi %scan3A, %scan3A_22 : i32
      %scan3A_24 = arith.constant 1 : i32
      scf.for %scan3A_26 = %scan3A to %scan3A_23 step %scan3A_24  : i32 {
        %mul3A_27 = arith.constant 1 : i32
        %mul3A_28 = arith.muli %scan3A_26, %mul3A_27 : i32
        %add3A_29 = arith.constant 0 : i32
        %add3A_30 = arith.addi %add3A_29, %mul3A_28 : i32
        %add3A_31 = arith.addi %mul3A_21, %add3A_30 : i32
        "tpu.region"() ({
          %run_scoped3A_312 = tpu.sem_alloc : memref<!tpu.dma_semaphore, #tpu.memory_space<semaphore_mem>>
          %dma_start3A_313 = arith.constant 0 : i32
          %dma_start3A_314 = arith.constant 0 : i32
          %dma_start3A_315 = tpu.memref_slice %arg4[%add3A_31, %dma_start3A_313, %dma_start3A_314] : memref<2520x2x128xi32, #tpu.memory_space<hbm>> -> memref<1x2x128xi32, #tpu.memory_space<hbm>>
          %dma_start3A_316 = tpu.memref_squeeze %dma_start3A_315 : memref<1x2x128xi32, #tpu.memory_space<hbm>> -> memref<2x128xi32, #tpu.memory_space<hbm>>
          %dma_start3A_317 = arith.constant 0 : i32
          %dma_start3A_318 = arith.constant 0 : i32
          %dma_start3A_319 = tpu.memref_slice %arg4[%add3A_31, %dma_start3A_317, %dma_start3A_318] : memref<2520x2x128xi32, #tpu.memory_space<hbm>> -> memref<1x2x128xi32, #tpu.memory_space<hbm>>
          %dma_start3A_320 = tpu.memref_squeeze %dma_start3A_319 : memref<1x2x128xi32, #tpu.memory_space<hbm>> -> memref<2x128xi32, #tpu.memory_space<hbm>>
          tpu.enqueue_dma source(%dma_start3A_320 : memref<2x128xi32, #tpu.memory_space<hbm>>) target(%arg10 : memref<2x128xi32, #tpu.memory_space<vmem>>) target_semaphore(%run_scoped3A_312 : memref<!tpu.dma_semaphore, #tpu.memory_space<semaphore_mem>>)
          %dma_wait3A_321 = arith.constant 0 : i32
          %dma_wait3A_322 = arith.constant 0 : i32
          %dma_wait3A_323 = tpu.memref_slice %arg4[%add3A_31, %dma_wait3A_321, %dma_wait3A_322] : memref<2520x2x128xi32, #tpu.memory_space<hbm>> -> memref<1x2x128xi32, #tpu.memory_space<hbm>>
          %dma_wait3A_324 = tpu.memref_squeeze %dma_wait3A_323 : memref<1x2x128xi32, #tpu.memory_space<hbm>> -> memref<2x128xi32, #tpu.memory_space<hbm>>
          %dma_wait3A_325 = arith.constant 0 : i32
          %dma_wait3A_326 = arith.constant 0 : i32
          %dma_wait3A_327 = tpu.memref_slice %arg4[%add3A_31, %dma_wait3A_325, %dma_wait3A_326] : memref<2520x2x128xi32, #tpu.memory_space<hbm>> -> memref<1x2x128xi32, #tpu.memory_space<hbm>>
          %dma_wait3A_328 = tpu.memref_squeeze %dma_wait3A_327 : memref<1x2x128xi32, #tpu.memory_space<hbm>> -> memref<2x128xi32, #tpu.memory_space<hbm>>
          tpu.wait_dma2 semaphore(%run_scoped3A_312 : memref<!tpu.dma_semaphore, #tpu.memory_space<semaphore_mem>>) src(%dma_wait3A_328 : memref<2x128xi32, #tpu.memory_space<hbm>>) dst(%arg10 : memref<2x128xi32, #tpu.memory_space<vmem>>)
          tpu.yield
        }) : () -> ()
        %dma_start3A = arith.constant 0 : i32
        %dma_start3A_32 = arith.constant 0 : i32
        %dma_start3A_33 = tpu.memref_slice %arg10[%dma_start3A, %dma_start3A_32] : memref<2x128xi32, #tpu.memory_space<vmem>> -> memref<1x128xi32, #tpu.memory_space<vmem>>
        %dma_start3A_34 = tpu.memref_squeeze %dma_start3A_33 : memref<1x128xi32, #tpu.memory_space<vmem>> -> memref<128xi32, #tpu.memory_space<vmem>>
        %dma_start3A_35 = arith.constant 0 : i32
        %dma_start3A_36 = arith.constant 0 : i32
        %dma_start3A_37 = tpu.memref_slice %arg2[%dma_start3A_35, %dma_start3A_36] : memref<10240x128xf32, #tpu.memory_space<hbm>> -> memref<10240x128xf32, #tpu.memory_space<hbm>>
        tpu.enqueue_indirect_dma source(%dma_start3A_37 : memref<10240x128xf32, #tpu.memory_space<hbm>>) target(%arg9 : memref<128x128xf32, #tpu.memory_space<vmem>>) offsets(%dma_start3A_34 : memref<128xi32, #tpu.memory_space<vmem>>) semaphore(%arg13 : memref<!tpu.dma_semaphore, #tpu.memory_space<semaphore_mem>>)
        %get3A = arith.constant 0 : i32
        %get3A_38 = arith.index_cast %get3A : i32 to index
        %get3A_39 = arith.constant 0 : index
        %get3A_40 = tpu.vector_load %arg10[%get3A_38, %get3A_39] {strides = array<i32>} : memref<2x128xi32, #tpu.memory_space<vmem>>, vector<16xi32>,
        %get3A_41 = arith.constant 1 : i32
        %get3A_42 = arith.index_cast %get3A_41 : i32 to index
        %get3A_43 = arith.constant 0 : index
        %get3A_44 = tpu.vector_load %arg10[%get3A_42, %get3A_43] {strides = array<i32>} : memref<2x128xi32, #tpu.memory_space<vmem>>, vector<16xi32>,
        %add3A_45 = arith.addi %get3A_40, %broadcast_in_dim3A_5 : vector<16xi32>
        %gather3A = tpu.vector_load_idx %arg8[%add3A_45] : memref<30720xf32, #tpu.memory_space<vmem>>[vector<16xi32>], vector<16xf32>,
        %add3A_46 = arith.addi %get3A_44, %broadcast_in_dim3A_7 : vector<16xi32>
        %gather3A_47 = tpu.vector_load_idx %arg8[%add3A_46] : memref<30720xf32, #tpu.memory_space<vmem>>[vector<16xi32>], vector<16xf32>,
        %add3A_48 = arith.addi %get3A_40, %broadcast_in_dim3A_9 : vector<16xi32>
        %gather3A_49 = tpu.vector_load_idx %arg8[%add3A_48] : memref<30720xf32, #tpu.memory_space<vmem>>[vector<16xi32>], vector<16xf32>,
        %add3A_50 = arith.addi %get3A_44, %broadcast_in_dim3A_9 : vector<16xi32>
        %gather3A_51 = tpu.vector_load_idx %arg8[%add3A_50] : memref<30720xf32, #tpu.memory_space<vmem>>[vector<16xi32>], vector<16xf32>,
        %add3A_52 = arith.addf %gather3A, %gather3A_47 : vector<16xf32>
        %mul3A_53 = arith.constant 2.000000e+00 : f32
        %mul3A_54 = vector.broadcast %mul3A_53 : f32 to vector<16xf32>
        %mul3A_55 = arith.mulf %add3A_52, %mul3A_54 : vector<16xf32>
        %exp3A = math.exp %mul3A_55 : vector<16xf32>
        %add3A_56 = arith.constant 1.000000e+00 : f32
        %add3A_57 = vector.broadcast %add3A_56 : f32 to vector<16xf32>
        %add3A_58 = arith.addf %exp3A, %add3A_57 : vector<16xf32>
        %div3A = arith.constant 2.000000e+00 : f32
        %div3A_59 = vector.broadcast %div3A : f32 to vector<16xf32>
        %div3A_60 = arith.divf %div3A_59, %add3A_58 : vector<16xf32>
        %sub3A = arith.constant 1.000000e+00 : f32
        %sub3A_61 = vector.broadcast %sub3A : f32 to vector<16xf32>
        %sub3A_62 = arith.subf %sub3A_61, %div3A_60 : vector<16xf32>
        %mul3A_63 = arith.mulf %sub3A_62, %gather3A_49 : vector<16xf32>
        %mul3A_64 = arith.mulf %mul3A_63, %gather3A_51 : vector<16xf32>
        %swap3A = arith.constant 0 : index
        %swap3A_65 = tpu.vector_load %arg11[%swap3A] {strides = array<i32>} : memref<128xf32, #tpu.memory_space<vmem>>, vector<16xf32>,
        tpu.vector_store %arg11[%swap3A], %mul3A_64 {strides = array<i32>} : memref<128xf32, #tpu.memory_space<vmem>>, vector<16xf32>,
        %get3A_66 = arith.constant 0 : i32
        %get3A_67 = arith.index_cast %get3A_66 : i32 to index
        %get3A_68 = arith.constant 16 : index
        %get3A_69 = tpu.vector_load %arg10[%get3A_67, %get3A_68] {strides = array<i32>} : memref<2x128xi32, #tpu.memory_space<vmem>>, vector<16xi32>,
        %get3A_70 = arith.constant 1 : i32
        %get3A_71 = arith.index_cast %get3A_70 : i32 to index
        %get3A_72 = arith.constant 16 : index
        %get3A_73 = tpu.vector_load %arg10[%get3A_71, %get3A_72] {strides = array<i32>} : memref<2x128xi32, #tpu.memory_space<vmem>>, vector<16xi32>,
        %add3A_74 = arith.addi %get3A_69, %broadcast_in_dim3A_5 : vector<16xi32>
        %gather3A_75 = tpu.vector_load_idx %arg8[%add3A_74] : memref<30720xf32, #tpu.memory_space<vmem>>[vector<16xi32>], vector<16xf32>,
        %add3A_76 = arith.addi %get3A_73, %broadcast_in_dim3A_7 : vector<16xi32>
        %gather3A_77 = tpu.vector_load_idx %arg8[%add3A_76] : memref<30720xf32, #tpu.memory_space<vmem>>[vector<16xi32>], vector<16xf32>,
        %add3A_78 = arith.addi %get3A_69, %broadcast_in_dim3A_9 : vector<16xi32>
        %gather3A_79 = tpu.vector_load_idx %arg8[%add3A_78] : memref<30720xf32, #tpu.memory_space<vmem>>[vector<16xi32>], vector<16xf32>,
        %add3A_80 = arith.addi %get3A_73, %broadcast_in_dim3A_9 : vector<16xi32>
        %gather3A_81 = tpu.vector_load_idx %arg8[%add3A_80] : memref<30720xf32, #tpu.memory_space<vmem>>[vector<16xi32>], vector<16xf32>,
        %add3A_82 = arith.addf %gather3A_75, %gather3A_77 : vector<16xf32>
        %mul3A_83 = arith.constant 2.000000e+00 : f32
        %mul3A_84 = vector.broadcast %mul3A_83 : f32 to vector<16xf32>
        %mul3A_85 = arith.mulf %add3A_82, %mul3A_84 : vector<16xf32>
        %exp3A_86 = math.exp %mul3A_85 : vector<16xf32>
        %add3A_87 = arith.constant 1.000000e+00 : f32
        %add3A_88 = vector.broadcast %add3A_87 : f32 to vector<16xf32>
        %add3A_89 = arith.addf %exp3A_86, %add3A_88 : vector<16xf32>
        %div3A_90 = arith.constant 2.000000e+00 : f32
        %div3A_91 = vector.broadcast %div3A_90 : f32 to vector<16xf32>
        %div3A_92 = arith.divf %div3A_91, %add3A_89 : vector<16xf32>
        %sub3A_93 = arith.constant 1.000000e+00 : f32
        %sub3A_94 = vector.broadcast %sub3A_93 : f32 to vector<16xf32>
        %sub3A_95 = arith.subf %sub3A_94, %div3A_92 : vector<16xf32>
        %mul3A_96 = arith.mulf %sub3A_95, %gather3A_79 : vector<16xf32>
        %mul3A_97 = arith.mulf %mul3A_96, %gather3A_81 : vector<16xf32>
        %swap3A_98 = arith.constant 16 : index
        %swap3A_99 = tpu.vector_load %arg11[%swap3A_98] {strides = array<i32>} : memref<128xf32, #tpu.memory_space<vmem>>, vector<16xf32>,
        tpu.vector_store %arg11[%swap3A_98], %mul3A_97 {strides = array<i32>} : memref<128xf32, #tpu.memory_space<vmem>>, vector<16xf32>,
        %get3A_100 = arith.constant 0 : i32
        %get3A_101 = arith.index_cast %get3A_100 : i32 to index
        %get3A_102 = arith.constant 32 : index
        %get3A_103 = tpu.vector_load %arg10[%get3A_101, %get3A_102] {strides = array<i32>} : memref<2x128xi32, #tpu.memory_space<vmem>>, vector<16xi32>,
        %get3A_104 = arith.constant 1 : i32
        %get3A_105 = arith.index_cast %get3A_104 : i32 to index
        %get3A_106 = arith.constant 32 : index
        %get3A_107 = tpu.vector_load %arg10[%get3A_105, %get3A_106] {strides = array<i32>} : memref<2x128xi32, #tpu.memory_space<vmem>>, vector<16xi32>,
        %add3A_108 = arith.addi %get3A_103, %broadcast_in_dim3A_5 : vector<16xi32>
        %gather3A_109 = tpu.vector_load_idx %arg8[%add3A_108] : memref<30720xf32, #tpu.memory_space<vmem>>[vector<16xi32>], vector<16xf32>,
        %add3A_110 = arith.addi %get3A_107, %broadcast_in_dim3A_7 : vector<16xi32>
        %gather3A_111 = tpu.vector_load_idx %arg8[%add3A_110] : memref<30720xf32, #tpu.memory_space<vmem>>[vector<16xi32>], vector<16xf32>,
        %add3A_112 = arith.addi %get3A_103, %broadcast_in_dim3A_9 : vector<16xi32>
        %gather3A_113 = tpu.vector_load_idx %arg8[%add3A_112] : memref<30720xf32, #tpu.memory_space<vmem>>[vector<16xi32>], vector<16xf32>,
        %add3A_114 = arith.addi %get3A_107, %broadcast_in_dim3A_9 : vector<16xi32>
        %gather3A_115 = tpu.vector_load_idx %arg8[%add3A_114] : memref<30720xf32, #tpu.memory_space<vmem>>[vector<16xi32>], vector<16xf32>,
        %add3A_116 = arith.addf %gather3A_109, %gather3A_111 : vector<16xf32>
        %mul3A_117 = arith.constant 2.000000e+00 : f32
        %mul3A_118 = vector.broadcast %mul3A_117 : f32 to vector<16xf32>
        %mul3A_119 = arith.mulf %add3A_116, %mul3A_118 : vector<16xf32>
        %exp3A_120 = math.exp %mul3A_119 : vector<16xf32>
        %add3A_121 = arith.constant 1.000000e+00 : f32
        %add3A_122 = vector.broadcast %add3A_121 : f32 to vector<16xf32>
        %add3A_123 = arith.addf %exp3A_120, %add3A_122 : vector<16xf32>
        %div3A_124 = arith.constant 2.000000e+00 : f32
        %div3A_125 = vector.broadcast %div3A_124 : f32 to vector<16xf32>
        %div3A_126 = arith.divf %div3A_125, %add3A_123 : vector<16xf32>
        %sub3A_127 = arith.constant 1.000000e+00 : f32
        %sub3A_128 = vector.broadcast %sub3A_127 : f32 to vector<16xf32>
        %sub3A_129 = arith.subf %sub3A_128, %div3A_126 : vector<16xf32>
        %mul3A_130 = arith.mulf %sub3A_129, %gather3A_113 : vector<16xf32>
        %mul3A_131 = arith.mulf %mul3A_130, %gather3A_115 : vector<16xf32>
        %swap3A_132 = arith.constant 32 : index
        %swap3A_133 = tpu.vector_load %arg11[%swap3A_132] {strides = array<i32>} : memref<128xf32, #tpu.memory_space<vmem>>, vector<16xf32>,
        tpu.vector_store %arg11[%swap3A_132], %mul3A_131 {strides = array<i32>} : memref<128xf32, #tpu.memory_space<vmem>>, vector<16xf32>,
        %get3A_134 = arith.constant 0 : i32
        %get3A_135 = arith.index_cast %get3A_134 : i32 to index
        %get3A_136 = arith.constant 48 : index
        %get3A_137 = tpu.vector_load %arg10[%get3A_135, %get3A_136] {strides = array<i32>} : memref<2x128xi32, #tpu.memory_space<vmem>>, vector<16xi32>,
        %get3A_138 = arith.constant 1 : i32
        %get3A_139 = arith.index_cast %get3A_138 : i32 to index
        %get3A_140 = arith.constant 48 : index
        %get3A_141 = tpu.vector_load %arg10[%get3A_139, %get3A_140] {strides = array<i32>} : memref<2x128xi32, #tpu.memory_space<vmem>>, vector<16xi32>,
        %add3A_142 = arith.addi %get3A_137, %broadcast_in_dim3A_5 : vector<16xi32>
        %gather3A_143 = tpu.vector_load_idx %arg8[%add3A_142] : memref<30720xf32, #tpu.memory_space<vmem>>[vector<16xi32>], vector<16xf32>,
        %add3A_144 = arith.addi %get3A_141, %broadcast_in_dim3A_7 : vector<16xi32>
        %gather3A_145 = tpu.vector_load_idx %arg8[%add3A_144] : memref<30720xf32, #tpu.memory_space<vmem>>[vector<16xi32>], vector<16xf32>,
        %add3A_146 = arith.addi %get3A_137, %broadcast_in_dim3A_9 : vector<16xi32>
        %gather3A_147 = tpu.vector_load_idx %arg8[%add3A_146] : memref<30720xf32, #tpu.memory_space<vmem>>[vector<16xi32>], vector<16xf32>,
        %add3A_148 = arith.addi %get3A_141, %broadcast_in_dim3A_9 : vector<16xi32>
        %gather3A_149 = tpu.vector_load_idx %arg8[%add3A_148] : memref<30720xf32, #tpu.memory_space<vmem>>[vector<16xi32>], vector<16xf32>,
        %add3A_150 = arith.addf %gather3A_143, %gather3A_145 : vector<16xf32>
        %mul3A_151 = arith.constant 2.000000e+00 : f32
        %mul3A_152 = vector.broadcast %mul3A_151 : f32 to vector<16xf32>
        %mul3A_153 = arith.mulf %add3A_150, %mul3A_152 : vector<16xf32>
        %exp3A_154 = math.exp %mul3A_153 : vector<16xf32>
        %add3A_155 = arith.constant 1.000000e+00 : f32
        %add3A_156 = vector.broadcast %add3A_155 : f32 to vector<16xf32>
        %add3A_157 = arith.addf %exp3A_154, %add3A_156 : vector<16xf32>
        %div3A_158 = arith.constant 2.000000e+00 : f32
        %div3A_159 = vector.broadcast %div3A_158 : f32 to vector<16xf32>
        %div3A_160 = arith.divf %div3A_159, %add3A_157 : vector<16xf32>
        %sub3A_161 = arith.constant 1.000000e+00 : f32
        %sub3A_162 = vector.broadcast %sub3A_161 : f32 to vector<16xf32>
        %sub3A_163 = arith.subf %sub3A_162, %div3A_160 : vector<16xf32>
        %mul3A_164 = arith.mulf %sub3A_163, %gather3A_147 : vector<16xf32>
        %mul3A_165 = arith.mulf %mul3A_164, %gather3A_149 : vector<16xf32>
        %swap3A_166 = arith.constant 48 : index
        %swap3A_167 = tpu.vector_load %arg11[%swap3A_166] {strides = array<i32>} : memref<128xf32, #tpu.memory_space<vmem>>, vector<16xf32>,
        tpu.vector_store %arg11[%swap3A_166], %mul3A_165 {strides = array<i32>} : memref<128xf32, #tpu.memory_space<vmem>>, vector<16xf32>,
        %get3A_168 = arith.constant 0 : i32
        %get3A_169 = arith.index_cast %get3A_168 : i32 to index
        %get3A_170 = arith.constant 64 : index
        %get3A_171 = tpu.vector_load %arg10[%get3A_169, %get3A_170] {strides = array<i32>} : memref<2x128xi32, #tpu.memory_space<vmem>>, vector<16xi32>,
        %get3A_172 = arith.constant 1 : i32
        %get3A_173 = arith.index_cast %get3A_172 : i32 to index
        %get3A_174 = arith.constant 64 : index
        %get3A_175 = tpu.vector_load %arg10[%get3A_173, %get3A_174] {strides = array<i32>} : memref<2x128xi32, #tpu.memory_space<vmem>>, vector<16xi32>,
        %add3A_176 = arith.addi %get3A_171, %broadcast_in_dim3A_5 : vector<16xi32>
        %gather3A_177 = tpu.vector_load_idx %arg8[%add3A_176] : memref<30720xf32, #tpu.memory_space<vmem>>[vector<16xi32>], vector<16xf32>,
        %add3A_178 = arith.addi %get3A_175, %broadcast_in_dim3A_7 : vector<16xi32>
        %gather3A_179 = tpu.vector_load_idx %arg8[%add3A_178] : memref<30720xf32, #tpu.memory_space<vmem>>[vector<16xi32>], vector<16xf32>,
        %add3A_180 = arith.addi %get3A_171, %broadcast_in_dim3A_9 : vector<16xi32>
        %gather3A_181 = tpu.vector_load_idx %arg8[%add3A_180] : memref<30720xf32, #tpu.memory_space<vmem>>[vector<16xi32>], vector<16xf32>,
        %add3A_182 = arith.addi %get3A_175, %broadcast_in_dim3A_9 : vector<16xi32>
        %gather3A_183 = tpu.vector_load_idx %arg8[%add3A_182] : memref<30720xf32, #tpu.memory_space<vmem>>[vector<16xi32>], vector<16xf32>,
        %add3A_184 = arith.addf %gather3A_177, %gather3A_179 : vector<16xf32>
        %mul3A_185 = arith.constant 2.000000e+00 : f32
        %mul3A_186 = vector.broadcast %mul3A_185 : f32 to vector<16xf32>
        %mul3A_187 = arith.mulf %add3A_184, %mul3A_186 : vector<16xf32>
        %exp3A_188 = math.exp %mul3A_187 : vector<16xf32>
        %add3A_189 = arith.constant 1.000000e+00 : f32
        %add3A_190 = vector.broadcast %add3A_189 : f32 to vector<16xf32>
        %add3A_191 = arith.addf %exp3A_188, %add3A_190 : vector<16xf32>
        %div3A_192 = arith.constant 2.000000e+00 : f32
        %div3A_193 = vector.broadcast %div3A_192 : f32 to vector<16xf32>
        %div3A_194 = arith.divf %div3A_193, %add3A_191 : vector<16xf32>
        %sub3A_195 = arith.constant 1.000000e+00 : f32
        %sub3A_196 = vector.broadcast %sub3A_195 : f32 to vector<16xf32>
        %sub3A_197 = arith.subf %sub3A_196, %div3A_194 : vector<16xf32>
        %mul3A_198 = arith.mulf %sub3A_197, %gather3A_181 : vector<16xf32>
        %mul3A_199 = arith.mulf %mul3A_198, %gather3A_183 : vector<16xf32>
        %swap3A_200 = arith.constant 64 : index
        %swap3A_201 = tpu.vector_load %arg11[%swap3A_200] {strides = array<i32>} : memref<128xf32, #tpu.memory_space<vmem>>, vector<16xf32>,
        tpu.vector_store %arg11[%swap3A_200], %mul3A_199 {strides = array<i32>} : memref<128xf32, #tpu.memory_space<vmem>>, vector<16xf32>,
        %get3A_202 = arith.constant 0 : i32
        %get3A_203 = arith.index_cast %get3A_202 : i32 to index
        %get3A_204 = arith.constant 80 : index
        %get3A_205 = tpu.vector_load %arg10[%get3A_203, %get3A_204] {strides = array<i32>} : memref<2x128xi32, #tpu.memory_space<vmem>>, vector<16xi32>,
        %get3A_206 = arith.constant 1 : i32
        %get3A_207 = arith.index_cast %get3A_206 : i32 to index
        %get3A_208 = arith.constant 80 : index
        %get3A_209 = tpu.vector_load %arg10[%get3A_207, %get3A_208] {strides = array<i32>} : memref<2x128xi32, #tpu.memory_space<vmem>>, vector<16xi32>,
        %add3A_210 = arith.addi %get3A_205, %broadcast_in_dim3A_5 : vector<16xi32>
        %gather3A_211 = tpu.vector_load_idx %arg8[%add3A_210] : memref<30720xf32, #tpu.memory_space<vmem>>[vector<16xi32>], vector<16xf32>,
        %add3A_212 = arith.addi %get3A_209, %broadcast_in_dim3A_7 : vector<16xi32>
        %gather3A_213 = tpu.vector_load_idx %arg8[%add3A_212] : memref<30720xf32, #tpu.memory_space<vmem>>[vector<16xi32>], vector<16xf32>,
        %add3A_214 = arith.addi %get3A_205, %broadcast_in_dim3A_9 : vector<16xi32>
        %gather3A_215 = tpu.vector_load_idx %arg8[%add3A_214] : memref<30720xf32, #tpu.memory_space<vmem>>[vector<16xi32>], vector<16xf32>,
        %add3A_216 = arith.addi %get3A_209, %broadcast_in_dim3A_9 : vector<16xi32>
        %gather3A_217 = tpu.vector_load_idx %arg8[%add3A_216] : memref<30720xf32, #tpu.memory_space<vmem>>[vector<16xi32>], vector<16xf32>,
        %add3A_218 = arith.addf %gather3A_211, %gather3A_213 : vector<16xf32>
        %mul3A_219 = arith.constant 2.000000e+00 : f32
        %mul3A_220 = vector.broadcast %mul3A_219 : f32 to vector<16xf32>
        %mul3A_221 = arith.mulf %add3A_218, %mul3A_220 : vector<16xf32>
        %exp3A_222 = math.exp %mul3A_221 : vector<16xf32>
        %add3A_223 = arith.constant 1.000000e+00 : f32
        %add3A_224 = vector.broadcast %add3A_223 : f32 to vector<16xf32>
        %add3A_225 = arith.addf %exp3A_222, %add3A_224 : vector<16xf32>
        %div3A_226 = arith.constant 2.000000e+00 : f32
        %div3A_227 = vector.broadcast %div3A_226 : f32 to vector<16xf32>
        %div3A_228 = arith.divf %div3A_227, %add3A_225 : vector<16xf32>
        %sub3A_229 = arith.constant 1.000000e+00 : f32
        %sub3A_230 = vector.broadcast %sub3A_229 : f32 to vector<16xf32>
        %sub3A_231 = arith.subf %sub3A_230, %div3A_228 : vector<16xf32>
        %mul3A_232 = arith.mulf %sub3A_231, %gather3A_215 : vector<16xf32>
        %mul3A_233 = arith.mulf %mul3A_232, %gather3A_217 : vector<16xf32>
        %swap3A_234 = arith.constant 80 : index
        %swap3A_235 = tpu.vector_load %arg11[%swap3A_234] {strides = array<i32>} : memref<128xf32, #tpu.memory_space<vmem>>, vector<16xf32>,
        tpu.vector_store %arg11[%swap3A_234], %mul3A_233 {strides = array<i32>} : memref<128xf32, #tpu.memory_space<vmem>>, vector<16xf32>,
        %get3A_236 = arith.constant 0 : i32
        %get3A_237 = arith.index_cast %get3A_236 : i32 to index
        %get3A_238 = arith.constant 96 : index
        %get3A_239 = tpu.vector_load %arg10[%get3A_237, %get3A_238] {strides = array<i32>} : memref<2x128xi32, #tpu.memory_space<vmem>>, vector<16xi32>,
        %get3A_240 = arith.constant 1 : i32
        %get3A_241 = arith.index_cast %get3A_240 : i32 to index
        %get3A_242 = arith.constant 96 : index
        %get3A_243 = tpu.vector_load %arg10[%get3A_241, %get3A_242] {strides = array<i32>} : memref<2x128xi32, #tpu.memory_space<vmem>>, vector<16xi32>,
        %add3A_244 = arith.addi %get3A_239, %broadcast_in_dim3A_5 : vector<16xi32>
        %gather3A_245 = tpu.vector_load_idx %arg8[%add3A_244] : memref<30720xf32, #tpu.memory_space<vmem>>[vector<16xi32>], vector<16xf32>,
        %add3A_246 = arith.addi %get3A_243, %broadcast_in_dim3A_7 : vector<16xi32>
        %gather3A_247 = tpu.vector_load_idx %arg8[%add3A_246] : memref<30720xf32, #tpu.memory_space<vmem>>[vector<16xi32>], vector<16xf32>,
        %add3A_248 = arith.addi %get3A_239, %broadcast_in_dim3A_9 : vector<16xi32>
        %gather3A_249 = tpu.vector_load_idx %arg8[%add3A_248] : memref<30720xf32, #tpu.memory_space<vmem>>[vector<16xi32>], vector<16xf32>,
        %add3A_250 = arith.addi %get3A_243, %broadcast_in_dim3A_9 : vector<16xi32>
        %gather3A_251 = tpu.vector_load_idx %arg8[%add3A_250] : memref<30720xf32, #tpu.memory_space<vmem>>[vector<16xi32>], vector<16xf32>,
        %add3A_252 = arith.addf %gather3A_245, %gather3A_247 : vector<16xf32>
        %mul3A_253 = arith.constant 2.000000e+00 : f32
        %mul3A_254 = vector.broadcast %mul3A_253 : f32 to vector<16xf32>
        %mul3A_255 = arith.mulf %add3A_252, %mul3A_254 : vector<16xf32>
        %exp3A_256 = math.exp %mul3A_255 : vector<16xf32>
        %add3A_257 = arith.constant 1.000000e+00 : f32
        %add3A_258 = vector.broadcast %add3A_257 : f32 to vector<16xf32>
        %add3A_259 = arith.addf %exp3A_256, %add3A_258 : vector<16xf32>
        %div3A_260 = arith.constant 2.000000e+00 : f32
        %div3A_261 = vector.broadcast %div3A_260 : f32 to vector<16xf32>
        %div3A_262 = arith.divf %div3A_261, %add3A_259 : vector<16xf32>
        %sub3A_263 = arith.constant 1.000000e+00 : f32
        %sub3A_264 = vector.broadcast %sub3A_263 : f32 to vector<16xf32>
        %sub3A_265 = arith.subf %sub3A_264, %div3A_262 : vector<16xf32>
        %mul3A_266 = arith.mulf %sub3A_265, %gather3A_249 : vector<16xf32>
        %mul3A_267 = arith.mulf %mul3A_266, %gather3A_251 : vector<16xf32>
        %swap3A_268 = arith.constant 96 : index
        %swap3A_269 = tpu.vector_load %arg11[%swap3A_268] {strides = array<i32>} : memref<128xf32, #tpu.memory_space<vmem>>, vector<16xf32>,
        tpu.vector_store %arg11[%swap3A_268], %mul3A_267 {strides = array<i32>} : memref<128xf32, #tpu.memory_space<vmem>>, vector<16xf32>,
        %get3A_270 = arith.constant 0 : i32
        %get3A_271 = arith.index_cast %get3A_270 : i32 to index
        %get3A_272 = arith.constant 112 : index
        %get3A_273 = tpu.vector_load %arg10[%get3A_271, %get3A_272] {strides = array<i32>} : memref<2x128xi32, #tpu.memory_space<vmem>>, vector<16xi32>,
        %get3A_274 = arith.constant 1 : i32
        %get3A_275 = arith.index_cast %get3A_274 : i32 to index
        %get3A_276 = arith.constant 112 : index
        %get3A_277 = tpu.vector_load %arg10[%get3A_275, %get3A_276] {strides = array<i32>} : memref<2x128xi32, #tpu.memory_space<vmem>>, vector<16xi32>,
        %add3A_278 = arith.addi %get3A_273, %broadcast_in_dim3A_5 : vector<16xi32>
        %gather3A_279 = tpu.vector_load_idx %arg8[%add3A_278] : memref<30720xf32, #tpu.memory_space<vmem>>[vector<16xi32>], vector<16xf32>,
        %add3A_280 = arith.addi %get3A_277, %broadcast_in_dim3A_7 : vector<16xi32>
        %gather3A_281 = tpu.vector_load_idx %arg8[%add3A_280] : memref<30720xf32, #tpu.memory_space<vmem>>[vector<16xi32>], vector<16xf32>,
        %add3A_282 = arith.addi %get3A_273, %broadcast_in_dim3A_9 : vector<16xi32>
        %gather3A_283 = tpu.vector_load_idx %arg8[%add3A_282] : memref<30720xf32, #tpu.memory_space<vmem>>[vector<16xi32>], vector<16xf32>,
        %add3A_284 = arith.addi %get3A_277, %broadcast_in_dim3A_9 : vector<16xi32>
        %gather3A_285 = tpu.vector_load_idx %arg8[%add3A_284] : memref<30720xf32, #tpu.memory_space<vmem>>[vector<16xi32>], vector<16xf32>,
        %add3A_286 = arith.addf %gather3A_279, %gather3A_281 : vector<16xf32>
        %mul3A_287 = arith.constant 2.000000e+00 : f32
        %mul3A_288 = vector.broadcast %mul3A_287 : f32 to vector<16xf32>
        %mul3A_289 = arith.mulf %add3A_286, %mul3A_288 : vector<16xf32>
        %exp3A_290 = math.exp %mul3A_289 : vector<16xf32>
        %add3A_291 = arith.constant 1.000000e+00 : f32
        %add3A_292 = vector.broadcast %add3A_291 : f32 to vector<16xf32>
        %add3A_293 = arith.addf %exp3A_290, %add3A_292 : vector<16xf32>
        %div3A_294 = arith.constant 2.000000e+00 : f32
        %div3A_295 = vector.broadcast %div3A_294 : f32 to vector<16xf32>
        %div3A_296 = arith.divf %div3A_295, %add3A_293 : vector<16xf32>
        %sub3A_297 = arith.constant 1.000000e+00 : f32
        %sub3A_298 = vector.broadcast %sub3A_297 : f32 to vector<16xf32>
        %sub3A_299 = arith.subf %sub3A_298, %div3A_296 : vector<16xf32>
        %mul3A_300 = arith.mulf %sub3A_299, %gather3A_283 : vector<16xf32>
        %mul3A_301 = arith.mulf %mul3A_300, %gather3A_285 : vector<16xf32>
        %swap3A_302 = arith.constant 112 : index
        %swap3A_303 = tpu.vector_load %arg11[%swap3A_302] {strides = array<i32>} : memref<128xf32, #tpu.memory_space<vmem>>, vector<16xf32>,
        tpu.vector_store %arg11[%swap3A_302], %mul3A_301 {strides = array<i32>} : memref<128xf32, #tpu.memory_space<vmem>>, vector<16xf32>,
        %dma_wait3A = arith.constant 0 : i32
        %dma_wait3A_304 = arith.constant 0 : i32
        %dma_wait3A_305 = tpu.memref_slice %arg10[%dma_wait3A, %dma_wait3A_304] : memref<2x128xi32, #tpu.memory_space<vmem>> -> memref<1x128xi32, #tpu.memory_space<vmem>>
        %dma_wait3A_306 = tpu.memref_squeeze %dma_wait3A_305 : memref<1x128xi32, #tpu.memory_space<vmem>> -> memref<128xi32, #tpu.memory_space<vmem>>
        %dma_wait3A_307 = arith.constant 0 : i32
        %dma_wait3A_308 = arith.constant 0 : i32
        %dma_wait3A_309 = tpu.memref_slice %arg2[%dma_wait3A_307, %dma_wait3A_308] : memref<10240x128xf32, #tpu.memory_space<hbm>> -> memref<10240x128xf32, #tpu.memory_space<hbm>>
        tpu.wait_indirect_dma semaphore(%arg13 : memref<!tpu.dma_semaphore, #tpu.memory_space<semaphore_mem>>) src(%dma_wait3A_309 : memref<10240x128xf32, #tpu.memory_space<hbm>>) dst(%arg9 : memref<128x128xf32, #tpu.memory_space<vmem>>)
        %parallel_loop3A = arith.constant 0 : i32
        %parallel_loop3A_310 = arith.constant 128 : i32
        %parallel_loop3A_311 = arith.constant 1 : i32
        scf.for %parallel_loop3A_312 = %parallel_loop3A to %parallel_loop3A_310 step %parallel_loop3A_311  : i32 {
          %parallel_loop3A_313 = vector.broadcast %parallel_loop3A_312 : i32 to vector<16xi32>
          %parallel_loop3A_314 = tpu.vector_load_idx %arg11[%parallel_loop3A_313] : memref<128xf32, #tpu.memory_space<vmem>>[vector<16xi32>], vector<16xf32>,
          %parallel_loop3A_315 = arith.index_cast %parallel_loop3A_312 : i32 to index
          %parallel_loop3A_316 = arith.constant 0 : index
          %parallel_loop3A_317 = tpu.vector_load %arg9[%parallel_loop3A_315, %parallel_loop3A_316] {strides = array<i32>} : memref<128x128xf32, #tpu.memory_space<vmem>>, vector<16xf32>,
          %parallel_loop3A_318 = arith.mulf %parallel_loop3A_317, %parallel_loop3A_314 : vector<16xf32>
          %parallel_loop3A_319 = arith.index_cast %parallel_loop3A_312 : i32 to index
          %parallel_loop3A_320 = arith.constant 0 : index
          %parallel_loop3A_321 = tpu.vector_load %arg9[%parallel_loop3A_319, %parallel_loop3A_320] {strides = array<i32>} : memref<128x128xf32, #tpu.memory_space<vmem>>, vector<16xf32>,
          tpu.vector_store %arg9[%parallel_loop3A_319, %parallel_loop3A_320], %parallel_loop3A_318 {strides = array<i32>} : memref<128x128xf32, #tpu.memory_space<vmem>>, vector<16xf32>,
          %parallel_loop3A_322 = arith.index_cast %parallel_loop3A_312 : i32 to index
          %parallel_loop3A_323 = arith.constant 16 : index
          %parallel_loop3A_324 = tpu.vector_load %arg9[%parallel_loop3A_322, %parallel_loop3A_323] {strides = array<i32>} : memref<128x128xf32, #tpu.memory_space<vmem>>, vector<16xf32>,
          %parallel_loop3A_325 = arith.mulf %parallel_loop3A_324, %parallel_loop3A_314 : vector<16xf32>
          %parallel_loop3A_326 = arith.index_cast %parallel_loop3A_312 : i32 to index
          %parallel_loop3A_327 = arith.constant 16 : index
          %parallel_loop3A_328 = tpu.vector_load %arg9[%parallel_loop3A_326, %parallel_loop3A_327] {strides = array<i32>} : memref<128x128xf32, #tpu.memory_space<vmem>>, vector<16xf32>,
          tpu.vector_store %arg9[%parallel_loop3A_326, %parallel_loop3A_327], %parallel_loop3A_325 {strides = array<i32>} : memref<128x128xf32, #tpu.memory_space<vmem>>, vector<16xf32>,
          %parallel_loop3A_329 = arith.index_cast %parallel_loop3A_312 : i32 to index
          %parallel_loop3A_330 = arith.constant 32 : index
          %parallel_loop3A_331 = tpu.vector_load %arg9[%parallel_loop3A_329, %parallel_loop3A_330] {strides = array<i32>} : memref<128x128xf32, #tpu.memory_space<vmem>>, vector<16xf32>,
          %parallel_loop3A_332 = arith.mulf %parallel_loop3A_331, %parallel_loop3A_314 : vector<16xf32>
          %parallel_loop3A_333 = arith.index_cast %parallel_loop3A_312 : i32 to index
          %parallel_loop3A_334 = arith.constant 32 : index
          %parallel_loop3A_335 = tpu.vector_load %arg9[%parallel_loop3A_333, %parallel_loop3A_334] {strides = array<i32>} : memref<128x128xf32, #tpu.memory_space<vmem>>, vector<16xf32>,
          tpu.vector_store %arg9[%parallel_loop3A_333, %parallel_loop3A_334], %parallel_loop3A_332 {strides = array<i32>} : memref<128x128xf32, #tpu.memory_space<vmem>>, vector<16xf32>,
          %parallel_loop3A_336 = arith.index_cast %parallel_loop3A_312 : i32 to index
          %parallel_loop3A_337 = arith.constant 48 : index
          %parallel_loop3A_338 = tpu.vector_load %arg9[%parallel_loop3A_336, %parallel_loop3A_337] {strides = array<i32>} : memref<128x128xf32, #tpu.memory_space<vmem>>, vector<16xf32>,
          %parallel_loop3A_339 = arith.mulf %parallel_loop3A_338, %parallel_loop3A_314 : vector<16xf32>
          %parallel_loop3A_340 = arith.index_cast %parallel_loop3A_312 : i32 to index
          %parallel_loop3A_341 = arith.constant 48 : index
          %parallel_loop3A_342 = tpu.vector_load %arg9[%parallel_loop3A_340, %parallel_loop3A_341] {strides = array<i32>} : memref<128x128xf32, #tpu.memory_space<vmem>>, vector<16xf32>,
          tpu.vector_store %arg9[%parallel_loop3A_340, %parallel_loop3A_341], %parallel_loop3A_339 {strides = array<i32>} : memref<128x128xf32, #tpu.memory_space<vmem>>, vector<16xf32>,
          %parallel_loop3A_343 = arith.index_cast %parallel_loop3A_312 : i32 to index
          %parallel_loop3A_344 = arith.constant 64 : index
          %parallel_loop3A_345 = tpu.vector_load %arg9[%parallel_loop3A_343, %parallel_loop3A_344] {strides = array<i32>} : memref<128x128xf32, #tpu.memory_space<vmem>>, vector<16xf32>,
          %parallel_loop3A_346 = arith.mulf %parallel_loop3A_345, %parallel_loop3A_314 : vector<16xf32>
          %parallel_loop3A_347 = arith.index_cast %parallel_loop3A_312 : i32 to index
          %parallel_loop3A_348 = arith.constant 64 : index
          %parallel_loop3A_349 = tpu.vector_load %arg9[%parallel_loop3A_347, %parallel_loop3A_348] {strides = array<i32>} : memref<128x128xf32, #tpu.memory_space<vmem>>, vector<16xf32>,
          tpu.vector_store %arg9[%parallel_loop3A_347, %parallel_loop3A_348], %parallel_loop3A_346 {strides = array<i32>} : memref<128x128xf32, #tpu.memory_space<vmem>>, vector<16xf32>,
          %parallel_loop3A_350 = arith.index_cast %parallel_loop3A_312 : i32 to index
          %parallel_loop3A_351 = arith.constant 80 : index
          %parallel_loop3A_352 = tpu.vector_load %arg9[%parallel_loop3A_350, %parallel_loop3A_351] {strides = array<i32>} : memref<128x128xf32, #tpu.memory_space<vmem>>, vector<16xf32>,
          %parallel_loop3A_353 = arith.mulf %parallel_loop3A_352, %parallel_loop3A_314 : vector<16xf32>
          %parallel_loop3A_354 = arith.index_cast %parallel_loop3A_312 : i32 to index
          %parallel_loop3A_355 = arith.constant 80 : index
          %parallel_loop3A_356 = tpu.vector_load %arg9[%parallel_loop3A_354, %parallel_loop3A_355] {strides = array<i32>} : memref<128x128xf32, #tpu.memory_space<vmem>>, vector<16xf32>,
          tpu.vector_store %arg9[%parallel_loop3A_354, %parallel_loop3A_355], %parallel_loop3A_353 {strides = array<i32>} : memref<128x128xf32, #tpu.memory_space<vmem>>, vector<16xf32>,
          %parallel_loop3A_357 = arith.index_cast %parallel_loop3A_312 : i32 to index
          %parallel_loop3A_358 = arith.constant 96 : index
          %parallel_loop3A_359 = tpu.vector_load %arg9[%parallel_loop3A_357, %parallel_loop3A_358] {strides = array<i32>} : memref<128x128xf32, #tpu.memory_space<vmem>>, vector<16xf32>,
          %parallel_loop3A_360 = arith.mulf %parallel_loop3A_359, %parallel_loop3A_314 : vector<16xf32>
          %parallel_loop3A_361 = arith.index_cast %parallel_loop3A_312 : i32 to index
          %parallel_loop3A_362 = arith.constant 96 : index
          %parallel_loop3A_363 = tpu.vector_load %arg9[%parallel_loop3A_361, %parallel_loop3A_362] {strides = array<i32>} : memref<128x128xf32, #tpu.memory_space<vmem>>, vector<16xf32>,
          tpu.vector_store %arg9[%parallel_loop3A_361, %parallel_loop3A_362], %parallel_loop3A_360 {strides = array<i32>} : memref<128x128xf32, #tpu.memory_space<vmem>>, vector<16xf32>,
          %parallel_loop3A_364 = arith.index_cast %parallel_loop3A_312 : i32 to index
          %parallel_loop3A_365 = arith.constant 112 : index
          %parallel_loop3A_366 = tpu.vector_load %arg9[%parallel_loop3A_364, %parallel_loop3A_365] {strides = array<i32>} : memref<128x128xf32, #tpu.memory_space<vmem>>, vector<16xf32>,
          %parallel_loop3A_367 = arith.mulf %parallel_loop3A_366, %parallel_loop3A_314 : vector<16xf32>
          %parallel_loop3A_368 = arith.index_cast %parallel_loop3A_312 : i32 to index
          %parallel_loop3A_369 = arith.constant 112 : index
          %parallel_loop3A_370 = tpu.vector_load %arg9[%parallel_loop3A_368, %parallel_loop3A_369] {strides = array<i32>} : memref<128x128xf32, #tpu.memory_space<vmem>>, vector<16xf32>,
          tpu.vector_store %arg9[%parallel_loop3A_368, %parallel_loop3A_369], %parallel_loop3A_367 {strides = array<i32>} : memref<128x128xf32, #tpu.memory_space<vmem>>, vector<16xf32>,
        } {sc.loop_unroll_factor = 8 : i64, sc.parallel_access}
        %run_scoped3A = arith.constant 1 : i32
        "tpu.region"() ({
          %run_scoped3A_312 = tpu.sem_alloc : memref<!tpu.dma_semaphore, #tpu.memory_space<semaphore_mem>>
          %dma_start3A_313 = arith.constant 0 : i32
          %dma_start3A_314 = tpu.memref_slice %arg10[%run_scoped3A, %dma_start3A_313] : memref<2x128xi32, #tpu.memory_space<vmem>> -> memref<1x128xi32, #tpu.memory_space<vmem>>
          %dma_start3A_315 = tpu.memref_squeeze %dma_start3A_314 : memref<1x128xi32, #tpu.memory_space<vmem>> -> memref<128xi32, #tpu.memory_space<vmem>>
          %dma_start3A_316 = arith.constant 0 : i32
          %dma_start3A_317 = arith.constant 0 : i32
          %dma_start3A_318 = tpu.memref_slice %arg12[%dma_start3A_316, %dma_start3A_317] : memref<10240x128xf32, #tpu.memory_space<vmem_shared>> -> memref<10240x128xf32, #tpu.memory_space<vmem_shared>>
          tpu.enqueue_indirect_dma source(%arg9 : memref<128x128xf32, #tpu.memory_space<vmem>>) target(%dma_start3A_318 : memref<10240x128xf32, #tpu.memory_space<vmem_shared>>) offsets(%dma_start3A_315 : memref<128xi32, #tpu.memory_space<vmem>>) semaphore(%run_scoped3A_312 : memref<!tpu.dma_semaphore, #tpu.memory_space<semaphore_mem>>) {add = true}
          %dma_wait3A_319 = arith.constant 0 : i32
          %dma_wait3A_320 = tpu.memref_slice %arg10[%run_scoped3A, %dma_wait3A_319] : memref<2x128xi32, #tpu.memory_space<vmem>> -> memref<1x128xi32, #tpu.memory_space<vmem>>
          %dma_wait3A_321 = tpu.memref_squeeze %dma_wait3A_320 : memref<1x128xi32, #tpu.memory_space<vmem>> -> memref<128xi32, #tpu.memory_space<vmem>>
          %dma_wait3A_322 = arith.constant 0 : i32
          %dma_wait3A_323 = arith.constant 0 : i32
          %dma_wait3A_324 = tpu.memref_slice %arg12[%dma_wait3A_322, %dma_wait3A_323] : memref<10240x128xf32, #tpu.memory_space<vmem_shared>> -> memref<10240x128xf32, #tpu.memory_space<vmem_shared>>
          tpu.wait_indirect_dma semaphore(%run_scoped3A_312 : memref<!tpu.dma_semaphore, #tpu.memory_space<semaphore_mem>>) src(%arg9 : memref<128x128xf32, #tpu.memory_space<vmem>>) dst(%dma_wait3A_324 : memref<10240x128xf32, #tpu.memory_space<vmem_shared>>)
          tpu.yield
        }) : () -> ()
      }
      %scan3A_25 = arith.constant 120 : i32
    } else {
    }
    %not3A = arith.constant true
    %not3A_11 = arith.xori %lt3A_1, %not3A : i1
    %convert_element_type3A_12 = arith.extui %not3A_11 : i1 to i32
    %cond3A_13 = arith.constant 0 : i32
    %cond3A_14 = arith.cmpi ne, %convert_element_type3A_12, %cond3A_13 : i32
    scf.if %cond3A_14 {
      %sub3A = arith.constant 21 : i32
      %sub3A_20 = arith.subi %add3A, %sub3A : i32
      %mul3A_21 = arith.constant 114 : i32
      %mul3A_22 = arith.muli %sub3A_20, %mul3A_21 : i32
      %scan3A = arith.constant 0 : i32
      %scan3A_23 = arith.constant 114 : i32
      %scan3A_24 = arith.addi %scan3A, %scan3A_23 : i32
      %scan3A_25 = arith.constant 1 : i32
      scf.for %scan3A_27 = %scan3A to %scan3A_24 step %scan3A_25  : i32 {
        %mul3A_28 = arith.constant 1 : i32
        %mul3A_29 = arith.muli %scan3A_27, %mul3A_28 : i32
        %add3A_30 = arith.constant 0 : i32
        %add3A_31 = arith.addi %add3A_30, %mul3A_29 : i32
        %add3A_32 = arith.addi %mul3A_22, %add3A_31 : i32
        "tpu.region"() ({
          %run_scoped3A_314 = tpu.sem_alloc : memref<!tpu.dma_semaphore, #tpu.memory_space<semaphore_mem>>
          %dma_start3A_315 = arith.constant 0 : i32
          %dma_start3A_316 = arith.constant 0 : i32
          %dma_start3A_317 = tpu.memref_slice %arg5[%add3A_32, %dma_start3A_315, %dma_start3A_316] : memref<1254x2x128xi32, #tpu.memory_space<hbm>> -> memref<1x2x128xi32, #tpu.memory_space<hbm>>
          %dma_start3A_318 = tpu.memref_squeeze %dma_start3A_317 : memref<1x2x128xi32, #tpu.memory_space<hbm>> -> memref<2x128xi32, #tpu.memory_space<hbm>>
          %dma_start3A_319 = arith.constant 0 : i32
          %dma_start3A_320 = arith.constant 0 : i32
          %dma_start3A_321 = tpu.memref_slice %arg5[%add3A_32, %dma_start3A_319, %dma_start3A_320] : memref<1254x2x128xi32, #tpu.memory_space<hbm>> -> memref<1x2x128xi32, #tpu.memory_space<hbm>>
          %dma_start3A_322 = tpu.memref_squeeze %dma_start3A_321 : memref<1x2x128xi32, #tpu.memory_space<hbm>> -> memref<2x128xi32, #tpu.memory_space<hbm>>
          tpu.enqueue_dma source(%dma_start3A_322 : memref<2x128xi32, #tpu.memory_space<hbm>>) target(%arg10 : memref<2x128xi32, #tpu.memory_space<vmem>>) target_semaphore(%run_scoped3A_314 : memref<!tpu.dma_semaphore, #tpu.memory_space<semaphore_mem>>)
          %dma_wait3A_323 = arith.constant 0 : i32
          %dma_wait3A_324 = arith.constant 0 : i32
          %dma_wait3A_325 = tpu.memref_slice %arg5[%add3A_32, %dma_wait3A_323, %dma_wait3A_324] : memref<1254x2x128xi32, #tpu.memory_space<hbm>> -> memref<1x2x128xi32, #tpu.memory_space<hbm>>
          %dma_wait3A_326 = tpu.memref_squeeze %dma_wait3A_325 : memref<1x2x128xi32, #tpu.memory_space<hbm>> -> memref<2x128xi32, #tpu.memory_space<hbm>>
          %dma_wait3A_327 = arith.constant 0 : i32
          %dma_wait3A_328 = arith.constant 0 : i32
          %dma_wait3A_329 = tpu.memref_slice %arg5[%add3A_32, %dma_wait3A_327, %dma_wait3A_328] : memref<1254x2x128xi32, #tpu.memory_space<hbm>> -> memref<1x2x128xi32, #tpu.memory_space<hbm>>
          %dma_wait3A_330 = tpu.memref_squeeze %dma_wait3A_329 : memref<1x2x128xi32, #tpu.memory_space<hbm>> -> memref<2x128xi32, #tpu.memory_space<hbm>>
          tpu.wait_dma2 semaphore(%run_scoped3A_314 : memref<!tpu.dma_semaphore, #tpu.memory_space<semaphore_mem>>) src(%dma_wait3A_330 : memref<2x128xi32, #tpu.memory_space<hbm>>) dst(%arg10 : memref<2x128xi32, #tpu.memory_space<vmem>>)
          tpu.yield
        }) : () -> ()
        %dma_start3A = arith.constant 0 : i32
        %dma_start3A_33 = arith.constant 0 : i32
        %dma_start3A_34 = tpu.memref_slice %arg10[%dma_start3A, %dma_start3A_33] : memref<2x128xi32, #tpu.memory_space<vmem>> -> memref<1x128xi32, #tpu.memory_space<vmem>>
        %dma_start3A_35 = tpu.memref_squeeze %dma_start3A_34 : memref<1x128xi32, #tpu.memory_space<vmem>> -> memref<128xi32, #tpu.memory_space<vmem>>
        %dma_start3A_36 = arith.constant 0 : i32
        %dma_start3A_37 = arith.constant 0 : i32
        %dma_start3A_38 = tpu.memref_slice %arg2[%dma_start3A_36, %dma_start3A_37] : memref<10240x128xf32, #tpu.memory_space<hbm>> -> memref<10240x128xf32, #tpu.memory_space<hbm>>
        tpu.enqueue_indirect_dma source(%dma_start3A_38 : memref<10240x128xf32, #tpu.memory_space<hbm>>) target(%arg9 : memref<128x128xf32, #tpu.memory_space<vmem>>) offsets(%dma_start3A_35 : memref<128xi32, #tpu.memory_space<vmem>>) semaphore(%arg13 : memref<!tpu.dma_semaphore, #tpu.memory_space<semaphore_mem>>)
        %get3A = arith.constant 0 : i32
        %get3A_39 = arith.index_cast %get3A : i32 to index
        %get3A_40 = arith.constant 0 : index
        %get3A_41 = tpu.vector_load %arg10[%get3A_39, %get3A_40] {strides = array<i32>} : memref<2x128xi32, #tpu.memory_space<vmem>>, vector<16xi32>,
        %get3A_42 = arith.constant 1 : i32
        %get3A_43 = arith.index_cast %get3A_42 : i32 to index
        %get3A_44 = arith.constant 0 : index
        %get3A_45 = tpu.vector_load %arg10[%get3A_43, %get3A_44] {strides = array<i32>} : memref<2x128xi32, #tpu.memory_space<vmem>>, vector<16xi32>,
        %add3A_46 = arith.addi %get3A_41, %broadcast_in_dim3A_5 : vector<16xi32>
        %gather3A = tpu.vector_load_idx %arg8[%add3A_46] : memref<30720xf32, #tpu.memory_space<vmem>>[vector<16xi32>], vector<16xf32>,
        %add3A_47 = arith.addi %get3A_45, %broadcast_in_dim3A_7 : vector<16xi32>
        %gather3A_48 = tpu.vector_load_idx %arg8[%add3A_47] : memref<30720xf32, #tpu.memory_space<vmem>>[vector<16xi32>], vector<16xf32>,
        %add3A_49 = arith.addi %get3A_41, %broadcast_in_dim3A_9 : vector<16xi32>
        %gather3A_50 = tpu.vector_load_idx %arg8[%add3A_49] : memref<30720xf32, #tpu.memory_space<vmem>>[vector<16xi32>], vector<16xf32>,
        %add3A_51 = arith.addi %get3A_45, %broadcast_in_dim3A_9 : vector<16xi32>
        %gather3A_52 = tpu.vector_load_idx %arg8[%add3A_51] : memref<30720xf32, #tpu.memory_space<vmem>>[vector<16xi32>], vector<16xf32>,
        %add3A_53 = arith.addf %gather3A, %gather3A_48 : vector<16xf32>
        %mul3A_54 = arith.constant 2.000000e+00 : f32
        %mul3A_55 = vector.broadcast %mul3A_54 : f32 to vector<16xf32>
        %mul3A_56 = arith.mulf %add3A_53, %mul3A_55 : vector<16xf32>
        %exp3A = math.exp %mul3A_56 : vector<16xf32>
        %add3A_57 = arith.constant 1.000000e+00 : f32
        %add3A_58 = vector.broadcast %add3A_57 : f32 to vector<16xf32>
        %add3A_59 = arith.addf %exp3A, %add3A_58 : vector<16xf32>
        %div3A = arith.constant 2.000000e+00 : f32
        %div3A_60 = vector.broadcast %div3A : f32 to vector<16xf32>
        %div3A_61 = arith.divf %div3A_60, %add3A_59 : vector<16xf32>
        %sub3A_62 = arith.constant 1.000000e+00 : f32
        %sub3A_63 = vector.broadcast %sub3A_62 : f32 to vector<16xf32>
        %sub3A_64 = arith.subf %sub3A_63, %div3A_61 : vector<16xf32>
        %mul3A_65 = arith.mulf %sub3A_64, %gather3A_50 : vector<16xf32>
        %mul3A_66 = arith.mulf %mul3A_65, %gather3A_52 : vector<16xf32>
        %swap3A = arith.constant 0 : index
        %swap3A_67 = tpu.vector_load %arg11[%swap3A] {strides = array<i32>} : memref<128xf32, #tpu.memory_space<vmem>>, vector<16xf32>,
        tpu.vector_store %arg11[%swap3A], %mul3A_66 {strides = array<i32>} : memref<128xf32, #tpu.memory_space<vmem>>, vector<16xf32>,
        %get3A_68 = arith.constant 0 : i32
        %get3A_69 = arith.index_cast %get3A_68 : i32 to index
        %get3A_70 = arith.constant 16 : index
        %get3A_71 = tpu.vector_load %arg10[%get3A_69, %get3A_70] {strides = array<i32>} : memref<2x128xi32, #tpu.memory_space<vmem>>, vector<16xi32>,
        %get3A_72 = arith.constant 1 : i32
        %get3A_73 = arith.index_cast %get3A_72 : i32 to index
        %get3A_74 = arith.constant 16 : index
        %get3A_75 = tpu.vector_load %arg10[%get3A_73, %get3A_74] {strides = array<i32>} : memref<2x128xi32, #tpu.memory_space<vmem>>, vector<16xi32>,
        %add3A_76 = arith.addi %get3A_71, %broadcast_in_dim3A_5 : vector<16xi32>
        %gather3A_77 = tpu.vector_load_idx %arg8[%add3A_76] : memref<30720xf32, #tpu.memory_space<vmem>>[vector<16xi32>], vector<16xf32>,
        %add3A_78 = arith.addi %get3A_75, %broadcast_in_dim3A_7 : vector<16xi32>
        %gather3A_79 = tpu.vector_load_idx %arg8[%add3A_78] : memref<30720xf32, #tpu.memory_space<vmem>>[vector<16xi32>], vector<16xf32>,
        %add3A_80 = arith.addi %get3A_71, %broadcast_in_dim3A_9 : vector<16xi32>
        %gather3A_81 = tpu.vector_load_idx %arg8[%add3A_80] : memref<30720xf32, #tpu.memory_space<vmem>>[vector<16xi32>], vector<16xf32>,
        %add3A_82 = arith.addi %get3A_75, %broadcast_in_dim3A_9 : vector<16xi32>
        %gather3A_83 = tpu.vector_load_idx %arg8[%add3A_82] : memref<30720xf32, #tpu.memory_space<vmem>>[vector<16xi32>], vector<16xf32>,
        %add3A_84 = arith.addf %gather3A_77, %gather3A_79 : vector<16xf32>
        %mul3A_85 = arith.constant 2.000000e+00 : f32
        %mul3A_86 = vector.broadcast %mul3A_85 : f32 to vector<16xf32>
        %mul3A_87 = arith.mulf %add3A_84, %mul3A_86 : vector<16xf32>
        %exp3A_88 = math.exp %mul3A_87 : vector<16xf32>
        %add3A_89 = arith.constant 1.000000e+00 : f32
        %add3A_90 = vector.broadcast %add3A_89 : f32 to vector<16xf32>
        %add3A_91 = arith.addf %exp3A_88, %add3A_90 : vector<16xf32>
        %div3A_92 = arith.constant 2.000000e+00 : f32
        %div3A_93 = vector.broadcast %div3A_92 : f32 to vector<16xf32>
        %div3A_94 = arith.divf %div3A_93, %add3A_91 : vector<16xf32>
        %sub3A_95 = arith.constant 1.000000e+00 : f32
        %sub3A_96 = vector.broadcast %sub3A_95 : f32 to vector<16xf32>
        %sub3A_97 = arith.subf %sub3A_96, %div3A_94 : vector<16xf32>
        %mul3A_98 = arith.mulf %sub3A_97, %gather3A_81 : vector<16xf32>
        %mul3A_99 = arith.mulf %mul3A_98, %gather3A_83 : vector<16xf32>
        %swap3A_100 = arith.constant 16 : index
        %swap3A_101 = tpu.vector_load %arg11[%swap3A_100] {strides = array<i32>} : memref<128xf32, #tpu.memory_space<vmem>>, vector<16xf32>,
        tpu.vector_store %arg11[%swap3A_100], %mul3A_99 {strides = array<i32>} : memref<128xf32, #tpu.memory_space<vmem>>, vector<16xf32>,
        %get3A_102 = arith.constant 0 : i32
        %get3A_103 = arith.index_cast %get3A_102 : i32 to index
        %get3A_104 = arith.constant 32 : index
        %get3A_105 = tpu.vector_load %arg10[%get3A_103, %get3A_104] {strides = array<i32>} : memref<2x128xi32, #tpu.memory_space<vmem>>, vector<16xi32>,
        %get3A_106 = arith.constant 1 : i32
        %get3A_107 = arith.index_cast %get3A_106 : i32 to index
        %get3A_108 = arith.constant 32 : index
        %get3A_109 = tpu.vector_load %arg10[%get3A_107, %get3A_108] {strides = array<i32>} : memref<2x128xi32, #tpu.memory_space<vmem>>, vector<16xi32>,
        %add3A_110 = arith.addi %get3A_105, %broadcast_in_dim3A_5 : vector<16xi32>
        %gather3A_111 = tpu.vector_load_idx %arg8[%add3A_110] : memref<30720xf32, #tpu.memory_space<vmem>>[vector<16xi32>], vector<16xf32>,
        %add3A_112 = arith.addi %get3A_109, %broadcast_in_dim3A_7 : vector<16xi32>
        %gather3A_113 = tpu.vector_load_idx %arg8[%add3A_112] : memref<30720xf32, #tpu.memory_space<vmem>>[vector<16xi32>], vector<16xf32>,
        %add3A_114 = arith.addi %get3A_105, %broadcast_in_dim3A_9 : vector<16xi32>
        %gather3A_115 = tpu.vector_load_idx %arg8[%add3A_114] : memref<30720xf32, #tpu.memory_space<vmem>>[vector<16xi32>], vector<16xf32>,
        %add3A_116 = arith.addi %get3A_109, %broadcast_in_dim3A_9 : vector<16xi32>
        %gather3A_117 = tpu.vector_load_idx %arg8[%add3A_116] : memref<30720xf32, #tpu.memory_space<vmem>>[vector<16xi32>], vector<16xf32>,
        %add3A_118 = arith.addf %gather3A_111, %gather3A_113 : vector<16xf32>
        %mul3A_119 = arith.constant 2.000000e+00 : f32
        %mul3A_120 = vector.broadcast %mul3A_119 : f32 to vector<16xf32>
        %mul3A_121 = arith.mulf %add3A_118, %mul3A_120 : vector<16xf32>
        %exp3A_122 = math.exp %mul3A_121 : vector<16xf32>
        %add3A_123 = arith.constant 1.000000e+00 : f32
        %add3A_124 = vector.broadcast %add3A_123 : f32 to vector<16xf32>
        %add3A_125 = arith.addf %exp3A_122, %add3A_124 : vector<16xf32>
        %div3A_126 = arith.constant 2.000000e+00 : f32
        %div3A_127 = vector.broadcast %div3A_126 : f32 to vector<16xf32>
        %div3A_128 = arith.divf %div3A_127, %add3A_125 : vector<16xf32>
        %sub3A_129 = arith.constant 1.000000e+00 : f32
        %sub3A_130 = vector.broadcast %sub3A_129 : f32 to vector<16xf32>
        %sub3A_131 = arith.subf %sub3A_130, %div3A_128 : vector<16xf32>
        %mul3A_132 = arith.mulf %sub3A_131, %gather3A_115 : vector<16xf32>
        %mul3A_133 = arith.mulf %mul3A_132, %gather3A_117 : vector<16xf32>
        %swap3A_134 = arith.constant 32 : index
        %swap3A_135 = tpu.vector_load %arg11[%swap3A_134] {strides = array<i32>} : memref<128xf32, #tpu.memory_space<vmem>>, vector<16xf32>,
        tpu.vector_store %arg11[%swap3A_134], %mul3A_133 {strides = array<i32>} : memref<128xf32, #tpu.memory_space<vmem>>, vector<16xf32>,
        %get3A_136 = arith.constant 0 : i32
        %get3A_137 = arith.index_cast %get3A_136 : i32 to index
        %get3A_138 = arith.constant 48 : index
        %get3A_139 = tpu.vector_load %arg10[%get3A_137, %get3A_138] {strides = array<i32>} : memref<2x128xi32, #tpu.memory_space<vmem>>, vector<16xi32>,
        %get3A_140 = arith.constant 1 : i32
        %get3A_141 = arith.index_cast %get3A_140 : i32 to index
        %get3A_142 = arith.constant 48 : index
        %get3A_143 = tpu.vector_load %arg10[%get3A_141, %get3A_142] {strides = array<i32>} : memref<2x128xi32, #tpu.memory_space<vmem>>, vector<16xi32>,
        %add3A_144 = arith.addi %get3A_139, %broadcast_in_dim3A_5 : vector<16xi32>
        %gather3A_145 = tpu.vector_load_idx %arg8[%add3A_144] : memref<30720xf32, #tpu.memory_space<vmem>>[vector<16xi32>], vector<16xf32>,
        %add3A_146 = arith.addi %get3A_143, %broadcast_in_dim3A_7 : vector<16xi32>
        %gather3A_147 = tpu.vector_load_idx %arg8[%add3A_146] : memref<30720xf32, #tpu.memory_space<vmem>>[vector<16xi32>], vector<16xf32>,
        %add3A_148 = arith.addi %get3A_139, %broadcast_in_dim3A_9 : vector<16xi32>
        %gather3A_149 = tpu.vector_load_idx %arg8[%add3A_148] : memref<30720xf32, #tpu.memory_space<vmem>>[vector<16xi32>], vector<16xf32>,
        %add3A_150 = arith.addi %get3A_143, %broadcast_in_dim3A_9 : vector<16xi32>
        %gather3A_151 = tpu.vector_load_idx %arg8[%add3A_150] : memref<30720xf32, #tpu.memory_space<vmem>>[vector<16xi32>], vector<16xf32>,
        %add3A_152 = arith.addf %gather3A_145, %gather3A_147 : vector<16xf32>
        %mul3A_153 = arith.constant 2.000000e+00 : f32
        %mul3A_154 = vector.broadcast %mul3A_153 : f32 to vector<16xf32>
        %mul3A_155 = arith.mulf %add3A_152, %mul3A_154 : vector<16xf32>
        %exp3A_156 = math.exp %mul3A_155 : vector<16xf32>
        %add3A_157 = arith.constant 1.000000e+00 : f32
        %add3A_158 = vector.broadcast %add3A_157 : f32 to vector<16xf32>
        %add3A_159 = arith.addf %exp3A_156, %add3A_158 : vector<16xf32>
        %div3A_160 = arith.constant 2.000000e+00 : f32
        %div3A_161 = vector.broadcast %div3A_160 : f32 to vector<16xf32>
        %div3A_162 = arith.divf %div3A_161, %add3A_159 : vector<16xf32>
        %sub3A_163 = arith.constant 1.000000e+00 : f32
        %sub3A_164 = vector.broadcast %sub3A_163 : f32 to vector<16xf32>
        %sub3A_165 = arith.subf %sub3A_164, %div3A_162 : vector<16xf32>
        %mul3A_166 = arith.mulf %sub3A_165, %gather3A_149 : vector<16xf32>
        %mul3A_167 = arith.mulf %mul3A_166, %gather3A_151 : vector<16xf32>
        %swap3A_168 = arith.constant 48 : index
        %swap3A_169 = tpu.vector_load %arg11[%swap3A_168] {strides = array<i32>} : memref<128xf32, #tpu.memory_space<vmem>>, vector<16xf32>,
        tpu.vector_store %arg11[%swap3A_168], %mul3A_167 {strides = array<i32>} : memref<128xf32, #tpu.memory_space<vmem>>, vector<16xf32>,
        %get3A_170 = arith.constant 0 : i32
        %get3A_171 = arith.index_cast %get3A_170 : i32 to index
        %get3A_172 = arith.constant 64 : index
        %get3A_173 = tpu.vector_load %arg10[%get3A_171, %get3A_172] {strides = array<i32>} : memref<2x128xi32, #tpu.memory_space<vmem>>, vector<16xi32>,
        %get3A_174 = arith.constant 1 : i32
        %get3A_175 = arith.index_cast %get3A_174 : i32 to index
        %get3A_176 = arith.constant 64 : index
        %get3A_177 = tpu.vector_load %arg10[%get3A_175, %get3A_176] {strides = array<i32>} : memref<2x128xi32, #tpu.memory_space<vmem>>, vector<16xi32>,
        %add3A_178 = arith.addi %get3A_173, %broadcast_in_dim3A_5 : vector<16xi32>
        %gather3A_179 = tpu.vector_load_idx %arg8[%add3A_178] : memref<30720xf32, #tpu.memory_space<vmem>>[vector<16xi32>], vector<16xf32>,
        %add3A_180 = arith.addi %get3A_177, %broadcast_in_dim3A_7 : vector<16xi32>
        %gather3A_181 = tpu.vector_load_idx %arg8[%add3A_180] : memref<30720xf32, #tpu.memory_space<vmem>>[vector<16xi32>], vector<16xf32>,
        %add3A_182 = arith.addi %get3A_173, %broadcast_in_dim3A_9 : vector<16xi32>
        %gather3A_183 = tpu.vector_load_idx %arg8[%add3A_182] : memref<30720xf32, #tpu.memory_space<vmem>>[vector<16xi32>], vector<16xf32>,
        %add3A_184 = arith.addi %get3A_177, %broadcast_in_dim3A_9 : vector<16xi32>
        %gather3A_185 = tpu.vector_load_idx %arg8[%add3A_184] : memref<30720xf32, #tpu.memory_space<vmem>>[vector<16xi32>], vector<16xf32>,
        %add3A_186 = arith.addf %gather3A_179, %gather3A_181 : vector<16xf32>
        %mul3A_187 = arith.constant 2.000000e+00 : f32
        %mul3A_188 = vector.broadcast %mul3A_187 : f32 to vector<16xf32>
        %mul3A_189 = arith.mulf %add3A_186, %mul3A_188 : vector<16xf32>
        %exp3A_190 = math.exp %mul3A_189 : vector<16xf32>
        %add3A_191 = arith.constant 1.000000e+00 : f32
        %add3A_192 = vector.broadcast %add3A_191 : f32 to vector<16xf32>
        %add3A_193 = arith.addf %exp3A_190, %add3A_192 : vector<16xf32>
        %div3A_194 = arith.constant 2.000000e+00 : f32
        %div3A_195 = vector.broadcast %div3A_194 : f32 to vector<16xf32>
        %div3A_196 = arith.divf %div3A_195, %add3A_193 : vector<16xf32>
        %sub3A_197 = arith.constant 1.000000e+00 : f32
        %sub3A_198 = vector.broadcast %sub3A_197 : f32 to vector<16xf32>
        %sub3A_199 = arith.subf %sub3A_198, %div3A_196 : vector<16xf32>
        %mul3A_200 = arith.mulf %sub3A_199, %gather3A_183 : vector<16xf32>
        %mul3A_201 = arith.mulf %mul3A_200, %gather3A_185 : vector<16xf32>
        %swap3A_202 = arith.constant 64 : index
        %swap3A_203 = tpu.vector_load %arg11[%swap3A_202] {strides = array<i32>} : memref<128xf32, #tpu.memory_space<vmem>>, vector<16xf32>,
        tpu.vector_store %arg11[%swap3A_202], %mul3A_201 {strides = array<i32>} : memref<128xf32, #tpu.memory_space<vmem>>, vector<16xf32>,
        %get3A_204 = arith.constant 0 : i32
        %get3A_205 = arith.index_cast %get3A_204 : i32 to index
        %get3A_206 = arith.constant 80 : index
        %get3A_207 = tpu.vector_load %arg10[%get3A_205, %get3A_206] {strides = array<i32>} : memref<2x128xi32, #tpu.memory_space<vmem>>, vector<16xi32>,
        %get3A_208 = arith.constant 1 : i32
        %get3A_209 = arith.index_cast %get3A_208 : i32 to index
        %get3A_210 = arith.constant 80 : index
        %get3A_211 = tpu.vector_load %arg10[%get3A_209, %get3A_210] {strides = array<i32>} : memref<2x128xi32, #tpu.memory_space<vmem>>, vector<16xi32>,
        %add3A_212 = arith.addi %get3A_207, %broadcast_in_dim3A_5 : vector<16xi32>
        %gather3A_213 = tpu.vector_load_idx %arg8[%add3A_212] : memref<30720xf32, #tpu.memory_space<vmem>>[vector<16xi32>], vector<16xf32>,
        %add3A_214 = arith.addi %get3A_211, %broadcast_in_dim3A_7 : vector<16xi32>
        %gather3A_215 = tpu.vector_load_idx %arg8[%add3A_214] : memref<30720xf32, #tpu.memory_space<vmem>>[vector<16xi32>], vector<16xf32>,
        %add3A_216 = arith.addi %get3A_207, %broadcast_in_dim3A_9 : vector<16xi32>
        %gather3A_217 = tpu.vector_load_idx %arg8[%add3A_216] : memref<30720xf32, #tpu.memory_space<vmem>>[vector<16xi32>], vector<16xf32>,
        %add3A_218 = arith.addi %get3A_211, %broadcast_in_dim3A_9 : vector<16xi32>
        %gather3A_219 = tpu.vector_load_idx %arg8[%add3A_218] : memref<30720xf32, #tpu.memory_space<vmem>>[vector<16xi32>], vector<16xf32>,
        %add3A_220 = arith.addf %gather3A_213, %gather3A_215 : vector<16xf32>
        %mul3A_221 = arith.constant 2.000000e+00 : f32
        %mul3A_222 = vector.broadcast %mul3A_221 : f32 to vector<16xf32>
        %mul3A_223 = arith.mulf %add3A_220, %mul3A_222 : vector<16xf32>
        %exp3A_224 = math.exp %mul3A_223 : vector<16xf32>
        %add3A_225 = arith.constant 1.000000e+00 : f32
        %add3A_226 = vector.broadcast %add3A_225 : f32 to vector<16xf32>
        %add3A_227 = arith.addf %exp3A_224, %add3A_226 : vector<16xf32>
        %div3A_228 = arith.constant 2.000000e+00 : f32
        %div3A_229 = vector.broadcast %div3A_228 : f32 to vector<16xf32>
        %div3A_230 = arith.divf %div3A_229, %add3A_227 : vector<16xf32>
        %sub3A_231 = arith.constant 1.000000e+00 : f32
        %sub3A_232 = vector.broadcast %sub3A_231 : f32 to vector<16xf32>
        %sub3A_233 = arith.subf %sub3A_232, %div3A_230 : vector<16xf32>
        %mul3A_234 = arith.mulf %sub3A_233, %gather3A_217 : vector<16xf32>
        %mul3A_235 = arith.mulf %mul3A_234, %gather3A_219 : vector<16xf32>
        %swap3A_236 = arith.constant 80 : index
        %swap3A_237 = tpu.vector_load %arg11[%swap3A_236] {strides = array<i32>} : memref<128xf32, #tpu.memory_space<vmem>>, vector<16xf32>,
        tpu.vector_store %arg11[%swap3A_236], %mul3A_235 {strides = array<i32>} : memref<128xf32, #tpu.memory_space<vmem>>, vector<16xf32>,
        %get3A_238 = arith.constant 0 : i32
        %get3A_239 = arith.index_cast %get3A_238 : i32 to index
        %get3A_240 = arith.constant 96 : index
        %get3A_241 = tpu.vector_load %arg10[%get3A_239, %get3A_240] {strides = array<i32>} : memref<2x128xi32, #tpu.memory_space<vmem>>, vector<16xi32>,
        %get3A_242 = arith.constant 1 : i32
        %get3A_243 = arith.index_cast %get3A_242 : i32 to index
        %get3A_244 = arith.constant 96 : index
        %get3A_245 = tpu.vector_load %arg10[%get3A_243, %get3A_244] {strides = array<i32>} : memref<2x128xi32, #tpu.memory_space<vmem>>, vector<16xi32>,
        %add3A_246 = arith.addi %get3A_241, %broadcast_in_dim3A_5 : vector<16xi32>
        %gather3A_247 = tpu.vector_load_idx %arg8[%add3A_246] : memref<30720xf32, #tpu.memory_space<vmem>>[vector<16xi32>], vector<16xf32>,
        %add3A_248 = arith.addi %get3A_245, %broadcast_in_dim3A_7 : vector<16xi32>
        %gather3A_249 = tpu.vector_load_idx %arg8[%add3A_248] : memref<30720xf32, #tpu.memory_space<vmem>>[vector<16xi32>], vector<16xf32>,
        %add3A_250 = arith.addi %get3A_241, %broadcast_in_dim3A_9 : vector<16xi32>
        %gather3A_251 = tpu.vector_load_idx %arg8[%add3A_250] : memref<30720xf32, #tpu.memory_space<vmem>>[vector<16xi32>], vector<16xf32>,
        %add3A_252 = arith.addi %get3A_245, %broadcast_in_dim3A_9 : vector<16xi32>
        %gather3A_253 = tpu.vector_load_idx %arg8[%add3A_252] : memref<30720xf32, #tpu.memory_space<vmem>>[vector<16xi32>], vector<16xf32>,
        %add3A_254 = arith.addf %gather3A_247, %gather3A_249 : vector<16xf32>
        %mul3A_255 = arith.constant 2.000000e+00 : f32
        %mul3A_256 = vector.broadcast %mul3A_255 : f32 to vector<16xf32>
        %mul3A_257 = arith.mulf %add3A_254, %mul3A_256 : vector<16xf32>
        %exp3A_258 = math.exp %mul3A_257 : vector<16xf32>
        %add3A_259 = arith.constant 1.000000e+00 : f32
        %add3A_260 = vector.broadcast %add3A_259 : f32 to vector<16xf32>
        %add3A_261 = arith.addf %exp3A_258, %add3A_260 : vector<16xf32>
        %div3A_262 = arith.constant 2.000000e+00 : f32
        %div3A_263 = vector.broadcast %div3A_262 : f32 to vector<16xf32>
        %div3A_264 = arith.divf %div3A_263, %add3A_261 : vector<16xf32>
        %sub3A_265 = arith.constant 1.000000e+00 : f32
        %sub3A_266 = vector.broadcast %sub3A_265 : f32 to vector<16xf32>
        %sub3A_267 = arith.subf %sub3A_266, %div3A_264 : vector<16xf32>
        %mul3A_268 = arith.mulf %sub3A_267, %gather3A_251 : vector<16xf32>
        %mul3A_269 = arith.mulf %mul3A_268, %gather3A_253 : vector<16xf32>
        %swap3A_270 = arith.constant 96 : index
        %swap3A_271 = tpu.vector_load %arg11[%swap3A_270] {strides = array<i32>} : memref<128xf32, #tpu.memory_space<vmem>>, vector<16xf32>,
        tpu.vector_store %arg11[%swap3A_270], %mul3A_269 {strides = array<i32>} : memref<128xf32, #tpu.memory_space<vmem>>, vector<16xf32>,
        %get3A_272 = arith.constant 0 : i32
        %get3A_273 = arith.index_cast %get3A_272 : i32 to index
        %get3A_274 = arith.constant 112 : index
        %get3A_275 = tpu.vector_load %arg10[%get3A_273, %get3A_274] {strides = array<i32>} : memref<2x128xi32, #tpu.memory_space<vmem>>, vector<16xi32>,
        %get3A_276 = arith.constant 1 : i32
        %get3A_277 = arith.index_cast %get3A_276 : i32 to index
        %get3A_278 = arith.constant 112 : index
        %get3A_279 = tpu.vector_load %arg10[%get3A_277, %get3A_278] {strides = array<i32>} : memref<2x128xi32, #tpu.memory_space<vmem>>, vector<16xi32>,
        %add3A_280 = arith.addi %get3A_275, %broadcast_in_dim3A_5 : vector<16xi32>
        %gather3A_281 = tpu.vector_load_idx %arg8[%add3A_280] : memref<30720xf32, #tpu.memory_space<vmem>>[vector<16xi32>], vector<16xf32>,
        %add3A_282 = arith.addi %get3A_279, %broadcast_in_dim3A_7 : vector<16xi32>
        %gather3A_283 = tpu.vector_load_idx %arg8[%add3A_282] : memref<30720xf32, #tpu.memory_space<vmem>>[vector<16xi32>], vector<16xf32>,
        %add3A_284 = arith.addi %get3A_275, %broadcast_in_dim3A_9 : vector<16xi32>
        %gather3A_285 = tpu.vector_load_idx %arg8[%add3A_284] : memref<30720xf32, #tpu.memory_space<vmem>>[vector<16xi32>], vector<16xf32>,
        %add3A_286 = arith.addi %get3A_279, %broadcast_in_dim3A_9 : vector<16xi32>
        %gather3A_287 = tpu.vector_load_idx %arg8[%add3A_286] : memref<30720xf32, #tpu.memory_space<vmem>>[vector<16xi32>], vector<16xf32>,
        %add3A_288 = arith.addf %gather3A_281, %gather3A_283 : vector<16xf32>
        %mul3A_289 = arith.constant 2.000000e+00 : f32
        %mul3A_290 = vector.broadcast %mul3A_289 : f32 to vector<16xf32>
        %mul3A_291 = arith.mulf %add3A_288, %mul3A_290 : vector<16xf32>
        %exp3A_292 = math.exp %mul3A_291 : vector<16xf32>
        %add3A_293 = arith.constant 1.000000e+00 : f32
        %add3A_294 = vector.broadcast %add3A_293 : f32 to vector<16xf32>
        %add3A_295 = arith.addf %exp3A_292, %add3A_294 : vector<16xf32>
        %div3A_296 = arith.constant 2.000000e+00 : f32
        %div3A_297 = vector.broadcast %div3A_296 : f32 to vector<16xf32>
        %div3A_298 = arith.divf %div3A_297, %add3A_295 : vector<16xf32>
        %sub3A_299 = arith.constant 1.000000e+00 : f32
        %sub3A_300 = vector.broadcast %sub3A_299 : f32 to vector<16xf32>
        %sub3A_301 = arith.subf %sub3A_300, %div3A_298 : vector<16xf32>
        %mul3A_302 = arith.mulf %sub3A_301, %gather3A_285 : vector<16xf32>
        %mul3A_303 = arith.mulf %mul3A_302, %gather3A_287 : vector<16xf32>
        %swap3A_304 = arith.constant 112 : index
        %swap3A_305 = tpu.vector_load %arg11[%swap3A_304] {strides = array<i32>} : memref<128xf32, #tpu.memory_space<vmem>>, vector<16xf32>,
        tpu.vector_store %arg11[%swap3A_304], %mul3A_303 {strides = array<i32>} : memref<128xf32, #tpu.memory_space<vmem>>, vector<16xf32>,
        %dma_wait3A = arith.constant 0 : i32
        %dma_wait3A_306 = arith.constant 0 : i32
        %dma_wait3A_307 = tpu.memref_slice %arg10[%dma_wait3A, %dma_wait3A_306] : memref<2x128xi32, #tpu.memory_space<vmem>> -> memref<1x128xi32, #tpu.memory_space<vmem>>
        %dma_wait3A_308 = tpu.memref_squeeze %dma_wait3A_307 : memref<1x128xi32, #tpu.memory_space<vmem>> -> memref<128xi32, #tpu.memory_space<vmem>>
        %dma_wait3A_309 = arith.constant 0 : i32
        %dma_wait3A_310 = arith.constant 0 : i32
        %dma_wait3A_311 = tpu.memref_slice %arg2[%dma_wait3A_309, %dma_wait3A_310] : memref<10240x128xf32, #tpu.memory_space<hbm>> -> memref<10240x128xf32, #tpu.memory_space<hbm>>
        tpu.wait_indirect_dma semaphore(%arg13 : memref<!tpu.dma_semaphore, #tpu.memory_space<semaphore_mem>>) src(%dma_wait3A_311 : memref<10240x128xf32, #tpu.memory_space<hbm>>) dst(%arg9 : memref<128x128xf32, #tpu.memory_space<vmem>>)
        %parallel_loop3A = arith.constant 0 : i32
        %parallel_loop3A_312 = arith.constant 128 : i32
        %parallel_loop3A_313 = arith.constant 1 : i32
        scf.for %parallel_loop3A_314 = %parallel_loop3A to %parallel_loop3A_312 step %parallel_loop3A_313  : i32 {
          %parallel_loop3A_315 = vector.broadcast %parallel_loop3A_314 : i32 to vector<16xi32>
          %parallel_loop3A_316 = tpu.vector_load_idx %arg11[%parallel_loop3A_315] : memref<128xf32, #tpu.memory_space<vmem>>[vector<16xi32>], vector<16xf32>,
          %parallel_loop3A_317 = arith.index_cast %parallel_loop3A_314 : i32 to index
          %parallel_loop3A_318 = arith.constant 0 : index
          %parallel_loop3A_319 = tpu.vector_load %arg9[%parallel_loop3A_317, %parallel_loop3A_318] {strides = array<i32>} : memref<128x128xf32, #tpu.memory_space<vmem>>, vector<16xf32>,
          %parallel_loop3A_320 = arith.mulf %parallel_loop3A_319, %parallel_loop3A_316 : vector<16xf32>
          %parallel_loop3A_321 = arith.index_cast %parallel_loop3A_314 : i32 to index
          %parallel_loop3A_322 = arith.constant 0 : index
          %parallel_loop3A_323 = tpu.vector_load %arg9[%parallel_loop3A_321, %parallel_loop3A_322] {strides = array<i32>} : memref<128x128xf32, #tpu.memory_space<vmem>>, vector<16xf32>,
          tpu.vector_store %arg9[%parallel_loop3A_321, %parallel_loop3A_322], %parallel_loop3A_320 {strides = array<i32>} : memref<128x128xf32, #tpu.memory_space<vmem>>, vector<16xf32>,
          %parallel_loop3A_324 = arith.index_cast %parallel_loop3A_314 : i32 to index
          %parallel_loop3A_325 = arith.constant 16 : index
          %parallel_loop3A_326 = tpu.vector_load %arg9[%parallel_loop3A_324, %parallel_loop3A_325] {strides = array<i32>} : memref<128x128xf32, #tpu.memory_space<vmem>>, vector<16xf32>,
          %parallel_loop3A_327 = arith.mulf %parallel_loop3A_326, %parallel_loop3A_316 : vector<16xf32>
          %parallel_loop3A_328 = arith.index_cast %parallel_loop3A_314 : i32 to index
          %parallel_loop3A_329 = arith.constant 16 : index
          %parallel_loop3A_330 = tpu.vector_load %arg9[%parallel_loop3A_328, %parallel_loop3A_329] {strides = array<i32>} : memref<128x128xf32, #tpu.memory_space<vmem>>, vector<16xf32>,
          tpu.vector_store %arg9[%parallel_loop3A_328, %parallel_loop3A_329], %parallel_loop3A_327 {strides = array<i32>} : memref<128x128xf32, #tpu.memory_space<vmem>>, vector<16xf32>,
          %parallel_loop3A_331 = arith.index_cast %parallel_loop3A_314 : i32 to index
          %parallel_loop3A_332 = arith.constant 32 : index
          %parallel_loop3A_333 = tpu.vector_load %arg9[%parallel_loop3A_331, %parallel_loop3A_332] {strides = array<i32>} : memref<128x128xf32, #tpu.memory_space<vmem>>, vector<16xf32>,
          %parallel_loop3A_334 = arith.mulf %parallel_loop3A_333, %parallel_loop3A_316 : vector<16xf32>
          %parallel_loop3A_335 = arith.index_cast %parallel_loop3A_314 : i32 to index
          %parallel_loop3A_336 = arith.constant 32 : index
          %parallel_loop3A_337 = tpu.vector_load %arg9[%parallel_loop3A_335, %parallel_loop3A_336] {strides = array<i32>} : memref<128x128xf32, #tpu.memory_space<vmem>>, vector<16xf32>,
          tpu.vector_store %arg9[%parallel_loop3A_335, %parallel_loop3A_336], %parallel_loop3A_334 {strides = array<i32>} : memref<128x128xf32, #tpu.memory_space<vmem>>, vector<16xf32>,
          %parallel_loop3A_338 = arith.index_cast %parallel_loop3A_314 : i32 to index
          %parallel_loop3A_339 = arith.constant 48 : index
          %parallel_loop3A_340 = tpu.vector_load %arg9[%parallel_loop3A_338, %parallel_loop3A_339] {strides = array<i32>} : memref<128x128xf32, #tpu.memory_space<vmem>>, vector<16xf32>,
          %parallel_loop3A_341 = arith.mulf %parallel_loop3A_340, %parallel_loop3A_316 : vector<16xf32>
          %parallel_loop3A_342 = arith.index_cast %parallel_loop3A_314 : i32 to index
          %parallel_loop3A_343 = arith.constant 48 : index
          %parallel_loop3A_344 = tpu.vector_load %arg9[%parallel_loop3A_342, %parallel_loop3A_343] {strides = array<i32>} : memref<128x128xf32, #tpu.memory_space<vmem>>, vector<16xf32>,
          tpu.vector_store %arg9[%parallel_loop3A_342, %parallel_loop3A_343], %parallel_loop3A_341 {strides = array<i32>} : memref<128x128xf32, #tpu.memory_space<vmem>>, vector<16xf32>,
          %parallel_loop3A_345 = arith.index_cast %parallel_loop3A_314 : i32 to index
          %parallel_loop3A_346 = arith.constant 64 : index
          %parallel_loop3A_347 = tpu.vector_load %arg9[%parallel_loop3A_345, %parallel_loop3A_346] {strides = array<i32>} : memref<128x128xf32, #tpu.memory_space<vmem>>, vector<16xf32>,
          %parallel_loop3A_348 = arith.mulf %parallel_loop3A_347, %parallel_loop3A_316 : vector<16xf32>
          %parallel_loop3A_349 = arith.index_cast %parallel_loop3A_314 : i32 to index
          %parallel_loop3A_350 = arith.constant 64 : index
          %parallel_loop3A_351 = tpu.vector_load %arg9[%parallel_loop3A_349, %parallel_loop3A_350] {strides = array<i32>} : memref<128x128xf32, #tpu.memory_space<vmem>>, vector<16xf32>,
          tpu.vector_store %arg9[%parallel_loop3A_349, %parallel_loop3A_350], %parallel_loop3A_348 {strides = array<i32>} : memref<128x128xf32, #tpu.memory_space<vmem>>, vector<16xf32>,
          %parallel_loop3A_352 = arith.index_cast %parallel_loop3A_314 : i32 to index
          %parallel_loop3A_353 = arith.constant 80 : index
          %parallel_loop3A_354 = tpu.vector_load %arg9[%parallel_loop3A_352, %parallel_loop3A_353] {strides = array<i32>} : memref<128x128xf32, #tpu.memory_space<vmem>>, vector<16xf32>,
          %parallel_loop3A_355 = arith.mulf %parallel_loop3A_354, %parallel_loop3A_316 : vector<16xf32>
          %parallel_loop3A_356 = arith.index_cast %parallel_loop3A_314 : i32 to index
          %parallel_loop3A_357 = arith.constant 80 : index
          %parallel_loop3A_358 = tpu.vector_load %arg9[%parallel_loop3A_356, %parallel_loop3A_357] {strides = array<i32>} : memref<128x128xf32, #tpu.memory_space<vmem>>, vector<16xf32>,
          tpu.vector_store %arg9[%parallel_loop3A_356, %parallel_loop3A_357], %parallel_loop3A_355 {strides = array<i32>} : memref<128x128xf32, #tpu.memory_space<vmem>>, vector<16xf32>,
          %parallel_loop3A_359 = arith.index_cast %parallel_loop3A_314 : i32 to index
          %parallel_loop3A_360 = arith.constant 96 : index
          %parallel_loop3A_361 = tpu.vector_load %arg9[%parallel_loop3A_359, %parallel_loop3A_360] {strides = array<i32>} : memref<128x128xf32, #tpu.memory_space<vmem>>, vector<16xf32>,
          %parallel_loop3A_362 = arith.mulf %parallel_loop3A_361, %parallel_loop3A_316 : vector<16xf32>
          %parallel_loop3A_363 = arith.index_cast %parallel_loop3A_314 : i32 to index
          %parallel_loop3A_364 = arith.constant 96 : index
          %parallel_loop3A_365 = tpu.vector_load %arg9[%parallel_loop3A_363, %parallel_loop3A_364] {strides = array<i32>} : memref<128x128xf32, #tpu.memory_space<vmem>>, vector<16xf32>,
          tpu.vector_store %arg9[%parallel_loop3A_363, %parallel_loop3A_364], %parallel_loop3A_362 {strides = array<i32>} : memref<128x128xf32, #tpu.memory_space<vmem>>, vector<16xf32>,
          %parallel_loop3A_366 = arith.index_cast %parallel_loop3A_314 : i32 to index
          %parallel_loop3A_367 = arith.constant 112 : index
          %parallel_loop3A_368 = tpu.vector_load %arg9[%parallel_loop3A_366, %parallel_loop3A_367] {strides = array<i32>} : memref<128x128xf32, #tpu.memory_space<vmem>>, vector<16xf32>,
          %parallel_loop3A_369 = arith.mulf %parallel_loop3A_368, %parallel_loop3A_316 : vector<16xf32>
          %parallel_loop3A_370 = arith.index_cast %parallel_loop3A_314 : i32 to index
          %parallel_loop3A_371 = arith.constant 112 : index
          %parallel_loop3A_372 = tpu.vector_load %arg9[%parallel_loop3A_370, %parallel_loop3A_371] {strides = array<i32>} : memref<128x128xf32, #tpu.memory_space<vmem>>, vector<16xf32>,
          tpu.vector_store %arg9[%parallel_loop3A_370, %parallel_loop3A_371], %parallel_loop3A_369 {strides = array<i32>} : memref<128x128xf32, #tpu.memory_space<vmem>>, vector<16xf32>,
        } {sc.loop_unroll_factor = 8 : i64, sc.parallel_access}
        %run_scoped3A = arith.constant 1 : i32
        "tpu.region"() ({
          %run_scoped3A_314 = tpu.sem_alloc : memref<!tpu.dma_semaphore, #tpu.memory_space<semaphore_mem>>
          %dma_start3A_315 = arith.constant 0 : i32
          %dma_start3A_316 = tpu.memref_slice %arg10[%run_scoped3A, %dma_start3A_315] : memref<2x128xi32, #tpu.memory_space<vmem>> -> memref<1x128xi32, #tpu.memory_space<vmem>>
          %dma_start3A_317 = tpu.memref_squeeze %dma_start3A_316 : memref<1x128xi32, #tpu.memory_space<vmem>> -> memref<128xi32, #tpu.memory_space<vmem>>
          %dma_start3A_318 = arith.constant 0 : i32
          %dma_start3A_319 = arith.constant 0 : i32
          %dma_start3A_320 = tpu.memref_slice %arg12[%dma_start3A_318, %dma_start3A_319] : memref<10240x128xf32, #tpu.memory_space<vmem_shared>> -> memref<10240x128xf32, #tpu.memory_space<vmem_shared>>
          tpu.enqueue_indirect_dma source(%arg9 : memref<128x128xf32, #tpu.memory_space<vmem>>) target(%dma_start3A_320 : memref<10240x128xf32, #tpu.memory_space<vmem_shared>>) offsets(%dma_start3A_317 : memref<128xi32, #tpu.memory_space<vmem>>) semaphore(%run_scoped3A_314 : memref<!tpu.dma_semaphore, #tpu.memory_space<semaphore_mem>>) {add = true}
          %dma_wait3A_321 = arith.constant 0 : i32
          %dma_wait3A_322 = tpu.memref_slice %arg10[%run_scoped3A, %dma_wait3A_321] : memref<2x128xi32, #tpu.memory_space<vmem>> -> memref<1x128xi32, #tpu.memory_space<vmem>>
          %dma_wait3A_323 = tpu.memref_squeeze %dma_wait3A_322 : memref<1x128xi32, #tpu.memory_space<vmem>> -> memref<128xi32, #tpu.memory_space<vmem>>
          %dma_wait3A_324 = arith.constant 0 : i32
          %dma_wait3A_325 = arith.constant 0 : i32
          %dma_wait3A_326 = tpu.memref_slice %arg12[%dma_wait3A_324, %dma_wait3A_325] : memref<10240x128xf32, #tpu.memory_space<vmem_shared>> -> memref<10240x128xf32, #tpu.memory_space<vmem_shared>>
          tpu.wait_indirect_dma semaphore(%run_scoped3A_314 : memref<!tpu.dma_semaphore, #tpu.memory_space<semaphore_mem>>) src(%arg9 : memref<128x128xf32, #tpu.memory_space<vmem>>) dst(%dma_wait3A_326 : memref<10240x128xf32, #tpu.memory_space<vmem_shared>>)
          tpu.yield
        }) : () -> ()
      }
      %scan3A_26 = arith.constant 114 : i32
    } else {
    }
    %barrier3A_15 = arith.constant 0 : index
    tpu.barrier barrier_id(%barrier3A_15)
    %mul3A_16 = arith.constant 640 : i32
    %mul3A_17 = arith.muli %arg1, %mul3A_16 : i32
    %mul3A_18 = arith.constant 640 : i32
    %mul3A_19 = arith.muli %arg1, %mul3A_18 : i32
    "tpu.region"() ({
      %run_scoped3A = tpu.sem_alloc : memref<!tpu.dma_semaphore, #tpu.memory_space<semaphore_mem>>
      %dma_start3A = arith.constant 0 : i32
      %dma_start3A_20 = tpu.memref_slice %arg7[%arg0, %mul3A_19, %dma_start3A] : memref<2x10240x128xf32, #tpu.memory_space<hbm>> -> memref<1x640x128xf32, #tpu.memory_space<hbm>>
      %dma_start3A_21 = tpu.memref_squeeze %dma_start3A_20 : memref<1x640x128xf32, #tpu.memory_space<hbm>> -> memref<640x128xf32, #tpu.memory_space<hbm>>
      %dma_start3A_22 = arith.constant 0 : i32
      %dma_start3A_23 = tpu.memref_slice %arg12[%mul3A_17, %dma_start3A_22] : memref<10240x128xf32, #tpu.memory_space<vmem_shared>> -> memref<640x128xf32, #tpu.memory_space<vmem_shared>>
      tpu.enqueue_dma source(%dma_start3A_23 : memref<640x128xf32, #tpu.memory_space<vmem_shared>>) target(%dma_start3A_21 : memref<640x128xf32, #tpu.memory_space<hbm>>) target_semaphore(%run_scoped3A : memref<!tpu.dma_semaphore, #tpu.memory_space<semaphore_mem>>)
      %dma_wait3A = arith.constant 0 : i32
      %dma_wait3A_24 = tpu.memref_slice %arg7[%arg0, %mul3A_19, %dma_wait3A] : memref<2x10240x128xf32, #tpu.memory_space<hbm>> -> memref<1x640x128xf32, #tpu.memory_space<hbm>>
      %dma_wait3A_25 = tpu.memref_squeeze %dma_wait3A_24 : memref<1x640x128xf32, #tpu.memory_space<hbm>> -> memref<640x128xf32, #tpu.memory_space<hbm>>
      %dma_wait3A_26 = arith.constant 0 : i32
      %dma_wait3A_27 = tpu.memref_slice %arg12[%mul3A_17, %dma_wait3A_26] : memref<10240x128xf32, #tpu.memory_space<vmem_shared>> -> memref<640x128xf32, #tpu.memory_space<vmem_shared>>
      tpu.wait_dma2 semaphore(%run_scoped3A : memref<!tpu.dma_semaphore, #tpu.memory_space<semaphore_mem>>) src(%dma_wait3A_27 : memref<640x128xf32, #tpu.memory_space<vmem_shared>>) dst(%dma_wait3A_25 : memref<640x128xf32, #tpu.memory_space<hbm>>)
      tpu.yield
    }) : () -> ()
    return
  }
}

module attributes {stable_mosaic.version = 14 : i64} {
  func.func @body(%arg0: i32, %arg1: memref<1024x128xf32, #tpu.memory_space<vmem>>, %arg2: memref<128x128xf32, #tpu.memory_space<vmem>>, %arg3: memref<1x128xf32, #tpu.memory_space<vmem>>, %arg4: memref<1024x128xf32, #tpu.memory_space<vmem>>) attributes {dimension_semantics = [#tpu.dimension_semantics<arbitrary>], iteration_bounds = array<i64: 10>, scalar_prefetch = 0 : i64, scratch_operands = 0 : i64, tpu.core_type = #tpu.core_type<tc>, window_params = [{transform_indices = @transform_0, window_bounds = array<i64: 1024, 128>}, {pipeline_mode = #tpu.pipeline_mode<synchronous>, transform_indices = @transform_1, window_bounds = array<i64: 128, 128>}, {pipeline_mode = #tpu.pipeline_mode<synchronous>, transform_indices = @transform_2, window_bounds = array<i64: 1, 128>}, {transform_indices = @transform_3, window_bounds = array<i64: 1024, 128>}]} {
    %get3A = arith.constant 0 : index
    %get3A_0 = arith.constant 0 : index
    %get3A_1 = vector.load %arg1[%get3A, %get3A_0] : memref<1024x128xf32, #tpu.memory_space<vmem>>, vector<1024x128xf32>
    %get3A_2 = arith.constant 0 : index
    %get3A_3 = arith.constant 0 : index
    %get3A_4 = vector.load %arg2[%get3A_2, %get3A_3] : memref<128x128xf32, #tpu.memory_space<vmem>>, vector<128x128xf32>
    %dot_general3A = arith.constant dense<0.000000e+00> : vector<1024x128xf32>
    %dot_general3A_5 = tpu.matmul %get3A_1, %get3A_4, %dot_general3A {dimension_numbers = #tpu.dot_dimension_numbers<[1], [1], [0], [0], [0, 0, 1, 0], [], []>, transpose_lhs_hint = false} : vector<1024x128xf32>, vector<128x128xf32>, vector<1024x128xf32> -> vector<1024x128xf32>
    %get3A_6 = arith.constant 0 : index
    %get3A_7 = arith.constant 0 : index
    %get3A_8 = vector.load %arg3[%get3A_6, %get3A_7] : memref<1x128xf32, #tpu.memory_space<vmem>>, vector<1x128xf32>
    %add3A = vector.broadcast %get3A_8 : vector<1x128xf32> to vector<1024x128xf32>
    %add3A_9 = arith.addf %dot_general3A_5, %add3A : vector<1024x128xf32>
    %max3A = arith.constant 0.000000e+00 : f32
    %max3A_10 = vector.broadcast %max3A : f32 to vector<1024x128xf32>
    %max3A_11 = arith.maximumf %add3A_9, %max3A_10 : vector<1024x128xf32>
    %swap3A = arith.constant 0 : index
    %swap3A_12 = arith.constant 0 : index
    %swap3A_13 = vector.load %arg4[%swap3A, %swap3A_12] : memref<1024x128xf32, #tpu.memory_space<vmem>>, vector<1024x128xf32>
    tpu.vector_store %arg4[%swap3A, %swap3A_12], %max3A_11 {strides = array<i32>} : memref<1024x128xf32, #tpu.memory_space<vmem>>, vector<1024x128xf32>,
    return
  }
  func.func @transform_0(%arg0: i32) -> (i32, i32) {
    %c0_i32 = arith.constant 0 : i32
    %c0_i32_0 = arith.constant 0 : i32
    return %arg0, %c0_i32 : i32, i32
  }
  func.func @transform_1(%arg0: i32) -> (i32, i32) {
    %c0_i32 = arith.constant 0 : i32
    %c0_i32_0 = arith.constant 0 : i32
    %c0_i32_1 = arith.constant 0 : i32
    return %c0_i32, %c0_i32_0 : i32, i32
  }
  func.func @transform_2(%arg0: i32) -> (i32, i32) {
    %c0_i32 = arith.constant 0 : i32
    %c0_i32_0 = arith.constant 0 : i32
    %c0_i32_1 = arith.constant 0 : i32
    return %c0_i32, %c0_i32_0 : i32, i32
  }
  func.func @transform_3(%arg0: i32) -> (i32, i32) {
    %c0_i32 = arith.constant 0 : i32
    %c0_i32_0 = arith.constant 0 : i32
    return %arg0, %c0_i32 : i32, i32
  }
}

module attributes {stable_mosaic.version = 14 : i64} {
  func.func @body(%arg0: i32, %arg1: memref<2048x128xf32, #tpu.memory_space<vmem>>, %arg2: memref<2x32x2048xf32, #tpu.memory_space<vmem>>, %arg3: memref<6x128xf32, #tpu.memory_space<vmem>>, %arg4: memref<6x1xf32, #tpu.memory_space<vmem>>, %arg5: memref<6x2048xf32, #tpu.memory_space<vmem>>) attributes {dimension_semantics = [#tpu.dimension_semantics<arbitrary>], iteration_bounds = array<i64: 5>, scalar_prefetch = 0 : i64, scratch_operands = 0 : i64, tpu.core_type = #tpu.core_type<tc>, window_params = [{transform_indices = @transform_0, window_bounds = array<i64: 2048, 128>}, {transform_indices = @transform_1, window_bounds = array<i64: 2, 32, 2048>}, {pipeline_mode = #tpu.pipeline_mode<synchronous>, transform_indices = @transform_2, window_bounds = array<i64: 6, 128>}, {pipeline_mode = #tpu.pipeline_mode<synchronous>, transform_indices = @transform_3, window_bounds = array<i64: 6, 1>}, {transform_indices = @transform_4, window_bounds = array<i64: 6, 2048>}]} {
    %get3A = arith.constant 0 : index
    %get3A_0 = arith.constant 0 : index
    %get3A_1 = vector.load %arg1[%get3A, %get3A_0] : memref<2048x128xf32, #tpu.memory_space<vmem>>, vector<2048x128xf32>
    %get3A_2 = arith.constant 0 : index
    %get3A_3 = arith.constant 0 : index
    %get3A_4 = vector.load %arg3[%get3A_2, %get3A_3] : memref<6x128xf32, #tpu.memory_space<vmem>>, vector<6x128xf32>
    %dot_general3A = arith.constant dense<0.000000e+00> : vector<6x2048xf32>
    %dot_general3A_5 = tpu.matmul %get3A_4, %get3A_1, %dot_general3A {dimension_numbers = #tpu.dot_dimension_numbers<[1], [1], [0], [0], [0, 0, 1, 0], [], []>, transpose_lhs_hint = false} : vector<6x128xf32>, vector<2048x128xf32>, vector<6x2048xf32> -> vector<6x2048xf32>
    %get3A_6 = arith.constant 0 : index
    %get3A_7 = arith.constant 0 : index
    %get3A_8 = vector.load %arg4[%get3A_6, %get3A_7] : memref<6x1xf32, #tpu.memory_space<vmem>>, vector<6x1xf32>
    %add3A = vector.broadcast %get3A_8 : vector<6x1xf32> to vector<6x2048xf32>
    %add3A_9 = arith.addf %dot_general3A_5, %add3A : vector<6x2048xf32>
    %get3A_10 = arith.constant 0 : index
    %get3A_11 = arith.constant 0 : index
    %get3A_12 = arith.constant 0 : index
    %get3A_13 = vector.load %arg2[%get3A_10, %get3A_11, %get3A_12] : memref<2x32x2048xf32, #tpu.memory_space<vmem>>, vector<2x32x2048xf32>
    %reduce_sum3A = arith.constant dense<0.000000e+00> : vector<2x2048xf32>
    %reduce_sum3A_14 = vector.multi_reduction <add>, %get3A_13, %reduce_sum3A [1] : vector<2x32x2048xf32> to vector<2x2048xf32>
    %max3A = arith.constant 1.000000e+00 : f32
    %max3A_15 = vector.broadcast %max3A : f32 to vector<2x2048xf32>
    %max3A_16 = arith.maximumf %reduce_sum3A_14, %max3A_15 : vector<2x2048xf32>
    %rsqrt3A = math.rsqrt %max3A_16 : vector<2x2048xf32>
    %slice3A = vector.extract_strided_slice %add3A_9 {offsets = [0, 0], sizes = [2, 2048], strides = [1, 1]} : vector<6x2048xf32> to vector<2x2048xf32>
    %swap3A = arith.constant 0 : index
    %swap3A_17 = arith.constant 0 : index
    %swap3A_18 = vector.load %arg5[%swap3A, %swap3A_17] : memref<6x2048xf32, #tpu.memory_space<vmem>>, vector<2x2048xf32>
    tpu.vector_store %arg5[%swap3A, %swap3A_17], %slice3A {strides = array<i32>} : memref<6x2048xf32, #tpu.memory_space<vmem>>, vector<2x2048xf32>,
    %slice3A_19 = vector.extract_strided_slice %rsqrt3A {offsets = [0, 0], sizes = [1, 2048], strides = [1, 1]} : vector<2x2048xf32> to vector<1x2048xf32>
    %swap3A_20 = arith.constant 2 : index
    %swap3A_21 = arith.constant 0 : index
    %swap3A_22 = vector.load %arg5[%swap3A_20, %swap3A_21] : memref<6x2048xf32, #tpu.memory_space<vmem>>, vector<1x2048xf32>
    tpu.vector_store %arg5[%swap3A_20, %swap3A_21], %slice3A_19 {strides = array<i32>} : memref<6x2048xf32, #tpu.memory_space<vmem>>, vector<1x2048xf32>,
    %slice3A_23 = vector.extract_strided_slice %add3A_9 {offsets = [3, 0], sizes = [2, 2048], strides = [1, 1]} : vector<6x2048xf32> to vector<2x2048xf32>
    %swap3A_24 = arith.constant 3 : index
    %swap3A_25 = arith.constant 0 : index
    %swap3A_26 = vector.load %arg5[%swap3A_24, %swap3A_25] : memref<6x2048xf32, #tpu.memory_space<vmem>>, vector<2x2048xf32>
    tpu.vector_store %arg5[%swap3A_24, %swap3A_25], %slice3A_23 {strides = array<i32>} : memref<6x2048xf32, #tpu.memory_space<vmem>>, vector<2x2048xf32>,
    %slice3A_27 = vector.extract_strided_slice %rsqrt3A {offsets = [1, 0], sizes = [1, 2048], strides = [1, 1]} : vector<2x2048xf32> to vector<1x2048xf32>
    %mul3A = arith.constant 0.707106769 : f32
    %mul3A_28 = vector.broadcast %mul3A : f32 to vector<1x2048xf32>
    %mul3A_29 = arith.mulf %slice3A_27, %mul3A_28 : vector<1x2048xf32>
    %swap3A_30 = arith.constant 5 : index
    %swap3A_31 = arith.constant 0 : index
    %swap3A_32 = vector.load %arg5[%swap3A_30, %swap3A_31] : memref<6x2048xf32, #tpu.memory_space<vmem>>, vector<1x2048xf32>
    tpu.vector_store %arg5[%swap3A_30, %swap3A_31], %mul3A_29 {strides = array<i32>} : memref<6x2048xf32, #tpu.memory_space<vmem>>, vector<1x2048xf32>,
    return
  }
  func.func @transform_0(%arg0: i32) -> (i32, i32) {
    %c0_i32 = arith.constant 0 : i32
    %c0_i32_0 = arith.constant 0 : i32
    return %arg0, %c0_i32 : i32, i32
  }
  func.func @transform_1(%arg0: i32) -> (i32, i32, i32) {
    %c0_i32 = arith.constant 0 : i32
    %c0_i32_0 = arith.constant 0 : i32
    %c0_i32_1 = arith.constant 0 : i32
    return %c0_i32, %c0_i32_0, %arg0 : i32, i32, i32
  }
  func.func @transform_2(%arg0: i32) -> (i32, i32) {
    %c0_i32 = arith.constant 0 : i32
    %c0_i32_0 = arith.constant 0 : i32
    %c0_i32_1 = arith.constant 0 : i32
    return %c0_i32, %c0_i32_0 : i32, i32
  }
  func.func @transform_3(%arg0: i32) -> (i32, i32) {
    %c0_i32 = arith.constant 0 : i32
    %c0_i32_0 = arith.constant 0 : i32
    %c0_i32_1 = arith.constant 0 : i32
    return %c0_i32, %c0_i32_0 : i32, i32
  }
  func.func @transform_4(%arg0: i32) -> (i32, i32) {
    %c0_i32 = arith.constant 0 : i32
    %c0_i32_0 = arith.constant 0 : i32
    return %c0_i32, %arg0 : i32, i32
  }
}

module attributes {stable_mosaic.version = 14 : i64} {
  func.func @body(%arg0: i32, %arg1: memref<2x2048x128xf32, #tpu.memory_space<vmem>>, %arg2: memref<2048x128xf32, #tpu.memory_space<vmem>>, %arg3: memref<2x32x2048xf32, #tpu.memory_space<vmem>>, %arg4: memref<6x128xf32, #tpu.memory_space<vmem>>, %arg5: memref<6x1xf32, #tpu.memory_space<vmem>>, %arg6: memref<2048x128xf32, #tpu.memory_space<vmem>>, %arg7: memref<6x2048xf32, #tpu.memory_space<vmem>>) attributes {dimension_semantics = [#tpu.dimension_semantics<arbitrary>], iteration_bounds = array<i64: 5>, scalar_prefetch = 0 : i64, scratch_operands = 0 : i64, tpu.core_type = #tpu.core_type<tc>, window_params = [{transform_indices = @transform_0, window_bounds = array<i64: 2, 2048, 128>}, {transform_indices = @transform_1, window_bounds = array<i64: 2048, 128>}, {transform_indices = @transform_2, window_bounds = array<i64: 2, 32, 2048>}, {pipeline_mode = #tpu.pipeline_mode<synchronous>, transform_indices = @transform_3, window_bounds = array<i64: 6, 128>}, {pipeline_mode = #tpu.pipeline_mode<synchronous>, transform_indices = @transform_4, window_bounds = array<i64: 6, 1>}, {transform_indices = @transform_5, window_bounds = array<i64: 2048, 128>}, {transform_indices = @transform_6, window_bounds = array<i64: 6, 2048>}]} {
    %get3A = arith.constant 0 : index
    %get3A_0 = arith.constant 0 : index
    %get3A_1 = vector.load %arg2[%get3A, %get3A_0] : memref<2048x128xf32, #tpu.memory_space<vmem>>, vector<2048x128xf32>
    %mul3A = arith.constant 1.000000e-01 : f32
    %mul3A_2 = vector.broadcast %mul3A : f32 to vector<2048x128xf32>
    %mul3A_3 = arith.mulf %mul3A_2, %get3A_1 : vector<2048x128xf32>
    %get3A_4 = arith.constant 0 : index
    %get3A_5 = arith.constant 0 : index
    %get3A_6 = arith.constant 0 : index
    %get3A_7 = vector.load %arg1[%get3A_4, %get3A_5, %get3A_6] : memref<2x2048x128xf32, #tpu.memory_space<vmem>>, vector<1x2048x128xf32>
    %get3A_8 = vector.shape_cast %get3A_7 : vector<1x2048x128xf32> to vector<2048x128xf32>
    %add3A = arith.addf %mul3A_3, %get3A_8 : vector<2048x128xf32>
    %get3A_9 = arith.constant 1 : index
    %get3A_10 = arith.constant 0 : index
    %get3A_11 = arith.constant 0 : index
    %get3A_12 = vector.load %arg1[%get3A_9, %get3A_10, %get3A_11] : memref<2x2048x128xf32, #tpu.memory_space<vmem>>, vector<1x2048x128xf32>
    %get3A_13 = vector.shape_cast %get3A_12 : vector<1x2048x128xf32> to vector<2048x128xf32>
    %add3A_14 = arith.addf %add3A, %get3A_13 : vector<2048x128xf32>
    %swap3A = arith.constant 0 : index
    %swap3A_15 = arith.constant 0 : index
    %swap3A_16 = vector.load %arg6[%swap3A, %swap3A_15] : memref<2048x128xf32, #tpu.memory_space<vmem>>, vector<2048x128xf32>
    tpu.vector_store %arg6[%swap3A, %swap3A_15], %add3A_14 {strides = array<i32>} : memref<2048x128xf32, #tpu.memory_space<vmem>>, vector<2048x128xf32>,
    %get3A_17 = arith.constant 0 : index
    %get3A_18 = arith.constant 0 : index
    %get3A_19 = vector.load %arg4[%get3A_17, %get3A_18] : memref<6x128xf32, #tpu.memory_space<vmem>>, vector<6x128xf32>
    %dot_general3A = arith.constant dense<0.000000e+00> : vector<6x2048xf32>
    %dot_general3A_20 = tpu.matmul %get3A_19, %add3A_14, %dot_general3A {dimension_numbers = #tpu.dot_dimension_numbers<[1], [1], [0], [0], [0, 0, 1, 0], [], []>, transpose_lhs_hint = false} : vector<6x128xf32>, vector<2048x128xf32>, vector<6x2048xf32> -> vector<6x2048xf32>
    %get3A_21 = arith.constant 0 : index
    %get3A_22 = arith.constant 0 : index
    %get3A_23 = vector.load %arg5[%get3A_21, %get3A_22] : memref<6x1xf32, #tpu.memory_space<vmem>>, vector<6x1xf32>
    %add3A_24 = vector.broadcast %get3A_23 : vector<6x1xf32> to vector<6x2048xf32>
    %add3A_25 = arith.addf %dot_general3A_20, %add3A_24 : vector<6x2048xf32>
    %get3A_26 = arith.constant 0 : index
    %get3A_27 = arith.constant 0 : index
    %get3A_28 = arith.constant 0 : index
    %get3A_29 = vector.load %arg3[%get3A_26, %get3A_27, %get3A_28] : memref<2x32x2048xf32, #tpu.memory_space<vmem>>, vector<2x32x2048xf32>
    %reduce_sum3A = arith.constant dense<0.000000e+00> : vector<2x2048xf32>
    %reduce_sum3A_30 = vector.multi_reduction <add>, %get3A_29, %reduce_sum3A [1] : vector<2x32x2048xf32> to vector<2x2048xf32>
    %max3A = arith.constant 1.000000e+00 : f32
    %max3A_31 = vector.broadcast %max3A : f32 to vector<2x2048xf32>
    %max3A_32 = arith.maximumf %reduce_sum3A_30, %max3A_31 : vector<2x2048xf32>
    %rsqrt3A = math.rsqrt %max3A_32 : vector<2x2048xf32>
    %slice3A = vector.extract_strided_slice %add3A_25 {offsets = [0, 0], sizes = [2, 2048], strides = [1, 1]} : vector<6x2048xf32> to vector<2x2048xf32>
    %swap3A_33 = arith.constant 0 : index
    %swap3A_34 = arith.constant 0 : index
    %swap3A_35 = vector.load %arg7[%swap3A_33, %swap3A_34] : memref<6x2048xf32, #tpu.memory_space<vmem>>, vector<2x2048xf32>
    tpu.vector_store %arg7[%swap3A_33, %swap3A_34], %slice3A {strides = array<i32>} : memref<6x2048xf32, #tpu.memory_space<vmem>>, vector<2x2048xf32>,
    %slice3A_36 = vector.extract_strided_slice %rsqrt3A {offsets = [0, 0], sizes = [1, 2048], strides = [1, 1]} : vector<2x2048xf32> to vector<1x2048xf32>
    %swap3A_37 = arith.constant 2 : index
    %swap3A_38 = arith.constant 0 : index
    %swap3A_39 = vector.load %arg7[%swap3A_37, %swap3A_38] : memref<6x2048xf32, #tpu.memory_space<vmem>>, vector<1x2048xf32>
    tpu.vector_store %arg7[%swap3A_37, %swap3A_38], %slice3A_36 {strides = array<i32>} : memref<6x2048xf32, #tpu.memory_space<vmem>>, vector<1x2048xf32>,
    %slice3A_40 = vector.extract_strided_slice %add3A_25 {offsets = [3, 0], sizes = [2, 2048], strides = [1, 1]} : vector<6x2048xf32> to vector<2x2048xf32>
    %swap3A_41 = arith.constant 3 : index
    %swap3A_42 = arith.constant 0 : index
    %swap3A_43 = vector.load %arg7[%swap3A_41, %swap3A_42] : memref<6x2048xf32, #tpu.memory_space<vmem>>, vector<2x2048xf32>
    tpu.vector_store %arg7[%swap3A_41, %swap3A_42], %slice3A_40 {strides = array<i32>} : memref<6x2048xf32, #tpu.memory_space<vmem>>, vector<2x2048xf32>,
    %slice3A_44 = vector.extract_strided_slice %rsqrt3A {offsets = [1, 0], sizes = [1, 2048], strides = [1, 1]} : vector<2x2048xf32> to vector<1x2048xf32>
    %mul3A_45 = arith.constant 0.707106769 : f32
    %mul3A_46 = vector.broadcast %mul3A_45 : f32 to vector<1x2048xf32>
    %mul3A_47 = arith.mulf %slice3A_44, %mul3A_46 : vector<1x2048xf32>
    %swap3A_48 = arith.constant 5 : index
    %swap3A_49 = arith.constant 0 : index
    %swap3A_50 = vector.load %arg7[%swap3A_48, %swap3A_49] : memref<6x2048xf32, #tpu.memory_space<vmem>>, vector<1x2048xf32>
    tpu.vector_store %arg7[%swap3A_48, %swap3A_49], %mul3A_47 {strides = array<i32>} : memref<6x2048xf32, #tpu.memory_space<vmem>>, vector<1x2048xf32>,
    return
  }
  func.func @transform_0(%arg0: i32) -> (i32, i32, i32) {
    %c0_i32 = arith.constant 0 : i32
    %c0_i32_0 = arith.constant 0 : i32
    %c0_i32_1 = arith.constant 0 : i32
    return %c0_i32, %arg0, %c0_i32_0 : i32, i32, i32
  }
  func.func @transform_1(%arg0: i32) -> (i32, i32) {
    %c0_i32 = arith.constant 0 : i32
    %c0_i32_0 = arith.constant 0 : i32
    return %arg0, %c0_i32 : i32, i32
  }
  func.func @transform_2(%arg0: i32) -> (i32, i32, i32) {
    %c0_i32 = arith.constant 0 : i32
    %c0_i32_0 = arith.constant 0 : i32
    %c0_i32_1 = arith.constant 0 : i32
    return %c0_i32, %c0_i32_0, %arg0 : i32, i32, i32
  }
  func.func @transform_3(%arg0: i32) -> (i32, i32) {
    %c0_i32 = arith.constant 0 : i32
    %c0_i32_0 = arith.constant 0 : i32
    %c0_i32_1 = arith.constant 0 : i32
    return %c0_i32, %c0_i32_0 : i32, i32
  }
  func.func @transform_4(%arg0: i32) -> (i32, i32) {
    %c0_i32 = arith.constant 0 : i32
    %c0_i32_0 = arith.constant 0 : i32
    %c0_i32_1 = arith.constant 0 : i32
    return %c0_i32, %c0_i32_0 : i32, i32
  }
  func.func @transform_5(%arg0: i32) -> (i32, i32) {
    %c0_i32 = arith.constant 0 : i32
    %c0_i32_0 = arith.constant 0 : i32
    return %arg0, %c0_i32 : i32, i32
  }
  func.func @transform_6(%arg0: i32) -> (i32, i32) {
    %c0_i32 = arith.constant 0 : i32
    %c0_i32_0 = arith.constant 0 : i32
    return %c0_i32, %arg0 : i32, i32
  }
}

module attributes {stable_mosaic.version = 14 : i64} {
  func.func @body(%arg0: i32, %arg1: memref<2x1000x128xf32, #tpu.memory_space<vmem>>, %arg2: memref<1000x128xf32, #tpu.memory_space<vmem>>, %arg3: memref<40x128xf32, #tpu.memory_space<vmem>>, %arg4: memref<1x40xf32, #tpu.memory_space<vmem>>, %arg5: memref<1000x40xf32, #tpu.memory_space<vmem>>) attributes {dimension_semantics = [#tpu.dimension_semantics<arbitrary>], iteration_bounds = array<i64: 10>, scalar_prefetch = 0 : i64, scratch_operands = 0 : i64, tpu.core_type = #tpu.core_type<tc>, window_params = [{transform_indices = @transform_0, window_bounds = array<i64: 2, 1000, 128>}, {transform_indices = @transform_1, window_bounds = array<i64: 1000, 128>}, {pipeline_mode = #tpu.pipeline_mode<synchronous>, transform_indices = @transform_2, window_bounds = array<i64: 40, 128>}, {pipeline_mode = #tpu.pipeline_mode<synchronous>, transform_indices = @transform_3, window_bounds = array<i64: 1, 40>}, {transform_indices = @transform_4, window_bounds = array<i64: 1000, 40>}]} {
    %get3A = arith.constant 0 : index
    %get3A_0 = arith.constant 0 : index
    %get3A_1 = vector.load %arg2[%get3A, %get3A_0] : memref<1000x128xf32, #tpu.memory_space<vmem>>, vector<1000x128xf32>
    %mul3A = arith.constant 1.000000e-01 : f32
    %mul3A_2 = vector.broadcast %mul3A : f32 to vector<1000x128xf32>
    %mul3A_3 = arith.mulf %mul3A_2, %get3A_1 : vector<1000x128xf32>
    %get3A_4 = arith.constant 0 : index
    %get3A_5 = arith.constant 0 : index
    %get3A_6 = arith.constant 0 : index
    %get3A_7 = vector.load %arg1[%get3A_4, %get3A_5, %get3A_6] : memref<2x1000x128xf32, #tpu.memory_space<vmem>>, vector<1x1000x128xf32>
    %get3A_8 = vector.shape_cast %get3A_7 : vector<1x1000x128xf32> to vector<1000x128xf32>
    %add3A = arith.addf %mul3A_3, %get3A_8 : vector<1000x128xf32>
    %get3A_9 = arith.constant 1 : index
    %get3A_10 = arith.constant 0 : index
    %get3A_11 = arith.constant 0 : index
    %get3A_12 = vector.load %arg1[%get3A_9, %get3A_10, %get3A_11] : memref<2x1000x128xf32, #tpu.memory_space<vmem>>, vector<1x1000x128xf32>
    %get3A_13 = vector.shape_cast %get3A_12 : vector<1x1000x128xf32> to vector<1000x128xf32>
    %add3A_14 = arith.addf %add3A, %get3A_13 : vector<1000x128xf32>
    %get3A_15 = arith.constant 0 : index
    %get3A_16 = arith.constant 0 : index
    %get3A_17 = vector.load %arg3[%get3A_15, %get3A_16] : memref<40x128xf32, #tpu.memory_space<vmem>>, vector<40x128xf32>
    %dot_general3A = arith.constant dense<0.000000e+00> : vector<1000x40xf32>
    %dot_general3A_18 = tpu.matmul %add3A_14, %get3A_17, %dot_general3A {dimension_numbers = #tpu.dot_dimension_numbers<[1], [1], [0], [0], [0, 0, 1, 0], [], []>, transpose_lhs_hint = false} : vector<1000x128xf32>, vector<40x128xf32>, vector<1000x40xf32> -> vector<1000x40xf32>
    %get3A_19 = arith.constant 0 : index
    %get3A_20 = arith.constant 0 : index
    %get3A_21 = vector.load %arg4[%get3A_19, %get3A_20] : memref<1x40xf32, #tpu.memory_space<vmem>>, vector<1x40xf32>
    %add3A_22 = vector.broadcast %get3A_21 : vector<1x40xf32> to vector<1000x40xf32>
    %add3A_23 = arith.addf %dot_general3A_18, %add3A_22 : vector<1000x40xf32>
    %reduce_max3A = arith.constant dense<0xFF800000> : vector<1000xf32>
    %reduce_max3A_24 = vector.multi_reduction <maximumf>, %add3A_23, %reduce_max3A [1] : vector<1000x40xf32> to vector<1000xf32>
    %broadcast_in_dim3A = vector.shape_cast %reduce_max3A_24 : vector<1000xf32> to vector<1000x1xf32>
    %sub3A = vector.broadcast %broadcast_in_dim3A : vector<1000x1xf32> to vector<1000x40xf32>
    %sub3A_25 = arith.subf %add3A_23, %sub3A : vector<1000x40xf32>
    %exp3A = math.exp %sub3A_25 : vector<1000x40xf32>
    %reduce_sum3A = arith.constant dense<0.000000e+00> : vector<1000xf32>
    %reduce_sum3A_26 = vector.multi_reduction <add>, %exp3A, %reduce_sum3A [1] : vector<1000x40xf32> to vector<1000xf32>
    %broadcast_in_dim3A_27 = vector.shape_cast %reduce_sum3A_26 : vector<1000xf32> to vector<1000x1xf32>
    %log3A = math.log %broadcast_in_dim3A_27 : vector<1000x1xf32>
    %add3A_28 = arith.addf %log3A, %broadcast_in_dim3A : vector<1000x1xf32>
    %sub3A_29 = vector.broadcast %add3A_28 : vector<1000x1xf32> to vector<1000x40xf32>
    %sub3A_30 = arith.subf %add3A_23, %sub3A_29 : vector<1000x40xf32>
    %swap3A = arith.constant 0 : index
    %swap3A_31 = arith.constant 0 : index
    %swap3A_32 = vector.load %arg5[%swap3A, %swap3A_31] : memref<1000x40xf32, #tpu.memory_space<vmem>>, vector<1000x40xf32>
    tpu.vector_store %arg5[%swap3A, %swap3A_31], %sub3A_30 {strides = array<i32>} : memref<1000x40xf32, #tpu.memory_space<vmem>>, vector<1000x40xf32>,
    return
  }
  func.func @transform_0(%arg0: i32) -> (i32, i32, i32) {
    %c0_i32 = arith.constant 0 : i32
    %c0_i32_0 = arith.constant 0 : i32
    %c0_i32_1 = arith.constant 0 : i32
    return %c0_i32, %arg0, %c0_i32_0 : i32, i32, i32
  }
  func.func @transform_1(%arg0: i32) -> (i32, i32) {
    %c0_i32 = arith.constant 0 : i32
    %c0_i32_0 = arith.constant 0 : i32
    return %arg0, %c0_i32 : i32, i32
  }
  func.func @transform_2(%arg0: i32) -> (i32, i32) {
    %c0_i32 = arith.constant 0 : i32
    %c0_i32_0 = arith.constant 0 : i32
    %c0_i32_1 = arith.constant 0 : i32
    return %c0_i32, %c0_i32_0 : i32, i32
  }
  func.func @transform_3(%arg0: i32) -> (i32, i32) {
    %c0_i32 = arith.constant 0 : i32
    %c0_i32_0 = arith.constant 0 : i32
    %c0_i32_1 = arith.constant 0 : i32
    return %c0_i32, %c0_i32_0 : i32, i32
  }
  func.func @transform_4(%arg0: i32) -> (i32, i32) {
    %c0_i32 = arith.constant 0 : i32
    %c0_i32_0 = arith.constant 0 : i32
    return %arg0, %c0_i32 : i32, i32
  }
}

</mosaic_0001>

<sc_bundles>
// kernel: kernel.12.cloned.1.call-start
scs
__scs_entry_jumppad:
0x0: {  	(pc) =	sbr.rel $0x88, $3  }
0x1: {  	(tag) =	ssettag $0x0;
	lr =	simm.s32 $0x1  }
0x2: {  	[smem:$0x3F92] =	sst lr;
	_ =	strace $0xD0000000  }
0x3: {  	_ = 	snop  }
0x4: {  	_ = 	snop  }
0x5: {  	_ = 	snop  }
0x6: {  	_ = 	snop  }
0x7: {  	_ = 	snop  }
__scs_overlays_trampoline_lowered:
0x8: {  	[smem:$0x3FA1] =	sst s0  }
0x9: {  	[smem:$0x3FA2] =	sst s1  }
0xa: {  	[smem:$0x3FA3] =	sst s2  }
0xb: {  	[smem:$0x3FA4] =	sst s3  }
0xc: {  	[smem:$0x3FA5] =	sst s4  }
0xd: {  	[smem:$0x3FA6] =	sst s5  }
0xe: {  	[smem:$0x3FA7] =	sst s6  }
0xf: {  	[smem:$0x3FA8] =	sst s7  }
0x10: {  	[smem:$0x3FA9] =	sst s8  }
0x11: {  	[smem:$0x3FAA] =	sst s9;
	s0 =	simm.s32 @!p0 $0x0  }
0x12: {  	s1 =	sld [smem:$0x3F90];
	s0 =	simm.s32 @p0 $0x1  }
0x13: {  	[smem:$0x3FAB] =	sst s0;
	s0 =	simm.s32 @!p1 $0x0  }
0x14: {  	s2 =	sld [smem:$0x3F8F];
	s0 =	simm.s32 @p1 $0x1  }
0x15: {  	[smem:$0x3FAC] =	sst s0;
	s0 =	simm.s32 @!p2 $0x0  }
0x16: {  	s3 =	sld [smem:$0x3FDB];
	s0 =	simm.s32 @p2 $0x1  }
0x17: {  	s4 =	simm.s32 $0x1BF5;
	[smem:$0x3FAE] =	sst s0  }
0x18: {  	s0 =	sld [smem:$0x3F91];
	_ =	swait.ge [sflag:s4], $0x0  }
0x19: {  	s7 =	sld [smem:$0x3F92]  }
0x1a: {  	s8 =	sadd.s32 $0xFFFFE003, lr  }
0x1b: {  	s9 =	sadd.s32 $0xFFFFFEF7, lr;
	s5 =	simm.s32 $0xFFFFFFFF;
	p2 =	slt.u32 s8, $0xFFFFF086  }
0x1c: {  	p1 =	slt.u32 s9, $0xF7A;
	s5 =	simm.s32 @!p2 $0x0  }
0x1d: {  	s5 =	simm.s32 @p1 $0x1;
	p0 =	seq.s32 s7, s2  }
0x1e: {  	s7 =	smul.u32 @!p0 $0xF7A, s2;
	p2 =	seq.s32 @!p0 s5, $0x0  }
0x1f: {  	s9 =	smul.u32 $0xF7A, s1;
	s8 =	simm.s32 @!p0 $0x1BF5;
	p2 =	por !p2, p0  }
0x20: {  	[sflag:s8] =	ssyncset.s32 @!p0 $0xFFFFF086;
	s6 =	sadd.s32 @!p0 s3, s7;
	s7 =	simm.s32 @!p0 $0x108  }
0x21: {  	s3 =	sadd.s32 s3, s9;
	s6 =	sadd.s32 @!p0 $0x88, s6;
	s7 =	simm.s32 @p2 $0x1082  }
0x22: {  	[simem:s7], [sflag:s8] =	dma.local @!p0 [hbm:s6], $0xF7A  }
0x23: {  	s9 =	sor.u32 $0xD0000000, s2;
	s6 =	simm.s32 $0x108;
	_ =	swait.ge @!p0 [sflag:s8], $0x0  }
0x24: {  	s3 =	sadd.s32 $0x88, s3;
	s6 =	simm.s32 @!p1 $0x1082;
	[sflag:s4] =	ssyncset.s32 $0xFFFFF086  }
0x25: {  	[simem:s6], [sflag:s4] =	dma.local [hbm:s3], $0xF7A  }
0x26: {  	[smem:$0x3F92] =	sst s1;
	(tag) =	ssettag s2;
	_ =	strace s9  }
0x27: {  	s1 =	sld [smem:$0x3FA2]  }
0x28: {  	s2 =	sld [smem:$0x3FA3]  }
0x29: {  	s4 =	sld [smem:$0x3FA5]  }
0x2a: {  	p0 =	seq.s32 s5, $0x0;
	s5 =	sld [smem:$0x3FA6]  }
0x2b: {  	s6 =	sld [smem:$0x3FA7]  }
0x2c: {  	s7 =	sld [smem:$0x3FA8]  }
0x2d: {  	s3 =	simm.s32 $0x108;
	s8 =	sld [smem:$0x3FA9]  }
0x2e: {  	s3 =	simm.s32 @!p0 $0x1082;
	s9 =	sld [smem:$0x3FAA]  }
0x2f: {  	lr =	sadd.s32 s0, s3;
	s0 =	sld [smem:$0x3FA1]  }
0x30: {  	s3 =	sld [smem:$0x3FA4]  }
0x31: {  	[smem:$0x3FAD] =	sst s10  }
0x32: {  	s10 =	sld [smem:$0x3FAB];
	_ =	sdelay $0x3  }
0x33: {  	p0 =	seq.s32 s10, $0x1;
	s10 =	sld [smem:$0x3FAD];
	_ =	sdelay $0x3  }
0x34: {  	[smem:$0x3FAD] =	sst s10  }
0x35: {  	s10 =	sld [smem:$0x3FAC];
	_ =	sdelay $0x3  }
0x36: {  	p1 =	seq.s32 s10, $0x1;
	s10 =	sld [smem:$0x3FAD];
	_ =	sdelay $0x3  }
0x37: {  	[smem:$0x3FAD] =	sst s10  }
0x38: {  	s10 =	sld [smem:$0x3FAE]  }
0x39: {  	_ = 	snop;
	(pc) =	sbr.ind lr, $3  }
0x3a: {  	_ = 	snop  }
0x3b: {  	_ = 	snop  }
0x3c: {  	p2 =	seq.s32 s10, $0x1;
	s10 =	sld [smem:$0x3FAD]  }
0x3d: {  	_ =	shalt  }
0x3e: {  	_ =	shalt  }
0x3f: {  	_ =	shalt  }
0x40: {  	_ =	shalt  }
0x41: {  	_ =	shalt  }
0x42: {  	_ =	shalt  }
0x43: {  	_ =	shalt  }
0x44: {  	_ =	shalt  }
0x45: {  	_ =	shalt  }
0x46: {  	_ =	shalt  }
0x47: {  	_ =	shalt  }
0x48: {  	_ =	shalt  }
0x49: {  	_ =	shalt  }
0x4a: {  	_ =	shalt  }
0x4b: {  	_ =	shalt  }
0x4c: {  	_ =	shalt  }
0x4d: {  	_ =	shalt  }
0x4e: {  	_ =	shalt  }
0x4f: {  	_ =	shalt  }
0x50: {  	_ =	shalt  }
0x51: {  	_ =	shalt  }
0x52: {  	_ =	shalt  }
0x53: {  	_ =	shalt  }
0x54: {  	_ =	shalt  }
0x55: {  	_ =	shalt  }
0x56: {  	_ =	shalt  }
0x57: {  	_ =	shalt  }
0x58: {  	_ =	shalt  }
0x59: {  	_ =	shalt  }
0x5a: {  	_ =	shalt  }
0x5b: {  	_ =	shalt  }
0x5c: {  	_ =	shalt  }
0x5d: {  	_ =	shalt  }
0x5e: {  	_ =	shalt  }
0x5f: {  	_ =	shalt  }
0x60: {  	_ =	shalt  }
0x61: {  	_ =	shalt  }
0x62: {  	_ =	shalt  }
0x63: {  	_ =	shalt  }
0x64: {  	_ =	shalt  }
0x65: {  	_ =	shalt  }
0x66: {  	_ =	shalt  }
0x67: {  	_ =	shalt  }
0x68: {  	_ =	shalt  }
0x69: {  	_ =	shalt  }
0x6a: {  	_ =	shalt  }
0x6b: {  	_ =	shalt  }
0x6c: {  	_ =	shalt  }
0x6d: {  	_ =	shalt  }
0x6e: {  	_ =	shalt  }
0x6f: {  	_ =	shalt  }
0x70: {  	_ =	shalt  }
0x71: {  	_ =	shalt  }
0x72: {  	_ =	shalt  }
0x73: {  	_ =	shalt  }
0x74: {  	_ =	shalt  }
0x75: {  	_ =	shalt  }
0x76: {  	_ =	shalt  }
0x77: {  	_ =	shalt  }
0x78: {  	_ =	shalt  }
0x79: {  	_ =	shalt  }
0x7a: {  	_ =	shalt  }
0x7b: {  	_ =	shalt  }
0x7c: {  	_ =	shalt  }
0x7d: {  	_ =	shalt  }
0x7e: {  	_ =	shalt  }
0x7f: {  	_ =	shalt  }
0x80: {  	_ =	shalt  }
0x81: {  	_ =	shalt  }
0x82: {  	_ =	shalt  }
0x83: {  	_ =	shalt  }
0x84: {  	_ =	shalt  }
0x85: {  	_ =	shalt  }
0x86: {  	_ =	shalt  }
0x87: {  	_ =	shalt  }
.Lfunc_end0:
.L_simem_size_0:
called_computation.1_lowered:
.L_overlay_start_0:
0x88: {  	s2 =	sld [smem:$0x3FD9]  }
0x89: {  	s3 =	sld [smem:$0x3FFE];
	_ =	sdelay $0x1  }
0x8a: {  	s1 =	srdreg.scid  }
0x8b: {  	s0 =	sand.u32 $0x1, s1  }
0x8c: {  	s17 =	sshll.u32 s0, $0xA;
	s2 =	sadd.s32 s3, s2  }
0x8d: {  	s2 =	sadd.s32 s2, s17  }
0x8e: {  	[smem:$0x3FB9] =	sst s2  }
0x8f: {  	_ = 	snop  }
0x90: {  	s2 =	sld [smem:$0x3FD0];
	(tm) =	ssettm $0x1  }
0x91: {  	s18 =	sld [smem:$0x3FFB];
	_ =	sdelay $0x3  }
0x92: {  	_ =	strace s18  }
0x93: {  	s3 =	sld [smem:$0x3FFC];
	_ =	sdelay $0x3  }
0x94: {  	_ =	strace s3  }
0x95: {  	s3 =	sld [smem:$0x3FFD];
	_ =	sdelay $0x3  }
0x96: {  	_ =	strace s3  }
0x97: {  	_ =	strace $0x8FFFFFFF  }
0x98: {  	s19 =	sld [smem:$0x3FDB];
	_ =	sdelay $0x1  }
0x99: {  	s4 =	simm.s32 $_scs_section_size  }
0x9a: {  	s5 =	simm.s32 $_size__tile_overlayer_lowered;
	s6 =	simm.s32 $_tile_overlayer_lowered  }
0x9b: {  	s22 =	simm.s32 $0x1BFF;
	s21 =	sshll.u32 s6, $0x1;
	s3 =	sadd.s32 s4, s19  }
0x9c: {  	s7 =	simm.s32 $0x0;
	s20 =	sshll.u32 s5, $0x1;
	s5 =	sadd.s32 s21, s3  }
0x9d: {  	[timem:s7], [sflag:s22] =	dma.local [hbm:s5], s20  }
0x9e: {  	_ =	swait.ge [sflag:s22], s20  }
0x9f: {  	s4 =	ssub.s32 $0x0, s20;
	[sflag:s22] =	ssyncset.done $0x0  }
0xa0: {  	[sflag:s22] =	ssyncadd.s32 s4;
	_ =	sdelay $0x1  }
0xa1: {  	s23 =	simm.s32 $0x1B8B  }
0xa2: {  	_ =	swait.ge [sflag:s23], $0x1  }
0xa3: {  	[sflag:s23] =	ssyncset.done $0x0  }
0xa4: {  	s25 =	simm.s32 $0x1B8E;
	s24 =	sld [smem:$0x3FFE];
	[sflag:s23] =	ssyncadd.s32 $0xFFFFFFFF  }
0xa5: {  	s26 =	simm.s32 $execute0_lowered;
	[smem:$0x3FD2] =	sst s25  }
0xa6: {  	s5 =	sshll.u32 s26, $0x1;
	_ =	strace $0x80000049;
	[dreg:$0x1] =	wrdreg $0xFFFFFFFF  }
0xa7: {  	s28 =	simm.s32 $_size_execute0_lowered;
	s3 =	sadd.s32 s3, s5;
	[dreg:$0x0] =	wrdreg $0x0  }
0xa8: {  	s5 =	sshll.u32 s28, $0x1;
	[dreg:$0x2] =	wrdreg s3  }
0xa9: {  	[dreg:$0x3] =	wrdreg s5  }
0xaa: {  	[dreg:$0x4] =	wrdreg $0xC0  }
0xab: {  	_ =	task [dreg:s7], $0x5FFFF  }
0xac: {  	[dreg:$0x1] =	wrdreg $0xFFFFFFFF  }
0xad: {  	[dreg:$0x0] =	wrdreg $0x60  }
0xae: {  	[dreg:$0x2] =	wrdreg s24  }
0xaf: {  	[dreg:$0x3] =	wrdreg s2  }
0xb0: {  	[dreg:$0x4] =	wrdreg $0xB9800  }
0xb1: {  	[dreg:$0x5] =	wrdreg $0x9  }
0xb2: {  	_ =	task.clear_ibuf [dreg:s7], $0x6FFFF;
	_ =	strace $0x90000049  }
0xb3: {  	s29 =	simm.s32 $0x9;
	_ =	strace $0x8000004B  }
0xb4: {  	_ =	swait.ge [sflag:s29], $0x1  }
0xb5: {  	[sflag:s29] =	ssyncadd.s32 $0xFFFFFFFF  }
0xb6: {  	_ =	strace $0x9000004B  }
0xb7: {  	_ =	sfence  }
0xb8: {  	s30 =	sld [smem:$0x0];
	_ =	sdelay $0x2  }
0xb9: {  	s31 =	sshll.u32 s1, $0xD;
	s1 =	sshrl.u32 s1, $0x2  }
0xba: {  	s3 =	sand.u32 $0x4000, s31;
	s1 =	sadd.s32 s1, s30  }
0xbb: {  	s0 =	sor.u32 s3, s0;
	s1 =	sshll.u32 s1, $0x11  }
0xbc: {  	s0 =	sor.u32 s1, s0  }
0xbd: {  	s0 =	sadd.s32 $0x8F2B, s0  }
0xbe: {  	[sflag:s0] =	ssyncadd.remote.s32 $0x1  }
0xbf: {  	_ =	sfence.sel $0xFFFF  }
0xc0: {  	[dreg:$0x0] =	wrdreg $0xFFFFFFFF;
	(pc) =	sbr.abs _section_cstart, $3  }
0xc1: {  	[dreg:$0x1] =	wrdreg $0xFFFFFFFF  }
0xc2: {  	_ =	task.clear_ibuf [dreg:s7], $0x2FFFF;
	_ =	strace $0x9FFFFFFF  }
0xc3: {  	(tm) =	ssettm $0x7FFFFFFF  }
tec
execute0_lowered:
.L_overlay_start_1:
0x0: {  	(tag) =	ssettag $0x1  }
0x1: {  	s8 =	rddreg [dreg:$0x0]  }
0x2: {  	s1 =	rddreg [dreg:$0x1]  }
0x3: {  	s2 =	rddreg [dreg:$0x2];
	s3 =	srdreg.scid  }
0x4: {  	s0 =	rddreg [dreg:$0x3];
	s4 =	simm.s32 $0x0;
	s6 =	simm.s32 $0x0  }
0x5: {  	s18 =	simm.s32 $0x7800;
	s19 =	simm.s32 $0x1;
	s20 =	simm.s32 $0xB900  }
0x6: {  	s21 =	simm.s32 $0xB880;
	s7 =	sand.u32 $0x1, s3;
	s3 =	stileid.u32  }
0x7: {  	s22 =	simm.s32 $0x0;
	[smem:$0x7FF] =	sst s4;
	s9 =	smul.u32 $0x140000, s7  }
0x8: {  	s5 =	sshll.u32 s7, $0x4;
	s10 =	smul.u32 $0x14000, s3;
	_ =	strace $0x8000004A  }
0x9: {  	s28 =	ssub.s32 $0x2, s7;
	s12 =	smul.u32 $0x50000, s3;
	s7 =	sadd.s32 $0x44400, s8  }
0xa: {  	s31 =	sshll.u32 s3, $0x6;
	s14 =	sor.u32 s3, s5;
	s5 =	sadd.s32 $0x1C400, s8  }
0xb: {  	s29 =	sshrl.u32 s28, $0x1;
	p0 =	slt.u32 s14, $0x15;
	s9 =	sadd.s32 s10, s9  }
0xc: {  	s30 =	sshrl.u32 s12, $0x2;
	s15 =	smul.u32 $0x72, s14;
	s16 =	ssub.s32 s28, s29  }
0xd: {  	s6 =	simm.s32 @!p0 $0xF00;
	s9 =	sshrl.u32 s9, $0x3;
	s17 =	sadd.s32 s30, s2  }
.Ltmp0:
0xe: {  	p0 =	sgt.u32 s14, $0x14;
	s11 =	sadd.s32 s6, s8;
	(pc) =	sbr.rel .LBB2_1-.Ltmp0, $4  }
0xf: {  	s6 =	sadd.s32 $0x4E200, s8;
	s13 =	sadd.s32 s9, s8;
	s8 =	sor.u32 $0x1C02, s31  }
0x10: {  	s10 =	sadd.s32 $0xFFF6A6, s15;
	s15 =	simm.s32 $0x2;
	s9 =	sadd.s32 $0x2E00, s11  }
0x11: {  	s11 =	smul.u32 $0x78, s14;
	s12 =	sadd.s32 $0x61E00, s13;
	s13 =	smax.u32 s16, $0x1  }
0x12: {  	s14 =	sshrl.u32 s17, $0x3;
	s16 =	simm.s32 $0xB800;
	s17 =	simm.s32 $0x80  }
.LBB2_8:
0x13: {  	s22 =	sadd.s32 $0x1, s22  }
0x14: {  	p1 =	sne.s32 s22, s13  }
.Ltmp1:
0x15: {  	[bflag:$0x0] =	sbarrier.arrive $0xFFFF;
	(pc) =	sbr.rel @!p1 .LBB2_9-.Ltmp1, $4  }
0x16: {  	[hbm:s12], [sflag:s8] =	dma.local [spmem:s14], $0x2800  }
0x17: {  	_ =	swait.ge [sflag:s15], $0x2800  }
0x18: {  	[sflag:s15] =	ssyncset.done $0x0  }
0x19: {  	[sflag:s15] =	ssyncadd.s32 $0xFFFFD800  }
.LBB2_1:
0x1a: {  	[spmem:s14], [sflag:s8] =	dma.local [hbm:s1], $0x2800  }
0x1b: {  	_ =	swait.ge [sflag:s15], $0x2800  }
0x1c: {  	[sflag:s15] =	ssyncset.done $0x0  }
0x1d: {  	[sflag:s15] =	ssyncadd.s32 $0xFFFFD800  }
0x1e: {  	[tilespmem:s4], [sflag:$0x2] =	stream.linear.gather [hbm4b:s9+s4], $0x7800, $0x38;
	[tilespmem:$0x1F980] =	vst v63  }
.Ltmp2:
0x1f: {  	_ =	swait.ge [sflag:s15], $0x7800;
	(pc) =	sbr.rel @p0 .LBB2_5-.Ltmp2, $4  }
0x20: {  	[sflag:s15] =	ssyncset.done $0x0  }
0x21: {  	[sflag:s15] =	ssyncadd.s32 $0xFFFF8800  }
0x22: {  	[bflag:$0x0] =	sbarrier.arrive $0xFFFF  }
0x23: {  	s23 =	simm.s32 $0x0;
	s24 =	simm.s32 $0x0  }
.LBB2_2:
0x24: {  	s24 =	sadd.s32 s11, s23  }
0x25: {  	s24 =	sshll.u32 s24, $0x5  }
0x26: {  	s26 =	simm.s32 $0x0;
	s25 =	sadd.s32 s6, s24  }
0x27: {  	[tilespmem:s16], [sflag:$0x2] =	stream.linear.gather [hbm4b:s25+s26], $0x100, $0x38;
	[tilespmem:$0x1F980] =	vst v63  }
0x28: {  	_ =	swait.ge [sflag:s15], $0x100  }
0x29: {  	[sflag:s15] =	ssyncset.done $0x0  }
0x2a: {  	[sflag:s15] =	ssyncadd.s32 $0xFFFFFF00  }
0x2b: {  	[tilespmem:s18], [sflag:$0x1] =	stream.indirect.gather [hbm4b:s5+s17], $0x80, s16, s17, $0xb8;
	[tilespmem:$0x1F980] =	vst v63  }
0x2c: {  	v0 =	vld [tilespmem:$0xB880]  }
0x2d: {  	v1 =	vld [tilespmem:$0xB800];
	_ =	sdelay $0x3  }
0x2e: {  	v2 =	vadd.s32 $0x2800, v0;
	_ =	sdelay $0x3  }
0x2f: {  	v3 =	vld.idx.msk [tilespmem:v1+s26+$0x0], $0xffff  }
0x30: {  	v2 =	vld.idx.msk [tilespmem:v2+s26+$0x0], $0xffff;
	_ =	sdelay $0x4  }
0x31: {  	v2 =	vadd.f32 v2, v3;
	_ =	sdelay $0x1  }
0x32: {  	v2 =	vadd.f32 v2, v2;
	_ =	sdelay $0x1  }
0x33: {  	v2 =	vmul.f32 $1.442695020e+00, v2;
	_ =	sdelay $0x1  }
0x34: {  	(erf) = vpow2.f32 v2;
	_ =	sdelay $0x8  }
0x35: {  	v2 =	vpop (erf)  }
0x36: {  	v2 =	vadd.f32 $1.000000000e+00, v2;
	_ =	sdelay $0x1  }
0x37: {  	(erf) = vrcp.f32 v2;
	_ =	sdelay $0x3  }
0x38: {  	v1 =	vadd.s32 $0x5000, v1;
	_ =	sdelay $0x1  }
0x39: {  	v0 =	vadd.s32 $0x5000, v0;
	_ =	sdelay $0x1  }
0x3a: {  	v4 =	vld [tilespmem:$0xB810]  }
0x3b: {  	v1 =	vld.idx.msk [tilespmem:v1+s26+$0x0], $0xffff;
	v2 =	vpop (erf)  }
0x3c: {  	v3 =	vld [tilespmem:$0xB890];
	v2 =	vadd.f32 v2, v2  }
0x3d: {  	v0 =	vld.idx.msk [tilespmem:v0+s26+$0x0], $0xffff  }
0x3e: {  	v2 =	vsub.f32 $1.000000000e+00, v2;
	_ =	sdelay $0x1  }
0x3f: {  	v1 =	vmul.f32 v2, v1  }
0x40: {  	v2 =	vadd.s32 $0x2800, v3  }
0x41: {  	v0 =	vmul.f32 v1, v0;
	_ =	sdelay $0x1  }
0x42: {  	[tilespmem:$0xB900] =	vst v0  }
0x43: {  	v0 =	vld.idx.msk [tilespmem:v4+s26+$0x0], $0xffff  }
0x44: {  	v1 =	vld.idx.msk [tilespmem:v2+s26+$0x0], $0xffff;
	_ =	sdelay $0x4  }
0x45: {  	v0 =	vadd.f32 v1, v0;
	_ =	sdelay $0x1  }
0x46: {  	v0 =	vadd.f32 v0, v0;
	_ =	sdelay $0x1  }
0x47: {  	v0 =	vmul.f32 $1.442695020e+00, v0;
	_ =	sdelay $0x1  }
0x48: {  	(erf) = vpow2.f32 v0;
	_ =	sdelay $0x8  }
0x49: {  	v0 =	vpop (erf)  }
0x4a: {  	v0 =	vadd.f32 $1.000000000e+00, v0;
	_ =	sdelay $0x1  }
0x4b: {  	(erf) = vrcp.f32 v0;
	_ =	sdelay $0x3  }
0x4c: {  	v0 =	vadd.s32 $0x5000, v4  }
0x4d: {  	v1 =	vadd.s32 $0x5000, v3;
	_ =	sdelay $0x2  }
0x4e: {  	v3 =	vld [tilespmem:$0xB8A0]  }
0x4f: {  	v0 =	vld.idx.msk [tilespmem:v0+s26+$0x0], $0xffff;
	v2 =	vpop (erf)  }
0x50: {  	v1 =	vld.idx.msk [tilespmem:v1+s26+$0x0], $0xffff;
	v2 =	vadd.f32 v2, v2  }
0x51: {  	v4 =	vld [tilespmem:$0xB820]  }
0x52: {  	v2 =	vsub.f32 $1.000000000e+00, v2;
	_ =	sdelay $0x1  }
0x53: {  	v0 =	vmul.f32 v2, v0  }
0x54: {  	v2 =	vadd.s32 $0x2800, v3  }
0x55: {  	v0 =	vmul.f32 v0, v1;
	_ =	sdelay $0x1  }
0x56: {  	[tilespmem:$0xB910] =	vst v0  }
0x57: {  	v0 =	vld.idx.msk [tilespmem:v4+s26+$0x0], $0xffff  }
0x58: {  	v1 =	vld.idx.msk [tilespmem:v2+s26+$0x0], $0xffff;
	_ =	sdelay $0x4  }
0x59: {  	v0 =	vadd.f32 v1, v0;
	_ =	sdelay $0x1  }
0x5a: {  	v0 =	vadd.f32 v0, v0;
	_ =	sdelay $0x1  }
0x5b: {  	v0 =	vmul.f32 $1.442695020e+00, v0;
	_ =	sdelay $0x1  }
0x5c: {  	(erf) = vpow2.f32 v0;
	_ =	sdelay $0x8  }
0x5d: {  	v0 =	vpop (erf)  }
0x5e: {  	v0 =	vadd.f32 $1.000000000e+00, v0;
	_ =	sdelay $0x1  }
0x5f: {  	(erf) = vrcp.f32 v0;
	_ =	sdelay $0x3  }
0x60: {  	v0 =	vadd.s32 $0x5000, v4  }
0x61: {  	v1 =	vadd.s32 $0x5000, v3;
	_ =	sdelay $0x2  }
0x62: {  	v3 =	vld [tilespmem:$0xB8B0]  }
0x63: {  	v0 =	vld.idx.msk [tilespmem:v0+s26+$0x0], $0xffff;
	v2 =	vpop (erf)  }
0x64: {  	v1 =	vld.idx.msk [tilespmem:v1+s26+$0x0], $0xffff;
	v2 =	vadd.f32 v2, v2  }
0x65: {  	v4 =	vld [tilespmem:$0xB830]  }
0x66: {  	v2 =	vsub.f32 $1.000000000e+00, v2;
	_ =	sdelay $0x1  }
0x67: {  	v0 =	vmul.f32 v2, v0  }
0x68: {  	v2 =	vadd.s32 $0x2800, v3  }
0x69: {  	v0 =	vmul.f32 v0, v1;
	_ =	sdelay $0x1  }
0x6a: {  	[tilespmem:$0xB920] =	vst v0  }
0x6b: {  	v0 =	vld.idx.msk [tilespmem:v4+s26+$0x0], $0xffff  }
0x6c: {  	v1 =	vld.idx.msk [tilespmem:v2+s26+$0x0], $0xffff;
	_ =	sdelay $0x4  }
0x6d: {  	v0 =	vadd.f32 v1, v0;
	_ =	sdelay $0x1  }
0x6e: {  	v0 =	vadd.f32 v0, v0;
	_ =	sdelay $0x1  }
0x6f: {  	v0 =	vmul.f32 $1.442695020e+00, v0;
	_ =	sdelay $0x1  }
0x70: {  	(erf) = vpow2.f32 v0;
	_ =	sdelay $0x8  }
0x71: {  	v0 =	vpop (erf)  }
0x72: {  	v0 =	vadd.f32 $1.000000000e+00, v0;
	_ =	sdelay $0x1  }
0x73: {  	(erf) = vrcp.f32 v0;
	_ =	sdelay $0x3  }
0x74: {  	v0 =	vadd.s32 $0x5000, v4  }
0x75: {  	v1 =	vadd.s32 $0x5000, v3;
	_ =	sdelay $0x2  }
0x76: {  	v3 =	vld [tilespmem:$0xB8C0]  }
0x77: {  	v0 =	vld.idx.msk [tilespmem:v0+s26+$0x0], $0xffff;
	v2 =	vpop (erf)  }
0x78: {  	v1 =	vld.idx.msk [tilespmem:v1+s26+$0x0], $0xffff;
	v2 =	vadd.f32 v2, v2  }
0x79: {  	v4 =	vld [tilespmem:$0xB840]  }
0x7a: {  	v2 =	vsub.f32 $1.000000000e+00, v2;
	_ =	sdelay $0x1  }
0x7b: {  	v0 =	vmul.f32 v2, v0  }
0x7c: {  	v2 =	vadd.s32 $0x2800, v3  }
0x7d: {  	v0 =	vmul.f32 v0, v1;
	_ =	sdelay $0x1  }
0x7e: {  	[tilespmem:$0xB930] =	vst v0  }
0x7f: {  	v0 =	vld.idx.msk [tilespmem:v4+s26+$0x0], $0xffff  }
0x80: {  	v1 =	vld.idx.msk [tilespmem:v2+s26+$0x0], $0xffff;
	_ =	sdelay $0x4  }
0x81: {  	v0 =	vadd.f32 v1, v0;
	_ =	sdelay $0x1  }
0x82: {  	v0 =	vadd.f32 v0, v0;
	_ =	sdelay $0x1  }
0x83: {  	v0 =	vmul.f32 $1.442695020e+00, v0;
	_ =	sdelay $0x1  }
0x84: {  	(erf) = vpow2.f32 v0;
	_ =	sdelay $0x8  }
0x85: {  	v0 =	vpop (erf)  }
0x86: {  	v0 =	vadd.f32 $1.000000000e+00, v0;
	_ =	sdelay $0x1  }
0x87: {  	(erf) = vrcp.f32 v0;
	_ =	sdelay $0x3  }
0x88: {  	v0 =	vadd.s32 $0x5000, v4  }
0x89: {  	v1 =	vadd.s32 $0x5000, v3;
	_ =	sdelay $0x2  }
0x8a: {  	v3 =	vld [tilespmem:$0xB8D0]  }
0x8b: {  	v0 =	vld.idx.msk [tilespmem:v0+s26+$0x0], $0xffff;
	v2 =	vpop (erf)  }
0x8c: {  	v1 =	vld.idx.msk [tilespmem:v1+s26+$0x0], $0xffff;
	v2 =	vadd.f32 v2, v2  }
0x8d: {  	v4 =	vld [tilespmem:$0xB850]  }
0x8e: {  	v2 =	vsub.f32 $1.000000000e+00, v2;
	_ =	sdelay $0x1  }
0x8f: {  	v0 =	vmul.f32 v2, v0  }
0x90: {  	v2 =	vadd.s32 $0x2800, v3  }
0x91: {  	v0 =	vmul.f32 v0, v1;
	_ =	sdelay $0x1  }
0x92: {  	[tilespmem:$0xB940] =	vst v0  }
0x93: {  	v0 =	vld.idx.msk [tilespmem:v4+s26+$0x0], $0xffff  }
0x94: {  	v1 =	vld.idx.msk [tilespmem:v2+s26+$0x0], $0xffff;
	_ =	sdelay $0x4  }
0x95: {  	v0 =	vadd.f32 v1, v0;
	_ =	sdelay $0x1  }
0x96: {  	v0 =	vadd.f32 v0, v0;
	_ =	sdelay $0x1  }
0x97: {  	v0 =	vmul.f32 $1.442695020e+00, v0;
	_ =	sdelay $0x1  }
0x98: {  	(erf) = vpow2.f32 v0;
	_ =	sdelay $0x8  }
0x99: {  	v0 =	vpop (erf)  }
0x9a: {  	v0 =	vadd.f32 $1.000000000e+00, v0;
	_ =	sdelay $0x1  }
0x9b: {  	(erf) = vrcp.f32 v0;
	_ =	sdelay $0x3  }
0x9c: {  	v0 =	vadd.s32 $0x5000, v4  }
0x9d: {  	v1 =	vadd.s32 $0x5000, v3;
	_ =	sdelay $0x2  }
0x9e: {  	v3 =	vld [tilespmem:$0xB8E0]  }
0x9f: {  	v0 =	vld.idx.msk [tilespmem:v0+s26+$0x0], $0xffff;
	v2 =	vpop (erf)  }
0xa0: {  	v1 =	vld.idx.msk [tilespmem:v1+s26+$0x0], $0xffff;
	v2 =	vadd.f32 v2, v2  }
0xa1: {  	v4 =	vld [tilespmem:$0xB860]  }
0xa2: {  	v2 =	vsub.f32 $1.000000000e+00, v2;
	_ =	sdelay $0x1  }
0xa3: {  	v0 =	vmul.f32 v2, v0  }
0xa4: {  	v2 =	vadd.s32 $0x2800, v3  }
0xa5: {  	v0 =	vmul.f32 v0, v1;
	_ =	sdelay $0x1  }
0xa6: {  	[tilespmem:$0xB950] =	vst v0  }
0xa7: {  	v0 =	vld.idx.msk [tilespmem:v4+s26+$0x0], $0xffff  }
0xa8: {  	v1 =	vld.idx.msk [tilespmem:v2+s26+$0x0], $0xffff;
	_ =	sdelay $0x4  }
0xa9: {  	v0 =	vadd.f32 v1, v0;
	_ =	sdelay $0x1  }
0xaa: {  	v0 =	vadd.f32 v0, v0;
	_ =	sdelay $0x1  }
0xab: {  	v0 =	vmul.f32 $1.442695020e+00, v0;
	_ =	sdelay $0x1  }
0xac: {  	(erf) = vpow2.f32 v0;
	_ =	sdelay $0x8  }
0xad: {  	v0 =	vpop (erf)  }
0xae: {  	v0 =	vadd.f32 $1.000000000e+00, v0;
	_ =	sdelay $0x1  }
0xaf: {  	(erf) = vrcp.f32 v0;
	_ =	sdelay $0x3  }
0xb0: {  	v0 =	vadd.s32 $0x5000, v4  }
0xb1: {  	v1 =	vadd.s32 $0x5000, v3;
	_ =	sdelay $0x2  }
0xb2: {  	v3 =	vld [tilespmem:$0xB8F0]  }
0xb3: {  	v0 =	vld.idx.msk [tilespmem:v0+s26+$0x0], $0xffff;
	v2 =	vpop (erf)  }
0xb4: {  	v1 =	vld.idx.msk [tilespmem:v1+s26+$0x0], $0xffff;
	v2 =	vadd.f32 v2, v2  }
0xb5: {  	v4 =	vld [tilespmem:$0xB870]  }
0xb6: {  	v2 =	vsub.f32 $1.000000000e+00, v2;
	_ =	sdelay $0x1  }
0xb7: {  	v0 =	vmul.f32 v2, v0  }
0xb8: {  	v2 =	vadd.s32 $0x2800, v3  }
0xb9: {  	v0 =	vmul.f32 v0, v1;
	_ =	sdelay $0x1  }
0xba: {  	[tilespmem:$0xB960] =	vst v0  }
0xbb: {  	v0 =	vld.idx.msk [tilespmem:v4+s26+$0x0], $0xffff  }
0xbc: {  	v1 =	vld.idx.msk [tilespmem:v2+s26+$0x0], $0xffff;
	_ =	sdelay $0x4  }
0xbd: {  	v0 =	vadd.f32 v1, v0;
	_ =	sdelay $0x1  }
0xbe: {  	v0 =	vadd.f32 v0, v0;
	_ =	sdelay $0x1  }
0xbf: {  	v0 =	vmul.f32 $1.442695020e+00, v0;
	_ =	sdelay $0x1  }
0xc0: {  	(erf) = vpow2.f32 v0;
	_ =	sdelay $0x8  }
0xc1: {  	v0 =	vpop (erf)  }
0xc2: {  	v0 =	vadd.f32 $1.000000000e+00, v0;
	_ =	sdelay $0x1  }
0xc3: {  	(erf) = vrcp.f32 v0;
	_ =	sdelay $0x3  }
0xc4: {  	v0 =	vadd.s32 $0x5000, v4;
	_ =	sdelay $0x1  }
0xc5: {  	v1 =	vadd.s32 $0x5000, v3;
	_ =	sdelay $0x2  }
0xc6: {  	v0 =	vld.idx.msk [tilespmem:v0+s26+$0x0], $0xffff;
	v2 =	vpop (erf)  }
0xc7: {  	v2 =	vadd.f32 v2, v2  }
0xc8: {  	v1 =	vld.idx.msk [tilespmem:v1+s26+$0x0], $0xffff  }
0xc9: {  	v2 =	vsub.f32 $1.000000000e+00, v2;
	_ =	sdelay $0x1  }
0xca: {  	v0 =	vmul.f32 v2, v0;
	v2 =	vmov s26  }
0xcb: {  	v2 =	vand.u32 $0xFFFFFFF8, v2  }
0xcc: {  	v0 =	vmul.f32 v0, v1;
	v1 =	vbroadcast v2, $0x0;
	_ =	sdelay $0x1  }
0xcd: {  	[tilespmem:$0xB970] =	vst v0  }
0xce: {  	_ =	swait.ge [sflag:s19], $0x4000  }
0xcf: {  	[sflag:s19] =	ssyncset.done $0x0  }
0xd0: {  	s28 =	simm.s32 $0x6;
	[sflag:s19] =	ssyncadd.s32 $0xFFFFC000  }
0xd1: {  	s24 =	simm.s32 $0x7A00;
	v3 =	vmov s28;
	v0 =	vld.idx.msk [tilespmem:v1+s20+$0x0], $0xffff  }
0xd2: {  	v2 =	vand.u32 $0xFFFFFFFE, v3;
	v3 =	vld [tilespmem:s24+$0x170]  }
0xd3: {  	v2 =	vbroadcast v2, $0x0;
	v4 =	vld [tilespmem:s24+$0xFFFFFE00]  }
0xd4: {  	v5 =	vld [tilespmem:s24+$0xFFFFFE10]  }
0xd5: {  	v6 =	vld [tilespmem:s24+$0xFFFFFE20]  }
0xd6: {  	v7 =	vld [tilespmem:s24+$0xFFFFFE30]  }
0xd7: {  	v8 =	vld [tilespmem:s24+$0xFFFFFE40]  }
0xd8: {  	s29 =	simm.s32 $0x1;
	v9 =	vld [tilespmem:s24+$0xFFFFFE50]  }
0xd9: {  	v1 =	vld.idx.msk [tilespmem:v2+s20+$0x0], $0xffff;
	v2 =	vmov s29  }
0xda: {  	v10 =	vld [tilespmem:s24+$0xFFFFFE60];
	v2 =	vand.u32 $0xFFFFFFF9, v2  }
0xdb: {  	v11 =	vld [tilespmem:s24+$0xFFFFFE70];
	v2 =	vbroadcast v2, $0x0  }
0xdc: {  	v12 =	vld [tilespmem:s24+$0xFFFFFE80]  }
0xdd: {  	v13 =	vld [tilespmem:s24+$0xFFFFFE90];
	v4 =	vmul.f32 v4, v0  }
0xde: {  	v14 =	vld [tilespmem:s24+$0xFFFFFEA0];
	v7 =	vmul.f32 v7, v0  }
0xdf: {  	v15 =	vld [tilespmem:s24+$0xFFFFFEB0];
	v5 =	vmul.f32 v5, v0;
	[tilespmem:s24+$0xFFFFFE00] =	vst v4  }
0xe0: {  	s30 =	simm.s32 $0x2;
	v8 =	vmul.f32 v8, v0;
	[tilespmem:s24+$0xFFFFFE30] =	vst v7;
	v7 =	vmul.f32 v9, v0;
	v9 =	vld [tilespmem:s24+$0xFFFFFEF0]  }
0xe1: {  	v3 =	vmul.f32 v3, v1;
	v4 =	vmov s30;
	[tilespmem:s24+$0xFFFFFE10] =	vst v5;
	v2 =	vld.idx.msk [tilespmem:v2+s20+$0x0], $0xffff  }
0xe2: {  	[tilespmem:s24+$0xFFFFFE40] =	vst v8;
	v8 =	vmul.f32 v10, v0;
	v10 =	vld [tilespmem:s24+$0xFFFFFF00];
	v4 =	vand.u32 $0xFFFFFFFA, v4  }
0xe3: {  	[tilespmem:s24+$0x170] =	vst v3;
	v3 =	vmul.f32 v6, v0;
	v6 =	vld [tilespmem:s24+$0xFFFFFEC0];
	v4 =	vbroadcast v4, $0x0  }
0xe4: {  	v0 =	vmul.f32 v11, v0;
	v11 =	vld [tilespmem:s24+$0xFFFFFF20];
	[tilespmem:s24+$0xFFFFFE50] =	vst v7  }
0xe5: {  	v7 =	vld [tilespmem:s24+$0xFFFFFF10];
	[tilespmem:s24+$0xFFFFFE60] =	vst v8  }
0xe6: {  	[tilespmem:s24+$0xFFFFFE20] =	vst v3;
	v3 =	vld [tilespmem:s24+$0xFFFFFEE0];
	v5 =	vmul.f32 v12, v2  }
0xe7: {  	[tilespmem:s24+$0xFFFFFE70] =	vst v0;
	v12 =	vld [tilespmem:s24+$0xFFFFFED0];
	v8 =	vmul.f32 v13, v2  }
0xe8: {  	s31 =	simm.s32 $0x3;
	v0 =	vmul.f32 v14, v2;
	v13 =	vld [tilespmem:s24+$0xFFFFFF30];
	[tilespmem:s24+$0xFFFFFE80] =	vst v5  }
0xe9: {  	v6 =	vmul.f32 v6, v2;
	v4 =	vld.idx.msk [tilespmem:v4+s20+$0x0], $0xffff;
	v5 =	vmov s31;
	[tilespmem:s24+$0xFFFFFE90] =	vst v8  }
0xea: {  	v14 =	vld [tilespmem:s24+$0xFFFFFF40];
	v8 =	vmul.f32 v15, v2;
	[tilespmem:s24+$0xFFFFFEA0] =	vst v0;
	v5 =	vand.u32 $0xFFFFFFFB, v5  }
0xeb: {  	v3 =	vmul.f32 v3, v2;
	[tilespmem:s24+$0xFFFFFEC0] =	vst v6;
	v6 =	vld [tilespmem:s24+$0xFFFFFF70];
	v5 =	vbroadcast v5, $0x0  }
0xec: {  	[tilespmem:s24+$0xFFFFFEB0] =	vst v8;
	v8 =	vld [tilespmem:s24+$0xFFFFFF60];
	v12 =	vmul.f32 v12, v2  }
0xed: {  	[tilespmem:s24+$0xFFFFFEE0] =	vst v3;
	v2 =	vmul.f32 v9, v2;
	v9 =	vld [tilespmem:s24+$0xFFFFFF80]  }
0xee: {  	v0 =	vmul.f32 v10, v4;
	v10 =	vld [tilespmem:s24+$0xFFFFFF50];
	[tilespmem:s24+$0xFFFFFED0] =	vst v12  }
0xef: {  	v3 =	vmul.f32 v7, v4;
	v7 =	vld [tilespmem:s24+$0xFFFFFF90];
	[tilespmem:s24+$0xFFFFFEF0] =	vst v2  }
0xf0: {  	s26 =	simm.s32 $0x4;
	v2 =	vmul.f32 v11, v4;
	v11 =	vld [tilespmem:s24+$0xFFFFFFA0];
	[tilespmem:s24+$0xFFFFFF00] =	vst v0  }
0xf1: {  	v0 =	vmov s26;
	[tilespmem:s24+$0xFFFFFF10] =	vst v3;
	v3 =	vmul.f32 v13, v4;
	v5 =	vld.idx.msk [tilespmem:v5+s20+$0x0], $0xffff  }
0xf2: {  	v12 =	vld [tilespmem:s24+$0xFFFFFFB0];
	v0 =	vand.u32 $0xFFFFFFFC, v0;
	[tilespmem:s24+$0xFFFFFF20] =	vst v2;
	v2 =	vmul.f32 v14, v4  }
0xf3: {  	v13 =	vld [tilespmem:s24+$0xFFFFFFC0];
	v8 =	vmul.f32 v8, v4;
	v0 =	vbroadcast v0, $0x0;
	[tilespmem:s24+$0xFFFFFF30] =	vst v3  }
0xf4: {  	v10 =	vmul.f32 v10, v4;
	[tilespmem:s24+$0xFFFFFF40] =	vst v2;
	v2 =	vld [tilespmem:s24+$0xFFFFFFE0]  }
0xf5: {  	v4 =	vmul.f32 v6, v4;
	v6 =	vld [tilespmem:s24+$0xFFFFFFF0];
	[tilespmem:s24+$0xFFFFFF60] =	vst v8  }
0xf6: {  	v8 =	vld [tilespmem:s24+$0x0];
	[tilespmem:s24+$0xFFFFFF50] =	vst v10;
	v3 =	vmul.f32 v9, v5  }
0xf7: {  	[tilespmem:s24+$0xFFFFFF70] =	vst v4;
	v9 =	vld [tilespmem:s24+$0xFFFFFFD0];
	v7 =	vmul.f32 v7, v5  }
0xf8: {  	v10 =	vld [tilespmem:s24+$0x10];
	v4 =	vmul.f32 v11, v5;
	[tilespmem:s24+$0xFFFFFF80] =	vst v3  }
0xf9: {  	s28 =	simm.s32 $0x5;
	v0 =	vld.idx.msk [tilespmem:v0+s20+$0x0], $0xffff;
	v2 =	vmul.f32 v2, v5;
	[tilespmem:s24+$0xFFFFFF90] =	vst v7  }
0xfa: {  	v11 =	vld [tilespmem:s24+$0x20];
	v3 =	vmov s28;
	v7 =	vmul.f32 v12, v5;
	[tilespmem:s24+$0xFFFFFFA0] =	vst v4  }
0xfb: {  	v4 =	vmul.f32 v13, v5;
	v12 =	vld [tilespmem:s24+$0x30];
	v3 =	vand.u32 $0xFFFFFFFD, v3;
	[tilespmem:s24+$0xFFFFFFE0] =	vst v2  }
0xfc: {  	v3 =	vbroadcast v3, $0x0;
	[tilespmem:s24+$0xFFFFFFB0] =	vst v7;
	v7 =	vmul.f32 v9, v5;
	v9 =	vld [tilespmem:s24+$0x40]  }
0xfd: {  	[tilespmem:s24+$0xFFFFFFC0] =	vst v4;
	v5 =	vmul.f32 v6, v5;
	v6 =	vld [tilespmem:s24+$0x80]  }
0xfe: {  	v4 =	vmul.f32 v8, v0;
	v8 =	vld [tilespmem:s24+$0x50];
	[tilespmem:s24+$0xFFFFFFD0] =	vst v7  }
0xff: {  	v2 =	vmul.f32 v10, v0;
	v7 =	vld [tilespmem:s24+$0x60];
	[tilespmem:s24+$0xFFFFFFF0] =	vst v5  }
0x100: {  	v10 =	vld [tilespmem:s24+$0x90];
	v5 =	vmul.f32 v11, v0;
	[tilespmem:s24+$0x0] =	vst v4  }
0x101: {  	v4 =	vld [tilespmem:s24+$0x70];
	[tilespmem:s24+$0x10] =	vst v2;
	v2 =	vmul.f32 v12, v0  }
0x102: {  	[tilespmem:s24+$0x20] =	vst v5;
	v3 =	vld.idx.msk [tilespmem:v3+s20+$0x0], $0xffff;
	v5 =	vmul.f32 v9, v0  }
0x103: {  	v9 =	vld [tilespmem:s24+$0xA0];
	[tilespmem:s24+$0x30] =	vst v2  }
0x104: {  	v2 =	vmul.f32 v8, v0;
	v8 =	vld [tilespmem:s24+$0xB0];
	[tilespmem:s24+$0x40] =	vst v5;
	v5 =	vmul.f32 v7, v0  }
0x105: {  	v7 =	vld [tilespmem:s24+$0xC0]  }
0x106: {  	v4 =	vmul.f32 v4, v0;
	[tilespmem:s24+$0x60] =	vst v5;
	v5 =	vld [tilespmem:s24+$0xE0]  }
0x107: {  	[tilespmem:s24+$0x50] =	vst v2;
	v2 =	vmul.f32 v6, v3;
	v6 =	vld [tilespmem:s24+$0xD0]  }
0x108: {  	v10 =	vmul.f32 v10, v3;
	[tilespmem:s24+$0x70] =	vst v4;
	v4 =	vld [tilespmem:s24+$0xF0]  }
0x109: {  	[tilespmem:s24+$0x80] =	vst v2;
	v2 =	vmul.f32 v9, v3;
	v9 =	vld [tilespmem:s24+$0x100]  }
0x10a: {  	v8 =	vmul.f32 v8, v3;
	[tilespmem:s24+$0x90] =	vst v10;
	v10 =	vld [tilespmem:s24+$0x150]  }
0x10b: {  	s29 =	simm.s32 $0x7;
	[tilespmem:s24+$0xA0] =	vst v2;
	v2 =	vmul.f32 v7, v3;
	v7 =	vld [tilespmem:s24+$0x110]  }
0x10c: {  	v13 =	vld [tilespmem:s24+$0x180];
	v11 =	vmov s29;
	[tilespmem:s24+$0xB0] =	vst v8;
	v6 =	vmul.f32 v6, v3  }
0x10d: {  	v8 =	vld [tilespmem:s24+$0x120];
	[tilespmem:s24+$0xC0] =	vst v2;
	v2 =	vmul.f32 v5, v3  }
0x10e: {  	s28 =	simm.s32 $0xA;
	v5 =	vld [tilespmem:s24+$0x130];
	v3 =	vmul.f32 v4, v3;
	[tilespmem:s24+$0xD0] =	vst v6  }
0x10f: {  	s30 =	simm.s32 $0x8;
	v12 =	vmov s28;
	v4 =	vld [tilespmem:s24+$0x140];
	v9 =	vmul.f32 v9, v1;
	[tilespmem:s24+$0xE0] =	vst v2  }
0x110: {  	s31 =	simm.s32 $0xF;
	s26 =	simm.s32 $0x9;
	v6 =	vmov s30;
	v10 =	vmul.f32 v10, v1;
	[tilespmem:s24+$0xF0] =	vst v3;
	v3 =	vmul.f32 v7, v1;
	v7 =	vld [tilespmem:s24+$0x160]  }
0x111: {  	s29 =	simm.s32 $0xB;
	v0 =	vld.idx.msk [tilespmem:v11+s20+$0x0], $0xffff;
	v11 =	vmov s26;
	s30 =	simm.s32 $0xC;
	v6 =	vand.u32 $0xFFFFFFF8, v6;
	v2 =	vmov s31;
	[tilespmem:s24+$0x100] =	vst v9  }
0x112: {  	v16 =	vld [tilespmem:s24+$0x190];
	v8 =	vmul.f32 v8, v1;
	v14 =	vmov s30;
	s31 =	simm.s32 $0xD;
	v9 =	vmov s29;
	[tilespmem:s24+$0x150] =	vst v10  }
0x113: {  	v17 =	vmov s31;
	[tilespmem:s24+$0x110] =	vst v3;
	v15 =	vmul.f32 v5, v1;
	v3 =	vbroadcast v6, $0x0;
	v5 =	vld [tilespmem:s24+$0x1A0]  }
0x114: {  	[tilespmem:s24+$0x120] =	vst v8;
	v8 =	vmul.f32 v4, v1;
	v4 =	vand.u32 $0xFFFFFFF9, v11;
	v11 =	vand.u32 $0xFFFFFFFA, v12;
	v6 =	vld [tilespmem:s24+$0x1B0]  }
0x115: {  	v12 =	vand.u32 $0xFFFFFFFB, v9;
	v4 =	vbroadcast v4, $0x0;
	[tilespmem:s24+$0x130] =	vst v15;
	v15 =	vmul.f32 v7, v1;
	v7 =	vld [tilespmem:s24+$0x1C0]  }
0x116: {  	v9 =	vbroadcast v11, $0x0;
	[tilespmem:s24+$0x140] =	vst v8;
	v8 =	vld [tilespmem:s24+$0x1D0];
	v1 =	vand.u32 $0xFFFFFFFC, v14;
	v14 =	vmul.f32 v13, v0  }
0x117: {  	s25 =	simm.s32 $0x10;
	s26 =	simm.s32 $0xE;
	v10 =	vld [tilespmem:s24+$0x1E0];
	v11 =	vbroadcast v12, $0x0;
	v12 =	vmul.f32 v16, v0;
	v13 =	vand.u32 $0xFFFFFFFD, v17;
	[tilespmem:s24+$0x160] =	vst v15  }
.LBB2_3:
0x118: {  	p1 =	slt.u32 s25, $0x78;
	v1 =	vbroadcast v1, $0x0;
	v15 =	vmov s26;
	[tilespmem:s24+$0x180] =	vst v14;
	v5 =	vmul.f32 v5, v0;
	v14 =	vld [tilespmem:s24+$0x1F0]  }
0x119: {  	v13 =	vbroadcast v13, $0x0;
	v15 =	vand.u32 $0xFFFFFFFE, v15;
	v16 =	vld.idx.msk [tilespmem:v2+s20+$0x0], $0xffff;
	[tilespmem:s24+$0x190] =	vst v12;
	v2 =	vmul.f32 v6, v0  }
0x11a: {  	v6 =	vld.idx.msk [tilespmem:v3+s20+$0x0], $0xffff;
	v12 =	vbroadcast v15, $0x0;
	[tilespmem:s24+$0x1A0] =	vst v5;
	v3 =	vmul.f32 v7, v0  }
0x11b: {  	v5 =	vld.idx.msk [tilespmem:v4+s20+$0x0], $0xffff;
	[tilespmem:s24+$0x1B0] =	vst v2;
	v2 =	vmul.f32 v8, v0  }
0x11c: {  	v7 =	vld.idx.msk [tilespmem:v9+s20+$0x0], $0xffff;
	[tilespmem:s24+$0x1C0] =	vst v3;
	v8 =	vmul.f32 v10, v0  }
0x11d: {  	v4 =	vld.idx.msk [tilespmem:v11+s20+$0x0], $0xffff;
	[tilespmem:s24+$0x1D0] =	vst v2;
	v9 =	vmul.f32 v14, v0  }
0x11e: {  	v3 =	vld.idx.msk [tilespmem:v1+s20+$0x0], $0xffff;
	[tilespmem:s24+$0x1E0] =	vst v8  }
0x11f: {  	v0 =	vmov v16;
	v2 =	vld.idx.msk [tilespmem:v13+s20+$0x0], $0xffff;
	[tilespmem:s24+$0x1F0] =	vst v9  }
0x120: {  	s24 =	sadd.s32 $0x400, s24;
	v1 =	vld.idx.msk [tilespmem:v12+s20+$0x0], $0xffff  }
0x121: {  	v8 =	vld [tilespmem:s24+$0x170]  }
0x122: {  	v9 =	vld [tilespmem:s24+$0xFFFFFE00]  }
0x123: {  	v10 =	vld [tilespmem:s24+$0xFFFFFE10]  }
0x124: {  	v11 =	vld [tilespmem:s24+$0xFFFFFE20]  }
0x125: {  	v12 =	vld [tilespmem:s24+$0xFFFFFE30]  }
0x126: {  	v13 =	vld [tilespmem:s24+$0xFFFFFE40];
	v8 =	vmul.f32 v8, v1  }
0x127: {  	v9 =	vmul.f32 v9, v6;
	v14 =	vld [tilespmem:s24+$0xFFFFFE50]  }
0x128: {  	v10 =	vmul.f32 v10, v6;
	v15 =	vld [tilespmem:s24+$0xFFFFFE60];
	[tilespmem:s24+$0x170] =	vst v8  }
0x129: {  	[tilespmem:s24+$0xFFFFFE00] =	vst v9;
	v8 =	vmul.f32 v11, v6;
	v9 =	vld [tilespmem:s24+$0xFFFFFE70]  }
0x12a: {  	[tilespmem:s24+$0xFFFFFE10] =	vst v10;
	v10 =	vmul.f32 v12, v6;
	v11 =	vld [tilespmem:s24+$0xFFFFFE80]  }
0x12b: {  	[tilespmem:s24+$0xFFFFFE20] =	vst v8;
	v8 =	vmul.f32 v13, v6;
	v12 =	vld [tilespmem:s24+$0xFFFFFE90]  }
0x12c: {  	[tilespmem:s24+$0xFFFFFE30] =	vst v10;
	v10 =	vmul.f32 v14, v6;
	v13 =	vld [tilespmem:s24+$0xFFFFFEA0]  }
0x12d: {  	[tilespmem:s24+$0xFFFFFE40] =	vst v8;
	v8 =	vmul.f32 v15, v6;
	v14 =	vld [tilespmem:s24+$0xFFFFFEB0]  }
0x12e: {  	[tilespmem:s24+$0xFFFFFE50] =	vst v10;
	v6 =	vmul.f32 v9, v6;
	v9 =	vld [tilespmem:s24+$0xFFFFFEC0]  }
0x12f: {  	[tilespmem:s24+$0xFFFFFE60] =	vst v8;
	v8 =	vmul.f32 v11, v5;
	v10 =	vld [tilespmem:s24+$0xFFFFFED0]  }
0x130: {  	[tilespmem:s24+$0xFFFFFE70] =	vst v6;
	v6 =	vmul.f32 v12, v5;
	v11 =	vld [tilespmem:s24+$0xFFFFFEE0]  }
0x131: {  	[tilespmem:s24+$0xFFFFFE80] =	vst v8;
	v8 =	vmul.f32 v13, v5;
	v12 =	vld [tilespmem:s24+$0xFFFFFEF0]  }
0x132: {  	[tilespmem:s24+$0xFFFFFE90] =	vst v6;
	v6 =	vmul.f32 v14, v5;
	v13 =	vld [tilespmem:s24+$0xFFFFFF00]  }
0x133: {  	[tilespmem:s24+$0xFFFFFEA0] =	vst v8;
	v8 =	vmul.f32 v9, v5;
	v9 =	vld [tilespmem:s24+$0xFFFFFF10]  }
0x134: {  	[tilespmem:s24+$0xFFFFFEB0] =	vst v6;
	v6 =	vmul.f32 v10, v5;
	v10 =	vld [tilespmem:s24+$0xFFFFFF20]  }
0x135: {  	[tilespmem:s24+$0xFFFFFEC0] =	vst v8;
	v8 =	vmul.f32 v11, v5;
	v11 =	vld [tilespmem:s24+$0xFFFFFF30]  }
0x136: {  	[tilespmem:s24+$0xFFFFFED0] =	vst v6;
	v5 =	vmul.f32 v12, v5;
	v6 =	vld [tilespmem:s24+$0xFFFFFF40]  }
0x137: {  	[tilespmem:s24+$0xFFFFFEE0] =	vst v8;
	v8 =	vmul.f32 v13, v7;
	v12 =	vld [tilespmem:s24+$0xFFFFFF50]  }
0x138: {  	[tilespmem:s24+$0xFFFFFEF0] =	vst v5;
	v5 =	vmul.f32 v9, v7;
	v9 =	vld [tilespmem:s24+$0xFFFFFF60]  }
0x139: {  	[tilespmem:s24+$0xFFFFFF00] =	vst v8;
	v8 =	vmul.f32 v10, v7;
	v10 =	vld [tilespmem:s24+$0xFFFFFF70]  }
0x13a: {  	[tilespmem:s24+$0xFFFFFF10] =	vst v5;
	v5 =	vmul.f32 v11, v7;
	v11 =	vld [tilespmem:s24+$0xFFFFFF80]  }
0x13b: {  	[tilespmem:s24+$0xFFFFFF20] =	vst v8;
	v6 =	vmul.f32 v6, v7;
	v8 =	vld [tilespmem:s24+$0xFFFFFF90]  }
0x13c: {  	[tilespmem:s24+$0xFFFFFF30] =	vst v5;
	v5 =	vmul.f32 v12, v7;
	v12 =	vld [tilespmem:s24+$0xFFFFFFA0]  }
0x13d: {  	[tilespmem:s24+$0xFFFFFF40] =	vst v6;
	v6 =	vmul.f32 v9, v7;
	v9 =	vld [tilespmem:s24+$0xFFFFFFB0]  }
0x13e: {  	[tilespmem:s24+$0xFFFFFF50] =	vst v5;
	v5 =	vmul.f32 v10, v7;
	v7 =	vld [tilespmem:s24+$0xFFFFFFC0]  }
0x13f: {  	[tilespmem:s24+$0xFFFFFF60] =	vst v6;
	v6 =	vmul.f32 v11, v4;
	v10 =	vld [tilespmem:s24+$0xFFFFFFD0]  }
0x140: {  	[tilespmem:s24+$0xFFFFFF70] =	vst v5;
	v5 =	vmul.f32 v8, v4;
	v8 =	vld [tilespmem:s24+$0xFFFFFFE0]  }
0x141: {  	[tilespmem:s24+$0xFFFFFF80] =	vst v6;
	v6 =	vmul.f32 v12, v4;
	v11 =	vld [tilespmem:s24+$0xFFFFFFF0]  }
0x142: {  	[tilespmem:s24+$0xFFFFFF90] =	vst v5;
	v5 =	vmul.f32 v9, v4;
	v9 =	vld [tilespmem:s24+$0x0]  }
0x143: {  	[tilespmem:s24+$0xFFFFFFA0] =	vst v6;
	v6 =	vmul.f32 v7, v4;
	v7 =	vld [tilespmem:s24+$0x10]  }
0x144: {  	[tilespmem:s24+$0xFFFFFFB0] =	vst v5;
	v5 =	vmul.f32 v10, v4;
	v10 =	vld [tilespmem:s24+$0x20]  }
0x145: {  	[tilespmem:s24+$0xFFFFFFC0] =	vst v6;
	v6 =	vmul.f32 v8, v4;
	v8 =	vld [tilespmem:s24+$0x30]  }
0x146: {  	[tilespmem:s24+$0xFFFFFFD0] =	vst v5;
	v4 =	vmul.f32 v11, v4;
	v5 =	vld [tilespmem:s24+$0x40]  }
0x147: {  	[tilespmem:s24+$0xFFFFFFE0] =	vst v6;
	v6 =	vmul.f32 v9, v3;
	v9 =	vld [tilespmem:s24+$0x50]  }
0x148: {  	[tilespmem:s24+$0xFFFFFFF0] =	vst v4;
	v4 =	vmul.f32 v7, v3;
	v7 =	vld [tilespmem:s24+$0x60]  }
0x149: {  	[tilespmem:s24+$0x0] =	vst v6;
	v6 =	vmul.f32 v10, v3;
	v10 =	vld [tilespmem:s24+$0x70]  }
0x14a: {  	[tilespmem:s24+$0x10] =	vst v4;
	v4 =	vmul.f32 v8, v3;
	v8 =	vld [tilespmem:s24+$0x80]  }
0x14b: {  	[tilespmem:s24+$0x20] =	vst v6;
	v5 =	vmul.f32 v5, v3;
	v6 =	vld [tilespmem:s24+$0x90]  }
0x14c: {  	[tilespmem:s24+$0x30] =	vst v4;
	v4 =	vmul.f32 v9, v3;
	v9 =	vld [tilespmem:s24+$0xA0]  }
0x14d: {  	[tilespmem:s24+$0x40] =	vst v5;
	v5 =	vmul.f32 v7, v3;
	v7 =	vld [tilespmem:s24+$0xB0]  }
0x14e: {  	[tilespmem:s24+$0x50] =	vst v4;
	v3 =	vmul.f32 v10, v3;
	v4 =	vld [tilespmem:s24+$0xC0]  }
0x14f: {  	[tilespmem:s24+$0x60] =	vst v5;
	v5 =	vmul.f32 v8, v2;
	v8 =	vld [tilespmem:s24+$0xD0]  }
0x150: {  	[tilespmem:s24+$0x70] =	vst v3;
	v3 =	vmul.f32 v6, v2;
	v6 =	vld [tilespmem:s24+$0xE0]  }
0x151: {  	[tilespmem:s24+$0x80] =	vst v5;
	v5 =	vmul.f32 v9, v2;
	v9 =	vld [tilespmem:s24+$0xF0]  }
0x152: {  	[tilespmem:s24+$0x90] =	vst v3;
	v3 =	vmul.f32 v7, v2;
	v7 =	vld [tilespmem:s24+$0x100]  }
0x153: {  	[tilespmem:s24+$0xA0] =	vst v5;
	v4 =	vmul.f32 v4, v2;
	v5 =	vld [tilespmem:s24+$0x110]  }
0x154: {  	[tilespmem:s24+$0xB0] =	vst v3;
	v3 =	vmul.f32 v8, v2;
	v8 =	vld [tilespmem:s24+$0x120]  }
0x155: {  	[tilespmem:s24+$0xC0] =	vst v4;
	v4 =	vmul.f32 v6, v2;
	v6 =	vld [tilespmem:s24+$0x130]  }
0x156: {  	[tilespmem:s24+$0xD0] =	vst v3;
	v3 =	vmul.f32 v9, v2;
	v9 =	vld [tilespmem:s24+$0x140]  }
0x157: {  	s26 =	sadd.s32 $0x7, s25;
	v2 =	vmov s25;
	[tilespmem:s24+$0xE0] =	vst v4;
	v4 =	vmul.f32 v7, v1;
	v7 =	vld [tilespmem:s24+$0x150]  }
0x158: {  	s28 =	sadd.s32 $0x1, s25;
	s29 =	sadd.s32 $0x2, s25;
	v10 =	vand.u32 $0xFFFFFFF8, v2;
	v2 =	vmov s26;
	[tilespmem:s24+$0xF0] =	vst v3;
	v3 =	vmul.f32 v5, v1;
	v11 =	vld [tilespmem:s24+$0x160]  }
0x159: {  	v13 =	vmov s29;
	v12 =	vmov s28;
	s28 =	sadd.s32 $0x4, s25;
	s26 =	sadd.s32 $0x3, s25;
	[tilespmem:s24+$0x100] =	vst v4;
	v4 =	vmul.f32 v8, v1;
	v8 =	vld [tilespmem:s24+$0x180]  }
0x15a: {  	v15 =	vmov s28;
	v14 =	vmov s26;
	s26 =	sadd.s32 $0x5, s25;
	[tilespmem:s24+$0x110] =	vst v3;
	v6 =	vmul.f32 v6, v1;
	v16 =	vld [tilespmem:s24+$0x190]  }
.Ltmp3:
0x15b: {  	v3 =	vbroadcast v10, $0x0;
	v10 =	vmov s26;
	[tilespmem:s24+$0x120] =	vst v4;
	v9 =	vmul.f32 v9, v1;
	v5 =	vld [tilespmem:s24+$0x1A0];
	(pc) =	sbr.rel @p1 .LBB2_3-.Ltmp3, $4  }
0x15c: {  	v4 =	vand.u32 $0xFFFFFFF9, v12;
	v12 =	vand.u32 $0xFFFFFFFA, v13;
	[tilespmem:s24+$0x130] =	vst v6;
	v13 =	vmul.f32 v7, v1;
	v6 =	vld [tilespmem:s24+$0x1B0]  }
0x15d: {  	v17 =	vand.u32 $0xFFFFFFFB, v14;
	v4 =	vbroadcast v4, $0x0;
	[tilespmem:s24+$0x140] =	vst v9;
	v18 =	vmul.f32 v11, v1;
	v7 =	vld [tilespmem:s24+$0x1C0]  }
0x15e: {  	v9 =	vbroadcast v12, $0x0;
	v1 =	vand.u32 $0xFFFFFFFC, v15;
	[tilespmem:s24+$0x150] =	vst v13;
	v14 =	vmul.f32 v8, v0;
	v8 =	vld [tilespmem:s24+$0x1D0]  }
0x15f: {  	s26 =	sadd.s32 $0x6, s25;
	s25 =	sadd.s32 $0x8, s25;
	v11 =	vbroadcast v17, $0x0;
	v13 =	vand.u32 $0xFFFFFFFD, v10;
	[tilespmem:s24+$0x160] =	vst v18;
	v12 =	vmul.f32 v16, v0;
	v10 =	vld [tilespmem:s24+$0x1E0]  }
0x160: {  	_ =	sdelay $0x2  }
0x161: {  	v15 =	vld [tilespmem:s24+$0x1F0]  }
0x162: {  	v34 =	vbroadcast v1, $0x0;
	v1 =	vld.idx.msk [tilespmem:v2+s20+$0x0], $0xffff  }
0x163: {  	v17 =	vld.idx.msk [tilespmem:v3+s20+$0x0], $0xffff  }
0x164: {  	v37 =	vld.idx.msk [tilespmem:v4+s20+$0x0], $0xffff  }
0x165: {  	v9 =	vld.idx.msk [tilespmem:v9+s20+$0x0], $0xffff  }
0x166: {  	s25 =	sadd.s32 $0x400, s24;
	v11 =	vld.idx.msk [tilespmem:v11+s20+$0x0], $0xffff  }
0x167: {  	v40 =	vld [tilespmem:s25+$0xFFFFFE00]  }
0x168: {  	v42 =	vld [tilespmem:s25+$0xFFFFFE10]  }
0x169: {  	[tilespmem:s24+$0x180] =	vst v14;
	v5 =	vmul.f32 v5, v0;
	v44 =	vld [tilespmem:s25+$0xFFFFFE20]  }
0x16a: {  	[tilespmem:s24+$0x190] =	vst v12;
	v6 =	vmul.f32 v6, v0;
	v46 =	vld [tilespmem:s25+$0xFFFFFE30]  }
0x16b: {  	v47 =	vld [tilespmem:s25+$0xFFFFFE40];
	[tilespmem:s24+$0x1A0] =	vst v5;
	v39 =	vmul.f32 v7, v0  }
0x16c: {  	v49 =	vld [tilespmem:s25+$0xFFFFFE50];
	[tilespmem:s24+$0x1B0] =	vst v6;
	v41 =	vmul.f32 v8, v0  }
0x16d: {  	v50 =	vld [tilespmem:s25+$0xFFFFFE60];
	[tilespmem:s24+$0x1C0] =	vst v39;
	v43 =	vmul.f32 v10, v0  }
0x16e: {  	v52 =	vld [tilespmem:s25+$0xFFFFFE70];
	[tilespmem:s24+$0x1D0] =	vst v41;
	v45 =	vmul.f32 v15, v0  }
0x16f: {  	v53 =	vld [tilespmem:s25+$0xFFFFFE80];
	[tilespmem:s24+$0x1E0] =	vst v43;
	v48 =	vmul.f32 v40, v17  }
0x170: {  	v55 =	vld [tilespmem:s25+$0xFFFFFE90];
	v8 =	vmul.f32 v42, v17;
	[tilespmem:s24+$0x1F0] =	vst v45  }
0x171: {  	v57 =	vld [tilespmem:s25+$0xFFFFFEA0];
	v51 =	vmul.f32 v44, v17;
	[tilespmem:s25+$0xFFFFFE00] =	vst v48  }
0x172: {  	v59 =	vld [tilespmem:s25+$0xFFFFFEB0];
	v6 =	vmul.f32 v46, v17;
	[tilespmem:s25+$0xFFFFFE10] =	vst v8  }
0x173: {  	v61 =	vld [tilespmem:s25+$0xFFFFFEC0];
	v54 =	vmul.f32 v47, v17;
	[tilespmem:s25+$0xFFFFFE20] =	vst v51  }
0x174: {  	v63 =	vld [tilespmem:s25+$0xFFFFFED0];
	v56 =	vmul.f32 v49, v17;
	[tilespmem:s25+$0xFFFFFE30] =	vst v6  }
0x175: {  	v19 =	vld [tilespmem:s25+$0xFFFFFEF0];
	v58 =	vmul.f32 v50, v17;
	[tilespmem:s25+$0xFFFFFE40] =	vst v54  }
0x176: {  	v21 =	vld [tilespmem:s25+$0xFFFFFF00];
	v60 =	vmul.f32 v52, v17;
	[tilespmem:s25+$0xFFFFFE50] =	vst v56  }
0x177: {  	v23 =	vld [tilespmem:s25+$0xFFFFFF10];
	v62 =	vmul.f32 v53, v37;
	[tilespmem:s25+$0xFFFFFE60] =	vst v58  }
0x178: {  	v25 =	vld [tilespmem:s25+$0xFFFFFF20];
	v5 =	vmul.f32 v55, v37;
	[tilespmem:s25+$0xFFFFFE70] =	vst v60  }
0x179: {  	v27 =	vld [tilespmem:s25+$0xFFFFFF30];
	v18 =	vmul.f32 v57, v37;
	[tilespmem:s25+$0xFFFFFE80] =	vst v62  }
0x17a: {  	v13 =	vbroadcast v13, $0x0;
	v31 =	vld [tilespmem:s25+$0xFFFFFF50];
	v20 =	vmul.f32 v59, v37;
	[tilespmem:s25+$0xFFFFFE90] =	vst v5  }
0x17b: {  	v35 =	vmov s26;
	v33 =	vld [tilespmem:s25+$0xFFFFFF60];
	v22 =	vmul.f32 v61, v37;
	[tilespmem:s25+$0xFFFFFEA0] =	vst v18  }
0x17c: {  	v16 =	vand.u32 $0xFFFFFFFE, v35;
	v35 =	vld [tilespmem:s25+$0xFFFFFF70];
	v24 =	vmul.f32 v63, v37;
	[tilespmem:s25+$0xFFFFFEB0] =	vst v20  }
0x17d: {  	v39 =	vld [tilespmem:s25+$0xFFFFFF90];
	v28 =	vmul.f32 v19, v37;
	[tilespmem:s25+$0xFFFFFEC0] =	vst v22  }
0x17e: {  	v36 =	vbroadcast v16, $0x0;
	v41 =	vld [tilespmem:s25+$0xFFFFFFA0];
	v30 =	vmul.f32 v21, v9;
	[tilespmem:s25+$0xFFFFFED0] =	vst v24  }
0x17f: {  	v4 =	vld.idx.msk [tilespmem:v34+s20+$0x0], $0xffff;
	v32 =	vmul.f32 v23, v9;
	[tilespmem:s25+$0xFFFFFEF0] =	vst v28  }
0x180: {  	v3 =	vld.idx.msk [tilespmem:v13+s20+$0x0], $0xffff;
	v34 =	vmul.f32 v25, v9;
	[tilespmem:s25+$0xFFFFFF00] =	vst v30  }
0x181: {  	v17 =	vld [tilespmem:s25+$0xFFFFFEE0];
	v40 =	vmul.f32 v31, v9;
	[tilespmem:s25+$0xFFFFFF10] =	vst v32  }
0x182: {  	v42 =	vmul.f32 v33, v9;
	v43 =	vld [tilespmem:s25+$0xFFFFFFB0];
	[tilespmem:s25+$0xFFFFFF20] =	vst v34  }
0x183: {  	v44 =	vmul.f32 v35, v9;
	v47 =	vld [tilespmem:s25+$0xFFFFFFD0];
	[tilespmem:s25+$0xFFFFFF50] =	vst v40  }
0x184: {  	v2 =	vld.idx.msk [tilespmem:v36+s20+$0x0], $0xffff;
	v36 =	vmul.f32 v27, v9;
	[tilespmem:s25+$0xFFFFFF60] =	vst v42  }
0x185: {  	v49 =	vld [tilespmem:s25+$0xFFFFFFE0];
	[tilespmem:s25+$0xFFFFFF70] =	vst v44;
	v48 =	vmul.f32 v39, v11  }
0x186: {  	v53 =	vld [tilespmem:s25+$0x0];
	[tilespmem:s25+$0xFFFFFF30] =	vst v36;
	v50 =	vmul.f32 v41, v11  }
0x187: {  	v57 =	vld [tilespmem:s25+$0x20];
	v26 =	vmul.f32 v17, v37;
	[tilespmem:s25+$0xFFFFFF90] =	vst v48  }
0x188: {  	v59 =	vld [tilespmem:s25+$0x30];
	v52 =	vmul.f32 v43, v11;
	[tilespmem:s25+$0xFFFFFFA0] =	vst v50  }
0x189: {  	v61 =	vld [tilespmem:s25+$0x40];
	v56 =	vmul.f32 v47, v11;
	[tilespmem:s25+$0xFFFFFEE0] =	vst v26  }
0x18a: {  	v63 =	vld [tilespmem:s25+$0x50];
	v58 =	vmul.f32 v49, v11;
	[tilespmem:s25+$0xFFFFFFB0] =	vst v52  }
0x18b: {  	v13 =	vld [tilespmem:s25+$0x60];
	v62 =	vmul.f32 v53, v4;
	[tilespmem:s25+$0xFFFFFFD0] =	vst v56  }
0x18c: {  	v19 =	vld [tilespmem:s25+$0x90];
	v14 =	vmul.f32 v57, v4;
	[tilespmem:s25+$0xFFFFFFE0] =	vst v58  }
0x18d: {  	v23 =	vld [tilespmem:s25+$0xB0];
	v16 =	vmul.f32 v59, v4;
	[tilespmem:s25+$0x0] =	vst v62  }
0x18e: {  	v45 =	vld [tilespmem:s25+$0xFFFFFFC0];
	v18 =	vmul.f32 v61, v4;
	[tilespmem:s25+$0x20] =	vst v14  }
0x18f: {  	v38 =	vld [tilespmem:s25+$0x170];
	v20 =	vmul.f32 v63, v4;
	[tilespmem:s25+$0x30] =	vst v16  }
0x190: {  	v29 =	vld [tilespmem:s25+$0xFFFFFF40];
	v22 =	vmul.f32 v13, v4;
	[tilespmem:s25+$0x40] =	vst v18  }
0x191: {  	v51 =	vld [tilespmem:s25+$0xFFFFFFF0];
	v27 =	vmul.f32 v19, v3;
	[tilespmem:s25+$0x50] =	vst v20  }
0x192: {  	v21 =	vld [tilespmem:s25+$0xA0];
	v31 =	vmul.f32 v23, v3;
	[tilespmem:s25+$0x60] =	vst v22  }
0x193: {  	v24 =	vld [tilespmem:s25+$0xC0];
	v54 =	vmul.f32 v45, v11;
	[tilespmem:s25+$0x90] =	vst v27  }
0x194: {  	v32 =	vld [tilespmem:s25+$0x100];
	v12 =	vmul.f32 v38, v2;
	[tilespmem:s25+$0xB0] =	vst v31  }
0x195: {  	v34 =	vld [tilespmem:s25+$0x110];
	v38 =	vmul.f32 v29, v9;
	[tilespmem:s25+$0xFFFFFFC0] =	vst v54  }
0x196: {  	v39 =	vld [tilespmem:s25+$0x140];
	v60 =	vmul.f32 v51, v11;
	[tilespmem:s25+$0x170] =	vst v12  }
0x197: {  	v55 =	vld [tilespmem:s25+$0x10];
	v29 =	vmul.f32 v21, v3;
	[tilespmem:s25+$0xFFFFFF40] =	vst v38  }
0x198: {  	v15 =	vld [tilespmem:s25+$0x70];
	v33 =	vmul.f32 v24, v3;
	[tilespmem:s25+$0xFFFFFFF0] =	vst v60  }
0x199: {  	v36 =	vld [tilespmem:s25+$0x120];
	v40 =	vmul.f32 v32, v2;
	[tilespmem:s25+$0xA0] =	vst v29  }
0x19a: {  	v41 =	vld [tilespmem:s25+$0x150];
	v42 =	vmul.f32 v34, v2;
	[tilespmem:s25+$0xC0] =	vst v33  }
0x19b: {  	v37 =	vld [tilespmem:s25+$0xFFFFFF80];
	v48 =	vmul.f32 v39, v2;
	[tilespmem:s25+$0x100] =	vst v40  }
0x19c: {  	v17 =	vld [tilespmem:s25+$0x80];
	v12 =	vmul.f32 v55, v4;
	[tilespmem:s25+$0x110] =	vst v42  }
0x19d: {  	v28 =	vld [tilespmem:s25+$0xE0];
	v4 =	vmul.f32 v15, v4;
	[tilespmem:s25+$0x140] =	vst v48  }
0x19e: {  	v43 =	vld [tilespmem:s25+$0x160];
	v44 =	vmul.f32 v36, v2;
	[tilespmem:s25+$0x10] =	vst v12  }
0x19f: {  	v47 =	vld [tilespmem:s25+$0x190];
	v50 =	vmul.f32 v41, v2;
	[tilespmem:s25+$0x70] =	vst v4  }
0x1a0: {  	v49 =	vld [tilespmem:s25+$0x1A0];
	v46 =	vmul.f32 v37, v11;
	[tilespmem:s25+$0x120] =	vst v44  }
0x1a1: {  	v57 =	vld [tilespmem:s25+$0x1E0];
	v25 =	vmul.f32 v17, v3;
	[tilespmem:s25+$0x150] =	vst v50  }
0x1a2: {  	v59 =	vld [tilespmem:s25+$0x1F0];
	v37 =	vmul.f32 v28, v3;
	[tilespmem:s25+$0xFFFFFF80] =	vst v46  }
0x1a3: {  	v45 =	vld [tilespmem:s25+$0x180];
	v52 =	vmul.f32 v43, v2;
	[tilespmem:s25+$0x80] =	vst v25  }
0x1a4: {  	v26 =	vld [tilespmem:s25+$0xD0];
	v56 =	vmul.f32 v47, v1;
	[tilespmem:s25+$0xE0] =	vst v37  }
0x1a5: {  	v30 =	vld [tilespmem:s25+$0xF0];
	v58 =	vmul.f32 v49, v1;
	[tilespmem:s25+$0x160] =	vst v52  }
0x1a6: {  	v51 =	vld [tilespmem:s25+$0x1B0];
	v62 =	vmul.f32 v57, v1;
	[tilespmem:s25+$0x190] =	vst v56  }
0x1a7: {  	v38 =	vld [tilespmem:s25+$0x130];
	v63 =	vmul.f32 v59, v1;
	[tilespmem:s25+$0x1A0] =	vst v58  }
0x1a8: {  	v53 =	vld [tilespmem:s25+$0x1C0];
	v54 =	vmul.f32 v45, v1;
	[tilespmem:s25+$0x1E0] =	vst v62  }
0x1a9: {  	v55 =	vld [tilespmem:s25+$0x1D0];
	v35 =	vmul.f32 v26, v3;
	[tilespmem:s25+$0x1F0] =	vst v63  }
0x1aa: {  	v3 =	vmul.f32 v30, v3;
	[tilespmem:s25+$0x180] =	vst v54  }
0x1ab: {  	v60 =	vmul.f32 v51, v1;
	[tilespmem:s25+$0xD0] =	vst v35  }
0x1ac: {  	[tilespmem:s25+$0xF0] =	vst v3;
	v46 =	vmul.f32 v38, v2  }
0x1ad: {  	v2 =	vmul.f32 v53, v1;
	[tilespmem:s25+$0x1B0] =	vst v60  }
0x1ae: {  	v61 =	vmul.f32 v55, v1;
	[tilespmem:s25+$0x130] =	vst v46  }
0x1af: {  	s23 =	sadd.s32 $0x1, s23;
	[tilespmem:s25+$0x1C0] =	vst v2  }
0x1b0: {  	p1 =	seq.s32 s23, $0x78;
	[tilespmem:s25+$0x1D0] =	vst v61  }
0x1b1: {  	[spmem:s2] =	stream.indirect.scatter.add.f32 [tilespmem:s18], [sflag:$0x2], $0x80, s21, s17, $0xb8;
	[tilespmem:$0x1F980] =	vst v63  }
.Ltmp4:
0x1b2: {  	_ = 	snop;
	(pc) =	sbr.rel @!p1 .LBB2_2-.Ltmp4, $4  }
.Ltmp5:
0x1b3: {  	_ = 	snop;
	(pc) =	sbr.rel @p1 .LBB2_8-.Ltmp5, $4  }
0x1b4: {  	_ =	swait.ge [sflag:s15], $0x4000  }
0x1b5: {  	[sflag:s15] =	ssyncset.done $0x0  }
0x1b6: {  	[sflag:s15] =	ssyncadd.s32 $0xFFFFC000  }
0x1b7: {  	_ = 	snop  }
.LBB2_5:
0x1b8: {  	s23 =	sadd.s32 s24, s10  }
0x1b9: {  	s23 =	sshll.u32 s23, $0x5  }
0x1ba: {  	s23 =	sand.u32 $0x1FFFFFE0, s23  }
0x1bb: {  	s26 =	simm.s32 $0x0;
	s25 =	sadd.s32 s7, s23  }
0x1bc: {  	[tilespmem:s16], [sflag:$0x2] =	stream.linear.gather [hbm4b:s25+s26], $0x100, $0x38;
	[tilespmem:$0x1F980] =	vst v63  }
0x1bd: {  	_ =	swait.ge [sflag:s15], $0x100  }
0x1be: {  	[sflag:s15] =	ssyncset.done $0x0  }
0x1bf: {  	[sflag:s15] =	ssyncadd.s32 $0xFFFFFF00  }
0x1c0: {  	[tilespmem:s18], [sflag:$0x1] =	stream.indirect.gather [hbm4b:s5+s17], $0x80, s16, s17, $0xb8;
	[tilespmem:$0x1F980] =	vst v63  }
0x1c1: {  	v0 =	vld [tilespmem:$0xB880]  }
0x1c2: {  	v1 =	vld [tilespmem:$0xB800];
	_ =	sdelay $0x3  }
0x1c3: {  	v2 =	vadd.s32 $0x2800, v0;
	_ =	sdelay $0x3  }
0x1c4: {  	v3 =	vld.idx.msk [tilespmem:v1+s26+$0x0], $0xffff  }
0x1c5: {  	v2 =	vld.idx.msk [tilespmem:v2+s26+$0x0], $0xffff;
	_ =	sdelay $0x4  }
0x1c6: {  	v2 =	vadd.f32 v2, v3;
	_ =	sdelay $0x1  }
0x1c7: {  	v2 =	vadd.f32 v2, v2;
	_ =	sdelay $0x1  }
0x1c8: {  	v2 =	vmul.f32 $1.442695020e+00, v2;
	_ =	sdelay $0x1  }
0x1c9: {  	(erf) = vpow2.f32 v2;
	_ =	sdelay $0x8  }
0x1ca: {  	v2 =	vpop (erf)  }
0x1cb: {  	v2 =	vadd.f32 $1.000000000e+00, v2;
	_ =	sdelay $0x1  }
0x1cc: {  	(erf) = vrcp.f32 v2;
	_ =	sdelay $0x3  }
0x1cd: {  	v1 =	vadd.s32 $0x5000, v1;
	_ =	sdelay $0x1  }
0x1ce: {  	v0 =	vadd.s32 $0x5000, v0;
	_ =	sdelay $0x1  }
0x1cf: {  	v4 =	vld [tilespmem:$0xB810]  }
0x1d0: {  	v1 =	vld.idx.msk [tilespmem:v1+s26+$0x0], $0xffff;
	v2 =	vpop (erf)  }
0x1d1: {  	v3 =	vld [tilespmem:$0xB890];
	v2 =	vadd.f32 v2, v2  }
0x1d2: {  	v0 =	vld.idx.msk [tilespmem:v0+s26+$0x0], $0xffff  }
0x1d3: {  	v2 =	vsub.f32 $1.000000000e+00, v2;
	_ =	sdelay $0x1  }
0x1d4: {  	v1 =	vmul.f32 v2, v1  }
0x1d5: {  	v2 =	vadd.s32 $0x2800, v3  }
0x1d6: {  	v0 =	vmul.f32 v1, v0;
	_ =	sdelay $0x1  }
0x1d7: {  	[tilespmem:$0xB900] =	vst v0  }
0x1d8: {  	v0 =	vld.idx.msk [tilespmem:v4+s26+$0x0], $0xffff  }
0x1d9: {  	v1 =	vld.idx.msk [tilespmem:v2+s26+$0x0], $0xffff;
	_ =	sdelay $0x4  }
0x1da: {  	v0 =	vadd.f32 v1, v0;
	_ =	sdelay $0x1  }
0x1db: {  	v0 =	vadd.f32 v0, v0;
	_ =	sdelay $0x1  }
0x1dc: {  	v0 =	vmul.f32 $1.442695020e+00, v0;
	_ =	sdelay $0x1  }
0x1dd: {  	(erf) = vpow2.f32 v0;
	_ =	sdelay $0x8  }
0x1de: {  	v0 =	vpop (erf)  }
0x1df: {  	v0 =	vadd.f32 $1.000000000e+00, v0;
	_ =	sdelay $0x1  }
0x1e0: {  	(erf) = vrcp.f32 v0;
	_ =	sdelay $0x3  }
0x1e1: {  	v0 =	vadd.s32 $0x5000, v4  }
0x1e2: {  	v1 =	vadd.s32 $0x5000, v3;
	_ =	sdelay $0x2  }
0x1e3: {  	v3 =	vld [tilespmem:$0xB8A0]  }
0x1e4: {  	v0 =	vld.idx.msk [tilespmem:v0+s26+$0x0], $0xffff;
	v2 =	vpop (erf)  }
0x1e5: {  	v1 =	vld.idx.msk [tilespmem:v1+s26+$0x0], $0xffff;
	v2 =	vadd.f32 v2, v2  }
0x1e6: {  	v4 =	vld [tilespmem:$0xB820]  }
0x1e7: {  	v2 =	vsub.f32 $1.000000000e+00, v2;
	_ =	sdelay $0x1  }
0x1e8: {  	v0 =	vmul.f32 v2, v0  }
0x1e9: {  	v2 =	vadd.s32 $0x2800, v3  }
0x1ea: {  	v0 =	vmul.f32 v0, v1;
	_ =	sdelay $0x1  }
0x1eb: {  	[tilespmem:$0xB910] =	vst v0  }
0x1ec: {  	v0 =	vld.idx.msk [tilespmem:v4+s26+$0x0], $0xffff  }
0x1ed: {  	v1 =	vld.idx.msk [tilespmem:v2+s26+$0x0], $0xffff;
	_ =	sdelay $0x4  }
0x1ee: {  	v0 =	vadd.f32 v1, v0;
	_ =	sdelay $0x1  }
0x1ef: {  	v0 =	vadd.f32 v0, v0;
	_ =	sdelay $0x1  }
0x1f0: {  	v0 =	vmul.f32 $1.442695020e+00, v0;
	_ =	sdelay $0x1  }
0x1f1: {  	(erf) = vpow2.f32 v0;
	_ =	sdelay $0x8  }
0x1f2: {  	v0 =	vpop (erf)  }
0x1f3: {  	v0 =	vadd.f32 $1.000000000e+00, v0;
	_ =	sdelay $0x1  }
0x1f4: {  	(erf) = vrcp.f32 v0;
	_ =	sdelay $0x3  }
0x1f5: {  	v0 =	vadd.s32 $0x5000, v4  }
0x1f6: {  	v1 =	vadd.s32 $0x5000, v3;
	_ =	sdelay $0x2  }
0x1f7: {  	v3 =	vld [tilespmem:$0xB8B0]  }
0x1f8: {  	v0 =	vld.idx.msk [tilespmem:v0+s26+$0x0], $0xffff;
	v2 =	vpop (erf)  }
0x1f9: {  	v1 =	vld.idx.msk [tilespmem:v1+s26+$0x0], $0xffff;
	v2 =	vadd.f32 v2, v2  }
0x1fa: {  	v4 =	vld [tilespmem:$0xB830]  }
0x1fb: {  	v2 =	vsub.f32 $1.000000000e+00, v2;
	_ =	sdelay $0x1  }
0x1fc: {  	v0 =	vmul.f32 v2, v0  }
0x1fd: {  	v2 =	vadd.s32 $0x2800, v3  }
0x1fe: {  	v0 =	vmul.f32 v0, v1;
	_ =	sdelay $0x1  }
0x1ff: {  	[tilespmem:$0xB920] =	vst v0  }
0x200: {  	v0 =	vld.idx.msk [tilespmem:v4+s26+$0x0], $0xffff  }
0x201: {  	v1 =	vld.idx.msk [tilespmem:v2+s26+$0x0], $0xffff;
	_ =	sdelay $0x4  }
0x202: {  	v0 =	vadd.f32 v1, v0;
	_ =	sdelay $0x1  }
0x203: {  	v0 =	vadd.f32 v0, v0;
	_ =	sdelay $0x1  }
0x204: {  	v0 =	vmul.f32 $1.442695020e+00, v0;
	_ =	sdelay $0x1  }
0x205: {  	(erf) = vpow2.f32 v0;
	_ =	sdelay $0x8  }
0x206: {  	v0 =	vpop (erf)  }
0x207: {  	v0 =	vadd.f32 $1.000000000e+00, v0;
	_ =	sdelay $0x1  }
0x208: {  	(erf) = vrcp.f32 v0;
	_ =	sdelay $0x3  }
0x209: {  	v0 =	vadd.s32 $0x5000, v4  }
0x20a: {  	v1 =	vadd.s32 $0x5000, v3;
	_ =	sdelay $0x2  }
0x20b: {  	v3 =	vld [tilespmem:$0xB8C0]  }
0x20c: {  	v0 =	vld.idx.msk [tilespmem:v0+s26+$0x0], $0xffff;
	v2 =	vpop (erf)  }
0x20d: {  	v1 =	vld.idx.msk [tilespmem:v1+s26+$0x0], $0xffff;
	v2 =	vadd.f32 v2, v2  }
0x20e: {  	v4 =	vld [tilespmem:$0xB840]  }
0x20f: {  	v2 =	vsub.f32 $1.000000000e+00, v2;
	_ =	sdelay $0x1  }
0x210: {  	v0 =	vmul.f32 v2, v0  }
0x211: {  	v2 =	vadd.s32 $0x2800, v3  }
0x212: {  	v0 =	vmul.f32 v0, v1;
	_ =	sdelay $0x1  }
0x213: {  	[tilespmem:$0xB930] =	vst v0  }
0x214: {  	v0 =	vld.idx.msk [tilespmem:v4+s26+$0x0], $0xffff  }
0x215: {  	v1 =	vld.idx.msk [tilespmem:v2+s26+$0x0], $0xffff;
	_ =	sdelay $0x4  }
0x216: {  	v0 =	vadd.f32 v1, v0;
	_ =	sdelay $0x1  }
0x217: {  	v0 =	vadd.f32 v0, v0;
	_ =	sdelay $0x1  }
0x218: {  	v0 =	vmul.f32 $1.442695020e+00, v0;
	_ =	sdelay $0x1  }
0x219: {  	(erf) = vpow2.f32 v0;
	_ =	sdelay $0x8  }
0x21a: {  	v0 =	vpop (erf)  }
0x21b: {  	v0 =	vadd.f32 $1.000000000e+00, v0;
	_ =	sdelay $0x1  }
0x21c: {  	(erf) = vrcp.f32 v0;
	_ =	sdelay $0x3  }
0x21d: {  	v0 =	vadd.s32 $0x5000, v4  }
0x21e: {  	v1 =	vadd.s32 $0x5000, v3;
	_ =	sdelay $0x2  }
0x21f: {  	v3 =	vld [tilespmem:$0xB8D0]  }
0x220: {  	v0 =	vld.idx.msk [tilespmem:v0+s26+$0x0], $0xffff;
	v2 =	vpop (erf)  }
0x221: {  	v1 =	vld.idx.msk [tilespmem:v1+s26+$0x0], $0xffff;
	v2 =	vadd.f32 v2, v2  }
0x222: {  	v4 =	vld [tilespmem:$0xB850]  }
0x223: {  	v2 =	vsub.f32 $1.000000000e+00, v2;
	_ =	sdelay $0x1  }
0x224: {  	v0 =	vmul.f32 v2, v0  }
0x225: {  	v2 =	vadd.s32 $0x2800, v3  }
0x226: {  	v0 =	vmul.f32 v0, v1;
	_ =	sdelay $0x1  }
0x227: {  	[tilespmem:$0xB940] =	vst v0  }
0x228: {  	v0 =	vld.idx.msk [tilespmem:v4+s26+$0x0], $0xffff  }
0x229: {  	v1 =	vld.idx.msk [tilespmem:v2+s26+$0x0], $0xffff;
	_ =	sdelay $0x4  }
0x22a: {  	v0 =	vadd.f32 v1, v0;
	_ =	sdelay $0x1  }
0x22b: {  	v0 =	vadd.f32 v0, v0;
	_ =	sdelay $0x1  }
0x22c: {  	v0 =	vmul.f32 $1.442695020e+00, v0;
	_ =	sdelay $0x1  }
0x22d: {  	(erf) = vpow2.f32 v0;
	_ =	sdelay $0x8  }
0x22e: {  	v0 =	vpop (erf)  }
0x22f: {  	v0 =	vadd.f32 $1.000000000e+00, v0;
	_ =	sdelay $0x1  }
0x230: {  	(erf) = vrcp.f32 v0;
	_ =	sdelay $0x3  }
0x231: {  	v0 =	vadd.s32 $0x5000, v4  }
0x232: {  	v1 =	vadd.s32 $0x5000, v3;
	_ =	sdelay $0x2  }
0x233: {  	v3 =	vld [tilespmem:$0xB8E0]  }
0x234: {  	v0 =	vld.idx.msk [tilespmem:v0+s26+$0x0], $0xffff;
	v2 =	vpop (erf)  }
0x235: {  	v1 =	vld.idx.msk [tilespmem:v1+s26+$0x0], $0xffff;
	v2 =	vadd.f32 v2, v2  }
0x236: {  	v4 =	vld [tilespmem:$0xB860]  }
0x237: {  	v2 =	vsub.f32 $1.000000000e+00, v2;
	_ =	sdelay $0x1  }
0x238: {  	v0 =	vmul.f32 v2, v0  }
0x239: {  	v2 =	vadd.s32 $0x2800, v3  }
0x23a: {  	v0 =	vmul.f32 v0, v1;
	_ =	sdelay $0x1  }
0x23b: {  	[tilespmem:$0xB950] =	vst v0  }
0x23c: {  	v0 =	vld.idx.msk [tilespmem:v4+s26+$0x0], $0xffff  }
0x23d: {  	v1 =	vld.idx.msk [tilespmem:v2+s26+$0x0], $0xffff;
	_ =	sdelay $0x4  }
0x23e: {  	v0 =	vadd.f32 v1, v0;
	_ =	sdelay $0x1  }
0x23f: {  	v0 =	vadd.f32 v0, v0;
	_ =	sdelay $0x1  }
0x240: {  	v0 =	vmul.f32 $1.442695020e+00, v0;
	_ =	sdelay $0x1  }
0x241: {  	(erf) = vpow2.f32 v0;
	_ =	sdelay $0x8  }
0x242: {  	v0 =	vpop (erf)  }
0x243: {  	v0 =	vadd.f32 $1.000000000e+00, v0;
	_ =	sdelay $0x1  }
0x244: {  	(erf) = vrcp.f32 v0;
	_ =	sdelay $0x3  }
0x245: {  	v0 =	vadd.s32 $0x5000, v4  }
0x246: {  	v1 =	vadd.s32 $0x5000, v3;
	_ =	sdelay $0x2  }
0x247: {  	v3 =	vld [tilespmem:$0xB8F0]  }
0x248: {  	v0 =	vld.idx.msk [tilespmem:v0+s26+$0x0], $0xffff;
	v2 =	vpop (erf)  }
0x249: {  	v1 =	vld.idx.msk [tilespmem:v1+s26+$0x0], $0xffff;
	v2 =	vadd.f32 v2, v2  }
0x24a: {  	v4 =	vld [tilespmem:$0xB870]  }
0x24b: {  	v2 =	vsub.f32 $1.000000000e+00, v2;
	_ =	sdelay $0x1  }
0x24c: {  	v0 =	vmul.f32 v2, v0  }
0x24d: {  	v2 =	vadd.s32 $0x2800, v3  }
0x24e: {  	v0 =	vmul.f32 v0, v1;
	_ =	sdelay $0x1  }
0x24f: {  	[tilespmem:$0xB960] =	vst v0  }
0x250: {  	v0 =	vld.idx.msk [tilespmem:v4+s26+$0x0], $0xffff  }
0x251: {  	v1 =	vld.idx.msk [tilespmem:v2+s26+$0x0], $0xffff;
	_ =	sdelay $0x4  }
0x252: {  	v0 =	vadd.f32 v1, v0;
	_ =	sdelay $0x1  }
0x253: {  	v0 =	vadd.f32 v0, v0;
	_ =	sdelay $0x1  }
0x254: {  	v0 =	vmul.f32 $1.442695020e+00, v0;
	_ =	sdelay $0x1  }
0x255: {  	(erf) = vpow2.f32 v0;
	_ =	sdelay $0x8  }
0x256: {  	v0 =	vpop (erf)  }
0x257: {  	v0 =	vadd.f32 $1.000000000e+00, v0;
	_ =	sdelay $0x1  }
0x258: {  	(erf) = vrcp.f32 v0;
	_ =	sdelay $0x3  }
0x259: {  	v0 =	vadd.s32 $0x5000, v4;
	_ =	sdelay $0x1  }
0x25a: {  	v1 =	vadd.s32 $0x5000, v3;
	_ =	sdelay $0x2  }
0x25b: {  	v0 =	vld.idx.msk [tilespmem:v0+s26+$0x0], $0xffff;
	v2 =	vpop (erf)  }
0x25c: {  	v2 =	vadd.f32 v2, v2  }
0x25d: {  	v1 =	vld.idx.msk [tilespmem:v1+s26+$0x0], $0xffff  }
0x25e: {  	v2 =	vsub.f32 $1.000000000e+00, v2;
	_ =	sdelay $0x1  }
0x25f: {  	v0 =	vmul.f32 v2, v0;
	v2 =	vmov s26  }
0x260: {  	v2 =	vand.u32 $0xFFFFFFF8, v2  }
0x261: {  	v0 =	vmul.f32 v0, v1;
	v1 =	vbroadcast v2, $0x0;
	_ =	sdelay $0x1  }
0x262: {  	[tilespmem:$0xB970] =	vst v0  }
0x263: {  	_ =	swait.ge [sflag:s19], $0x4000  }
0x264: {  	[sflag:s19] =	ssyncset.done $0x0  }
0x265: {  	s28 =	simm.s32 $0x6;
	[sflag:s19] =	ssyncadd.s32 $0xFFFFC000  }
0x266: {  	s23 =	simm.s32 $0x7A00;
	v3 =	vmov s28;
	v0 =	vld.idx.msk [tilespmem:v1+s20+$0x0], $0xffff  }
0x267: {  	v2 =	vand.u32 $0xFFFFFFFE, v3;
	v3 =	vld [tilespmem:s23+$0x170]  }
0x268: {  	v2 =	vbroadcast v2, $0x0;
	v4 =	vld [tilespmem:s23+$0xFFFFFE00]  }
0x269: {  	v5 =	vld [tilespmem:s23+$0xFFFFFE10]  }
0x26a: {  	v6 =	vld [tilespmem:s23+$0xFFFFFE20]  }
0x26b: {  	v7 =	vld [tilespmem:s23+$0xFFFFFE30]  }
0x26c: {  	v8 =	vld [tilespmem:s23+$0xFFFFFE40]  }
0x26d: {  	s29 =	simm.s32 $0x1;
	v9 =	vld [tilespmem:s23+$0xFFFFFE50]  }
0x26e: {  	v1 =	vld.idx.msk [tilespmem:v2+s20+$0x0], $0xffff;
	v2 =	vmov s29  }
0x26f: {  	v10 =	vld [tilespmem:s23+$0xFFFFFE60];
	v2 =	vand.u32 $0xFFFFFFF9, v2  }
0x270: {  	v11 =	vld [tilespmem:s23+$0xFFFFFE70];
	v2 =	vbroadcast v2, $0x0  }
0x271: {  	v12 =	vld [tilespmem:s23+$0xFFFFFE80]  }
0x272: {  	v13 =	vld [tilespmem:s23+$0xFFFFFE90];
	v4 =	vmul.f32 v4, v0  }
0x273: {  	v14 =	vld [tilespmem:s23+$0xFFFFFEA0];
	v7 =	vmul.f32 v7, v0  }
0x274: {  	v15 =	vld [tilespmem:s23+$0xFFFFFEB0];
	v5 =	vmul.f32 v5, v0;
	[tilespmem:s23+$0xFFFFFE00] =	vst v4  }
0x275: {  	s30 =	simm.s32 $0x2;
	v8 =	vmul.f32 v8, v0;
	[tilespmem:s23+$0xFFFFFE30] =	vst v7;
	v7 =	vmul.f32 v9, v0;
	v9 =	vld [tilespmem:s23+$0xFFFFFEF0]  }
0x276: {  	v3 =	vmul.f32 v3, v1;
	v4 =	vmov s30;
	[tilespmem:s23+$0xFFFFFE10] =	vst v5;
	v2 =	vld.idx.msk [tilespmem:v2+s20+$0x0], $0xffff  }
0x277: {  	[tilespmem:s23+$0xFFFFFE40] =	vst v8;
	v8 =	vmul.f32 v10, v0;
	v10 =	vld [tilespmem:s23+$0xFFFFFF00];
	v4 =	vand.u32 $0xFFFFFFFA, v4  }
0x278: {  	[tilespmem:s23+$0x170] =	vst v3;
	v3 =	vmul.f32 v6, v0;
	v6 =	vld [tilespmem:s23+$0xFFFFFEC0];
	v4 =	vbroadcast v4, $0x0  }
0x279: {  	v0 =	vmul.f32 v11, v0;
	v11 =	vld [tilespmem:s23+$0xFFFFFF20];
	[tilespmem:s23+$0xFFFFFE50] =	vst v7  }
0x27a: {  	v7 =	vld [tilespmem:s23+$0xFFFFFF10];
	[tilespmem:s23+$0xFFFFFE60] =	vst v8  }
0x27b: {  	[tilespmem:s23+$0xFFFFFE20] =	vst v3;
	v3 =	vld [tilespmem:s23+$0xFFFFFEE0];
	v5 =	vmul.f32 v12, v2  }
0x27c: {  	[tilespmem:s23+$0xFFFFFE70] =	vst v0;
	v12 =	vld [tilespmem:s23+$0xFFFFFED0];
	v8 =	vmul.f32 v13, v2  }
0x27d: {  	s31 =	simm.s32 $0x3;
	v0 =	vmul.f32 v14, v2;
	v13 =	vld [tilespmem:s23+$0xFFFFFF30];
	[tilespmem:s23+$0xFFFFFE80] =	vst v5  }
0x27e: {  	v6 =	vmul.f32 v6, v2;
	v4 =	vld.idx.msk [tilespmem:v4+s20+$0x0], $0xffff;
	v5 =	vmov s31;
	[tilespmem:s23+$0xFFFFFE90] =	vst v8  }
0x27f: {  	v14 =	vld [tilespmem:s23+$0xFFFFFF40];
	v8 =	vmul.f32 v15, v2;
	[tilespmem:s23+$0xFFFFFEA0] =	vst v0;
	v5 =	vand.u32 $0xFFFFFFFB, v5  }
0x280: {  	v3 =	vmul.f32 v3, v2;
	[tilespmem:s23+$0xFFFFFEC0] =	vst v6;
	v6 =	vld [tilespmem:s23+$0xFFFFFF70];
	v5 =	vbroadcast v5, $0x0  }
0x281: {  	[tilespmem:s23+$0xFFFFFEB0] =	vst v8;
	v8 =	vld [tilespmem:s23+$0xFFFFFF60];
	v12 =	vmul.f32 v12, v2  }
0x282: {  	[tilespmem:s23+$0xFFFFFEE0] =	vst v3;
	v2 =	vmul.f32 v9, v2;
	v9 =	vld [tilespmem:s23+$0xFFFFFF80]  }
0x283: {  	v0 =	vmul.f32 v10, v4;
	v10 =	vld [tilespmem:s23+$0xFFFFFF50];
	[tilespmem:s23+$0xFFFFFED0] =	vst v12  }
0x284: {  	v3 =	vmul.f32 v7, v4;
	v7 =	vld [tilespmem:s23+$0xFFFFFF90];
	[tilespmem:s23+$0xFFFFFEF0] =	vst v2  }
0x285: {  	s26 =	simm.s32 $0x4;
	v2 =	vmul.f32 v11, v4;
	v11 =	vld [tilespmem:s23+$0xFFFFFFA0];
	[tilespmem:s23+$0xFFFFFF00] =	vst v0  }
0x286: {  	v0 =	vmov s26;
	[tilespmem:s23+$0xFFFFFF10] =	vst v3;
	v3 =	vmul.f32 v13, v4;
	v5 =	vld.idx.msk [tilespmem:v5+s20+$0x0], $0xffff  }
0x287: {  	v12 =	vld [tilespmem:s23+$0xFFFFFFB0];
	v0 =	vand.u32 $0xFFFFFFFC, v0;
	[tilespmem:s23+$0xFFFFFF20] =	vst v2;
	v2 =	vmul.f32 v14, v4  }
0x288: {  	v13 =	vld [tilespmem:s23+$0xFFFFFFC0];
	v8 =	vmul.f32 v8, v4;
	v0 =	vbroadcast v0, $0x0;
	[tilespmem:s23+$0xFFFFFF30] =	vst v3  }
0x289: {  	v10 =	vmul.f32 v10, v4;
	[tilespmem:s23+$0xFFFFFF40] =	vst v2;
	v2 =	vld [tilespmem:s23+$0xFFFFFFE0]  }
0x28a: {  	v4 =	vmul.f32 v6, v4;
	v6 =	vld [tilespmem:s23+$0xFFFFFFF0];
	[tilespmem:s23+$0xFFFFFF60] =	vst v8  }
0x28b: {  	v8 =	vld [tilespmem:s23+$0x0];
	[tilespmem:s23+$0xFFFFFF50] =	vst v10;
	v3 =	vmul.f32 v9, v5  }
0x28c: {  	[tilespmem:s23+$0xFFFFFF70] =	vst v4;
	v9 =	vld [tilespmem:s23+$0xFFFFFFD0];
	v7 =	vmul.f32 v7, v5  }
0x28d: {  	v10 =	vld [tilespmem:s23+$0x10];
	v4 =	vmul.f32 v11, v5;
	[tilespmem:s23+$0xFFFFFF80] =	vst v3  }
0x28e: {  	s28 =	simm.s32 $0x5;
	v0 =	vld.idx.msk [tilespmem:v0+s20+$0x0], $0xffff;
	v2 =	vmul.f32 v2, v5;
	[tilespmem:s23+$0xFFFFFF90] =	vst v7  }
0x28f: {  	v11 =	vld [tilespmem:s23+$0x20];
	v3 =	vmov s28;
	v7 =	vmul.f32 v12, v5;
	[tilespmem:s23+$0xFFFFFFA0] =	vst v4  }
0x290: {  	v4 =	vmul.f32 v13, v5;
	v12 =	vld [tilespmem:s23+$0x30];
	v3 =	vand.u32 $0xFFFFFFFD, v3;
	[tilespmem:s23+$0xFFFFFFE0] =	vst v2  }
0x291: {  	v3 =	vbroadcast v3, $0x0;
	[tilespmem:s23+$0xFFFFFFB0] =	vst v7;
	v7 =	vmul.f32 v9, v5;
	v9 =	vld [tilespmem:s23+$0x40]  }
0x292: {  	[tilespmem:s23+$0xFFFFFFC0] =	vst v4;
	v5 =	vmul.f32 v6, v5;
	v6 =	vld [tilespmem:s23+$0x80]  }
0x293: {  	v4 =	vmul.f32 v8, v0;
	v8 =	vld [tilespmem:s23+$0x50];
	[tilespmem:s23+$0xFFFFFFD0] =	vst v7  }
0x294: {  	v2 =	vmul.f32 v10, v0;
	v7 =	vld [tilespmem:s23+$0x60];
	[tilespmem:s23+$0xFFFFFFF0] =	vst v5  }
0x295: {  	v10 =	vld [tilespmem:s23+$0x90];
	v5 =	vmul.f32 v11, v0;
	[tilespmem:s23+$0x0] =	vst v4  }
0x296: {  	v4 =	vld [tilespmem:s23+$0x70];
	[tilespmem:s23+$0x10] =	vst v2;
	v2 =	vmul.f32 v12, v0  }
0x297: {  	[tilespmem:s23+$0x20] =	vst v5;
	v3 =	vld.idx.msk [tilespmem:v3+s20+$0x0], $0xffff;
	v5 =	vmul.f32 v9, v0  }
0x298: {  	v9 =	vld [tilespmem:s23+$0xA0];
	[tilespmem:s23+$0x30] =	vst v2  }
0x299: {  	v2 =	vmul.f32 v8, v0;
	v8 =	vld [tilespmem:s23+$0xB0];
	[tilespmem:s23+$0x40] =	vst v5;
	v5 =	vmul.f32 v7, v0  }
0x29a: {  	v7 =	vld [tilespmem:s23+$0xC0]  }
0x29b: {  	v4 =	vmul.f32 v4, v0;
	[tilespmem:s23+$0x60] =	vst v5;
	v5 =	vld [tilespmem:s23+$0xE0]  }
0x29c: {  	[tilespmem:s23+$0x50] =	vst v2;
	v2 =	vmul.f32 v6, v3;
	v6 =	vld [tilespmem:s23+$0xD0]  }
0x29d: {  	v10 =	vmul.f32 v10, v3;
	[tilespmem:s23+$0x70] =	vst v4;
	v4 =	vld [tilespmem:s23+$0xF0]  }
0x29e: {  	[tilespmem:s23+$0x80] =	vst v2;
	v2 =	vmul.f32 v9, v3;
	v9 =	vld [tilespmem:s23+$0x100]  }
0x29f: {  	v8 =	vmul.f32 v8, v3;
	[tilespmem:s23+$0x90] =	vst v10;
	v10 =	vld [tilespmem:s23+$0x150]  }
0x2a0: {  	s29 =	simm.s32 $0x7;
	[tilespmem:s23+$0xA0] =	vst v2;
	v2 =	vmul.f32 v7, v3;
	v7 =	vld [tilespmem:s23+$0x110]  }
0x2a1: {  	v13 =	vld [tilespmem:s23+$0x180];
	v11 =	vmov s29;
	[tilespmem:s23+$0xB0] =	vst v8;
	v6 =	vmul.f32 v6, v3  }
0x2a2: {  	v8 =	vld [tilespmem:s23+$0x120];
	[tilespmem:s23+$0xC0] =	vst v2;
	v2 =	vmul.f32 v5, v3  }
0x2a3: {  	s28 =	simm.s32 $0xA;
	v5 =	vld [tilespmem:s23+$0x130];
	v3 =	vmul.f32 v4, v3;
	[tilespmem:s23+$0xD0] =	vst v6  }
0x2a4: {  	s30 =	simm.s32 $0x8;
	v12 =	vmov s28;
	v4 =	vld [tilespmem:s23+$0x140];
	v9 =	vmul.f32 v9, v1;
	[tilespmem:s23+$0xE0] =	vst v2  }
0x2a5: {  	s31 =	simm.s32 $0xF;
	s26 =	simm.s32 $0x9;
	v6 =	vmov s30;
	v10 =	vmul.f32 v10, v1;
	[tilespmem:s23+$0xF0] =	vst v3;
	v3 =	vmul.f32 v7, v1;
	v7 =	vld [tilespmem:s23+$0x160]  }
0x2a6: {  	s29 =	simm.s32 $0xB;
	v0 =	vld.idx.msk [tilespmem:v11+s20+$0x0], $0xffff;
	v11 =	vmov s26;
	s30 =	simm.s32 $0xC;
	v6 =	vand.u32 $0xFFFFFFF8, v6;
	v2 =	vmov s31;
	[tilespmem:s23+$0x100] =	vst v9  }
0x2a7: {  	v16 =	vld [tilespmem:s23+$0x190];
	v8 =	vmul.f32 v8, v1;
	v14 =	vmov s30;
	s31 =	simm.s32 $0xD;
	v9 =	vmov s29;
	[tilespmem:s23+$0x150] =	vst v10  }
0x2a8: {  	v17 =	vmov s31;
	[tilespmem:s23+$0x110] =	vst v3;
	v15 =	vmul.f32 v5, v1;
	v3 =	vbroadcast v6, $0x0;
	v5 =	vld [tilespmem:s23+$0x1A0]  }
0x2a9: {  	[tilespmem:s23+$0x120] =	vst v8;
	v8 =	vmul.f32 v4, v1;
	v4 =	vand.u32 $0xFFFFFFF9, v11;
	v11 =	vand.u32 $0xFFFFFFFA, v12;
	v6 =	vld [tilespmem:s23+$0x1B0]  }
0x2aa: {  	v12 =	vand.u32 $0xFFFFFFFB, v9;
	v4 =	vbroadcast v4, $0x0;
	[tilespmem:s23+$0x130] =	vst v15;
	v15 =	vmul.f32 v7, v1;
	v7 =	vld [tilespmem:s23+$0x1C0]  }
0x2ab: {  	v9 =	vbroadcast v11, $0x0;
	[tilespmem:s23+$0x140] =	vst v8;
	v8 =	vld [tilespmem:s23+$0x1D0];
	v1 =	vand.u32 $0xFFFFFFFC, v14;
	v14 =	vmul.f32 v13, v0  }
0x2ac: {  	s25 =	simm.s32 $0x10;
	s26 =	simm.s32 $0xE;
	v10 =	vld [tilespmem:s23+$0x1E0];
	v11 =	vbroadcast v12, $0x0;
	v12 =	vmul.f32 v16, v0;
	v13 =	vand.u32 $0xFFFFFFFD, v17;
	[tilespmem:s23+$0x160] =	vst v15  }
.LBB2_6:
0x2ad: {  	p1 =	slt.u32 s25, $0x78;
	v1 =	vbroadcast v1, $0x0;
	v15 =	vmov s26;
	[tilespmem:s23+$0x180] =	vst v14;
	v5 =	vmul.f32 v5, v0;
	v14 =	vld [tilespmem:s23+$0x1F0]  }
0x2ae: {  	v13 =	vbroadcast v13, $0x0;
	v15 =	vand.u32 $0xFFFFFFFE, v15;
	v16 =	vld.idx.msk [tilespmem:v2+s20+$0x0], $0xffff;
	[tilespmem:s23+$0x190] =	vst v12;
	v2 =	vmul.f32 v6, v0  }
0x2af: {  	v6 =	vld.idx.msk [tilespmem:v3+s20+$0x0], $0xffff;
	v12 =	vbroadcast v15, $0x0;
	[tilespmem:s23+$0x1A0] =	vst v5;
	v3 =	vmul.f32 v7, v0  }
0x2b0: {  	v5 =	vld.idx.msk [tilespmem:v4+s20+$0x0], $0xffff;
	[tilespmem:s23+$0x1B0] =	vst v2;
	v2 =	vmul.f32 v8, v0  }
0x2b1: {  	v7 =	vld.idx.msk [tilespmem:v9+s20+$0x0], $0xffff;
	[tilespmem:s23+$0x1C0] =	vst v3;
	v8 =	vmul.f32 v10, v0  }
0x2b2: {  	v4 =	vld.idx.msk [tilespmem:v11+s20+$0x0], $0xffff;
	[tilespmem:s23+$0x1D0] =	vst v2;
	v9 =	vmul.f32 v14, v0  }
0x2b3: {  	v3 =	vld.idx.msk [tilespmem:v1+s20+$0x0], $0xffff;
	[tilespmem:s23+$0x1E0] =	vst v8  }
0x2b4: {  	v0 =	vmov v16;
	v2 =	vld.idx.msk [tilespmem:v13+s20+$0x0], $0xffff;
	[tilespmem:s23+$0x1F0] =	vst v9  }
0x2b5: {  	s23 =	sadd.s32 $0x400, s23;
	v1 =	vld.idx.msk [tilespmem:v12+s20+$0x0], $0xffff  }
0x2b6: {  	v8 =	vld [tilespmem:s23+$0x170]  }
0x2b7: {  	v9 =	vld [tilespmem:s23+$0xFFFFFE00]  }
0x2b8: {  	v10 =	vld [tilespmem:s23+$0xFFFFFE10]  }
0x2b9: {  	v11 =	vld [tilespmem:s23+$0xFFFFFE20]  }
0x2ba: {  	v12 =	vld [tilespmem:s23+$0xFFFFFE30]  }
0x2bb: {  	v13 =	vld [tilespmem:s23+$0xFFFFFE40];
	v8 =	vmul.f32 v8, v1  }
0x2bc: {  	v9 =	vmul.f32 v9, v6;
	v14 =	vld [tilespmem:s23+$0xFFFFFE50]  }
0x2bd: {  	v10 =	vmul.f32 v10, v6;
	v15 =	vld [tilespmem:s23+$0xFFFFFE60];
	[tilespmem:s23+$0x170] =	vst v8  }
0x2be: {  	[tilespmem:s23+$0xFFFFFE00] =	vst v9;
	v8 =	vmul.f32 v11, v6;
	v9 =	vld [tilespmem:s23+$0xFFFFFE70]  }
0x2bf: {  	[tilespmem:s23+$0xFFFFFE10] =	vst v10;
	v10 =	vmul.f32 v12, v6;
	v11 =	vld [tilespmem:s23+$0xFFFFFE80]  }
0x2c0: {  	[tilespmem:s23+$0xFFFFFE20] =	vst v8;
	v8 =	vmul.f32 v13, v6;
	v12 =	vld [tilespmem:s23+$0xFFFFFE90]  }
0x2c1: {  	[tilespmem:s23+$0xFFFFFE30] =	vst v10;
	v10 =	vmul.f32 v14, v6;
	v13 =	vld [tilespmem:s23+$0xFFFFFEA0]  }
0x2c2: {  	[tilespmem:s23+$0xFFFFFE40] =	vst v8;
	v8 =	vmul.f32 v15, v6;
	v14 =	vld [tilespmem:s23+$0xFFFFFEB0]  }
0x2c3: {  	[tilespmem:s23+$0xFFFFFE50] =	vst v10;
	v6 =	vmul.f32 v9, v6;
	v9 =	vld [tilespmem:s23+$0xFFFFFEC0]  }
0x2c4: {  	[tilespmem:s23+$0xFFFFFE60] =	vst v8;
	v8 =	vmul.f32 v11, v5;
	v10 =	vld [tilespmem:s23+$0xFFFFFED0]  }
0x2c5: {  	[tilespmem:s23+$0xFFFFFE70] =	vst v6;
	v6 =	vmul.f32 v12, v5;
	v11 =	vld [tilespmem:s23+$0xFFFFFEE0]  }
0x2c6: {  	[tilespmem:s23+$0xFFFFFE80] =	vst v8;
	v8 =	vmul.f32 v13, v5;
	v12 =	vld [tilespmem:s23+$0xFFFFFEF0]  }
0x2c7: {  	[tilespmem:s23+$0xFFFFFE90] =	vst v6;
	v6 =	vmul.f32 v14, v5;
	v13 =	vld [tilespmem:s23+$0xFFFFFF00]  }
0x2c8: {  	[tilespmem:s23+$0xFFFFFEA0] =	vst v8;
	v8 =	vmul.f32 v9, v5;
	v9 =	vld [tilespmem:s23+$0xFFFFFF10]  }
0x2c9: {  	[tilespmem:s23+$0xFFFFFEB0] =	vst v6;
	v6 =	vmul.f32 v10, v5;
	v10 =	vld [tilespmem:s23+$0xFFFFFF20]  }
0x2ca: {  	[tilespmem:s23+$0xFFFFFEC0] =	vst v8;
	v8 =	vmul.f32 v11, v5;
	v11 =	vld [tilespmem:s23+$0xFFFFFF30]  }
0x2cb: {  	[tilespmem:s23+$0xFFFFFED0] =	vst v6;
	v5 =	vmul.f32 v12, v5;
	v6 =	vld [tilespmem:s23+$0xFFFFFF40]  }
0x2cc: {  	[tilespmem:s23+$0xFFFFFEE0] =	vst v8;
	v8 =	vmul.f32 v13, v7;
	v12 =	vld [tilespmem:s23+$0xFFFFFF50]  }
0x2cd: {  	[tilespmem:s23+$0xFFFFFEF0] =	vst v5;
	v5 =	vmul.f32 v9, v7;
	v9 =	vld [tilespmem:s23+$0xFFFFFF60]  }
0x2ce: {  	[tilespmem:s23+$0xFFFFFF00] =	vst v8;
	v8 =	vmul.f32 v10, v7;
	v10 =	vld [tilespmem:s23+$0xFFFFFF70]  }
0x2cf: {  	[tilespmem:s23+$0xFFFFFF10] =	vst v5;
	v5 =	vmul.f32 v11, v7;
	v11 =	vld [tilespmem:s23+$0xFFFFFF80]  }
0x2d0: {  	[tilespmem:s23+$0xFFFFFF20] =	vst v8;
	v6 =	vmul.f32 v6, v7;
	v8 =	vld [tilespmem:s23+$0xFFFFFF90]  }
0x2d1: {  	[tilespmem:s23+$0xFFFFFF30] =	vst v5;
	v5 =	vmul.f32 v12, v7;
	v12 =	vld [tilespmem:s23+$0xFFFFFFA0]  }
0x2d2: {  	[tilespmem:s23+$0xFFFFFF40] =	vst v6;
	v6 =	vmul.f32 v9, v7;
	v9 =	vld [tilespmem:s23+$0xFFFFFFB0]  }
0x2d3: {  	[tilespmem:s23+$0xFFFFFF50] =	vst v5;
	v5 =	vmul.f32 v10, v7;
	v7 =	vld [tilespmem:s23+$0xFFFFFFC0]  }
0x2d4: {  	[tilespmem:s23+$0xFFFFFF60] =	vst v6;
	v6 =	vmul.f32 v11, v4;
	v10 =	vld [tilespmem:s23+$0xFFFFFFD0]  }
0x2d5: {  	[tilespmem:s23+$0xFFFFFF70] =	vst v5;
	v5 =	vmul.f32 v8, v4;
	v8 =	vld [tilespmem:s23+$0xFFFFFFE0]  }
0x2d6: {  	[tilespmem:s23+$0xFFFFFF80] =	vst v6;
	v6 =	vmul.f32 v12, v4;
	v11 =	vld [tilespmem:s23+$0xFFFFFFF0]  }
0x2d7: {  	[tilespmem:s23+$0xFFFFFF90] =	vst v5;
	v5 =	vmul.f32 v9, v4;
	v9 =	vld [tilespmem:s23+$0x0]  }
0x2d8: {  	[tilespmem:s23+$0xFFFFFFA0] =	vst v6;
	v6 =	vmul.f32 v7, v4;
	v7 =	vld [tilespmem:s23+$0x10]  }
0x2d9: {  	[tilespmem:s23+$0xFFFFFFB0] =	vst v5;
	v5 =	vmul.f32 v10, v4;
	v10 =	vld [tilespmem:s23+$0x20]  }
0x2da: {  	[tilespmem:s23+$0xFFFFFFC0] =	vst v6;
	v6 =	vmul.f32 v8, v4;
	v8 =	vld [tilespmem:s23+$0x30]  }
0x2db: {  	[tilespmem:s23+$0xFFFFFFD0] =	vst v5;
	v4 =	vmul.f32 v11, v4;
	v5 =	vld [tilespmem:s23+$0x40]  }
0x2dc: {  	[tilespmem:s23+$0xFFFFFFE0] =	vst v6;
	v6 =	vmul.f32 v9, v3;
	v9 =	vld [tilespmem:s23+$0x50]  }
0x2dd: {  	[tilespmem:s23+$0xFFFFFFF0] =	vst v4;
	v4 =	vmul.f32 v7, v3;
	v7 =	vld [tilespmem:s23+$0x60]  }
0x2de: {  	[tilespmem:s23+$0x0] =	vst v6;
	v6 =	vmul.f32 v10, v3;
	v10 =	vld [tilespmem:s23+$0x70]  }
0x2df: {  	[tilespmem:s23+$0x10] =	vst v4;
	v4 =	vmul.f32 v8, v3;
	v8 =	vld [tilespmem:s23+$0x80]  }
0x2e0: {  	[tilespmem:s23+$0x20] =	vst v6;
	v5 =	vmul.f32 v5, v3;
	v6 =	vld [tilespmem:s23+$0x90]  }
0x2e1: {  	[tilespmem:s23+$0x30] =	vst v4;
	v4 =	vmul.f32 v9, v3;
	v9 =	vld [tilespmem:s23+$0xA0]  }
0x2e2: {  	[tilespmem:s23+$0x40] =	vst v5;
	v5 =	vmul.f32 v7, v3;
	v7 =	vld [tilespmem:s23+$0xB0]  }
0x2e3: {  	[tilespmem:s23+$0x50] =	vst v4;
	v3 =	vmul.f32 v10, v3;
	v4 =	vld [tilespmem:s23+$0xC0]  }
0x2e4: {  	[tilespmem:s23+$0x60] =	vst v5;
	v5 =	vmul.f32 v8, v2;
	v8 =	vld [tilespmem:s23+$0xD0]  }
0x2e5: {  	[tilespmem:s23+$0x70] =	vst v3;
	v3 =	vmul.f32 v6, v2;
	v6 =	vld [tilespmem:s23+$0xE0]  }
0x2e6: {  	[tilespmem:s23+$0x80] =	vst v5;
	v5 =	vmul.f32 v9, v2;
	v9 =	vld [tilespmem:s23+$0xF0]  }
0x2e7: {  	[tilespmem:s23+$0x90] =	vst v3;
	v3 =	vmul.f32 v7, v2;
	v7 =	vld [tilespmem:s23+$0x100]  }
0x2e8: {  	[tilespmem:s23+$0xA0] =	vst v5;
	v4 =	vmul.f32 v4, v2;
	v5 =	vld [tilespmem:s23+$0x110]  }
0x2e9: {  	[tilespmem:s23+$0xB0] =	vst v3;
	v3 =	vmul.f32 v8, v2;
	v8 =	vld [tilespmem:s23+$0x120]  }
0x2ea: {  	[tilespmem:s23+$0xC0] =	vst v4;
	v4 =	vmul.f32 v6, v2;
	v6 =	vld [tilespmem:s23+$0x130]  }
0x2eb: {  	[tilespmem:s23+$0xD0] =	vst v3;
	v3 =	vmul.f32 v9, v2;
	v9 =	vld [tilespmem:s23+$0x140]  }
0x2ec: {  	s26 =	sadd.s32 $0x7, s25;
	v2 =	vmov s25;
	[tilespmem:s23+$0xE0] =	vst v4;
	v4 =	vmul.f32 v7, v1;
	v7 =	vld [tilespmem:s23+$0x150]  }
0x2ed: {  	s28 =	sadd.s32 $0x1, s25;
	s29 =	sadd.s32 $0x2, s25;
	v10 =	vand.u32 $0xFFFFFFF8, v2;
	v2 =	vmov s26;
	[tilespmem:s23+$0xF0] =	vst v3;
	v3 =	vmul.f32 v5, v1;
	v11 =	vld [tilespmem:s23+$0x160]  }
0x2ee: {  	v13 =	vmov s29;
	v12 =	vmov s28;
	s28 =	sadd.s32 $0x4, s25;
	s26 =	sadd.s32 $0x3, s25;
	[tilespmem:s23+$0x100] =	vst v4;
	v4 =	vmul.f32 v8, v1;
	v8 =	vld [tilespmem:s23+$0x180]  }
0x2ef: {  	v15 =	vmov s28;
	v14 =	vmov s26;
	s26 =	sadd.s32 $0x5, s25;
	[tilespmem:s23+$0x110] =	vst v3;
	v6 =	vmul.f32 v6, v1;
	v16 =	vld [tilespmem:s23+$0x190]  }
.Ltmp6:
0x2f0: {  	v3 =	vbroadcast v10, $0x0;
	v10 =	vmov s26;
	[tilespmem:s23+$0x120] =	vst v4;
	v9 =	vmul.f32 v9, v1;
	v5 =	vld [tilespmem:s23+$0x1A0];
	(pc) =	sbr.rel @p1 .LBB2_6-.Ltmp6, $4  }
0x2f1: {  	v4 =	vand.u32 $0xFFFFFFF9, v12;
	v12 =	vand.u32 $0xFFFFFFFA, v13;
	[tilespmem:s23+$0x130] =	vst v6;
	v13 =	vmul.f32 v7, v1;
	v6 =	vld [tilespmem:s23+$0x1B0]  }
0x2f2: {  	v17 =	vand.u32 $0xFFFFFFFB, v14;
	v4 =	vbroadcast v4, $0x0;
	[tilespmem:s23+$0x140] =	vst v9;
	v18 =	vmul.f32 v11, v1;
	v7 =	vld [tilespmem:s23+$0x1C0]  }
0x2f3: {  	v9 =	vbroadcast v12, $0x0;
	v1 =	vand.u32 $0xFFFFFFFC, v15;
	[tilespmem:s23+$0x150] =	vst v13;
	v14 =	vmul.f32 v8, v0;
	v8 =	vld [tilespmem:s23+$0x1D0]  }
0x2f4: {  	s26 =	sadd.s32 $0x6, s25;
	s25 =	sadd.s32 $0x8, s25;
	v11 =	vbroadcast v17, $0x0;
	v13 =	vand.u32 $0xFFFFFFFD, v10;
	[tilespmem:s23+$0x160] =	vst v18;
	v12 =	vmul.f32 v16, v0;
	v10 =	vld [tilespmem:s23+$0x1E0]  }
0x2f5: {  	_ =	sdelay $0x2  }
0x2f6: {  	v15 =	vld [tilespmem:s23+$0x1F0]  }
0x2f7: {  	v34 =	vbroadcast v1, $0x0;
	v1 =	vld.idx.msk [tilespmem:v2+s20+$0x0], $0xffff  }
0x2f8: {  	v17 =	vld.idx.msk [tilespmem:v3+s20+$0x0], $0xffff  }
0x2f9: {  	v37 =	vld.idx.msk [tilespmem:v4+s20+$0x0], $0xffff  }
0x2fa: {  	v9 =	vld.idx.msk [tilespmem:v9+s20+$0x0], $0xffff  }
0x2fb: {  	s25 =	sadd.s32 $0x400, s23;
	v11 =	vld.idx.msk [tilespmem:v11+s20+$0x0], $0xffff  }
0x2fc: {  	v40 =	vld [tilespmem:s25+$0xFFFFFE00]  }
0x2fd: {  	v42 =	vld [tilespmem:s25+$0xFFFFFE10]  }
0x2fe: {  	[tilespmem:s23+$0x180] =	vst v14;
	v5 =	vmul.f32 v5, v0;
	v44 =	vld [tilespmem:s25+$0xFFFFFE20]  }
0x2ff: {  	[tilespmem:s23+$0x190] =	vst v12;
	v6 =	vmul.f32 v6, v0;
	v46 =	vld [tilespmem:s25+$0xFFFFFE30]  }
0x300: {  	v47 =	vld [tilespmem:s25+$0xFFFFFE40];
	[tilespmem:s23+$0x1A0] =	vst v5;
	v39 =	vmul.f32 v7, v0  }
0x301: {  	v49 =	vld [tilespmem:s25+$0xFFFFFE50];
	[tilespmem:s23+$0x1B0] =	vst v6;
	v41 =	vmul.f32 v8, v0  }
0x302: {  	v50 =	vld [tilespmem:s25+$0xFFFFFE60];
	[tilespmem:s23+$0x1C0] =	vst v39;
	v43 =	vmul.f32 v10, v0  }
0x303: {  	v52 =	vld [tilespmem:s25+$0xFFFFFE70];
	[tilespmem:s23+$0x1D0] =	vst v41;
	v45 =	vmul.f32 v15, v0  }
0x304: {  	v53 =	vld [tilespmem:s25+$0xFFFFFE80];
	[tilespmem:s23+$0x1E0] =	vst v43;
	v48 =	vmul.f32 v40, v17  }
0x305: {  	v55 =	vld [tilespmem:s25+$0xFFFFFE90];
	v8 =	vmul.f32 v42, v17;
	[tilespmem:s23+$0x1F0] =	vst v45  }
0x306: {  	v57 =	vld [tilespmem:s25+$0xFFFFFEA0];
	v51 =	vmul.f32 v44, v17;
	[tilespmem:s25+$0xFFFFFE00] =	vst v48  }
0x307: {  	v59 =	vld [tilespmem:s25+$0xFFFFFEB0];
	v6 =	vmul.f32 v46, v17;
	[tilespmem:s25+$0xFFFFFE10] =	vst v8  }
0x308: {  	v61 =	vld [tilespmem:s25+$0xFFFFFEC0];
	v54 =	vmul.f32 v47, v17;
	[tilespmem:s25+$0xFFFFFE20] =	vst v51  }
0x309: {  	v63 =	vld [tilespmem:s25+$0xFFFFFED0];
	v56 =	vmul.f32 v49, v17;
	[tilespmem:s25+$0xFFFFFE30] =	vst v6  }
0x30a: {  	v19 =	vld [tilespmem:s25+$0xFFFFFEF0];
	v58 =	vmul.f32 v50, v17;
	[tilespmem:s25+$0xFFFFFE40] =	vst v54  }
0x30b: {  	v21 =	vld [tilespmem:s25+$0xFFFFFF00];
	v60 =	vmul.f32 v52, v17;
	[tilespmem:s25+$0xFFFFFE50] =	vst v56  }
0x30c: {  	v23 =	vld [tilespmem:s25+$0xFFFFFF10];
	v62 =	vmul.f32 v53, v37;
	[tilespmem:s25+$0xFFFFFE60] =	vst v58  }
0x30d: {  	v25 =	vld [tilespmem:s25+$0xFFFFFF20];
	v5 =	vmul.f32 v55, v37;
	[tilespmem:s25+$0xFFFFFE70] =	vst v60  }
0x30e: {  	v27 =	vld [tilespmem:s25+$0xFFFFFF30];
	v18 =	vmul.f32 v57, v37;
	[tilespmem:s25+$0xFFFFFE80] =	vst v62  }
0x30f: {  	v13 =	vbroadcast v13, $0x0;
	v31 =	vld [tilespmem:s25+$0xFFFFFF50];
	v20 =	vmul.f32 v59, v37;
	[tilespmem:s25+$0xFFFFFE90] =	vst v5  }
0x310: {  	v35 =	vmov s26;
	v33 =	vld [tilespmem:s25+$0xFFFFFF60];
	v22 =	vmul.f32 v61, v37;
	[tilespmem:s25+$0xFFFFFEA0] =	vst v18  }
0x311: {  	v16 =	vand.u32 $0xFFFFFFFE, v35;
	v35 =	vld [tilespmem:s25+$0xFFFFFF70];
	v24 =	vmul.f32 v63, v37;
	[tilespmem:s25+$0xFFFFFEB0] =	vst v20  }
0x312: {  	v39 =	vld [tilespmem:s25+$0xFFFFFF90];
	v28 =	vmul.f32 v19, v37;
	[tilespmem:s25+$0xFFFFFEC0] =	vst v22  }
0x313: {  	v36 =	vbroadcast v16, $0x0;
	v41 =	vld [tilespmem:s25+$0xFFFFFFA0];
	v30 =	vmul.f32 v21, v9;
	[tilespmem:s25+$0xFFFFFED0] =	vst v24  }
0x314: {  	v4 =	vld.idx.msk [tilespmem:v34+s20+$0x0], $0xffff;
	v32 =	vmul.f32 v23, v9;
	[tilespmem:s25+$0xFFFFFEF0] =	vst v28  }
0x315: {  	v3 =	vld.idx.msk [tilespmem:v13+s20+$0x0], $0xffff;
	v34 =	vmul.f32 v25, v9;
	[tilespmem:s25+$0xFFFFFF00] =	vst v30  }
0x316: {  	v17 =	vld [tilespmem:s25+$0xFFFFFEE0];
	v40 =	vmul.f32 v31, v9;
	[tilespmem:s25+$0xFFFFFF10] =	vst v32  }
0x317: {  	v42 =	vmul.f32 v33, v9;
	v43 =	vld [tilespmem:s25+$0xFFFFFFB0];
	[tilespmem:s25+$0xFFFFFF20] =	vst v34  }
0x318: {  	v44 =	vmul.f32 v35, v9;
	v47 =	vld [tilespmem:s25+$0xFFFFFFD0];
	[tilespmem:s25+$0xFFFFFF50] =	vst v40  }
0x319: {  	v2 =	vld.idx.msk [tilespmem:v36+s20+$0x0], $0xffff;
	v36 =	vmul.f32 v27, v9;
	[tilespmem:s25+$0xFFFFFF60] =	vst v42  }
0x31a: {  	v49 =	vld [tilespmem:s25+$0xFFFFFFE0];
	[tilespmem:s25+$0xFFFFFF70] =	vst v44;
	v48 =	vmul.f32 v39, v11  }
0x31b: {  	v53 =	vld [tilespmem:s25+$0x0];
	[tilespmem:s25+$0xFFFFFF30] =	vst v36;
	v50 =	vmul.f32 v41, v11  }
0x31c: {  	v57 =	vld [tilespmem:s25+$0x20];
	v26 =	vmul.f32 v17, v37;
	[tilespmem:s25+$0xFFFFFF90] =	vst v48  }
0x31d: {  	v59 =	vld [tilespmem:s25+$0x30];
	v52 =	vmul.f32 v43, v11;
	[tilespmem:s25+$0xFFFFFFA0] =	vst v50  }
0x31e: {  	v61 =	vld [tilespmem:s25+$0x40];
	v56 =	vmul.f32 v47, v11;
	[tilespmem:s25+$0xFFFFFEE0] =	vst v26  }
0x31f: {  	v63 =	vld [tilespmem:s25+$0x50];
	v58 =	vmul.f32 v49, v11;
	[tilespmem:s25+$0xFFFFFFB0] =	vst v52  }
0x320: {  	v13 =	vld [tilespmem:s25+$0x60];
	v62 =	vmul.f32 v53, v4;
	[tilespmem:s25+$0xFFFFFFD0] =	vst v56  }
0x321: {  	v19 =	vld [tilespmem:s25+$0x90];
	v14 =	vmul.f32 v57, v4;
	[tilespmem:s25+$0xFFFFFFE0] =	vst v58  }
0x322: {  	v23 =	vld [tilespmem:s25+$0xB0];
	v16 =	vmul.f32 v59, v4;
	[tilespmem:s25+$0x0] =	vst v62  }
0x323: {  	v45 =	vld [tilespmem:s25+$0xFFFFFFC0];
	v18 =	vmul.f32 v61, v4;
	[tilespmem:s25+$0x20] =	vst v14  }
0x324: {  	v38 =	vld [tilespmem:s25+$0x170];
	v20 =	vmul.f32 v63, v4;
	[tilespmem:s25+$0x30] =	vst v16  }
0x325: {  	v29 =	vld [tilespmem:s25+$0xFFFFFF40];
	v22 =	vmul.f32 v13, v4;
	[tilespmem:s25+$0x40] =	vst v18  }
0x326: {  	v51 =	vld [tilespmem:s25+$0xFFFFFFF0];
	v27 =	vmul.f32 v19, v3;
	[tilespmem:s25+$0x50] =	vst v20  }
0x327: {  	v21 =	vld [tilespmem:s25+$0xA0];
	v31 =	vmul.f32 v23, v3;
	[tilespmem:s25+$0x60] =	vst v22  }
0x328: {  	v24 =	vld [tilespmem:s25+$0xC0];
	v54 =	vmul.f32 v45, v11;
	[tilespmem:s25+$0x90] =	vst v27  }
0x329: {  	v32 =	vld [tilespmem:s25+$0x100];
	v12 =	vmul.f32 v38, v2;
	[tilespmem:s25+$0xB0] =	vst v31  }
0x32a: {  	v34 =	vld [tilespmem:s25+$0x110];
	v38 =	vmul.f32 v29, v9;
	[tilespmem:s25+$0xFFFFFFC0] =	vst v54  }
0x32b: {  	v39 =	vld [tilespmem:s25+$0x140];
	v60 =	vmul.f32 v51, v11;
	[tilespmem:s25+$0x170] =	vst v12  }
0x32c: {  	v55 =	vld [tilespmem:s25+$0x10];
	v29 =	vmul.f32 v21, v3;
	[tilespmem:s25+$0xFFFFFF40] =	vst v38  }
0x32d: {  	v15 =	vld [tilespmem:s25+$0x70];
	v33 =	vmul.f32 v24, v3;
	[tilespmem:s25+$0xFFFFFFF0] =	vst v60  }
0x32e: {  	v36 =	vld [tilespmem:s25+$0x120];
	v40 =	vmul.f32 v32, v2;
	[tilespmem:s25+$0xA0] =	vst v29  }
0x32f: {  	v41 =	vld [tilespmem:s25+$0x150];
	v42 =	vmul.f32 v34, v2;
	[tilespmem:s25+$0xC0] =	vst v33  }
0x330: {  	v37 =	vld [tilespmem:s25+$0xFFFFFF80];
	v48 =	vmul.f32 v39, v2;
	[tilespmem:s25+$0x100] =	vst v40  }
0x331: {  	v17 =	vld [tilespmem:s25+$0x80];
	v12 =	vmul.f32 v55, v4;
	[tilespmem:s25+$0x110] =	vst v42  }
0x332: {  	v28 =	vld [tilespmem:s25+$0xE0];
	v4 =	vmul.f32 v15, v4;
	[tilespmem:s25+$0x140] =	vst v48  }
0x333: {  	v43 =	vld [tilespmem:s25+$0x160];
	v44 =	vmul.f32 v36, v2;
	[tilespmem:s25+$0x10] =	vst v12  }
0x334: {  	v47 =	vld [tilespmem:s25+$0x190];
	v50 =	vmul.f32 v41, v2;
	[tilespmem:s25+$0x70] =	vst v4  }
0x335: {  	v49 =	vld [tilespmem:s25+$0x1A0];
	v46 =	vmul.f32 v37, v11;
	[tilespmem:s25+$0x120] =	vst v44  }
0x336: {  	v57 =	vld [tilespmem:s25+$0x1E0];
	v25 =	vmul.f32 v17, v3;
	[tilespmem:s25+$0x150] =	vst v50  }
0x337: {  	v59 =	vld [tilespmem:s25+$0x1F0];
	v37 =	vmul.f32 v28, v3;
	[tilespmem:s25+$0xFFFFFF80] =	vst v46  }
0x338: {  	v45 =	vld [tilespmem:s25+$0x180];
	v52 =	vmul.f32 v43, v2;
	[tilespmem:s25+$0x80] =	vst v25  }
0x339: {  	v26 =	vld [tilespmem:s25+$0xD0];
	v56 =	vmul.f32 v47, v1;
	[tilespmem:s25+$0xE0] =	vst v37  }
0x33a: {  	v30 =	vld [tilespmem:s25+$0xF0];
	v58 =	vmul.f32 v49, v1;
	[tilespmem:s25+$0x160] =	vst v52  }
0x33b: {  	v51 =	vld [tilespmem:s25+$0x1B0];
	v62 =	vmul.f32 v57, v1;
	[tilespmem:s25+$0x190] =	vst v56  }
0x33c: {  	v38 =	vld [tilespmem:s25+$0x130];
	v63 =	vmul.f32 v59, v1;
	[tilespmem:s25+$0x1A0] =	vst v58  }
0x33d: {  	v53 =	vld [tilespmem:s25+$0x1C0];
	v54 =	vmul.f32 v45, v1;
	[tilespmem:s25+$0x1E0] =	vst v62  }
0x33e: {  	v55 =	vld [tilespmem:s25+$0x1D0];
	v35 =	vmul.f32 v26, v3;
	[tilespmem:s25+$0x1F0] =	vst v63  }
0x33f: {  	v3 =	vmul.f32 v30, v3;
	[tilespmem:s25+$0x180] =	vst v54  }
0x340: {  	v60 =	vmul.f32 v51, v1;
	[tilespmem:s25+$0xD0] =	vst v35  }
0x341: {  	[tilespmem:s25+$0xF0] =	vst v3;
	v46 =	vmul.f32 v38, v2  }
0x342: {  	v2 =	vmul.f32 v53, v1;
	[tilespmem:s25+$0x1B0] =	vst v60  }
0x343: {  	v61 =	vmul.f32 v55, v1;
	[tilespmem:s25+$0x130] =	vst v46  }
0x344: {  	s24 =	sadd.s32 $0x1, s24;
	[tilespmem:s25+$0x1C0] =	vst v2  }
0x345: {  	p1 =	sne.s32 s24, $0x72;
	[tilespmem:s25+$0x1D0] =	vst v61  }
0x346: {  	[spmem:s2] =	stream.indirect.scatter.add.f32 [tilespmem:s18], [sflag:$0x2], $0x80, s21, s17, $0xb8;
	[tilespmem:$0x1F980] =	vst v63  }
.Ltmp7:
0x347: {  	_ = 	snop;
	(pc) =	sbr.rel @p1 .LBB2_5-.Ltmp7, $4  }
.Ltmp8:
0x348: {  	_ = 	snop;
	(pc) =	sbr.rel @!p1 .LBB2_8-.Ltmp8, $4  }
0x349: {  	_ =	swait.ge [sflag:s15], $0x4000  }
0x34a: {  	[sflag:s15] =	ssyncset.done $0x0  }
0x34b: {  	[sflag:s15] =	ssyncadd.s32 $0xFFFFC000  }
0x34c: {  	_ = 	snop  }
.LBB2_9:
0x34d: {  	_ =	sfence.sel $0x180000  }
0x34e: {  	[bflag:$0x0] =	sbarrier.arrive $0xFFFF  }
0x34f: {  	p0 =	sne.s32 s3, $0x0;
	_ =	strace $0x9000004A  }
0x350: {  	s0 =	sadd.s32 @!p0 $0x100000, s0;
	[bflag:$0x2] =	sbarrier.arrive $0xFFFF  }
0x351: {  	[sflag:s0] =	ssyncadd.tile.s32 @!p0 $0x1;
	_ =	shalt  }
.Lfunc_end2:
_tile_overlayer_lowered:
.L_overlay_start_2:
0x352: {  	(tag) =	ssettag $0x2  }
0x353: {  	s0 =	rddreg [dreg:$0x0];
	s2 =	stileid.u32  }
0x354: {  	s1 =	rddreg [dreg:$0x1];
	p0 =	sne.s32 s2, $0x0  }
0x355: {  	s3 =	rddreg [dreg:$0x2];
	[bflag:$0x3] =	sbarrier.arrive $0xFFFF;
	s2 =	simm.s32 @!p0 $0x1C02  }
0x356: {  	[timem:s3], [sflag:s2] =	dma.local @!p0 [hbm:s0], s1  }
0x357: {  	s0 =	simm.s32 @!p0 $0x2  }
0x358: {  	_ =	swait.ge @!p0 [sflag:s0], s1  }
0x359: {  	s1 =	ssub.s32 @!p0 $0x0, s1;
	[sflag:s0] =	ssyncset.done @!p0 $0x0  }
0x35a: {  	[sflag:s0] =	ssyncadd.s32 @!p0 s1  }
0x35b: {  	[bflag:$0x3] =	sbarrier.arrive $0xFFFF  }
0x35c: {  	_ =	shalt  }

// kernel: kernel.15.cloned.1.call-start
scs
__scs_entry_jumppad:
0x0: {  	(pc) =	sbr.rel $0x88, $3  }
0x1: {  	(tag) =	ssettag $0x0;
	lr =	simm.s32 $0x1  }
0x2: {  	[smem:$0x3F92] =	sst lr;
	_ =	strace $0xD0000000  }
0x3: {  	_ = 	snop  }
0x4: {  	_ = 	snop  }
0x5: {  	_ = 	snop  }
0x6: {  	_ = 	snop  }
0x7: {  	_ = 	snop  }
__scs_overlays_trampoline_lowered:
0x8: {  	[smem:$0x3FA1] =	sst s0  }
0x9: {  	[smem:$0x3FA2] =	sst s1  }
0xa: {  	[smem:$0x3FA3] =	sst s2  }
0xb: {  	[smem:$0x3FA4] =	sst s3  }
0xc: {  	[smem:$0x3FA5] =	sst s4  }
0xd: {  	[smem:$0x3FA6] =	sst s5  }
0xe: {  	[smem:$0x3FA7] =	sst s6  }
0xf: {  	[smem:$0x3FA8] =	sst s7  }
0x10: {  	[smem:$0x3FA9] =	sst s8  }
0x11: {  	[smem:$0x3FAA] =	sst s9;
	s0 =	simm.s32 @!p0 $0x0  }
0x12: {  	s1 =	sld [smem:$0x3F90];
	s0 =	simm.s32 @p0 $0x1  }
0x13: {  	[smem:$0x3FAB] =	sst s0;
	s0 =	simm.s32 @!p1 $0x0  }
0x14: {  	s2 =	sld [smem:$0x3F8F];
	s0 =	simm.s32 @p1 $0x1  }
0x15: {  	[smem:$0x3FAC] =	sst s0;
	s0 =	simm.s32 @!p2 $0x0  }
0x16: {  	s3 =	sld [smem:$0x3FDB];
	s0 =	simm.s32 @p2 $0x1  }
0x17: {  	s4 =	simm.s32 $0x1BF5;
	[smem:$0x3FAE] =	sst s0  }
0x18: {  	s0 =	sld [smem:$0x3F91];
	_ =	swait.ge [sflag:s4], $0x0  }
0x19: {  	s7 =	sld [smem:$0x3F92]  }
0x1a: {  	s8 =	sadd.s32 $0xFFFFE003, lr  }
0x1b: {  	s9 =	sadd.s32 $0xFFFFFEF7, lr;
	s5 =	simm.s32 $0xFFFFFFFF;
	p2 =	slt.u32 s8, $0xFFFFF086  }
0x1c: {  	p1 =	slt.u32 s9, $0xF7A;
	s5 =	simm.s32 @!p2 $0x0  }
0x1d: {  	s5 =	simm.s32 @p1 $0x1;
	p0 =	seq.s32 s7, s2  }
0x1e: {  	s7 =	smul.u32 @!p0 $0xF7A, s2;
	p2 =	seq.s32 @!p0 s5, $0x0  }
0x1f: {  	s9 =	smul.u32 $0xF7A, s1;
	s8 =	simm.s32 @!p0 $0x1BF5;
	p2 =	por !p2, p0  }
0x20: {  	[sflag:s8] =	ssyncset.s32 @!p0 $0xFFFFF086;
	s6 =	sadd.s32 @!p0 s3, s7;
	s7 =	simm.s32 @!p0 $0x108  }
0x21: {  	s3 =	sadd.s32 s3, s9;
	s6 =	sadd.s32 @!p0 $0x88, s6;
	s7 =	simm.s32 @p2 $0x1082  }
0x22: {  	[simem:s7], [sflag:s8] =	dma.local @!p0 [hbm:s6], $0xF7A  }
0x23: {  	s9 =	sor.u32 $0xD0000000, s2;
	s6 =	simm.s32 $0x108;
	_ =	swait.ge @!p0 [sflag:s8], $0x0  }
0x24: {  	s3 =	sadd.s32 $0x88, s3;
	s6 =	simm.s32 @!p1 $0x1082;
	[sflag:s4] =	ssyncset.s32 $0xFFFFF086  }
0x25: {  	[simem:s6], [sflag:s4] =	dma.local [hbm:s3], $0xF7A  }
0x26: {  	[smem:$0x3F92] =	sst s1;
	(tag) =	ssettag s2;
	_ =	strace s9  }
0x27: {  	s1 =	sld [smem:$0x3FA2]  }
0x28: {  	s2 =	sld [smem:$0x3FA3]  }
0x29: {  	s4 =	sld [smem:$0x3FA5]  }
0x2a: {  	p0 =	seq.s32 s5, $0x0;
	s5 =	sld [smem:$0x3FA6]  }
0x2b: {  	s6 =	sld [smem:$0x3FA7]  }
0x2c: {  	s7 =	sld [smem:$0x3FA8]  }
0x2d: {  	s3 =	simm.s32 $0x108;
	s8 =	sld [smem:$0x3FA9]  }
0x2e: {  	s3 =	simm.s32 @!p0 $0x1082;
	s9 =	sld [smem:$0x3FAA]  }
0x2f: {  	lr =	sadd.s32 s0, s3;
	s0 =	sld [smem:$0x3FA1]  }
0x30: {  	s3 =	sld [smem:$0x3FA4]  }
0x31: {  	[smem:$0x3FAD] =	sst s10  }
0x32: {  	s10 =	sld [smem:$0x3FAB];
	_ =	sdelay $0x3  }
0x33: {  	p0 =	seq.s32 s10, $0x1;
	s10 =	sld [smem:$0x3FAD];
	_ =	sdelay $0x3  }
0x34: {  	[smem:$0x3FAD] =	sst s10  }
0x35: {  	s10 =	sld [smem:$0x3FAC];
	_ =	sdelay $0x3  }
0x36: {  	p1 =	seq.s32 s10, $0x1;
	s10 =	sld [smem:$0x3FAD];
	_ =	sdelay $0x3  }
0x37: {  	[smem:$0x3FAD] =	sst s10  }
0x38: {  	s10 =	sld [smem:$0x3FAE]  }
0x39: {  	_ = 	snop;
	(pc) =	sbr.ind lr, $3  }
0x3a: {  	_ = 	snop  }
0x3b: {  	_ = 	snop  }
0x3c: {  	p2 =	seq.s32 s10, $0x1;
	s10 =	sld [smem:$0x3FAD]  }
0x3d: {  	_ =	shalt  }
0x3e: {  	_ =	shalt  }
0x3f: {  	_ =	shalt  }
0x40: {  	_ =	shalt  }
0x41: {  	_ =	shalt  }
0x42: {  	_ =	shalt  }
0x43: {  	_ =	shalt  }
0x44: {  	_ =	shalt  }
0x45: {  	_ =	shalt  }
0x46: {  	_ =	shalt  }
0x47: {  	_ =	shalt  }
0x48: {  	_ =	shalt  }
0x49: {  	_ =	shalt  }
0x4a: {  	_ =	shalt  }
0x4b: {  	_ =	shalt  }
0x4c: {  	_ =	shalt  }
0x4d: {  	_ =	shalt  }
0x4e: {  	_ =	shalt  }
0x4f: {  	_ =	shalt  }
0x50: {  	_ =	shalt  }
0x51: {  	_ =	shalt  }
0x52: {  	_ =	shalt  }
0x53: {  	_ =	shalt  }
0x54: {  	_ =	shalt  }
0x55: {  	_ =	shalt  }
0x56: {  	_ =	shalt  }
0x57: {  	_ =	shalt  }
0x58: {  	_ =	shalt  }
0x59: {  	_ =	shalt  }
0x5a: {  	_ =	shalt  }
0x5b: {  	_ =	shalt  }
0x5c: {  	_ =	shalt  }
0x5d: {  	_ =	shalt  }
0x5e: {  	_ =	shalt  }
0x5f: {  	_ =	shalt  }
0x60: {  	_ =	shalt  }
0x61: {  	_ =	shalt  }
0x62: {  	_ =	shalt  }
0x63: {  	_ =	shalt  }
0x64: {  	_ =	shalt  }
0x65: {  	_ =	shalt  }
0x66: {  	_ =	shalt  }
0x67: {  	_ =	shalt  }
0x68: {  	_ =	shalt  }
0x69: {  	_ =	shalt  }
0x6a: {  	_ =	shalt  }
0x6b: {  	_ =	shalt  }
0x6c: {  	_ =	shalt  }
0x6d: {  	_ =	shalt  }
0x6e: {  	_ =	shalt  }
0x6f: {  	_ =	shalt  }
0x70: {  	_ =	shalt  }
0x71: {  	_ =	shalt  }
0x72: {  	_ =	shalt  }
0x73: {  	_ =	shalt  }
0x74: {  	_ =	shalt  }
0x75: {  	_ =	shalt  }
0x76: {  	_ =	shalt  }
0x77: {  	_ =	shalt  }
0x78: {  	_ =	shalt  }
0x79: {  	_ =	shalt  }
0x7a: {  	_ =	shalt  }
0x7b: {  	_ =	shalt  }
0x7c: {  	_ =	shalt  }
0x7d: {  	_ =	shalt  }
0x7e: {  	_ =	shalt  }
0x7f: {  	_ =	shalt  }
0x80: {  	_ =	shalt  }
0x81: {  	_ =	shalt  }
0x82: {  	_ =	shalt  }
0x83: {  	_ =	shalt  }
0x84: {  	_ =	shalt  }
0x85: {  	_ =	shalt  }
0x86: {  	_ =	shalt  }
0x87: {  	_ =	shalt  }
.Lfunc_end0:
.L_simem_size_0:
called_computation.2_lowered:
.L_overlay_start_0:
0x88: {  	s2 =	sld [smem:$0x3FD9]  }
0x89: {  	s3 =	sld [smem:$0x3FFE];
	_ =	sdelay $0x1  }
0x8a: {  	s1 =	srdreg.scid  }
0x8b: {  	s0 =	sand.u32 $0x1, s1  }
0x8c: {  	s17 =	sshll.u32 s0, $0xA;
	s2 =	sadd.s32 s3, s2  }
0x8d: {  	s2 =	sadd.s32 s2, s17  }
0x8e: {  	[smem:$0x3FB9] =	sst s2  }
0x8f: {  	_ = 	snop  }
0x90: {  	s2 =	sld [smem:$0x3FD0];
	(tm) =	ssettm $0x1  }
0x91: {  	s18 =	sld [smem:$0x3FFB];
	_ =	sdelay $0x3  }
0x92: {  	_ =	strace s18  }
0x93: {  	s3 =	sld [smem:$0x3FFC];
	_ =	sdelay $0x3  }
0x94: {  	_ =	strace s3  }
0x95: {  	s3 =	sld [smem:$0x3FFD];
	_ =	sdelay $0x3  }
0x96: {  	_ =	strace s3  }
0x97: {  	_ =	strace $0x8FFFFFFF  }
0x98: {  	s19 =	sld [smem:$0x3FDB];
	_ =	sdelay $0x1  }
0x99: {  	s4 =	simm.s32 $_scs_section_size  }
0x9a: {  	s5 =	simm.s32 $_size__tile_overlayer_lowered;
	s6 =	simm.s32 $_tile_overlayer_lowered  }
0x9b: {  	s22 =	simm.s32 $0x1BFF;
	s21 =	sshll.u32 s6, $0x1;
	s3 =	sadd.s32 s4, s19  }
0x9c: {  	s7 =	simm.s32 $0x0;
	s20 =	sshll.u32 s5, $0x1;
	s5 =	sadd.s32 s21, s3  }
0x9d: {  	[timem:s7], [sflag:s22] =	dma.local [hbm:s5], s20  }
0x9e: {  	_ =	swait.ge [sflag:s22], s20  }
0x9f: {  	s4 =	ssub.s32 $0x0, s20;
	[sflag:s22] =	ssyncset.done $0x0  }
0xa0: {  	[sflag:s22] =	ssyncadd.s32 s4;
	_ =	sdelay $0x1  }
0xa1: {  	s23 =	simm.s32 $0x1B8B  }
0xa2: {  	_ =	swait.ge [sflag:s23], $0x1  }
0xa3: {  	[sflag:s23] =	ssyncset.done $0x0  }
0xa4: {  	s25 =	simm.s32 $0x1B8E;
	s24 =	sld [smem:$0x3FFE];
	[sflag:s23] =	ssyncadd.s32 $0xFFFFFFFF  }
0xa5: {  	s26 =	simm.s32 $execute0_lowered;
	[smem:$0x3FD2] =	sst s25  }
0xa6: {  	s5 =	sshll.u32 s26, $0x1;
	_ =	strace $0x8000004C;
	[dreg:$0x1] =	wrdreg $0xFFFFFFFF  }
0xa7: {  	s28 =	simm.s32 $_size_execute0_lowered;
	s3 =	sadd.s32 s3, s5;
	[dreg:$0x0] =	wrdreg $0x0  }
0xa8: {  	s5 =	sshll.u32 s28, $0x1;
	[dreg:$0x2] =	wrdreg s3  }
0xa9: {  	[dreg:$0x3] =	wrdreg s5  }
0xaa: {  	[dreg:$0x4] =	wrdreg $0xC0  }
0xab: {  	_ =	task [dreg:s7], $0x5FFFF  }
0xac: {  	[dreg:$0x1] =	wrdreg $0xFFFFFFFF  }
0xad: {  	[dreg:$0x0] =	wrdreg $0x60  }
0xae: {  	[dreg:$0x2] =	wrdreg s24  }
0xaf: {  	[dreg:$0x3] =	wrdreg s2  }
0xb0: {  	[dreg:$0x4] =	wrdreg $0xB9800  }
0xb1: {  	[dreg:$0x5] =	wrdreg $0x9  }
0xb2: {  	_ =	task.clear_ibuf [dreg:s7], $0x6FFFF;
	_ =	strace $0x9000004C  }
0xb3: {  	s29 =	simm.s32 $0x9;
	_ =	strace $0x8000004E  }
0xb4: {  	_ =	swait.ge [sflag:s29], $0x1  }
0xb5: {  	[sflag:s29] =	ssyncadd.s32 $0xFFFFFFFF  }
0xb6: {  	_ =	strace $0x9000004E  }
0xb7: {  	_ =	sfence  }
0xb8: {  	s30 =	sld [smem:$0x0];
	_ =	sdelay $0x2  }
0xb9: {  	s31 =	sshll.u32 s1, $0xD;
	s1 =	sshrl.u32 s1, $0x2  }
0xba: {  	s3 =	sand.u32 $0x4000, s31;
	s1 =	sadd.s32 s1, s30  }
0xbb: {  	s0 =	sor.u32 s3, s0;
	s1 =	sshll.u32 s1, $0x11  }
0xbc: {  	s0 =	sor.u32 s1, s0  }
0xbd: {  	s0 =	sadd.s32 $0x8F2B, s0  }
0xbe: {  	[sflag:s0] =	ssyncadd.remote.s32 $0x1  }
0xbf: {  	_ =	sfence.sel $0xFFFF  }
0xc0: {  	[dreg:$0x0] =	wrdreg $0xFFFFFFFF;
	(pc) =	sbr.abs _section_cstart, $3  }
0xc1: {  	[dreg:$0x1] =	wrdreg $0xFFFFFFFF  }
0xc2: {  	_ =	task.clear_ibuf [dreg:s7], $0x2FFFF;
	_ =	strace $0x9FFFFFFF  }
0xc3: {  	(tm) =	ssettm $0x7FFFFFFF  }
tec
execute0_lowered:
.L_overlay_start_1:
0x0: {  	(tag) =	ssettag $0x1  }
0x1: {  	s8 =	rddreg [dreg:$0x0]  }
0x2: {  	s1 =	rddreg [dreg:$0x1]  }
0x3: {  	s2 =	rddreg [dreg:$0x2];
	s3 =	srdreg.scid  }
0x4: {  	s0 =	rddreg [dreg:$0x3];
	s4 =	simm.s32 $0x0;
	s6 =	simm.s32 $0x0  }
0x5: {  	s18 =	simm.s32 $0x7800;
	s19 =	simm.s32 $0x1;
	s20 =	simm.s32 $0xB900  }
0x6: {  	s21 =	simm.s32 $0xB880;
	s7 =	sand.u32 $0x1, s3;
	s3 =	stileid.u32  }
0x7: {  	s22 =	simm.s32 $0x0;
	[smem:$0x7FF] =	sst s4;
	s9 =	smul.u32 $0x140000, s7  }
0x8: {  	s5 =	sshll.u32 s7, $0x4;
	s10 =	smul.u32 $0x14000, s3;
	_ =	strace $0x8000004D  }
0x9: {  	s28 =	ssub.s32 $0x2, s7;
	s12 =	smul.u32 $0x50000, s3;
	s7 =	sadd.s32 $0x44400, s8  }
0xa: {  	s31 =	sshll.u32 s3, $0x6;
	s14 =	sor.u32 s3, s5;
	s5 =	sadd.s32 $0x2E00, s8  }
0xb: {  	s29 =	sshrl.u32 s28, $0x1;
	p0 =	slt.u32 s14, $0x15;
	s9 =	sadd.s32 s10, s9  }
0xc: {  	s30 =	sshrl.u32 s12, $0x2;
	s15 =	smul.u32 $0x72, s14;
	s16 =	ssub.s32 s28, s29  }
0xd: {  	s6 =	simm.s32 @!p0 $0xF00;
	s9 =	sshrl.u32 s9, $0x3;
	s17 =	sadd.s32 s30, s2  }
.Ltmp0:
0xe: {  	p0 =	sgt.u32 s14, $0x14;
	s11 =	sadd.s32 s6, s8;
	(pc) =	sbr.rel .LBB2_1-.Ltmp0, $4  }
0xf: {  	s6 =	sadd.s32 $0x4E200, s8;
	s13 =	sadd.s32 s9, s8;
	s8 =	sor.u32 $0x1C02, s31  }
0x10: {  	s10 =	sadd.s32 $0xFFF6A6, s15;
	s15 =	simm.s32 $0x2;
	s9 =	sadd.s32 $0x2AE00, s11  }
0x11: {  	s11 =	smul.u32 $0x78, s14;
	s12 =	sadd.s32 $0x61E00, s13;
	s13 =	smax.u32 s16, $0x1  }
0x12: {  	s14 =	sshrl.u32 s17, $0x3;
	s16 =	simm.s32 $0xB800;
	s17 =	simm.s32 $0x80  }
.LBB2_8:
0x13: {  	s22 =	sadd.s32 $0x1, s22  }
0x14: {  	p1 =	sne.s32 s22, s13  }
.Ltmp1:
0x15: {  	[bflag:$0x0] =	sbarrier.arrive $0xFFFF;
	(pc) =	sbr.rel @!p1 .LBB2_9-.Ltmp1, $4  }
0x16: {  	[hbm:s12], [sflag:s8] =	dma.local [spmem:s14], $0x2800  }
0x17: {  	_ =	swait.ge [sflag:s15], $0x2800  }
0x18: {  	[sflag:s15] =	ssyncset.done $0x0  }
0x19: {  	[sflag:s15] =	ssyncadd.s32 $0xFFFFD800  }
.LBB2_1:
0x1a: {  	[spmem:s14], [sflag:s8] =	dma.local [hbm:s1], $0x2800  }
0x1b: {  	_ =	swait.ge [sflag:s15], $0x2800  }
0x1c: {  	[sflag:s15] =	ssyncset.done $0x0  }
0x1d: {  	[sflag:s15] =	ssyncadd.s32 $0xFFFFD800  }
0x1e: {  	[tilespmem:s4], [sflag:$0x2] =	stream.linear.gather [hbm4b:s9+s4], $0x7800, $0x38;
	[tilespmem:$0x1F980] =	vst v63  }
.Ltmp2:
0x1f: {  	_ =	swait.ge [sflag:s15], $0x7800;
	(pc) =	sbr.rel @p0 .LBB2_5-.Ltmp2, $4  }
0x20: {  	[sflag:s15] =	ssyncset.done $0x0  }
0x21: {  	[sflag:s15] =	ssyncadd.s32 $0xFFFF8800  }
0x22: {  	[bflag:$0x0] =	sbarrier.arrive $0xFFFF  }
0x23: {  	s23 =	simm.s32 $0x0;
	s24 =	simm.s32 $0x0  }
.LBB2_2:
0x24: {  	s24 =	sadd.s32 s11, s23  }
0x25: {  	s24 =	sshll.u32 s24, $0x5  }
0x26: {  	s26 =	simm.s32 $0x0;
	s25 =	sadd.s32 s6, s24  }
0x27: {  	[tilespmem:s16], [sflag:$0x2] =	stream.linear.gather [hbm4b:s25+s26], $0x100, $0x38;
	[tilespmem:$0x1F980] =	vst v63  }
0x28: {  	_ =	swait.ge [sflag:s15], $0x100  }
0x29: {  	[sflag:s15] =	ssyncset.done $0x0  }
0x2a: {  	[sflag:s15] =	ssyncadd.s32 $0xFFFFFF00  }
0x2b: {  	[tilespmem:s18], [sflag:$0x1] =	stream.indirect.gather [hbm4b:s5+s17], $0x80, s16, s17, $0xb8;
	[tilespmem:$0x1F980] =	vst v63  }
0x2c: {  	v0 =	vld [tilespmem:$0xB880]  }
0x2d: {  	v1 =	vld [tilespmem:$0xB800];
	_ =	sdelay $0x3  }
0x2e: {  	v2 =	vadd.s32 $0x2800, v0;
	_ =	sdelay $0x3  }
0x2f: {  	v3 =	vld.idx.msk [tilespmem:v1+s26+$0x0], $0xffff  }
0x30: {  	v2 =	vld.idx.msk [tilespmem:v2+s26+$0x0], $0xffff;
	_ =	sdelay $0x4  }
0x31: {  	v2 =	vadd.f32 v2, v3;
	_ =	sdelay $0x1  }
0x32: {  	v2 =	vadd.f32 v2, v2;
	_ =	sdelay $0x1  }
0x33: {  	v2 =	vmul.f32 $1.442695020e+00, v2;
	_ =	sdelay $0x1  }
0x34: {  	(erf) = vpow2.f32 v2;
	_ =	sdelay $0x8  }
0x35: {  	v2 =	vpop (erf)  }
0x36: {  	v2 =	vadd.f32 $1.000000000e+00, v2;
	_ =	sdelay $0x1  }
0x37: {  	(erf) = vrcp.f32 v2;
	_ =	sdelay $0x3  }
0x38: {  	v1 =	vadd.s32 $0x5000, v1;
	_ =	sdelay $0x1  }
0x39: {  	v0 =	vadd.s32 $0x5000, v0;
	_ =	sdelay $0x1  }
0x3a: {  	v4 =	vld [tilespmem:$0xB810]  }
0x3b: {  	v1 =	vld.idx.msk [tilespmem:v1+s26+$0x0], $0xffff;
	v2 =	vpop (erf)  }
0x3c: {  	v3 =	vld [tilespmem:$0xB890];
	v2 =	vadd.f32 v2, v2  }
0x3d: {  	v0 =	vld.idx.msk [tilespmem:v0+s26+$0x0], $0xffff  }
0x3e: {  	v2 =	vsub.f32 $1.000000000e+00, v2;
	_ =	sdelay $0x1  }
0x3f: {  	v1 =	vmul.f32 v2, v1  }
0x40: {  	v2 =	vadd.s32 $0x2800, v3  }
0x41: {  	v0 =	vmul.f32 v1, v0;
	_ =	sdelay $0x1  }
0x42: {  	[tilespmem:$0xB900] =	vst v0  }
0x43: {  	v0 =	vld.idx.msk [tilespmem:v4+s26+$0x0], $0xffff  }
0x44: {  	v1 =	vld.idx.msk [tilespmem:v2+s26+$0x0], $0xffff;
	_ =	sdelay $0x4  }
0x45: {  	v0 =	vadd.f32 v1, v0;
	_ =	sdelay $0x1  }
0x46: {  	v0 =	vadd.f32 v0, v0;
	_ =	sdelay $0x1  }
0x47: {  	v0 =	vmul.f32 $1.442695020e+00, v0;
	_ =	sdelay $0x1  }
0x48: {  	(erf) = vpow2.f32 v0;
	_ =	sdelay $0x8  }
0x49: {  	v0 =	vpop (erf)  }
0x4a: {  	v0 =	vadd.f32 $1.000000000e+00, v0;
	_ =	sdelay $0x1  }
0x4b: {  	(erf) = vrcp.f32 v0;
	_ =	sdelay $0x3  }
0x4c: {  	v0 =	vadd.s32 $0x5000, v4  }
0x4d: {  	v1 =	vadd.s32 $0x5000, v3;
	_ =	sdelay $0x2  }
0x4e: {  	v3 =	vld [tilespmem:$0xB8A0]  }
0x4f: {  	v0 =	vld.idx.msk [tilespmem:v0+s26+$0x0], $0xffff;
	v2 =	vpop (erf)  }
0x50: {  	v1 =	vld.idx.msk [tilespmem:v1+s26+$0x0], $0xffff;
	v2 =	vadd.f32 v2, v2  }
0x51: {  	v4 =	vld [tilespmem:$0xB820]  }
0x52: {  	v2 =	vsub.f32 $1.000000000e+00, v2;
	_ =	sdelay $0x1  }
0x53: {  	v0 =	vmul.f32 v2, v0  }
0x54: {  	v2 =	vadd.s32 $0x2800, v3  }
0x55: {  	v0 =	vmul.f32 v0, v1;
	_ =	sdelay $0x1  }
0x56: {  	[tilespmem:$0xB910] =	vst v0  }
0x57: {  	v0 =	vld.idx.msk [tilespmem:v4+s26+$0x0], $0xffff  }
0x58: {  	v1 =	vld.idx.msk [tilespmem:v2+s26+$0x0], $0xffff;
	_ =	sdelay $0x4  }
0x59: {  	v0 =	vadd.f32 v1, v0;
	_ =	sdelay $0x1  }
0x5a: {  	v0 =	vadd.f32 v0, v0;
	_ =	sdelay $0x1  }
0x5b: {  	v0 =	vmul.f32 $1.442695020e+00, v0;
	_ =	sdelay $0x1  }
0x5c: {  	(erf) = vpow2.f32 v0;
	_ =	sdelay $0x8  }
0x5d: {  	v0 =	vpop (erf)  }
0x5e: {  	v0 =	vadd.f32 $1.000000000e+00, v0;
	_ =	sdelay $0x1  }
0x5f: {  	(erf) = vrcp.f32 v0;
	_ =	sdelay $0x3  }
0x60: {  	v0 =	vadd.s32 $0x5000, v4  }
0x61: {  	v1 =	vadd.s32 $0x5000, v3;
	_ =	sdelay $0x2  }
0x62: {  	v3 =	vld [tilespmem:$0xB8B0]  }
0x63: {  	v0 =	vld.idx.msk [tilespmem:v0+s26+$0x0], $0xffff;
	v2 =	vpop (erf)  }
0x64: {  	v1 =	vld.idx.msk [tilespmem:v1+s26+$0x0], $0xffff;
	v2 =	vadd.f32 v2, v2  }
0x65: {  	v4 =	vld [tilespmem:$0xB830]  }
0x66: {  	v2 =	vsub.f32 $1.000000000e+00, v2;
	_ =	sdelay $0x1  }
0x67: {  	v0 =	vmul.f32 v2, v0  }
0x68: {  	v2 =	vadd.s32 $0x2800, v3  }
0x69: {  	v0 =	vmul.f32 v0, v1;
	_ =	sdelay $0x1  }
0x6a: {  	[tilespmem:$0xB920] =	vst v0  }
0x6b: {  	v0 =	vld.idx.msk [tilespmem:v4+s26+$0x0], $0xffff  }
0x6c: {  	v1 =	vld.idx.msk [tilespmem:v2+s26+$0x0], $0xffff;
	_ =	sdelay $0x4  }
0x6d: {  	v0 =	vadd.f32 v1, v0;
	_ =	sdelay $0x1  }
0x6e: {  	v0 =	vadd.f32 v0, v0;
	_ =	sdelay $0x1  }
0x6f: {  	v0 =	vmul.f32 $1.442695020e+00, v0;
	_ =	sdelay $0x1  }
0x70: {  	(erf) = vpow2.f32 v0;
	_ =	sdelay $0x8  }
0x71: {  	v0 =	vpop (erf)  }
0x72: {  	v0 =	vadd.f32 $1.000000000e+00, v0;
	_ =	sdelay $0x1  }
0x73: {  	(erf) = vrcp.f32 v0;
	_ =	sdelay $0x3  }
0x74: {  	v0 =	vadd.s32 $0x5000, v4  }
0x75: {  	v1 =	vadd.s32 $0x5000, v3;
	_ =	sdelay $0x2  }
0x76: {  	v3 =	vld [tilespmem:$0xB8C0]  }
0x77: {  	v0 =	vld.idx.msk [tilespmem:v0+s26+$0x0], $0xffff;
	v2 =	vpop (erf)  }
0x78: {  	v1 =	vld.idx.msk [tilespmem:v1+s26+$0x0], $0xffff;
	v2 =	vadd.f32 v2, v2  }
0x79: {  	v4 =	vld [tilespmem:$0xB840]  }
0x7a: {  	v2 =	vsub.f32 $1.000000000e+00, v2;
	_ =	sdelay $0x1  }
0x7b: {  	v0 =	vmul.f32 v2, v0  }
0x7c: {  	v2 =	vadd.s32 $0x2800, v3  }
0x7d: {  	v0 =	vmul.f32 v0, v1;
	_ =	sdelay $0x1  }
0x7e: {  	[tilespmem:$0xB930] =	vst v0  }
0x7f: {  	v0 =	vld.idx.msk [tilespmem:v4+s26+$0x0], $0xffff  }
0x80: {  	v1 =	vld.idx.msk [tilespmem:v2+s26+$0x0], $0xffff;
	_ =	sdelay $0x4  }
0x81: {  	v0 =	vadd.f32 v1, v0;
	_ =	sdelay $0x1  }
0x82: {  	v0 =	vadd.f32 v0, v0;
	_ =	sdelay $0x1  }
0x83: {  	v0 =	vmul.f32 $1.442695020e+00, v0;
	_ =	sdelay $0x1  }
0x84: {  	(erf) = vpow2.f32 v0;
	_ =	sdelay $0x8  }
0x85: {  	v0 =	vpop (erf)  }
0x86: {  	v0 =	vadd.f32 $1.000000000e+00, v0;
	_ =	sdelay $0x1  }
0x87: {  	(erf) = vrcp.f32 v0;
	_ =	sdelay $0x3  }
0x88: {  	v0 =	vadd.s32 $0x5000, v4  }
0x89: {  	v1 =	vadd.s32 $0x5000, v3;
	_ =	sdelay $0x2  }
0x8a: {  	v3 =	vld [tilespmem:$0xB8D0]  }
0x8b: {  	v0 =	vld.idx.msk [tilespmem:v0+s26+$0x0], $0xffff;
	v2 =	vpop (erf)  }
0x8c: {  	v1 =	vld.idx.msk [tilespmem:v1+s26+$0x0], $0xffff;
	v2 =	vadd.f32 v2, v2  }
0x8d: {  	v4 =	vld [tilespmem:$0xB850]  }
0x8e: {  	v2 =	vsub.f32 $1.000000000e+00, v2;
	_ =	sdelay $0x1  }
0x8f: {  	v0 =	vmul.f32 v2, v0  }
0x90: {  	v2 =	vadd.s32 $0x2800, v3  }
0x91: {  	v0 =	vmul.f32 v0, v1;
	_ =	sdelay $0x1  }
0x92: {  	[tilespmem:$0xB940] =	vst v0  }
0x93: {  	v0 =	vld.idx.msk [tilespmem:v4+s26+$0x0], $0xffff  }
0x94: {  	v1 =	vld.idx.msk [tilespmem:v2+s26+$0x0], $0xffff;
	_ =	sdelay $0x4  }
0x95: {  	v0 =	vadd.f32 v1, v0;
	_ =	sdelay $0x1  }
0x96: {  	v0 =	vadd.f32 v0, v0;
	_ =	sdelay $0x1  }
0x97: {  	v0 =	vmul.f32 $1.442695020e+00, v0;
	_ =	sdelay $0x1  }
0x98: {  	(erf) = vpow2.f32 v0;
	_ =	sdelay $0x8  }
0x99: {  	v0 =	vpop (erf)  }
0x9a: {  	v0 =	vadd.f32 $1.000000000e+00, v0;
	_ =	sdelay $0x1  }
0x9b: {  	(erf) = vrcp.f32 v0;
	_ =	sdelay $0x3  }
0x9c: {  	v0 =	vadd.s32 $0x5000, v4  }
0x9d: {  	v1 =	vadd.s32 $0x5000, v3;
	_ =	sdelay $0x2  }
0x9e: {  	v3 =	vld [tilespmem:$0xB8E0]  }
0x9f: {  	v0 =	vld.idx.msk [tilespmem:v0+s26+$0x0], $0xffff;
	v2 =	vpop (erf)  }
0xa0: {  	v1 =	vld.idx.msk [tilespmem:v1+s26+$0x0], $0xffff;
	v2 =	vadd.f32 v2, v2  }
0xa1: {  	v4 =	vld [tilespmem:$0xB860]  }
0xa2: {  	v2 =	vsub.f32 $1.000000000e+00, v2;
	_ =	sdelay $0x1  }
0xa3: {  	v0 =	vmul.f32 v2, v0  }
0xa4: {  	v2 =	vadd.s32 $0x2800, v3  }
0xa5: {  	v0 =	vmul.f32 v0, v1;
	_ =	sdelay $0x1  }
0xa6: {  	[tilespmem:$0xB950] =	vst v0  }
0xa7: {  	v0 =	vld.idx.msk [tilespmem:v4+s26+$0x0], $0xffff  }
0xa8: {  	v1 =	vld.idx.msk [tilespmem:v2+s26+$0x0], $0xffff;
	_ =	sdelay $0x4  }
0xa9: {  	v0 =	vadd.f32 v1, v0;
	_ =	sdelay $0x1  }
0xaa: {  	v0 =	vadd.f32 v0, v0;
	_ =	sdelay $0x1  }
0xab: {  	v0 =	vmul.f32 $1.442695020e+00, v0;
	_ =	sdelay $0x1  }
0xac: {  	(erf) = vpow2.f32 v0;
	_ =	sdelay $0x8  }
0xad: {  	v0 =	vpop (erf)  }
0xae: {  	v0 =	vadd.f32 $1.000000000e+00, v0;
	_ =	sdelay $0x1  }
0xaf: {  	(erf) = vrcp.f32 v0;
	_ =	sdelay $0x3  }
0xb0: {  	v0 =	vadd.s32 $0x5000, v4  }
0xb1: {  	v1 =	vadd.s32 $0x5000, v3;
	_ =	sdelay $0x2  }
0xb2: {  	v3 =	vld [tilespmem:$0xB8F0]  }
0xb3: {  	v0 =	vld.idx.msk [tilespmem:v0+s26+$0x0], $0xffff;
	v2 =	vpop (erf)  }
0xb4: {  	v1 =	vld.idx.msk [tilespmem:v1+s26+$0x0], $0xffff;
	v2 =	vadd.f32 v2, v2  }
0xb5: {  	v4 =	vld [tilespmem:$0xB870]  }
0xb6: {  	v2 =	vsub.f32 $1.000000000e+00, v2;
	_ =	sdelay $0x1  }
0xb7: {  	v0 =	vmul.f32 v2, v0  }
0xb8: {  	v2 =	vadd.s32 $0x2800, v3  }
0xb9: {  	v0 =	vmul.f32 v0, v1;
	_ =	sdelay $0x1  }
0xba: {  	[tilespmem:$0xB960] =	vst v0  }
0xbb: {  	v0 =	vld.idx.msk [tilespmem:v4+s26+$0x0], $0xffff  }
0xbc: {  	v1 =	vld.idx.msk [tilespmem:v2+s26+$0x0], $0xffff;
	_ =	sdelay $0x4  }
0xbd: {  	v0 =	vadd.f32 v1, v0;
	_ =	sdelay $0x1  }
0xbe: {  	v0 =	vadd.f32 v0, v0;
	_ =	sdelay $0x1  }
0xbf: {  	v0 =	vmul.f32 $1.442695020e+00, v0;
	_ =	sdelay $0x1  }
0xc0: {  	(erf) = vpow2.f32 v0;
	_ =	sdelay $0x8  }
0xc1: {  	v0 =	vpop (erf)  }
0xc2: {  	v0 =	vadd.f32 $1.000000000e+00, v0;
	_ =	sdelay $0x1  }
0xc3: {  	(erf) = vrcp.f32 v0;
	_ =	sdelay $0x3  }
0xc4: {  	v0 =	vadd.s32 $0x5000, v4;
	_ =	sdelay $0x1  }
0xc5: {  	v1 =	vadd.s32 $0x5000, v3;
	_ =	sdelay $0x2  }
0xc6: {  	v0 =	vld.idx.msk [tilespmem:v0+s26+$0x0], $0xffff;
	v2 =	vpop (erf)  }
0xc7: {  	v2 =	vadd.f32 v2, v2  }
0xc8: {  	v1 =	vld.idx.msk [tilespmem:v1+s26+$0x0], $0xffff  }
0xc9: {  	v2 =	vsub.f32 $1.000000000e+00, v2;
	_ =	sdelay $0x1  }
0xca: {  	v0 =	vmul.f32 v2, v0;
	v2 =	vmov s26  }
0xcb: {  	v2 =	vand.u32 $0xFFFFFFF8, v2  }
0xcc: {  	v0 =	vmul.f32 v0, v1;
	v1 =	vbroadcast v2, $0x0;
	_ =	sdelay $0x1  }
0xcd: {  	[tilespmem:$0xB970] =	vst v0  }
0xce: {  	_ =	swait.ge [sflag:s19], $0x4000  }
0xcf: {  	[sflag:s19] =	ssyncset.done $0x0  }
0xd0: {  	s28 =	simm.s32 $0x6;
	[sflag:s19] =	ssyncadd.s32 $0xFFFFC000  }
0xd1: {  	s24 =	simm.s32 $0x7A00;
	v3 =	vmov s28;
	v0 =	vld.idx.msk [tilespmem:v1+s20+$0x0], $0xffff  }
0xd2: {  	v2 =	vand.u32 $0xFFFFFFFE, v3;
	v3 =	vld [tilespmem:s24+$0x170]  }
0xd3: {  	v2 =	vbroadcast v2, $0x0;
	v4 =	vld [tilespmem:s24+$0xFFFFFE00]  }
0xd4: {  	v5 =	vld [tilespmem:s24+$0xFFFFFE10]  }
0xd5: {  	v6 =	vld [tilespmem:s24+$0xFFFFFE20]  }
0xd6: {  	v7 =	vld [tilespmem:s24+$0xFFFFFE30]  }
0xd7: {  	v8 =	vld [tilespmem:s24+$0xFFFFFE40]  }
0xd8: {  	s29 =	simm.s32 $0x1;
	v9 =	vld [tilespmem:s24+$0xFFFFFE50]  }
0xd9: {  	v1 =	vld.idx.msk [tilespmem:v2+s20+$0x0], $0xffff;
	v2 =	vmov s29  }
0xda: {  	v10 =	vld [tilespmem:s24+$0xFFFFFE60];
	v2 =	vand.u32 $0xFFFFFFF9, v2  }
0xdb: {  	v11 =	vld [tilespmem:s24+$0xFFFFFE70];
	v2 =	vbroadcast v2, $0x0  }
0xdc: {  	v12 =	vld [tilespmem:s24+$0xFFFFFE80]  }
0xdd: {  	v13 =	vld [tilespmem:s24+$0xFFFFFE90];
	v4 =	vmul.f32 v4, v0  }
0xde: {  	v14 =	vld [tilespmem:s24+$0xFFFFFEA0];
	v7 =	vmul.f32 v7, v0  }
0xdf: {  	v15 =	vld [tilespmem:s24+$0xFFFFFEB0];
	v5 =	vmul.f32 v5, v0;
	[tilespmem:s24+$0xFFFFFE00] =	vst v4  }
0xe0: {  	s30 =	simm.s32 $0x2;
	v8 =	vmul.f32 v8, v0;
	[tilespmem:s24+$0xFFFFFE30] =	vst v7;
	v7 =	vmul.f32 v9, v0;
	v9 =	vld [tilespmem:s24+$0xFFFFFEF0]  }
0xe1: {  	v3 =	vmul.f32 v3, v1;
	v4 =	vmov s30;
	[tilespmem:s24+$0xFFFFFE10] =	vst v5;
	v2 =	vld.idx.msk [tilespmem:v2+s20+$0x0], $0xffff  }
0xe2: {  	[tilespmem:s24+$0xFFFFFE40] =	vst v8;
	v8 =	vmul.f32 v10, v0;
	v10 =	vld [tilespmem:s24+$0xFFFFFF00];
	v4 =	vand.u32 $0xFFFFFFFA, v4  }
0xe3: {  	[tilespmem:s24+$0x170] =	vst v3;
	v3 =	vmul.f32 v6, v0;
	v6 =	vld [tilespmem:s24+$0xFFFFFEC0];
	v4 =	vbroadcast v4, $0x0  }
0xe4: {  	v0 =	vmul.f32 v11, v0;
	v11 =	vld [tilespmem:s24+$0xFFFFFF20];
	[tilespmem:s24+$0xFFFFFE50] =	vst v7  }
0xe5: {  	v7 =	vld [tilespmem:s24+$0xFFFFFF10];
	[tilespmem:s24+$0xFFFFFE60] =	vst v8  }
0xe6: {  	[tilespmem:s24+$0xFFFFFE20] =	vst v3;
	v3 =	vld [tilespmem:s24+$0xFFFFFEE0];
	v5 =	vmul.f32 v12, v2  }
0xe7: {  	[tilespmem:s24+$0xFFFFFE70] =	vst v0;
	v12 =	vld [tilespmem:s24+$0xFFFFFED0];
	v8 =	vmul.f32 v13, v2  }
0xe8: {  	s31 =	simm.s32 $0x3;
	v0 =	vmul.f32 v14, v2;
	v13 =	vld [tilespmem:s24+$0xFFFFFF30];
	[tilespmem:s24+$0xFFFFFE80] =	vst v5  }
0xe9: {  	v6 =	vmul.f32 v6, v2;
	v4 =	vld.idx.msk [tilespmem:v4+s20+$0x0], $0xffff;
	v5 =	vmov s31;
	[tilespmem:s24+$0xFFFFFE90] =	vst v8  }
0xea: {  	v14 =	vld [tilespmem:s24+$0xFFFFFF40];
	v8 =	vmul.f32 v15, v2;
	[tilespmem:s24+$0xFFFFFEA0] =	vst v0;
	v5 =	vand.u32 $0xFFFFFFFB, v5  }
0xeb: {  	v3 =	vmul.f32 v3, v2;
	[tilespmem:s24+$0xFFFFFEC0] =	vst v6;
	v6 =	vld [tilespmem:s24+$0xFFFFFF70];
	v5 =	vbroadcast v5, $0x0  }
0xec: {  	[tilespmem:s24+$0xFFFFFEB0] =	vst v8;
	v8 =	vld [tilespmem:s24+$0xFFFFFF60];
	v12 =	vmul.f32 v12, v2  }
0xed: {  	[tilespmem:s24+$0xFFFFFEE0] =	vst v3;
	v2 =	vmul.f32 v9, v2;
	v9 =	vld [tilespmem:s24+$0xFFFFFF80]  }
0xee: {  	v0 =	vmul.f32 v10, v4;
	v10 =	vld [tilespmem:s24+$0xFFFFFF50];
	[tilespmem:s24+$0xFFFFFED0] =	vst v12  }
0xef: {  	v3 =	vmul.f32 v7, v4;
	v7 =	vld [tilespmem:s24+$0xFFFFFF90];
	[tilespmem:s24+$0xFFFFFEF0] =	vst v2  }
0xf0: {  	s26 =	simm.s32 $0x4;
	v2 =	vmul.f32 v11, v4;
	v11 =	vld [tilespmem:s24+$0xFFFFFFA0];
	[tilespmem:s24+$0xFFFFFF00] =	vst v0  }
0xf1: {  	v0 =	vmov s26;
	[tilespmem:s24+$0xFFFFFF10] =	vst v3;
	v3 =	vmul.f32 v13, v4;
	v5 =	vld.idx.msk [tilespmem:v5+s20+$0x0], $0xffff  }
0xf2: {  	v12 =	vld [tilespmem:s24+$0xFFFFFFB0];
	v0 =	vand.u32 $0xFFFFFFFC, v0;
	[tilespmem:s24+$0xFFFFFF20] =	vst v2;
	v2 =	vmul.f32 v14, v4  }
0xf3: {  	v13 =	vld [tilespmem:s24+$0xFFFFFFC0];
	v8 =	vmul.f32 v8, v4;
	v0 =	vbroadcast v0, $0x0;
	[tilespmem:s24+$0xFFFFFF30] =	vst v3  }
0xf4: {  	v10 =	vmul.f32 v10, v4;
	[tilespmem:s24+$0xFFFFFF40] =	vst v2;
	v2 =	vld [tilespmem:s24+$0xFFFFFFE0]  }
0xf5: {  	v4 =	vmul.f32 v6, v4;
	v6 =	vld [tilespmem:s24+$0xFFFFFFF0];
	[tilespmem:s24+$0xFFFFFF60] =	vst v8  }
0xf6: {  	v8 =	vld [tilespmem:s24+$0x0];
	[tilespmem:s24+$0xFFFFFF50] =	vst v10;
	v3 =	vmul.f32 v9, v5  }
0xf7: {  	[tilespmem:s24+$0xFFFFFF70] =	vst v4;
	v9 =	vld [tilespmem:s24+$0xFFFFFFD0];
	v7 =	vmul.f32 v7, v5  }
0xf8: {  	v10 =	vld [tilespmem:s24+$0x10];
	v4 =	vmul.f32 v11, v5;
	[tilespmem:s24+$0xFFFFFF80] =	vst v3  }
0xf9: {  	s28 =	simm.s32 $0x5;
	v0 =	vld.idx.msk [tilespmem:v0+s20+$0x0], $0xffff;
	v2 =	vmul.f32 v2, v5;
	[tilespmem:s24+$0xFFFFFF90] =	vst v7  }
0xfa: {  	v11 =	vld [tilespmem:s24+$0x20];
	v3 =	vmov s28;
	v7 =	vmul.f32 v12, v5;
	[tilespmem:s24+$0xFFFFFFA0] =	vst v4  }
0xfb: {  	v4 =	vmul.f32 v13, v5;
	v12 =	vld [tilespmem:s24+$0x30];
	v3 =	vand.u32 $0xFFFFFFFD, v3;
	[tilespmem:s24+$0xFFFFFFE0] =	vst v2  }
0xfc: {  	v3 =	vbroadcast v3, $0x0;
	[tilespmem:s24+$0xFFFFFFB0] =	vst v7;
	v7 =	vmul.f32 v9, v5;
	v9 =	vld [tilespmem:s24+$0x40]  }
0xfd: {  	[tilespmem:s24+$0xFFFFFFC0] =	vst v4;
	v5 =	vmul.f32 v6, v5;
	v6 =	vld [tilespmem:s24+$0x80]  }
0xfe: {  	v4 =	vmul.f32 v8, v0;
	v8 =	vld [tilespmem:s24+$0x50];
	[tilespmem:s24+$0xFFFFFFD0] =	vst v7  }
0xff: {  	v2 =	vmul.f32 v10, v0;
	v7 =	vld [tilespmem:s24+$0x60];
	[tilespmem:s24+$0xFFFFFFF0] =	vst v5  }
0x100: {  	v10 =	vld [tilespmem:s24+$0x90];
	v5 =	vmul.f32 v11, v0;
	[tilespmem:s24+$0x0] =	vst v4  }
0x101: {  	v4 =	vld [tilespmem:s24+$0x70];
	[tilespmem:s24+$0x10] =	vst v2;
	v2 =	vmul.f32 v12, v0  }
0x102: {  	[tilespmem:s24+$0x20] =	vst v5;
	v3 =	vld.idx.msk [tilespmem:v3+s20+$0x0], $0xffff;
	v5 =	vmul.f32 v9, v0  }
0x103: {  	v9 =	vld [tilespmem:s24+$0xA0];
	[tilespmem:s24+$0x30] =	vst v2  }
0x104: {  	v2 =	vmul.f32 v8, v0;
	v8 =	vld [tilespmem:s24+$0xB0];
	[tilespmem:s24+$0x40] =	vst v5;
	v5 =	vmul.f32 v7, v0  }
0x105: {  	v7 =	vld [tilespmem:s24+$0xC0]  }
0x106: {  	v4 =	vmul.f32 v4, v0;
	[tilespmem:s24+$0x60] =	vst v5;
	v5 =	vld [tilespmem:s24+$0xE0]  }
0x107: {  	[tilespmem:s24+$0x50] =	vst v2;
	v2 =	vmul.f32 v6, v3;
	v6 =	vld [tilespmem:s24+$0xD0]  }
0x108: {  	v10 =	vmul.f32 v10, v3;
	[tilespmem:s24+$0x70] =	vst v4;
	v4 =	vld [tilespmem:s24+$0xF0]  }
0x109: {  	[tilespmem:s24+$0x80] =	vst v2;
	v2 =	vmul.f32 v9, v3;
	v9 =	vld [tilespmem:s24+$0x100]  }
0x10a: {  	v8 =	vmul.f32 v8, v3;
	[tilespmem:s24+$0x90] =	vst v10;
	v10 =	vld [tilespmem:s24+$0x150]  }
0x10b: {  	s29 =	simm.s32 $0x7;
	[tilespmem:s24+$0xA0] =	vst v2;
	v2 =	vmul.f32 v7, v3;
	v7 =	vld [tilespmem:s24+$0x110]  }
0x10c: {  	v13 =	vld [tilespmem:s24+$0x180];
	v11 =	vmov s29;
	[tilespmem:s24+$0xB0] =	vst v8;
	v6 =	vmul.f32 v6, v3  }
0x10d: {  	v8 =	vld [tilespmem:s24+$0x120];
	[tilespmem:s24+$0xC0] =	vst v2;
	v2 =	vmul.f32 v5, v3  }
0x10e: {  	s28 =	simm.s32 $0xA;
	v5 =	vld [tilespmem:s24+$0x130];
	v3 =	vmul.f32 v4, v3;
	[tilespmem:s24+$0xD0] =	vst v6  }
0x10f: {  	s30 =	simm.s32 $0x8;
	v12 =	vmov s28;
	v4 =	vld [tilespmem:s24+$0x140];
	v9 =	vmul.f32 v9, v1;
	[tilespmem:s24+$0xE0] =	vst v2  }
0x110: {  	s31 =	simm.s32 $0xF;
	s26 =	simm.s32 $0x9;
	v6 =	vmov s30;
	v10 =	vmul.f32 v10, v1;
	[tilespmem:s24+$0xF0] =	vst v3;
	v3 =	vmul.f32 v7, v1;
	v7 =	vld [tilespmem:s24+$0x160]  }
0x111: {  	s29 =	simm.s32 $0xB;
	v0 =	vld.idx.msk [tilespmem:v11+s20+$0x0], $0xffff;
	v11 =	vmov s26;
	s30 =	simm.s32 $0xC;
	v6 =	vand.u32 $0xFFFFFFF8, v6;
	v2 =	vmov s31;
	[tilespmem:s24+$0x100] =	vst v9  }
0x112: {  	v16 =	vld [tilespmem:s24+$0x190];
	v8 =	vmul.f32 v8, v1;
	v14 =	vmov s30;
	s31 =	simm.s32 $0xD;
	v9 =	vmov s29;
	[tilespmem:s24+$0x150] =	vst v10  }
0x113: {  	v17 =	vmov s31;
	[tilespmem:s24+$0x110] =	vst v3;
	v15 =	vmul.f32 v5, v1;
	v3 =	vbroadcast v6, $0x0;
	v5 =	vld [tilespmem:s24+$0x1A0]  }
0x114: {  	[tilespmem:s24+$0x120] =	vst v8;
	v8 =	vmul.f32 v4, v1;
	v4 =	vand.u32 $0xFFFFFFF9, v11;
	v11 =	vand.u32 $0xFFFFFFFA, v12;
	v6 =	vld [tilespmem:s24+$0x1B0]  }
0x115: {  	v12 =	vand.u32 $0xFFFFFFFB, v9;
	v4 =	vbroadcast v4, $0x0;
	[tilespmem:s24+$0x130] =	vst v15;
	v15 =	vmul.f32 v7, v1;
	v7 =	vld [tilespmem:s24+$0x1C0]  }
0x116: {  	v9 =	vbroadcast v11, $0x0;
	[tilespmem:s24+$0x140] =	vst v8;
	v8 =	vld [tilespmem:s24+$0x1D0];
	v1 =	vand.u32 $0xFFFFFFFC, v14;
	v14 =	vmul.f32 v13, v0  }
0x117: {  	s25 =	simm.s32 $0x10;
	s26 =	simm.s32 $0xE;
	v10 =	vld [tilespmem:s24+$0x1E0];
	v11 =	vbroadcast v12, $0x0;
	v12 =	vmul.f32 v16, v0;
	v13 =	vand.u32 $0xFFFFFFFD, v17;
	[tilespmem:s24+$0x160] =	vst v15  }
.LBB2_3:
0x118: {  	p1 =	slt.u32 s25, $0x78;
	v1 =	vbroadcast v1, $0x0;
	v15 =	vmov s26;
	[tilespmem:s24+$0x180] =	vst v14;
	v5 =	vmul.f32 v5, v0;
	v14 =	vld [tilespmem:s24+$0x1F0]  }
0x119: {  	v13 =	vbroadcast v13, $0x0;
	v15 =	vand.u32 $0xFFFFFFFE, v15;
	v16 =	vld.idx.msk [tilespmem:v2+s20+$0x0], $0xffff;
	[tilespmem:s24+$0x190] =	vst v12;
	v2 =	vmul.f32 v6, v0  }
0x11a: {  	v6 =	vld.idx.msk [tilespmem:v3+s20+$0x0], $0xffff;
	v12 =	vbroadcast v15, $0x0;
	[tilespmem:s24+$0x1A0] =	vst v5;
	v3 =	vmul.f32 v7, v0  }
0x11b: {  	v5 =	vld.idx.msk [tilespmem:v4+s20+$0x0], $0xffff;
	[tilespmem:s24+$0x1B0] =	vst v2;
	v2 =	vmul.f32 v8, v0  }
0x11c: {  	v7 =	vld.idx.msk [tilespmem:v9+s20+$0x0], $0xffff;
	[tilespmem:s24+$0x1C0] =	vst v3;
	v8 =	vmul.f32 v10, v0  }
0x11d: {  	v4 =	vld.idx.msk [tilespmem:v11+s20+$0x0], $0xffff;
	[tilespmem:s24+$0x1D0] =	vst v2;
	v9 =	vmul.f32 v14, v0  }
0x11e: {  	v3 =	vld.idx.msk [tilespmem:v1+s20+$0x0], $0xffff;
	[tilespmem:s24+$0x1E0] =	vst v8  }
0x11f: {  	v0 =	vmov v16;
	v2 =	vld.idx.msk [tilespmem:v13+s20+$0x0], $0xffff;
	[tilespmem:s24+$0x1F0] =	vst v9  }
0x120: {  	s24 =	sadd.s32 $0x400, s24;
	v1 =	vld.idx.msk [tilespmem:v12+s20+$0x0], $0xffff  }
0x121: {  	v8 =	vld [tilespmem:s24+$0x170]  }
0x122: {  	v9 =	vld [tilespmem:s24+$0xFFFFFE00]  }
0x123: {  	v10 =	vld [tilespmem:s24+$0xFFFFFE10]  }
0x124: {  	v11 =	vld [tilespmem:s24+$0xFFFFFE20]  }
0x125: {  	v12 =	vld [tilespmem:s24+$0xFFFFFE30]  }
0x126: {  	v13 =	vld [tilespmem:s24+$0xFFFFFE40];
	v8 =	vmul.f32 v8, v1  }
0x127: {  	v9 =	vmul.f32 v9, v6;
	v14 =	vld [tilespmem:s24+$0xFFFFFE50]  }
0x128: {  	v10 =	vmul.f32 v10, v6;
	v15 =	vld [tilespmem:s24+$0xFFFFFE60];
	[tilespmem:s24+$0x170] =	vst v8  }
0x129: {  	[tilespmem:s24+$0xFFFFFE00] =	vst v9;
	v8 =	vmul.f32 v11, v6;
	v9 =	vld [tilespmem:s24+$0xFFFFFE70]  }
0x12a: {  	[tilespmem:s24+$0xFFFFFE10] =	vst v10;
	v10 =	vmul.f32 v12, v6;
	v11 =	vld [tilespmem:s24+$0xFFFFFE80]  }
0x12b: {  	[tilespmem:s24+$0xFFFFFE20] =	vst v8;
	v8 =	vmul.f32 v13, v6;
	v12 =	vld [tilespmem:s24+$0xFFFFFE90]  }
0x12c: {  	[tilespmem:s24+$0xFFFFFE30] =	vst v10;
	v10 =	vmul.f32 v14, v6;
	v13 =	vld [tilespmem:s24+$0xFFFFFEA0]  }
0x12d: {  	[tilespmem:s24+$0xFFFFFE40] =	vst v8;
	v8 =	vmul.f32 v15, v6;
	v14 =	vld [tilespmem:s24+$0xFFFFFEB0]  }
0x12e: {  	[tilespmem:s24+$0xFFFFFE50] =	vst v10;
	v6 =	vmul.f32 v9, v6;
	v9 =	vld [tilespmem:s24+$0xFFFFFEC0]  }
0x12f: {  	[tilespmem:s24+$0xFFFFFE60] =	vst v8;
	v8 =	vmul.f32 v11, v5;
	v10 =	vld [tilespmem:s24+$0xFFFFFED0]  }
0x130: {  	[tilespmem:s24+$0xFFFFFE70] =	vst v6;
	v6 =	vmul.f32 v12, v5;
	v11 =	vld [tilespmem:s24+$0xFFFFFEE0]  }
0x131: {  	[tilespmem:s24+$0xFFFFFE80] =	vst v8;
	v8 =	vmul.f32 v13, v5;
	v12 =	vld [tilespmem:s24+$0xFFFFFEF0]  }
0x132: {  	[tilespmem:s24+$0xFFFFFE90] =	vst v6;
	v6 =	vmul.f32 v14, v5;
	v13 =	vld [tilespmem:s24+$0xFFFFFF00]  }
0x133: {  	[tilespmem:s24+$0xFFFFFEA0] =	vst v8;
	v8 =	vmul.f32 v9, v5;
	v9 =	vld [tilespmem:s24+$0xFFFFFF10]  }
0x134: {  	[tilespmem:s24+$0xFFFFFEB0] =	vst v6;
	v6 =	vmul.f32 v10, v5;
	v10 =	vld [tilespmem:s24+$0xFFFFFF20]  }
0x135: {  	[tilespmem:s24+$0xFFFFFEC0] =	vst v8;
	v8 =	vmul.f32 v11, v5;
	v11 =	vld [tilespmem:s24+$0xFFFFFF30]  }
0x136: {  	[tilespmem:s24+$0xFFFFFED0] =	vst v6;
	v5 =	vmul.f32 v12, v5;
	v6 =	vld [tilespmem:s24+$0xFFFFFF40]  }
0x137: {  	[tilespmem:s24+$0xFFFFFEE0] =	vst v8;
	v8 =	vmul.f32 v13, v7;
	v12 =	vld [tilespmem:s24+$0xFFFFFF50]  }
0x138: {  	[tilespmem:s24+$0xFFFFFEF0] =	vst v5;
	v5 =	vmul.f32 v9, v7;
	v9 =	vld [tilespmem:s24+$0xFFFFFF60]  }
0x139: {  	[tilespmem:s24+$0xFFFFFF00] =	vst v8;
	v8 =	vmul.f32 v10, v7;
	v10 =	vld [tilespmem:s24+$0xFFFFFF70]  }
0x13a: {  	[tilespmem:s24+$0xFFFFFF10] =	vst v5;
	v5 =	vmul.f32 v11, v7;
	v11 =	vld [tilespmem:s24+$0xFFFFFF80]  }
0x13b: {  	[tilespmem:s24+$0xFFFFFF20] =	vst v8;
	v6 =	vmul.f32 v6, v7;
	v8 =	vld [tilespmem:s24+$0xFFFFFF90]  }
0x13c: {  	[tilespmem:s24+$0xFFFFFF30] =	vst v5;
	v5 =	vmul.f32 v12, v7;
	v12 =	vld [tilespmem:s24+$0xFFFFFFA0]  }
0x13d: {  	[tilespmem:s24+$0xFFFFFF40] =	vst v6;
	v6 =	vmul.f32 v9, v7;
	v9 =	vld [tilespmem:s24+$0xFFFFFFB0]  }
0x13e: {  	[tilespmem:s24+$0xFFFFFF50] =	vst v5;
	v5 =	vmul.f32 v10, v7;
	v7 =	vld [tilespmem:s24+$0xFFFFFFC0]  }
0x13f: {  	[tilespmem:s24+$0xFFFFFF60] =	vst v6;
	v6 =	vmul.f32 v11, v4;
	v10 =	vld [tilespmem:s24+$0xFFFFFFD0]  }
0x140: {  	[tilespmem:s24+$0xFFFFFF70] =	vst v5;
	v5 =	vmul.f32 v8, v4;
	v8 =	vld [tilespmem:s24+$0xFFFFFFE0]  }
0x141: {  	[tilespmem:s24+$0xFFFFFF80] =	vst v6;
	v6 =	vmul.f32 v12, v4;
	v11 =	vld [tilespmem:s24+$0xFFFFFFF0]  }
0x142: {  	[tilespmem:s24+$0xFFFFFF90] =	vst v5;
	v5 =	vmul.f32 v9, v4;
	v9 =	vld [tilespmem:s24+$0x0]  }
0x143: {  	[tilespmem:s24+$0xFFFFFFA0] =	vst v6;
	v6 =	vmul.f32 v7, v4;
	v7 =	vld [tilespmem:s24+$0x10]  }
0x144: {  	[tilespmem:s24+$0xFFFFFFB0] =	vst v5;
	v5 =	vmul.f32 v10, v4;
	v10 =	vld [tilespmem:s24+$0x20]  }
0x145: {  	[tilespmem:s24+$0xFFFFFFC0] =	vst v6;
	v6 =	vmul.f32 v8, v4;
	v8 =	vld [tilespmem:s24+$0x30]  }
0x146: {  	[tilespmem:s24+$0xFFFFFFD0] =	vst v5;
	v4 =	vmul.f32 v11, v4;
	v5 =	vld [tilespmem:s24+$0x40]  }
0x147: {  	[tilespmem:s24+$0xFFFFFFE0] =	vst v6;
	v6 =	vmul.f32 v9, v3;
	v9 =	vld [tilespmem:s24+$0x50]  }
0x148: {  	[tilespmem:s24+$0xFFFFFFF0] =	vst v4;
	v4 =	vmul.f32 v7, v3;
	v7 =	vld [tilespmem:s24+$0x60]  }
0x149: {  	[tilespmem:s24+$0x0] =	vst v6;
	v6 =	vmul.f32 v10, v3;
	v10 =	vld [tilespmem:s24+$0x70]  }
0x14a: {  	[tilespmem:s24+$0x10] =	vst v4;
	v4 =	vmul.f32 v8, v3;
	v8 =	vld [tilespmem:s24+$0x80]  }
0x14b: {  	[tilespmem:s24+$0x20] =	vst v6;
	v5 =	vmul.f32 v5, v3;
	v6 =	vld [tilespmem:s24+$0x90]  }
0x14c: {  	[tilespmem:s24+$0x30] =	vst v4;
	v4 =	vmul.f32 v9, v3;
	v9 =	vld [tilespmem:s24+$0xA0]  }
0x14d: {  	[tilespmem:s24+$0x40] =	vst v5;
	v5 =	vmul.f32 v7, v3;
	v7 =	vld [tilespmem:s24+$0xB0]  }
0x14e: {  	[tilespmem:s24+$0x50] =	vst v4;
	v3 =	vmul.f32 v10, v3;
	v4 =	vld [tilespmem:s24+$0xC0]  }
0x14f: {  	[tilespmem:s24+$0x60] =	vst v5;
	v5 =	vmul.f32 v8, v2;
	v8 =	vld [tilespmem:s24+$0xD0]  }
0x150: {  	[tilespmem:s24+$0x70] =	vst v3;
	v3 =	vmul.f32 v6, v2;
	v6 =	vld [tilespmem:s24+$0xE0]  }
0x151: {  	[tilespmem:s24+$0x80] =	vst v5;
	v5 =	vmul.f32 v9, v2;
	v9 =	vld [tilespmem:s24+$0xF0]  }
0x152: {  	[tilespmem:s24+$0x90] =	vst v3;
	v3 =	vmul.f32 v7, v2;
	v7 =	vld [tilespmem:s24+$0x100]  }
0x153: {  	[tilespmem:s24+$0xA0] =	vst v5;
	v4 =	vmul.f32 v4, v2;
	v5 =	vld [tilespmem:s24+$0x110]  }
0x154: {  	[tilespmem:s24+$0xB0] =	vst v3;
	v3 =	vmul.f32 v8, v2;
	v8 =	vld [tilespmem:s24+$0x120]  }
0x155: {  	[tilespmem:s24+$0xC0] =	vst v4;
	v4 =	vmul.f32 v6, v2;
	v6 =	vld [tilespmem:s24+$0x130]  }
0x156: {  	[tilespmem:s24+$0xD0] =	vst v3;
	v3 =	vmul.f32 v9, v2;
	v9 =	vld [tilespmem:s24+$0x140]  }
0x157: {  	s26 =	sadd.s32 $0x7, s25;
	v2 =	vmov s25;
	[tilespmem:s24+$0xE0] =	vst v4;
	v4 =	vmul.f32 v7, v1;
	v7 =	vld [tilespmem:s24+$0x150]  }
0x158: {  	s28 =	sadd.s32 $0x1, s25;
	s29 =	sadd.s32 $0x2, s25;
	v10 =	vand.u32 $0xFFFFFFF8, v2;
	v2 =	vmov s26;
	[tilespmem:s24+$0xF0] =	vst v3;
	v3 =	vmul.f32 v5, v1;
	v11 =	vld [tilespmem:s24+$0x160]  }
0x159: {  	v13 =	vmov s29;
	v12 =	vmov s28;
	s28 =	sadd.s32 $0x4, s25;
	s26 =	sadd.s32 $0x3, s25;
	[tilespmem:s24+$0x100] =	vst v4;
	v4 =	vmul.f32 v8, v1;
	v8 =	vld [tilespmem:s24+$0x180]  }
0x15a: {  	v15 =	vmov s28;
	v14 =	vmov s26;
	s26 =	sadd.s32 $0x5, s25;
	[tilespmem:s24+$0x110] =	vst v3;
	v6 =	vmul.f32 v6, v1;
	v16 =	vld [tilespmem:s24+$0x190]  }
.Ltmp3:
0x15b: {  	v3 =	vbroadcast v10, $0x0;
	v10 =	vmov s26;
	[tilespmem:s24+$0x120] =	vst v4;
	v9 =	vmul.f32 v9, v1;
	v5 =	vld [tilespmem:s24+$0x1A0];
	(pc) =	sbr.rel @p1 .LBB2_3-.Ltmp3, $4  }
0x15c: {  	v4 =	vand.u32 $0xFFFFFFF9, v12;
	v12 =	vand.u32 $0xFFFFFFFA, v13;
	[tilespmem:s24+$0x130] =	vst v6;
	v13 =	vmul.f32 v7, v1;
	v6 =	vld [tilespmem:s24+$0x1B0]  }
0x15d: {  	v17 =	vand.u32 $0xFFFFFFFB, v14;
	v4 =	vbroadcast v4, $0x0;
	[tilespmem:s24+$0x140] =	vst v9;
	v18 =	vmul.f32 v11, v1;
	v7 =	vld [tilespmem:s24+$0x1C0]  }
0x15e: {  	v9 =	vbroadcast v12, $0x0;
	v1 =	vand.u32 $0xFFFFFFFC, v15;
	[tilespmem:s24+$0x150] =	vst v13;
	v14 =	vmul.f32 v8, v0;
	v8 =	vld [tilespmem:s24+$0x1D0]  }
0x15f: {  	s26 =	sadd.s32 $0x6, s25;
	s25 =	sadd.s32 $0x8, s25;
	v11 =	vbroadcast v17, $0x0;
	v13 =	vand.u32 $0xFFFFFFFD, v10;
	[tilespmem:s24+$0x160] =	vst v18;
	v12 =	vmul.f32 v16, v0;
	v10 =	vld [tilespmem:s24+$0x1E0]  }
0x160: {  	_ =	sdelay $0x2  }
0x161: {  	v15 =	vld [tilespmem:s24+$0x1F0]  }
0x162: {  	v34 =	vbroadcast v1, $0x0;
	v1 =	vld.idx.msk [tilespmem:v2+s20+$0x0], $0xffff  }
0x163: {  	v17 =	vld.idx.msk [tilespmem:v3+s20+$0x0], $0xffff  }
0x164: {  	v37 =	vld.idx.msk [tilespmem:v4+s20+$0x0], $0xffff  }
0x165: {  	v9 =	vld.idx.msk [tilespmem:v9+s20+$0x0], $0xffff  }
0x166: {  	s25 =	sadd.s32 $0x400, s24;
	v11 =	vld.idx.msk [tilespmem:v11+s20+$0x0], $0xffff  }
0x167: {  	v40 =	vld [tilespmem:s25+$0xFFFFFE00]  }
0x168: {  	v42 =	vld [tilespmem:s25+$0xFFFFFE10]  }
0x169: {  	[tilespmem:s24+$0x180] =	vst v14;
	v5 =	vmul.f32 v5, v0;
	v44 =	vld [tilespmem:s25+$0xFFFFFE20]  }
0x16a: {  	[tilespmem:s24+$0x190] =	vst v12;
	v6 =	vmul.f32 v6, v0;
	v46 =	vld [tilespmem:s25+$0xFFFFFE30]  }
0x16b: {  	v47 =	vld [tilespmem:s25+$0xFFFFFE40];
	[tilespmem:s24+$0x1A0] =	vst v5;
	v39 =	vmul.f32 v7, v0  }
0x16c: {  	v49 =	vld [tilespmem:s25+$0xFFFFFE50];
	[tilespmem:s24+$0x1B0] =	vst v6;
	v41 =	vmul.f32 v8, v0  }
0x16d: {  	v50 =	vld [tilespmem:s25+$0xFFFFFE60];
	[tilespmem:s24+$0x1C0] =	vst v39;
	v43 =	vmul.f32 v10, v0  }
0x16e: {  	v52 =	vld [tilespmem:s25+$0xFFFFFE70];
	[tilespmem:s24+$0x1D0] =	vst v41;
	v45 =	vmul.f32 v15, v0  }
0x16f: {  	v53 =	vld [tilespmem:s25+$0xFFFFFE80];
	[tilespmem:s24+$0x1E0] =	vst v43;
	v48 =	vmul.f32 v40, v17  }
0x170: {  	v55 =	vld [tilespmem:s25+$0xFFFFFE90];
	v8 =	vmul.f32 v42, v17;
	[tilespmem:s24+$0x1F0] =	vst v45  }
0x171: {  	v57 =	vld [tilespmem:s25+$0xFFFFFEA0];
	v51 =	vmul.f32 v44, v17;
	[tilespmem:s25+$0xFFFFFE00] =	vst v48  }
0x172: {  	v59 =	vld [tilespmem:s25+$0xFFFFFEB0];
	v6 =	vmul.f32 v46, v17;
	[tilespmem:s25+$0xFFFFFE10] =	vst v8  }
0x173: {  	v61 =	vld [tilespmem:s25+$0xFFFFFEC0];
	v54 =	vmul.f32 v47, v17;
	[tilespmem:s25+$0xFFFFFE20] =	vst v51  }
0x174: {  	v63 =	vld [tilespmem:s25+$0xFFFFFED0];
	v56 =	vmul.f32 v49, v17;
	[tilespmem:s25+$0xFFFFFE30] =	vst v6  }
0x175: {  	v19 =	vld [tilespmem:s25+$0xFFFFFEF0];
	v58 =	vmul.f32 v50, v17;
	[tilespmem:s25+$0xFFFFFE40] =	vst v54  }
0x176: {  	v21 =	vld [tilespmem:s25+$0xFFFFFF00];
	v60 =	vmul.f32 v52, v17;
	[tilespmem:s25+$0xFFFFFE50] =	vst v56  }
0x177: {  	v23 =	vld [tilespmem:s25+$0xFFFFFF10];
	v62 =	vmul.f32 v53, v37;
	[tilespmem:s25+$0xFFFFFE60] =	vst v58  }
0x178: {  	v25 =	vld [tilespmem:s25+$0xFFFFFF20];
	v5 =	vmul.f32 v55, v37;
	[tilespmem:s25+$0xFFFFFE70] =	vst v60  }
0x179: {  	v27 =	vld [tilespmem:s25+$0xFFFFFF30];
	v18 =	vmul.f32 v57, v37;
	[tilespmem:s25+$0xFFFFFE80] =	vst v62  }
0x17a: {  	v13 =	vbroadcast v13, $0x0;
	v31 =	vld [tilespmem:s25+$0xFFFFFF50];
	v20 =	vmul.f32 v59, v37;
	[tilespmem:s25+$0xFFFFFE90] =	vst v5  }
0x17b: {  	v35 =	vmov s26;
	v33 =	vld [tilespmem:s25+$0xFFFFFF60];
	v22 =	vmul.f32 v61, v37;
	[tilespmem:s25+$0xFFFFFEA0] =	vst v18  }
0x17c: {  	v16 =	vand.u32 $0xFFFFFFFE, v35;
	v35 =	vld [tilespmem:s25+$0xFFFFFF70];
	v24 =	vmul.f32 v63, v37;
	[tilespmem:s25+$0xFFFFFEB0] =	vst v20  }
0x17d: {  	v39 =	vld [tilespmem:s25+$0xFFFFFF90];
	v28 =	vmul.f32 v19, v37;
	[tilespmem:s25+$0xFFFFFEC0] =	vst v22  }
0x17e: {  	v36 =	vbroadcast v16, $0x0;
	v41 =	vld [tilespmem:s25+$0xFFFFFFA0];
	v30 =	vmul.f32 v21, v9;
	[tilespmem:s25+$0xFFFFFED0] =	vst v24  }
0x17f: {  	v4 =	vld.idx.msk [tilespmem:v34+s20+$0x0], $0xffff;
	v32 =	vmul.f32 v23, v9;
	[tilespmem:s25+$0xFFFFFEF0] =	vst v28  }
0x180: {  	v3 =	vld.idx.msk [tilespmem:v13+s20+$0x0], $0xffff;
	v34 =	vmul.f32 v25, v9;
	[tilespmem:s25+$0xFFFFFF00] =	vst v30  }
0x181: {  	v17 =	vld [tilespmem:s25+$0xFFFFFEE0];
	v40 =	vmul.f32 v31, v9;
	[tilespmem:s25+$0xFFFFFF10] =	vst v32  }
0x182: {  	v42 =	vmul.f32 v33, v9;
	v43 =	vld [tilespmem:s25+$0xFFFFFFB0];
	[tilespmem:s25+$0xFFFFFF20] =	vst v34  }
0x183: {  	v44 =	vmul.f32 v35, v9;
	v47 =	vld [tilespmem:s25+$0xFFFFFFD0];
	[tilespmem:s25+$0xFFFFFF50] =	vst v40  }
0x184: {  	v2 =	vld.idx.msk [tilespmem:v36+s20+$0x0], $0xffff;
	v36 =	vmul.f32 v27, v9;
	[tilespmem:s25+$0xFFFFFF60] =	vst v42  }
0x185: {  	v49 =	vld [tilespmem:s25+$0xFFFFFFE0];
	[tilespmem:s25+$0xFFFFFF70] =	vst v44;
	v48 =	vmul.f32 v39, v11  }
0x186: {  	v53 =	vld [tilespmem:s25+$0x0];
	[tilespmem:s25+$0xFFFFFF30] =	vst v36;
	v50 =	vmul.f32 v41, v11  }
0x187: {  	v57 =	vld [tilespmem:s25+$0x20];
	v26 =	vmul.f32 v17, v37;
	[tilespmem:s25+$0xFFFFFF90] =	vst v48  }
0x188: {  	v59 =	vld [tilespmem:s25+$0x30];
	v52 =	vmul.f32 v43, v11;
	[tilespmem:s25+$0xFFFFFFA0] =	vst v50  }
0x189: {  	v61 =	vld [tilespmem:s25+$0x40];
	v56 =	vmul.f32 v47, v11;
	[tilespmem:s25+$0xFFFFFEE0] =	vst v26  }
0x18a: {  	v63 =	vld [tilespmem:s25+$0x50];
	v58 =	vmul.f32 v49, v11;
	[tilespmem:s25+$0xFFFFFFB0] =	vst v52  }
0x18b: {  	v13 =	vld [tilespmem:s25+$0x60];
	v62 =	vmul.f32 v53, v4;
	[tilespmem:s25+$0xFFFFFFD0] =	vst v56  }
0x18c: {  	v19 =	vld [tilespmem:s25+$0x90];
	v14 =	vmul.f32 v57, v4;
	[tilespmem:s25+$0xFFFFFFE0] =	vst v58  }
0x18d: {  	v23 =	vld [tilespmem:s25+$0xB0];
	v16 =	vmul.f32 v59, v4;
	[tilespmem:s25+$0x0] =	vst v62  }
0x18e: {  	v45 =	vld [tilespmem:s25+$0xFFFFFFC0];
	v18 =	vmul.f32 v61, v4;
	[tilespmem:s25+$0x20] =	vst v14  }
0x18f: {  	v38 =	vld [tilespmem:s25+$0x170];
	v20 =	vmul.f32 v63, v4;
	[tilespmem:s25+$0x30] =	vst v16  }
0x190: {  	v29 =	vld [tilespmem:s25+$0xFFFFFF40];
	v22 =	vmul.f32 v13, v4;
	[tilespmem:s25+$0x40] =	vst v18  }
0x191: {  	v51 =	vld [tilespmem:s25+$0xFFFFFFF0];
	v27 =	vmul.f32 v19, v3;
	[tilespmem:s25+$0x50] =	vst v20  }
0x192: {  	v21 =	vld [tilespmem:s25+$0xA0];
	v31 =	vmul.f32 v23, v3;
	[tilespmem:s25+$0x60] =	vst v22  }
0x193: {  	v24 =	vld [tilespmem:s25+$0xC0];
	v54 =	vmul.f32 v45, v11;
	[tilespmem:s25+$0x90] =	vst v27  }
0x194: {  	v32 =	vld [tilespmem:s25+$0x100];
	v12 =	vmul.f32 v38, v2;
	[tilespmem:s25+$0xB0] =	vst v31  }
0x195: {  	v34 =	vld [tilespmem:s25+$0x110];
	v38 =	vmul.f32 v29, v9;
	[tilespmem:s25+$0xFFFFFFC0] =	vst v54  }
0x196: {  	v39 =	vld [tilespmem:s25+$0x140];
	v60 =	vmul.f32 v51, v11;
	[tilespmem:s25+$0x170] =	vst v12  }
0x197: {  	v55 =	vld [tilespmem:s25+$0x10];
	v29 =	vmul.f32 v21, v3;
	[tilespmem:s25+$0xFFFFFF40] =	vst v38  }
0x198: {  	v15 =	vld [tilespmem:s25+$0x70];
	v33 =	vmul.f32 v24, v3;
	[tilespmem:s25+$0xFFFFFFF0] =	vst v60  }
0x199: {  	v36 =	vld [tilespmem:s25+$0x120];
	v40 =	vmul.f32 v32, v2;
	[tilespmem:s25+$0xA0] =	vst v29  }
0x19a: {  	v41 =	vld [tilespmem:s25+$0x150];
	v42 =	vmul.f32 v34, v2;
	[tilespmem:s25+$0xC0] =	vst v33  }
0x19b: {  	v37 =	vld [tilespmem:s25+$0xFFFFFF80];
	v48 =	vmul.f32 v39, v2;
	[tilespmem:s25+$0x100] =	vst v40  }
0x19c: {  	v17 =	vld [tilespmem:s25+$0x80];
	v12 =	vmul.f32 v55, v4;
	[tilespmem:s25+$0x110] =	vst v42  }
0x19d: {  	v28 =	vld [tilespmem:s25+$0xE0];
	v4 =	vmul.f32 v15, v4;
	[tilespmem:s25+$0x140] =	vst v48  }
0x19e: {  	v43 =	vld [tilespmem:s25+$0x160];
	v44 =	vmul.f32 v36, v2;
	[tilespmem:s25+$0x10] =	vst v12  }
0x19f: {  	v47 =	vld [tilespmem:s25+$0x190];
	v50 =	vmul.f32 v41, v2;
	[tilespmem:s25+$0x70] =	vst v4  }
0x1a0: {  	v49 =	vld [tilespmem:s25+$0x1A0];
	v46 =	vmul.f32 v37, v11;
	[tilespmem:s25+$0x120] =	vst v44  }
0x1a1: {  	v57 =	vld [tilespmem:s25+$0x1E0];
	v25 =	vmul.f32 v17, v3;
	[tilespmem:s25+$0x150] =	vst v50  }
0x1a2: {  	v59 =	vld [tilespmem:s25+$0x1F0];
	v37 =	vmul.f32 v28, v3;
	[tilespmem:s25+$0xFFFFFF80] =	vst v46  }
0x1a3: {  	v45 =	vld [tilespmem:s25+$0x180];
	v52 =	vmul.f32 v43, v2;
	[tilespmem:s25+$0x80] =	vst v25  }
0x1a4: {  	v26 =	vld [tilespmem:s25+$0xD0];
	v56 =	vmul.f32 v47, v1;
	[tilespmem:s25+$0xE0] =	vst v37  }
0x1a5: {  	v30 =	vld [tilespmem:s25+$0xF0];
	v58 =	vmul.f32 v49, v1;
	[tilespmem:s25+$0x160] =	vst v52  }
0x1a6: {  	v51 =	vld [tilespmem:s25+$0x1B0];
	v62 =	vmul.f32 v57, v1;
	[tilespmem:s25+$0x190] =	vst v56  }
0x1a7: {  	v38 =	vld [tilespmem:s25+$0x130];
	v63 =	vmul.f32 v59, v1;
	[tilespmem:s25+$0x1A0] =	vst v58  }
0x1a8: {  	v53 =	vld [tilespmem:s25+$0x1C0];
	v54 =	vmul.f32 v45, v1;
	[tilespmem:s25+$0x1E0] =	vst v62  }
0x1a9: {  	v55 =	vld [tilespmem:s25+$0x1D0];
	v35 =	vmul.f32 v26, v3;
	[tilespmem:s25+$0x1F0] =	vst v63  }
0x1aa: {  	v3 =	vmul.f32 v30, v3;
	[tilespmem:s25+$0x180] =	vst v54  }
0x1ab: {  	v60 =	vmul.f32 v51, v1;
	[tilespmem:s25+$0xD0] =	vst v35  }
0x1ac: {  	[tilespmem:s25+$0xF0] =	vst v3;
	v46 =	vmul.f32 v38, v2  }
0x1ad: {  	v2 =	vmul.f32 v53, v1;
	[tilespmem:s25+$0x1B0] =	vst v60  }
0x1ae: {  	v61 =	vmul.f32 v55, v1;
	[tilespmem:s25+$0x130] =	vst v46  }
0x1af: {  	s23 =	sadd.s32 $0x1, s23;
	[tilespmem:s25+$0x1C0] =	vst v2  }
0x1b0: {  	p1 =	seq.s32 s23, $0x78;
	[tilespmem:s25+$0x1D0] =	vst v61  }
0x1b1: {  	[spmem:s2] =	stream.indirect.scatter.add.f32 [tilespmem:s18], [sflag:$0x2], $0x80, s21, s17, $0xb8;
	[tilespmem:$0x1F980] =	vst v63  }
.Ltmp4:
0x1b2: {  	_ = 	snop;
	(pc) =	sbr.rel @!p1 .LBB2_2-.Ltmp4, $4  }
.Ltmp5:
0x1b3: {  	_ = 	snop;
	(pc) =	sbr.rel @p1 .LBB2_8-.Ltmp5, $4  }
0x1b4: {  	_ =	swait.ge [sflag:s15], $0x4000  }
0x1b5: {  	[sflag:s15] =	ssyncset.done $0x0  }
0x1b6: {  	[sflag:s15] =	ssyncadd.s32 $0xFFFFC000  }
0x1b7: {  	_ = 	snop  }
.LBB2_5:
0x1b8: {  	s23 =	sadd.s32 s24, s10  }
0x1b9: {  	s23 =	sshll.u32 s23, $0x5  }
0x1ba: {  	s23 =	sand.u32 $0x1FFFFFE0, s23  }
0x1bb: {  	s26 =	simm.s32 $0x0;
	s25 =	sadd.s32 s7, s23  }
0x1bc: {  	[tilespmem:s16], [sflag:$0x2] =	stream.linear.gather [hbm4b:s25+s26], $0x100, $0x38;
	[tilespmem:$0x1F980] =	vst v63  }
0x1bd: {  	_ =	swait.ge [sflag:s15], $0x100  }
0x1be: {  	[sflag:s15] =	ssyncset.done $0x0  }
0x1bf: {  	[sflag:s15] =	ssyncadd.s32 $0xFFFFFF00  }
0x1c0: {  	[tilespmem:s18], [sflag:$0x1] =	stream.indirect.gather [hbm4b:s5+s17], $0x80, s16, s17, $0xb8;
	[tilespmem:$0x1F980] =	vst v63  }
0x1c1: {  	v0 =	vld [tilespmem:$0xB880]  }
0x1c2: {  	v1 =	vld [tilespmem:$0xB800];
	_ =	sdelay $0x3  }
0x1c3: {  	v2 =	vadd.s32 $0x2800, v0;
	_ =	sdelay $0x3  }
0x1c4: {  	v3 =	vld.idx.msk [tilespmem:v1+s26+$0x0], $0xffff  }
0x1c5: {  	v2 =	vld.idx.msk [tilespmem:v2+s26+$0x0], $0xffff;
	_ =	sdelay $0x4  }
0x1c6: {  	v2 =	vadd.f32 v2, v3;
	_ =	sdelay $0x1  }
0x1c7: {  	v2 =	vadd.f32 v2, v2;
	_ =	sdelay $0x1  }
0x1c8: {  	v2 =	vmul.f32 $1.442695020e+00, v2;
	_ =	sdelay $0x1  }
0x1c9: {  	(erf) = vpow2.f32 v2;
	_ =	sdelay $0x8  }
0x1ca: {  	v2 =	vpop (erf)  }
0x1cb: {  	v2 =	vadd.f32 $1.000000000e+00, v2;
	_ =	sdelay $0x1  }
0x1cc: {  	(erf) = vrcp.f32 v2;
	_ =	sdelay $0x3  }
0x1cd: {  	v1 =	vadd.s32 $0x5000, v1;
	_ =	sdelay $0x1  }
0x1ce: {  	v0 =	vadd.s32 $0x5000, v0;
	_ =	sdelay $0x1  }
0x1cf: {  	v4 =	vld [tilespmem:$0xB810]  }
0x1d0: {  	v1 =	vld.idx.msk [tilespmem:v1+s26+$0x0], $0xffff;
	v2 =	vpop (erf)  }
0x1d1: {  	v3 =	vld [tilespmem:$0xB890];
	v2 =	vadd.f32 v2, v2  }
0x1d2: {  	v0 =	vld.idx.msk [tilespmem:v0+s26+$0x0], $0xffff  }
0x1d3: {  	v2 =	vsub.f32 $1.000000000e+00, v2;
	_ =	sdelay $0x1  }
0x1d4: {  	v1 =	vmul.f32 v2, v1  }
0x1d5: {  	v2 =	vadd.s32 $0x2800, v3  }
0x1d6: {  	v0 =	vmul.f32 v1, v0;
	_ =	sdelay $0x1  }
0x1d7: {  	[tilespmem:$0xB900] =	vst v0  }
0x1d8: {  	v0 =	vld.idx.msk [tilespmem:v4+s26+$0x0], $0xffff  }
0x1d9: {  	v1 =	vld.idx.msk [tilespmem:v2+s26+$0x0], $0xffff;
	_ =	sdelay $0x4  }
0x1da: {  	v0 =	vadd.f32 v1, v0;
	_ =	sdelay $0x1  }
0x1db: {  	v0 =	vadd.f32 v0, v0;
	_ =	sdelay $0x1  }
0x1dc: {  	v0 =	vmul.f32 $1.442695020e+00, v0;
	_ =	sdelay $0x1  }
0x1dd: {  	(erf) = vpow2.f32 v0;
	_ =	sdelay $0x8  }
0x1de: {  	v0 =	vpop (erf)  }
0x1df: {  	v0 =	vadd.f32 $1.000000000e+00, v0;
	_ =	sdelay $0x1  }
0x1e0: {  	(erf) = vrcp.f32 v0;
	_ =	sdelay $0x3  }
0x1e1: {  	v0 =	vadd.s32 $0x5000, v4  }
0x1e2: {  	v1 =	vadd.s32 $0x5000, v3;
	_ =	sdelay $0x2  }
0x1e3: {  	v3 =	vld [tilespmem:$0xB8A0]  }
0x1e4: {  	v0 =	vld.idx.msk [tilespmem:v0+s26+$0x0], $0xffff;
	v2 =	vpop (erf)  }
0x1e5: {  	v1 =	vld.idx.msk [tilespmem:v1+s26+$0x0], $0xffff;
	v2 =	vadd.f32 v2, v2  }
0x1e6: {  	v4 =	vld [tilespmem:$0xB820]  }
0x1e7: {  	v2 =	vsub.f32 $1.000000000e+00, v2;
	_ =	sdelay $0x1  }
0x1e8: {  	v0 =	vmul.f32 v2, v0  }
0x1e9: {  	v2 =	vadd.s32 $0x2800, v3  }
0x1ea: {  	v0 =	vmul.f32 v0, v1;
	_ =	sdelay $0x1  }
0x1eb: {  	[tilespmem:$0xB910] =	vst v0  }
0x1ec: {  	v0 =	vld.idx.msk [tilespmem:v4+s26+$0x0], $0xffff  }
0x1ed: {  	v1 =	vld.idx.msk [tilespmem:v2+s26+$0x0], $0xffff;
	_ =	sdelay $0x4  }
0x1ee: {  	v0 =	vadd.f32 v1, v0;
	_ =	sdelay $0x1  }
0x1ef: {  	v0 =	vadd.f32 v0, v0;
	_ =	sdelay $0x1  }
0x1f0: {  	v0 =	vmul.f32 $1.442695020e+00, v0;
	_ =	sdelay $0x1  }
0x1f1: {  	(erf) = vpow2.f32 v0;
	_ =	sdelay $0x8  }
0x1f2: {  	v0 =	vpop (erf)  }
0x1f3: {  	v0 =	vadd.f32 $1.000000000e+00, v0;
	_ =	sdelay $0x1  }
0x1f4: {  	(erf) = vrcp.f32 v0;
	_ =	sdelay $0x3  }
0x1f5: {  	v0 =	vadd.s32 $0x5000, v4  }
0x1f6: {  	v1 =	vadd.s32 $0x5000, v3;
	_ =	sdelay $0x2  }
0x1f7: {  	v3 =	vld [tilespmem:$0xB8B0]  }
0x1f8: {  	v0 =	vld.idx.msk [tilespmem:v0+s26+$0x0], $0xffff;
	v2 =	vpop (erf)  }
0x1f9: {  	v1 =	vld.idx.msk [tilespmem:v1+s26+$0x0], $0xffff;
	v2 =	vadd.f32 v2, v2  }
0x1fa: {  	v4 =	vld [tilespmem:$0xB830]  }
0x1fb: {  	v2 =	vsub.f32 $1.000000000e+00, v2;
	_ =	sdelay $0x1  }
0x1fc: {  	v0 =	vmul.f32 v2, v0  }
0x1fd: {  	v2 =	vadd.s32 $0x2800, v3  }
0x1fe: {  	v0 =	vmul.f32 v0, v1;
	_ =	sdelay $0x1  }
0x1ff: {  	[tilespmem:$0xB920] =	vst v0  }
0x200: {  	v0 =	vld.idx.msk [tilespmem:v4+s26+$0x0], $0xffff  }
0x201: {  	v1 =	vld.idx.msk [tilespmem:v2+s26+$0x0], $0xffff;
	_ =	sdelay $0x4  }
0x202: {  	v0 =	vadd.f32 v1, v0;
	_ =	sdelay $0x1  }
0x203: {  	v0 =	vadd.f32 v0, v0;
	_ =	sdelay $0x1  }
0x204: {  	v0 =	vmul.f32 $1.442695020e+00, v0;
	_ =	sdelay $0x1  }
0x205: {  	(erf) = vpow2.f32 v0;
	_ =	sdelay $0x8  }
0x206: {  	v0 =	vpop (erf)  }
0x207: {  	v0 =	vadd.f32 $1.000000000e+00, v0;
	_ =	sdelay $0x1  }
0x208: {  	(erf) = vrcp.f32 v0;
	_ =	sdelay $0x3  }
0x209: {  	v0 =	vadd.s32 $0x5000, v4  }
0x20a: {  	v1 =	vadd.s32 $0x5000, v3;
	_ =	sdelay $0x2  }
0x20b: {  	v3 =	vld [tilespmem:$0xB8C0]  }
0x20c: {  	v0 =	vld.idx.msk [tilespmem:v0+s26+$0x0], $0xffff;
	v2 =	vpop (erf)  }
0x20d: {  	v1 =	vld.idx.msk [tilespmem:v1+s26+$0x0], $0xffff;
	v2 =	vadd.f32 v2, v2  }
0x20e: {  	v4 =	vld [tilespmem:$0xB840]  }
0x20f: {  	v2 =	vsub.f32 $1.000000000e+00, v2;
	_ =	sdelay $0x1  }
0x210: {  	v0 =	vmul.f32 v2, v0  }
0x211: {  	v2 =	vadd.s32 $0x2800, v3  }
0x212: {  	v0 =	vmul.f32 v0, v1;
	_ =	sdelay $0x1  }
0x213: {  	[tilespmem:$0xB930] =	vst v0  }
0x214: {  	v0 =	vld.idx.msk [tilespmem:v4+s26+$0x0], $0xffff  }
0x215: {  	v1 =	vld.idx.msk [tilespmem:v2+s26+$0x0], $0xffff;
	_ =	sdelay $0x4  }
0x216: {  	v0 =	vadd.f32 v1, v0;
	_ =	sdelay $0x1  }
0x217: {  	v0 =	vadd.f32 v0, v0;
	_ =	sdelay $0x1  }
0x218: {  	v0 =	vmul.f32 $1.442695020e+00, v0;
	_ =	sdelay $0x1  }
0x219: {  	(erf) = vpow2.f32 v0;
	_ =	sdelay $0x8  }
0x21a: {  	v0 =	vpop (erf)  }
0x21b: {  	v0 =	vadd.f32 $1.000000000e+00, v0;
	_ =	sdelay $0x1  }
0x21c: {  	(erf) = vrcp.f32 v0;
	_ =	sdelay $0x3  }
0x21d: {  	v0 =	vadd.s32 $0x5000, v4  }
0x21e: {  	v1 =	vadd.s32 $0x5000, v3;
	_ =	sdelay $0x2  }
0x21f: {  	v3 =	vld [tilespmem:$0xB8D0]  }
0x220: {  	v0 =	vld.idx.msk [tilespmem:v0+s26+$0x0], $0xffff;
	v2 =	vpop (erf)  }
0x221: {  	v1 =	vld.idx.msk [tilespmem:v1+s26+$0x0], $0xffff;
	v2 =	vadd.f32 v2, v2  }
0x222: {  	v4 =	vld [tilespmem:$0xB850]  }
0x223: {  	v2 =	vsub.f32 $1.000000000e+00, v2;
	_ =	sdelay $0x1  }
0x224: {  	v0 =	vmul.f32 v2, v0  }
0x225: {  	v2 =	vadd.s32 $0x2800, v3  }
0x226: {  	v0 =	vmul.f32 v0, v1;
	_ =	sdelay $0x1  }
0x227: {  	[tilespmem:$0xB940] =	vst v0  }
0x228: {  	v0 =	vld.idx.msk [tilespmem:v4+s26+$0x0], $0xffff  }
0x229: {  	v1 =	vld.idx.msk [tilespmem:v2+s26+$0x0], $0xffff;
	_ =	sdelay $0x4  }
0x22a: {  	v0 =	vadd.f32 v1, v0;
	_ =	sdelay $0x1  }
0x22b: {  	v0 =	vadd.f32 v0, v0;
	_ =	sdelay $0x1  }
0x22c: {  	v0 =	vmul.f32 $1.442695020e+00, v0;
	_ =	sdelay $0x1  }
0x22d: {  	(erf) = vpow2.f32 v0;
	_ =	sdelay $0x8  }
0x22e: {  	v0 =	vpop (erf)  }
0x22f: {  	v0 =	vadd.f32 $1.000000000e+00, v0;
	_ =	sdelay $0x1  }
0x230: {  	(erf) = vrcp.f32 v0;
	_ =	sdelay $0x3  }
0x231: {  	v0 =	vadd.s32 $0x5000, v4  }
0x232: {  	v1 =	vadd.s32 $0x5000, v3;
	_ =	sdelay $0x2  }
0x233: {  	v3 =	vld [tilespmem:$0xB8E0]  }
0x234: {  	v0 =	vld.idx.msk [tilespmem:v0+s26+$0x0], $0xffff;
	v2 =	vpop (erf)  }
0x235: {  	v1 =	vld.idx.msk [tilespmem:v1+s26+$0x0], $0xffff;
	v2 =	vadd.f32 v2, v2  }
0x236: {  	v4 =	vld [tilespmem:$0xB860]  }
0x237: {  	v2 =	vsub.f32 $1.000000000e+00, v2;
	_ =	sdelay $0x1  }
0x238: {  	v0 =	vmul.f32 v2, v0  }
0x239: {  	v2 =	vadd.s32 $0x2800, v3  }
0x23a: {  	v0 =	vmul.f32 v0, v1;
	_ =	sdelay $0x1  }
0x23b: {  	[tilespmem:$0xB950] =	vst v0  }
0x23c: {  	v0 =	vld.idx.msk [tilespmem:v4+s26+$0x0], $0xffff  }
0x23d: {  	v1 =	vld.idx.msk [tilespmem:v2+s26+$0x0], $0xffff;
	_ =	sdelay $0x4  }
0x23e: {  	v0 =	vadd.f32 v1, v0;
	_ =	sdelay $0x1  }
0x23f: {  	v0 =	vadd.f32 v0, v0;
	_ =	sdelay $0x1  }
0x240: {  	v0 =	vmul.f32 $1.442695020e+00, v0;
	_ =	sdelay $0x1  }
0x241: {  	(erf) = vpow2.f32 v0;
	_ =	sdelay $0x8  }
0x242: {  	v0 =	vpop (erf)  }
0x243: {  	v0 =	vadd.f32 $1.000000000e+00, v0;
	_ =	sdelay $0x1  }
0x244: {  	(erf) = vrcp.f32 v0;
	_ =	sdelay $0x3  }
0x245: {  	v0 =	vadd.s32 $0x5000, v4  }
0x246: {  	v1 =	vadd.s32 $0x5000, v3;
	_ =	sdelay $0x2  }
0x247: {  	v3 =	vld [tilespmem:$0xB8F0]  }
0x248: {  	v0 =	vld.idx.msk [tilespmem:v0+s26+$0x0], $0xffff;
	v2 =	vpop (erf)  }
0x249: {  	v1 =	vld.idx.msk [tilespmem:v1+s26+$0x0], $0xffff;
	v2 =	vadd.f32 v2, v2  }
0x24a: {  	v4 =	vld [tilespmem:$0xB870]  }
0x24b: {  	v2 =	vsub.f32 $1.000000000e+00, v2;
	_ =	sdelay $0x1  }
0x24c: {  	v0 =	vmul.f32 v2, v0  }
0x24d: {  	v2 =	vadd.s32 $0x2800, v3  }
0x24e: {  	v0 =	vmul.f32 v0, v1;
	_ =	sdelay $0x1  }
0x24f: {  	[tilespmem:$0xB960] =	vst v0  }
0x250: {  	v0 =	vld.idx.msk [tilespmem:v4+s26+$0x0], $0xffff  }
0x251: {  	v1 =	vld.idx.msk [tilespmem:v2+s26+$0x0], $0xffff;
	_ =	sdelay $0x4  }
0x252: {  	v0 =	vadd.f32 v1, v0;
	_ =	sdelay $0x1  }
0x253: {  	v0 =	vadd.f32 v0, v0;
	_ =	sdelay $0x1  }
0x254: {  	v0 =	vmul.f32 $1.442695020e+00, v0;
	_ =	sdelay $0x1  }
0x255: {  	(erf) = vpow2.f32 v0;
	_ =	sdelay $0x8  }
0x256: {  	v0 =	vpop (erf)  }
0x257: {  	v0 =	vadd.f32 $1.000000000e+00, v0;
	_ =	sdelay $0x1  }
0x258: {  	(erf) = vrcp.f32 v0;
	_ =	sdelay $0x3  }
0x259: {  	v0 =	vadd.s32 $0x5000, v4;
	_ =	sdelay $0x1  }
0x25a: {  	v1 =	vadd.s32 $0x5000, v3;
	_ =	sdelay $0x2  }
0x25b: {  	v0 =	vld.idx.msk [tilespmem:v0+s26+$0x0], $0xffff;
	v2 =	vpop (erf)  }
0x25c: {  	v2 =	vadd.f32 v2, v2  }
0x25d: {  	v1 =	vld.idx.msk [tilespmem:v1+s26+$0x0], $0xffff  }
0x25e: {  	v2 =	vsub.f32 $1.000000000e+00, v2;
	_ =	sdelay $0x1  }
0x25f: {  	v0 =	vmul.f32 v2, v0;
	v2 =	vmov s26  }
0x260: {  	v2 =	vand.u32 $0xFFFFFFF8, v2  }
0x261: {  	v0 =	vmul.f32 v0, v1;
	v1 =	vbroadcast v2, $0x0;
	_ =	sdelay $0x1  }
0x262: {  	[tilespmem:$0xB970] =	vst v0  }
0x263: {  	_ =	swait.ge [sflag:s19], $0x4000  }
0x264: {  	[sflag:s19] =	ssyncset.done $0x0  }
0x265: {  	s28 =	simm.s32 $0x6;
	[sflag:s19] =	ssyncadd.s32 $0xFFFFC000  }
0x266: {  	s23 =	simm.s32 $0x7A00;
	v3 =	vmov s28;
	v0 =	vld.idx.msk [tilespmem:v1+s20+$0x0], $0xffff  }
0x267: {  	v2 =	vand.u32 $0xFFFFFFFE, v3;
	v3 =	vld [tilespmem:s23+$0x170]  }
0x268: {  	v2 =	vbroadcast v2, $0x0;
	v4 =	vld [tilespmem:s23+$0xFFFFFE00]  }
0x269: {  	v5 =	vld [tilespmem:s23+$0xFFFFFE10]  }
0x26a: {  	v6 =	vld [tilespmem:s23+$0xFFFFFE20]  }
0x26b: {  	v7 =	vld [tilespmem:s23+$0xFFFFFE30]  }
0x26c: {  	v8 =	vld [tilespmem:s23+$0xFFFFFE40]  }
0x26d: {  	s29 =	simm.s32 $0x1;
	v9 =	vld [tilespmem:s23+$0xFFFFFE50]  }
0x26e: {  	v1 =	vld.idx.msk [tilespmem:v2+s20+$0x0], $0xffff;
	v2 =	vmov s29  }
0x26f: {  	v10 =	vld [tilespmem:s23+$0xFFFFFE60];
	v2 =	vand.u32 $0xFFFFFFF9, v2  }
0x270: {  	v11 =	vld [tilespmem:s23+$0xFFFFFE70];
	v2 =	vbroadcast v2, $0x0  }
0x271: {  	v12 =	vld [tilespmem:s23+$0xFFFFFE80]  }
0x272: {  	v13 =	vld [tilespmem:s23+$0xFFFFFE90];
	v4 =	vmul.f32 v4, v0  }
0x273: {  	v14 =	vld [tilespmem:s23+$0xFFFFFEA0];
	v7 =	vmul.f32 v7, v0  }
0x274: {  	v15 =	vld [tilespmem:s23+$0xFFFFFEB0];
	v5 =	vmul.f32 v5, v0;
	[tilespmem:s23+$0xFFFFFE00] =	vst v4  }
0x275: {  	s30 =	simm.s32 $0x2;
	v8 =	vmul.f32 v8, v0;
	[tilespmem:s23+$0xFFFFFE30] =	vst v7;
	v7 =	vmul.f32 v9, v0;
	v9 =	vld [tilespmem:s23+$0xFFFFFEF0]  }
0x276: {  	v3 =	vmul.f32 v3, v1;
	v4 =	vmov s30;
	[tilespmem:s23+$0xFFFFFE10] =	vst v5;
	v2 =	vld.idx.msk [tilespmem:v2+s20+$0x0], $0xffff  }
0x277: {  	[tilespmem:s23+$0xFFFFFE40] =	vst v8;
	v8 =	vmul.f32 v10, v0;
	v10 =	vld [tilespmem:s23+$0xFFFFFF00];
	v4 =	vand.u32 $0xFFFFFFFA, v4  }
0x278: {  	[tilespmem:s23+$0x170] =	vst v3;
	v3 =	vmul.f32 v6, v0;
	v6 =	vld [tilespmem:s23+$0xFFFFFEC0];
	v4 =	vbroadcast v4, $0x0  }
0x279: {  	v0 =	vmul.f32 v11, v0;
	v11 =	vld [tilespmem:s23+$0xFFFFFF20];
	[tilespmem:s23+$0xFFFFFE50] =	vst v7  }
0x27a: {  	v7 =	vld [tilespmem:s23+$0xFFFFFF10];
	[tilespmem:s23+$0xFFFFFE60] =	vst v8  }
0x27b: {  	[tilespmem:s23+$0xFFFFFE20] =	vst v3;
	v3 =	vld [tilespmem:s23+$0xFFFFFEE0];
	v5 =	vmul.f32 v12, v2  }
0x27c: {  	[tilespmem:s23+$0xFFFFFE70] =	vst v0;
	v12 =	vld [tilespmem:s23+$0xFFFFFED0];
	v8 =	vmul.f32 v13, v2  }
0x27d: {  	s31 =	simm.s32 $0x3;
	v0 =	vmul.f32 v14, v2;
	v13 =	vld [tilespmem:s23+$0xFFFFFF30];
	[tilespmem:s23+$0xFFFFFE80] =	vst v5  }
0x27e: {  	v6 =	vmul.f32 v6, v2;
	v4 =	vld.idx.msk [tilespmem:v4+s20+$0x0], $0xffff;
	v5 =	vmov s31;
	[tilespmem:s23+$0xFFFFFE90] =	vst v8  }
0x27f: {  	v14 =	vld [tilespmem:s23+$0xFFFFFF40];
	v8 =	vmul.f32 v15, v2;
	[tilespmem:s23+$0xFFFFFEA0] =	vst v0;
	v5 =	vand.u32 $0xFFFFFFFB, v5  }
0x280: {  	v3 =	vmul.f32 v3, v2;
	[tilespmem:s23+$0xFFFFFEC0] =	vst v6;
	v6 =	vld [tilespmem:s23+$0xFFFFFF70];
	v5 =	vbroadcast v5, $0x0  }
0x281: {  	[tilespmem:s23+$0xFFFFFEB0] =	vst v8;
	v8 =	vld [tilespmem:s23+$0xFFFFFF60];
	v12 =	vmul.f32 v12, v2  }
0x282: {  	[tilespmem:s23+$0xFFFFFEE0] =	vst v3;
	v2 =	vmul.f32 v9, v2;
	v9 =	vld [tilespmem:s23+$0xFFFFFF80]  }
0x283: {  	v0 =	vmul.f32 v10, v4;
	v10 =	vld [tilespmem:s23+$0xFFFFFF50];
	[tilespmem:s23+$0xFFFFFED0] =	vst v12  }
0x284: {  	v3 =	vmul.f32 v7, v4;
	v7 =	vld [tilespmem:s23+$0xFFFFFF90];
	[tilespmem:s23+$0xFFFFFEF0] =	vst v2  }
0x285: {  	s26 =	simm.s32 $0x4;
	v2 =	vmul.f32 v11, v4;
	v11 =	vld [tilespmem:s23+$0xFFFFFFA0];
	[tilespmem:s23+$0xFFFFFF00] =	vst v0  }
0x286: {  	v0 =	vmov s26;
	[tilespmem:s23+$0xFFFFFF10] =	vst v3;
	v3 =	vmul.f32 v13, v4;
	v5 =	vld.idx.msk [tilespmem:v5+s20+$0x0], $0xffff  }
0x287: {  	v12 =	vld [tilespmem:s23+$0xFFFFFFB0];
	v0 =	vand.u32 $0xFFFFFFFC, v0;
	[tilespmem:s23+$0xFFFFFF20] =	vst v2;
	v2 =	vmul.f32 v14, v4  }
0x288: {  	v13 =	vld [tilespmem:s23+$0xFFFFFFC0];
	v8 =	vmul.f32 v8, v4;
	v0 =	vbroadcast v0, $0x0;
	[tilespmem:s23+$0xFFFFFF30] =	vst v3  }
0x289: {  	v10 =	vmul.f32 v10, v4;
	[tilespmem:s23+$0xFFFFFF40] =	vst v2;
	v2 =	vld [tilespmem:s23+$0xFFFFFFE0]  }
0x28a: {  	v4 =	vmul.f32 v6, v4;
	v6 =	vld [tilespmem:s23+$0xFFFFFFF0];
	[tilespmem:s23+$0xFFFFFF60] =	vst v8  }
0x28b: {  	v8 =	vld [tilespmem:s23+$0x0];
	[tilespmem:s23+$0xFFFFFF50] =	vst v10;
	v3 =	vmul.f32 v9, v5  }
0x28c: {  	[tilespmem:s23+$0xFFFFFF70] =	vst v4;
	v9 =	vld [tilespmem:s23+$0xFFFFFFD0];
	v7 =	vmul.f32 v7, v5  }
0x28d: {  	v10 =	vld [tilespmem:s23+$0x10];
	v4 =	vmul.f32 v11, v5;
	[tilespmem:s23+$0xFFFFFF80] =	vst v3  }
0x28e: {  	s28 =	simm.s32 $0x5;
	v0 =	vld.idx.msk [tilespmem:v0+s20+$0x0], $0xffff;
	v2 =	vmul.f32 v2, v5;
	[tilespmem:s23+$0xFFFFFF90] =	vst v7  }
0x28f: {  	v11 =	vld [tilespmem:s23+$0x20];
	v3 =	vmov s28;
	v7 =	vmul.f32 v12, v5;
	[tilespmem:s23+$0xFFFFFFA0] =	vst v4  }
0x290: {  	v4 =	vmul.f32 v13, v5;
	v12 =	vld [tilespmem:s23+$0x30];
	v3 =	vand.u32 $0xFFFFFFFD, v3;
	[tilespmem:s23+$0xFFFFFFE0] =	vst v2  }
0x291: {  	v3 =	vbroadcast v3, $0x0;
	[tilespmem:s23+$0xFFFFFFB0] =	vst v7;
	v7 =	vmul.f32 v9, v5;
	v9 =	vld [tilespmem:s23+$0x40]  }
0x292: {  	[tilespmem:s23+$0xFFFFFFC0] =	vst v4;
	v5 =	vmul.f32 v6, v5;
	v6 =	vld [tilespmem:s23+$0x80]  }
0x293: {  	v4 =	vmul.f32 v8, v0;
	v8 =	vld [tilespmem:s23+$0x50];
	[tilespmem:s23+$0xFFFFFFD0] =	vst v7  }
0x294: {  	v2 =	vmul.f32 v10, v0;
	v7 =	vld [tilespmem:s23+$0x60];
	[tilespmem:s23+$0xFFFFFFF0] =	vst v5  }
0x295: {  	v10 =	vld [tilespmem:s23+$0x90];
	v5 =	vmul.f32 v11, v0;
	[tilespmem:s23+$0x0] =	vst v4  }
0x296: {  	v4 =	vld [tilespmem:s23+$0x70];
	[tilespmem:s23+$0x10] =	vst v2;
	v2 =	vmul.f32 v12, v0  }
0x297: {  	[tilespmem:s23+$0x20] =	vst v5;
	v3 =	vld.idx.msk [tilespmem:v3+s20+$0x0], $0xffff;
	v5 =	vmul.f32 v9, v0  }
0x298: {  	v9 =	vld [tilespmem:s23+$0xA0];
	[tilespmem:s23+$0x30] =	vst v2  }
0x299: {  	v2 =	vmul.f32 v8, v0;
	v8 =	vld [tilespmem:s23+$0xB0];
	[tilespmem:s23+$0x40] =	vst v5;
	v5 =	vmul.f32 v7, v0  }
0x29a: {  	v7 =	vld [tilespmem:s23+$0xC0]  }
0x29b: {  	v4 =	vmul.f32 v4, v0;
	[tilespmem:s23+$0x60] =	vst v5;
	v5 =	vld [tilespmem:s23+$0xE0]  }
0x29c: {  	[tilespmem:s23+$0x50] =	vst v2;
	v2 =	vmul.f32 v6, v3;
	v6 =	vld [tilespmem:s23+$0xD0]  }
0x29d: {  	v10 =	vmul.f32 v10, v3;
	[tilespmem:s23+$0x70] =	vst v4;
	v4 =	vld [tilespmem:s23+$0xF0]  }
0x29e: {  	[tilespmem:s23+$0x80] =	vst v2;
	v2 =	vmul.f32 v9, v3;
	v9 =	vld [tilespmem:s23+$0x100]  }
0x29f: {  	v8 =	vmul.f32 v8, v3;
	[tilespmem:s23+$0x90] =	vst v10;
	v10 =	vld [tilespmem:s23+$0x150]  }
0x2a0: {  	s29 =	simm.s32 $0x7;
	[tilespmem:s23+$0xA0] =	vst v2;
	v2 =	vmul.f32 v7, v3;
	v7 =	vld [tilespmem:s23+$0x110]  }
0x2a1: {  	v13 =	vld [tilespmem:s23+$0x180];
	v11 =	vmov s29;
	[tilespmem:s23+$0xB0] =	vst v8;
	v6 =	vmul.f32 v6, v3  }
0x2a2: {  	v8 =	vld [tilespmem:s23+$0x120];
	[tilespmem:s23+$0xC0] =	vst v2;
	v2 =	vmul.f32 v5, v3  }
0x2a3: {  	s28 =	simm.s32 $0xA;
	v5 =	vld [tilespmem:s23+$0x130];
	v3 =	vmul.f32 v4, v3;
	[tilespmem:s23+$0xD0] =	vst v6  }
0x2a4: {  	s30 =	simm.s32 $0x8;
	v12 =	vmov s28;
	v4 =	vld [tilespmem:s23+$0x140];
	v9 =	vmul.f32 v9, v1;
	[tilespmem:s23+$0xE0] =	vst v2  }
0x2a5: {  	s31 =	simm.s32 $0xF;
	s26 =	simm.s32 $0x9;
	v6 =	vmov s30;
	v10 =	vmul.f32 v10, v1;
	[tilespmem:s23+$0xF0] =	vst v3;
	v3 =	vmul.f32 v7, v1;
	v7 =	vld [tilespmem:s23+$0x160]  }
0x2a6: {  	s29 =	simm.s32 $0xB;
	v0 =	vld.idx.msk [tilespmem:v11+s20+$0x0], $0xffff;
	v11 =	vmov s26;
	s30 =	simm.s32 $0xC;
	v6 =	vand.u32 $0xFFFFFFF8, v6;
	v2 =	vmov s31;
	[tilespmem:s23+$0x100] =	vst v9  }
0x2a7: {  	v16 =	vld [tilespmem:s23+$0x190];
	v8 =	vmul.f32 v8, v1;
	v14 =	vmov s30;
	s31 =	simm.s32 $0xD;
	v9 =	vmov s29;
	[tilespmem:s23+$0x150] =	vst v10  }
0x2a8: {  	v17 =	vmov s31;
	[tilespmem:s23+$0x110] =	vst v3;
	v15 =	vmul.f32 v5, v1;
	v3 =	vbroadcast v6, $0x0;
	v5 =	vld [tilespmem:s23+$0x1A0]  }
0x2a9: {  	[tilespmem:s23+$0x120] =	vst v8;
	v8 =	vmul.f32 v4, v1;
	v4 =	vand.u32 $0xFFFFFFF9, v11;
	v11 =	vand.u32 $0xFFFFFFFA, v12;
	v6 =	vld [tilespmem:s23+$0x1B0]  }
0x2aa: {  	v12 =	vand.u32 $0xFFFFFFFB, v9;
	v4 =	vbroadcast v4, $0x0;
	[tilespmem:s23+$0x130] =	vst v15;
	v15 =	vmul.f32 v7, v1;
	v7 =	vld [tilespmem:s23+$0x1C0]  }
0x2ab: {  	v9 =	vbroadcast v11, $0x0;
	[tilespmem:s23+$0x140] =	vst v8;
	v8 =	vld [tilespmem:s23+$0x1D0];
	v1 =	vand.u32 $0xFFFFFFFC, v14;
	v14 =	vmul.f32 v13, v0  }
0x2ac: {  	s25 =	simm.s32 $0x10;
	s26 =	simm.s32 $0xE;
	v10 =	vld [tilespmem:s23+$0x1E0];
	v11 =	vbroadcast v12, $0x0;
	v12 =	vmul.f32 v16, v0;
	v13 =	vand.u32 $0xFFFFFFFD, v17;
	[tilespmem:s23+$0x160] =	vst v15  }
.LBB2_6:
0x2ad: {  	p1 =	slt.u32 s25, $0x78;
	v1 =	vbroadcast v1, $0x0;
	v15 =	vmov s26;
	[tilespmem:s23+$0x180] =	vst v14;
	v5 =	vmul.f32 v5, v0;
	v14 =	vld [tilespmem:s23+$0x1F0]  }
0x2ae: {  	v13 =	vbroadcast v13, $0x0;
	v15 =	vand.u32 $0xFFFFFFFE, v15;
	v16 =	vld.idx.msk [tilespmem:v2+s20+$0x0], $0xffff;
	[tilespmem:s23+$0x190] =	vst v12;
	v2 =	vmul.f32 v6, v0  }
0x2af: {  	v6 =	vld.idx.msk [tilespmem:v3+s20+$0x0], $0xffff;
	v12 =	vbroadcast v15, $0x0;
	[tilespmem:s23+$0x1A0] =	vst v5;
	v3 =	vmul.f32 v7, v0  }
0x2b0: {  	v5 =	vld.idx.msk [tilespmem:v4+s20+$0x0], $0xffff;
	[tilespmem:s23+$0x1B0] =	vst v2;
	v2 =	vmul.f32 v8, v0  }
0x2b1: {  	v7 =	vld.idx.msk [tilespmem:v9+s20+$0x0], $0xffff;
	[tilespmem:s23+$0x1C0] =	vst v3;
	v8 =	vmul.f32 v10, v0  }
0x2b2: {  	v4 =	vld.idx.msk [tilespmem:v11+s20+$0x0], $0xffff;
	[tilespmem:s23+$0x1D0] =	vst v2;
	v9 =	vmul.f32 v14, v0  }
0x2b3: {  	v3 =	vld.idx.msk [tilespmem:v1+s20+$0x0], $0xffff;
	[tilespmem:s23+$0x1E0] =	vst v8  }
0x2b4: {  	v0 =	vmov v16;
	v2 =	vld.idx.msk [tilespmem:v13+s20+$0x0], $0xffff;
	[tilespmem:s23+$0x1F0] =	vst v9  }
0x2b5: {  	s23 =	sadd.s32 $0x400, s23;
	v1 =	vld.idx.msk [tilespmem:v12+s20+$0x0], $0xffff  }
0x2b6: {  	v8 =	vld [tilespmem:s23+$0x170]  }
0x2b7: {  	v9 =	vld [tilespmem:s23+$0xFFFFFE00]  }
0x2b8: {  	v10 =	vld [tilespmem:s23+$0xFFFFFE10]  }
0x2b9: {  	v11 =	vld [tilespmem:s23+$0xFFFFFE20]  }
0x2ba: {  	v12 =	vld [tilespmem:s23+$0xFFFFFE30]  }
0x2bb: {  	v13 =	vld [tilespmem:s23+$0xFFFFFE40];
	v8 =	vmul.f32 v8, v1  }
0x2bc: {  	v9 =	vmul.f32 v9, v6;
	v14 =	vld [tilespmem:s23+$0xFFFFFE50]  }
0x2bd: {  	v10 =	vmul.f32 v10, v6;
	v15 =	vld [tilespmem:s23+$0xFFFFFE60];
	[tilespmem:s23+$0x170] =	vst v8  }
0x2be: {  	[tilespmem:s23+$0xFFFFFE00] =	vst v9;
	v8 =	vmul.f32 v11, v6;
	v9 =	vld [tilespmem:s23+$0xFFFFFE70]  }
0x2bf: {  	[tilespmem:s23+$0xFFFFFE10] =	vst v10;
	v10 =	vmul.f32 v12, v6;
	v11 =	vld [tilespmem:s23+$0xFFFFFE80]  }
0x2c0: {  	[tilespmem:s23+$0xFFFFFE20] =	vst v8;
	v8 =	vmul.f32 v13, v6;
	v12 =	vld [tilespmem:s23+$0xFFFFFE90]  }
0x2c1: {  	[tilespmem:s23+$0xFFFFFE30] =	vst v10;
	v10 =	vmul.f32 v14, v6;
	v13 =	vld [tilespmem:s23+$0xFFFFFEA0]  }
0x2c2: {  	[tilespmem:s23+$0xFFFFFE40] =	vst v8;
	v8 =	vmul.f32 v15, v6;
	v14 =	vld [tilespmem:s23+$0xFFFFFEB0]  }
0x2c3: {  	[tilespmem:s23+$0xFFFFFE50] =	vst v10;
	v6 =	vmul.f32 v9, v6;
	v9 =	vld [tilespmem:s23+$0xFFFFFEC0]  }
0x2c4: {  	[tilespmem:s23+$0xFFFFFE60] =	vst v8;
	v8 =	vmul.f32 v11, v5;
	v10 =	vld [tilespmem:s23+$0xFFFFFED0]  }
0x2c5: {  	[tilespmem:s23+$0xFFFFFE70] =	vst v6;
	v6 =	vmul.f32 v12, v5;
	v11 =	vld [tilespmem:s23+$0xFFFFFEE0]  }
0x2c6: {  	[tilespmem:s23+$0xFFFFFE80] =	vst v8;
	v8 =	vmul.f32 v13, v5;
	v12 =	vld [tilespmem:s23+$0xFFFFFEF0]  }
0x2c7: {  	[tilespmem:s23+$0xFFFFFE90] =	vst v6;
	v6 =	vmul.f32 v14, v5;
	v13 =	vld [tilespmem:s23+$0xFFFFFF00]  }
0x2c8: {  	[tilespmem:s23+$0xFFFFFEA0] =	vst v8;
	v8 =	vmul.f32 v9, v5;
	v9 =	vld [tilespmem:s23+$0xFFFFFF10]  }
0x2c9: {  	[tilespmem:s23+$0xFFFFFEB0] =	vst v6;
	v6 =	vmul.f32 v10, v5;
	v10 =	vld [tilespmem:s23+$0xFFFFFF20]  }
0x2ca: {  	[tilespmem:s23+$0xFFFFFEC0] =	vst v8;
	v8 =	vmul.f32 v11, v5;
	v11 =	vld [tilespmem:s23+$0xFFFFFF30]  }
0x2cb: {  	[tilespmem:s23+$0xFFFFFED0] =	vst v6;
	v5 =	vmul.f32 v12, v5;
	v6 =	vld [tilespmem:s23+$0xFFFFFF40]  }
0x2cc: {  	[tilespmem:s23+$0xFFFFFEE0] =	vst v8;
	v8 =	vmul.f32 v13, v7;
	v12 =	vld [tilespmem:s23+$0xFFFFFF50]  }
0x2cd: {  	[tilespmem:s23+$0xFFFFFEF0] =	vst v5;
	v5 =	vmul.f32 v9, v7;
	v9 =	vld [tilespmem:s23+$0xFFFFFF60]  }
0x2ce: {  	[tilespmem:s23+$0xFFFFFF00] =	vst v8;
	v8 =	vmul.f32 v10, v7;
	v10 =	vld [tilespmem:s23+$0xFFFFFF70]  }
0x2cf: {  	[tilespmem:s23+$0xFFFFFF10] =	vst v5;
	v5 =	vmul.f32 v11, v7;
	v11 =	vld [tilespmem:s23+$0xFFFFFF80]  }
0x2d0: {  	[tilespmem:s23+$0xFFFFFF20] =	vst v8;
	v6 =	vmul.f32 v6, v7;
	v8 =	vld [tilespmem:s23+$0xFFFFFF90]  }
0x2d1: {  	[tilespmem:s23+$0xFFFFFF30] =	vst v5;
	v5 =	vmul.f32 v12, v7;
	v12 =	vld [tilespmem:s23+$0xFFFFFFA0]  }
0x2d2: {  	[tilespmem:s23+$0xFFFFFF40] =	vst v6;
	v6 =	vmul.f32 v9, v7;
	v9 =	vld [tilespmem:s23+$0xFFFFFFB0]  }
0x2d3: {  	[tilespmem:s23+$0xFFFFFF50] =	vst v5;
	v5 =	vmul.f32 v10, v7;
	v7 =	vld [tilespmem:s23+$0xFFFFFFC0]  }
0x2d4: {  	[tilespmem:s23+$0xFFFFFF60] =	vst v6;
	v6 =	vmul.f32 v11, v4;
	v10 =	vld [tilespmem:s23+$0xFFFFFFD0]  }
0x2d5: {  	[tilespmem:s23+$0xFFFFFF70] =	vst v5;
	v5 =	vmul.f32 v8, v4;
	v8 =	vld [tilespmem:s23+$0xFFFFFFE0]  }
0x2d6: {  	[tilespmem:s23+$0xFFFFFF80] =	vst v6;
	v6 =	vmul.f32 v12, v4;
	v11 =	vld [tilespmem:s23+$0xFFFFFFF0]  }
0x2d7: {  	[tilespmem:s23+$0xFFFFFF90] =	vst v5;
	v5 =	vmul.f32 v9, v4;
	v9 =	vld [tilespmem:s23+$0x0]  }
0x2d8: {  	[tilespmem:s23+$0xFFFFFFA0] =	vst v6;
	v6 =	vmul.f32 v7, v4;
	v7 =	vld [tilespmem:s23+$0x10]  }
0x2d9: {  	[tilespmem:s23+$0xFFFFFFB0] =	vst v5;
	v5 =	vmul.f32 v10, v4;
	v10 =	vld [tilespmem:s23+$0x20]  }
0x2da: {  	[tilespmem:s23+$0xFFFFFFC0] =	vst v6;
	v6 =	vmul.f32 v8, v4;
	v8 =	vld [tilespmem:s23+$0x30]  }
0x2db: {  	[tilespmem:s23+$0xFFFFFFD0] =	vst v5;
	v4 =	vmul.f32 v11, v4;
	v5 =	vld [tilespmem:s23+$0x40]  }
0x2dc: {  	[tilespmem:s23+$0xFFFFFFE0] =	vst v6;
	v6 =	vmul.f32 v9, v3;
	v9 =	vld [tilespmem:s23+$0x50]  }
0x2dd: {  	[tilespmem:s23+$0xFFFFFFF0] =	vst v4;
	v4 =	vmul.f32 v7, v3;
	v7 =	vld [tilespmem:s23+$0x60]  }
0x2de: {  	[tilespmem:s23+$0x0] =	vst v6;
	v6 =	vmul.f32 v10, v3;
	v10 =	vld [tilespmem:s23+$0x70]  }
0x2df: {  	[tilespmem:s23+$0x10] =	vst v4;
	v4 =	vmul.f32 v8, v3;
	v8 =	vld [tilespmem:s23+$0x80]  }
0x2e0: {  	[tilespmem:s23+$0x20] =	vst v6;
	v5 =	vmul.f32 v5, v3;
	v6 =	vld [tilespmem:s23+$0x90]  }
0x2e1: {  	[tilespmem:s23+$0x30] =	vst v4;
	v4 =	vmul.f32 v9, v3;
	v9 =	vld [tilespmem:s23+$0xA0]  }
0x2e2: {  	[tilespmem:s23+$0x40] =	vst v5;
	v5 =	vmul.f32 v7, v3;
	v7 =	vld [tilespmem:s23+$0xB0]  }
0x2e3: {  	[tilespmem:s23+$0x50] =	vst v4;
	v3 =	vmul.f32 v10, v3;
	v4 =	vld [tilespmem:s23+$0xC0]  }
0x2e4: {  	[tilespmem:s23+$0x60] =	vst v5;
	v5 =	vmul.f32 v8, v2;
	v8 =	vld [tilespmem:s23+$0xD0]  }
0x2e5: {  	[tilespmem:s23+$0x70] =	vst v3;
	v3 =	vmul.f32 v6, v2;
	v6 =	vld [tilespmem:s23+$0xE0]  }
0x2e6: {  	[tilespmem:s23+$0x80] =	vst v5;
	v5 =	vmul.f32 v9, v2;
	v9 =	vld [tilespmem:s23+$0xF0]  }
0x2e7: {  	[tilespmem:s23+$0x90] =	vst v3;
	v3 =	vmul.f32 v7, v2;
	v7 =	vld [tilespmem:s23+$0x100]  }
0x2e8: {  	[tilespmem:s23+$0xA0] =	vst v5;
	v4 =	vmul.f32 v4, v2;
	v5 =	vld [tilespmem:s23+$0x110]  }
0x2e9: {  	[tilespmem:s23+$0xB0] =	vst v3;
	v3 =	vmul.f32 v8, v2;
	v8 =	vld [tilespmem:s23+$0x120]  }
0x2ea: {  	[tilespmem:s23+$0xC0] =	vst v4;
	v4 =	vmul.f32 v6, v2;
	v6 =	vld [tilespmem:s23+$0x130]  }
0x2eb: {  	[tilespmem:s23+$0xD0] =	vst v3;
	v3 =	vmul.f32 v9, v2;
	v9 =	vld [tilespmem:s23+$0x140]  }
0x2ec: {  	s26 =	sadd.s32 $0x7, s25;
	v2 =	vmov s25;
	[tilespmem:s23+$0xE0] =	vst v4;
	v4 =	vmul.f32 v7, v1;
	v7 =	vld [tilespmem:s23+$0x150]  }
0x2ed: {  	s28 =	sadd.s32 $0x1, s25;
	s29 =	sadd.s32 $0x2, s25;
	v10 =	vand.u32 $0xFFFFFFF8, v2;
	v2 =	vmov s26;
	[tilespmem:s23+$0xF0] =	vst v3;
	v3 =	vmul.f32 v5, v1;
	v11 =	vld [tilespmem:s23+$0x160]  }
0x2ee: {  	v13 =	vmov s29;
	v12 =	vmov s28;
	s28 =	sadd.s32 $0x4, s25;
	s26 =	sadd.s32 $0x3, s25;
	[tilespmem:s23+$0x100] =	vst v4;
	v4 =	vmul.f32 v8, v1;
	v8 =	vld [tilespmem:s23+$0x180]  }
0x2ef: {  	v15 =	vmov s28;
	v14 =	vmov s26;
	s26 =	sadd.s32 $0x5, s25;
	[tilespmem:s23+$0x110] =	vst v3;
	v6 =	vmul.f32 v6, v1;
	v16 =	vld [tilespmem:s23+$0x190]  }
.Ltmp6:
0x2f0: {  	v3 =	vbroadcast v10, $0x0;
	v10 =	vmov s26;
	[tilespmem:s23+$0x120] =	vst v4;
	v9 =	vmul.f32 v9, v1;
	v5 =	vld [tilespmem:s23+$0x1A0];
	(pc) =	sbr.rel @p1 .LBB2_6-.Ltmp6, $4  }
0x2f1: {  	v4 =	vand.u32 $0xFFFFFFF9, v12;
	v12 =	vand.u32 $0xFFFFFFFA, v13;
	[tilespmem:s23+$0x130] =	vst v6;
	v13 =	vmul.f32 v7, v1;
	v6 =	vld [tilespmem:s23+$0x1B0]  }
0x2f2: {  	v17 =	vand.u32 $0xFFFFFFFB, v14;
	v4 =	vbroadcast v4, $0x0;
	[tilespmem:s23+$0x140] =	vst v9;
	v18 =	vmul.f32 v11, v1;
	v7 =	vld [tilespmem:s23+$0x1C0]  }
0x2f3: {  	v9 =	vbroadcast v12, $0x0;
	v1 =	vand.u32 $0xFFFFFFFC, v15;
	[tilespmem:s23+$0x150] =	vst v13;
	v14 =	vmul.f32 v8, v0;
	v8 =	vld [tilespmem:s23+$0x1D0]  }
0x2f4: {  	s26 =	sadd.s32 $0x6, s25;
	s25 =	sadd.s32 $0x8, s25;
	v11 =	vbroadcast v17, $0x0;
	v13 =	vand.u32 $0xFFFFFFFD, v10;
	[tilespmem:s23+$0x160] =	vst v18;
	v12 =	vmul.f32 v16, v0;
	v10 =	vld [tilespmem:s23+$0x1E0]  }
0x2f5: {  	_ =	sdelay $0x2  }
0x2f6: {  	v15 =	vld [tilespmem:s23+$0x1F0]  }
0x2f7: {  	v34 =	vbroadcast v1, $0x0;
	v1 =	vld.idx.msk [tilespmem:v2+s20+$0x0], $0xffff  }
0x2f8: {  	v17 =	vld.idx.msk [tilespmem:v3+s20+$0x0], $0xffff  }
0x2f9: {  	v37 =	vld.idx.msk [tilespmem:v4+s20+$0x0], $0xffff  }
0x2fa: {  	v9 =	vld.idx.msk [tilespmem:v9+s20+$0x0], $0xffff  }
0x2fb: {  	s25 =	sadd.s32 $0x400, s23;
	v11 =	vld.idx.msk [tilespmem:v11+s20+$0x0], $0xffff  }
0x2fc: {  	v40 =	vld [tilespmem:s25+$0xFFFFFE00]  }
0x2fd: {  	v42 =	vld [tilespmem:s25+$0xFFFFFE10]  }
0x2fe: {  	[tilespmem:s23+$0x180] =	vst v14;
	v5 =	vmul.f32 v5, v0;
	v44 =	vld [tilespmem:s25+$0xFFFFFE20]  }
0x2ff: {  	[tilespmem:s23+$0x190] =	vst v12;
	v6 =	vmul.f32 v6, v0;
	v46 =	vld [tilespmem:s25+$0xFFFFFE30]  }
0x300: {  	v47 =	vld [tilespmem:s25+$0xFFFFFE40];
	[tilespmem:s23+$0x1A0] =	vst v5;
	v39 =	vmul.f32 v7, v0  }
0x301: {  	v49 =	vld [tilespmem:s25+$0xFFFFFE50];
	[tilespmem:s23+$0x1B0] =	vst v6;
	v41 =	vmul.f32 v8, v0  }
0x302: {  	v50 =	vld [tilespmem:s25+$0xFFFFFE60];
	[tilespmem:s23+$0x1C0] =	vst v39;
	v43 =	vmul.f32 v10, v0  }
0x303: {  	v52 =	vld [tilespmem:s25+$0xFFFFFE70];
	[tilespmem:s23+$0x1D0] =	vst v41;
	v45 =	vmul.f32 v15, v0  }
0x304: {  	v53 =	vld [tilespmem:s25+$0xFFFFFE80];
	[tilespmem:s23+$0x1E0] =	vst v43;
	v48 =	vmul.f32 v40, v17  }
0x305: {  	v55 =	vld [tilespmem:s25+$0xFFFFFE90];
	v8 =	vmul.f32 v42, v17;
	[tilespmem:s23+$0x1F0] =	vst v45  }
0x306: {  	v57 =	vld [tilespmem:s25+$0xFFFFFEA0];
	v51 =	vmul.f32 v44, v17;
	[tilespmem:s25+$0xFFFFFE00] =	vst v48  }
0x307: {  	v59 =	vld [tilespmem:s25+$0xFFFFFEB0];
	v6 =	vmul.f32 v46, v17;
	[tilespmem:s25+$0xFFFFFE10] =	vst v8  }
0x308: {  	v61 =	vld [tilespmem:s25+$0xFFFFFEC0];
	v54 =	vmul.f32 v47, v17;
	[tilespmem:s25+$0xFFFFFE20] =	vst v51  }
0x309: {  	v63 =	vld [tilespmem:s25+$0xFFFFFED0];
	v56 =	vmul.f32 v49, v17;
	[tilespmem:s25+$0xFFFFFE30] =	vst v6  }
0x30a: {  	v19 =	vld [tilespmem:s25+$0xFFFFFEF0];
	v58 =	vmul.f32 v50, v17;
	[tilespmem:s25+$0xFFFFFE40] =	vst v54  }
0x30b: {  	v21 =	vld [tilespmem:s25+$0xFFFFFF00];
	v60 =	vmul.f32 v52, v17;
	[tilespmem:s25+$0xFFFFFE50] =	vst v56  }
0x30c: {  	v23 =	vld [tilespmem:s25+$0xFFFFFF10];
	v62 =	vmul.f32 v53, v37;
	[tilespmem:s25+$0xFFFFFE60] =	vst v58  }
0x30d: {  	v25 =	vld [tilespmem:s25+$0xFFFFFF20];
	v5 =	vmul.f32 v55, v37;
	[tilespmem:s25+$0xFFFFFE70] =	vst v60  }
0x30e: {  	v27 =	vld [tilespmem:s25+$0xFFFFFF30];
	v18 =	vmul.f32 v57, v37;
	[tilespmem:s25+$0xFFFFFE80] =	vst v62  }
0x30f: {  	v13 =	vbroadcast v13, $0x0;
	v31 =	vld [tilespmem:s25+$0xFFFFFF50];
	v20 =	vmul.f32 v59, v37;
	[tilespmem:s25+$0xFFFFFE90] =	vst v5  }
0x310: {  	v35 =	vmov s26;
	v33 =	vld [tilespmem:s25+$0xFFFFFF60];
	v22 =	vmul.f32 v61, v37;
	[tilespmem:s25+$0xFFFFFEA0] =	vst v18  }
0x311: {  	v16 =	vand.u32 $0xFFFFFFFE, v35;
	v35 =	vld [tilespmem:s25+$0xFFFFFF70];
	v24 =	vmul.f32 v63, v37;
	[tilespmem:s25+$0xFFFFFEB0] =	vst v20  }
0x312: {  	v39 =	vld [tilespmem:s25+$0xFFFFFF90];
	v28 =	vmul.f32 v19, v37;
	[tilespmem:s25+$0xFFFFFEC0] =	vst v22  }
0x313: {  	v36 =	vbroadcast v16, $0x0;
	v41 =	vld [tilespmem:s25+$0xFFFFFFA0];
	v30 =	vmul.f32 v21, v9;
	[tilespmem:s25+$0xFFFFFED0] =	vst v24  }
0x314: {  	v4 =	vld.idx.msk [tilespmem:v34+s20+$0x0], $0xffff;
	v32 =	vmul.f32 v23, v9;
	[tilespmem:s25+$0xFFFFFEF0] =	vst v28  }
0x315: {  	v3 =	vld.idx.msk [tilespmem:v13+s20+$0x0], $0xffff;
	v34 =	vmul.f32 v25, v9;
	[tilespmem:s25+$0xFFFFFF00] =	vst v30  }
0x316: {  	v17 =	vld [tilespmem:s25+$0xFFFFFEE0];
	v40 =	vmul.f32 v31, v9;
	[tilespmem:s25+$0xFFFFFF10] =	vst v32  }
0x317: {  	v42 =	vmul.f32 v33, v9;
	v43 =	vld [tilespmem:s25+$0xFFFFFFB0];
	[tilespmem:s25+$0xFFFFFF20] =	vst v34  }
0x318: {  	v44 =	vmul.f32 v35, v9;
	v47 =	vld [tilespmem:s25+$0xFFFFFFD0];
	[tilespmem:s25+$0xFFFFFF50] =	vst v40  }
0x319: {  	v2 =	vld.idx.msk [tilespmem:v36+s20+$0x0], $0xffff;
	v36 =	vmul.f32 v27, v9;
	[tilespmem:s25+$0xFFFFFF60] =	vst v42  }
0x31a: {  	v49 =	vld [tilespmem:s25+$0xFFFFFFE0];
	[tilespmem:s25+$0xFFFFFF70] =	vst v44;
	v48 =	vmul.f32 v39, v11  }
0x31b: {  	v53 =	vld [tilespmem:s25+$0x0];
	[tilespmem:s25+$0xFFFFFF30] =	vst v36;
	v50 =	vmul.f32 v41, v11  }
0x31c: {  	v57 =	vld [tilespmem:s25+$0x20];
	v26 =	vmul.f32 v17, v37;
	[tilespmem:s25+$0xFFFFFF90] =	vst v48  }
0x31d: {  	v59 =	vld [tilespmem:s25+$0x30];
	v52 =	vmul.f32 v43, v11;
	[tilespmem:s25+$0xFFFFFFA0] =	vst v50  }
0x31e: {  	v61 =	vld [tilespmem:s25+$0x40];
	v56 =	vmul.f32 v47, v11;
	[tilespmem:s25+$0xFFFFFEE0] =	vst v26  }
0x31f: {  	v63 =	vld [tilespmem:s25+$0x50];
	v58 =	vmul.f32 v49, v11;
	[tilespmem:s25+$0xFFFFFFB0] =	vst v52  }
0x320: {  	v13 =	vld [tilespmem:s25+$0x60];
	v62 =	vmul.f32 v53, v4;
	[tilespmem:s25+$0xFFFFFFD0] =	vst v56  }
0x321: {  	v19 =	vld [tilespmem:s25+$0x90];
	v14 =	vmul.f32 v57, v4;
	[tilespmem:s25+$0xFFFFFFE0] =	vst v58  }
0x322: {  	v23 =	vld [tilespmem:s25+$0xB0];
	v16 =	vmul.f32 v59, v4;
	[tilespmem:s25+$0x0] =	vst v62  }
0x323: {  	v45 =	vld [tilespmem:s25+$0xFFFFFFC0];
	v18 =	vmul.f32 v61, v4;
	[tilespmem:s25+$0x20] =	vst v14  }
0x324: {  	v38 =	vld [tilespmem:s25+$0x170];
	v20 =	vmul.f32 v63, v4;
	[tilespmem:s25+$0x30] =	vst v16  }
0x325: {  	v29 =	vld [tilespmem:s25+$0xFFFFFF40];
	v22 =	vmul.f32 v13, v4;
	[tilespmem:s25+$0x40] =	vst v18  }
0x326: {  	v51 =	vld [tilespmem:s25+$0xFFFFFFF0];
	v27 =	vmul.f32 v19, v3;
	[tilespmem:s25+$0x50] =	vst v20  }
0x327: {  	v21 =	vld [tilespmem:s25+$0xA0];
	v31 =	vmul.f32 v23, v3;
	[tilespmem:s25+$0x60] =	vst v22  }
0x328: {  	v24 =	vld [tilespmem:s25+$0xC0];
	v54 =	vmul.f32 v45, v11;
	[tilespmem:s25+$0x90] =	vst v27  }
0x329: {  	v32 =	vld [tilespmem:s25+$0x100];
	v12 =	vmul.f32 v38, v2;
	[tilespmem:s25+$0xB0] =	vst v31  }
0x32a: {  	v34 =	vld [tilespmem:s25+$0x110];
	v38 =	vmul.f32 v29, v9;
	[tilespmem:s25+$0xFFFFFFC0] =	vst v54  }
0x32b: {  	v39 =	vld [tilespmem:s25+$0x140];
	v60 =	vmul.f32 v51, v11;
	[tilespmem:s25+$0x170] =	vst v12  }
0x32c: {  	v55 =	vld [tilespmem:s25+$0x10];
	v29 =	vmul.f32 v21, v3;
	[tilespmem:s25+$0xFFFFFF40] =	vst v38  }
0x32d: {  	v15 =	vld [tilespmem:s25+$0x70];
	v33 =	vmul.f32 v24, v3;
	[tilespmem:s25+$0xFFFFFFF0] =	vst v60  }
0x32e: {  	v36 =	vld [tilespmem:s25+$0x120];
	v40 =	vmul.f32 v32, v2;
	[tilespmem:s25+$0xA0] =	vst v29  }
0x32f: {  	v41 =	vld [tilespmem:s25+$0x150];
	v42 =	vmul.f32 v34, v2;
	[tilespmem:s25+$0xC0] =	vst v33  }
0x330: {  	v37 =	vld [tilespmem:s25+$0xFFFFFF80];
	v48 =	vmul.f32 v39, v2;
	[tilespmem:s25+$0x100] =	vst v40  }
0x331: {  	v17 =	vld [tilespmem:s25+$0x80];
	v12 =	vmul.f32 v55, v4;
	[tilespmem:s25+$0x110] =	vst v42  }
0x332: {  	v28 =	vld [tilespmem:s25+$0xE0];
	v4 =	vmul.f32 v15, v4;
	[tilespmem:s25+$0x140] =	vst v48  }
0x333: {  	v43 =	vld [tilespmem:s25+$0x160];
	v44 =	vmul.f32 v36, v2;
	[tilespmem:s25+$0x10] =	vst v12  }
0x334: {  	v47 =	vld [tilespmem:s25+$0x190];
	v50 =	vmul.f32 v41, v2;
	[tilespmem:s25+$0x70] =	vst v4  }
0x335: {  	v49 =	vld [tilespmem:s25+$0x1A0];
	v46 =	vmul.f32 v37, v11;
	[tilespmem:s25+$0x120] =	vst v44  }
0x336: {  	v57 =	vld [tilespmem:s25+$0x1E0];
	v25 =	vmul.f32 v17, v3;
	[tilespmem:s25+$0x150] =	vst v50  }
0x337: {  	v59 =	vld [tilespmem:s25+$0x1F0];
	v37 =	vmul.f32 v28, v3;
	[tilespmem:s25+$0xFFFFFF80] =	vst v46  }
0x338: {  	v45 =	vld [tilespmem:s25+$0x180];
	v52 =	vmul.f32 v43, v2;
	[tilespmem:s25+$0x80] =	vst v25  }
0x339: {  	v26 =	vld [tilespmem:s25+$0xD0];
	v56 =	vmul.f32 v47, v1;
	[tilespmem:s25+$0xE0] =	vst v37  }
0x33a: {  	v30 =	vld [tilespmem:s25+$0xF0];
	v58 =	vmul.f32 v49, v1;
	[tilespmem:s25+$0x160] =	vst v52  }
0x33b: {  	v51 =	vld [tilespmem:s25+$0x1B0];
	v62 =	vmul.f32 v57, v1;
	[tilespmem:s25+$0x190] =	vst v56  }
0x33c: {  	v38 =	vld [tilespmem:s25+$0x130];
	v63 =	vmul.f32 v59, v1;
	[tilespmem:s25+$0x1A0] =	vst v58  }
0x33d: {  	v53 =	vld [tilespmem:s25+$0x1C0];
	v54 =	vmul.f32 v45, v1;
	[tilespmem:s25+$0x1E0] =	vst v62  }
0x33e: {  	v55 =	vld [tilespmem:s25+$0x1D0];
	v35 =	vmul.f32 v26, v3;
	[tilespmem:s25+$0x1F0] =	vst v63  }
0x33f: {  	v3 =	vmul.f32 v30, v3;
	[tilespmem:s25+$0x180] =	vst v54  }
0x340: {  	v60 =	vmul.f32 v51, v1;
	[tilespmem:s25+$0xD0] =	vst v35  }
0x341: {  	[tilespmem:s25+$0xF0] =	vst v3;
	v46 =	vmul.f32 v38, v2  }
0x342: {  	v2 =	vmul.f32 v53, v1;
	[tilespmem:s25+$0x1B0] =	vst v60  }
0x343: {  	v61 =	vmul.f32 v55, v1;
	[tilespmem:s25+$0x130] =	vst v46  }
0x344: {  	s24 =	sadd.s32 $0x1, s24;
	[tilespmem:s25+$0x1C0] =	vst v2  }
0x345: {  	p1 =	sne.s32 s24, $0x72;
	[tilespmem:s25+$0x1D0] =	vst v61  }
0x346: {  	[spmem:s2] =	stream.indirect.scatter.add.f32 [tilespmem:s18], [sflag:$0x2], $0x80, s21, s17, $0xb8;
	[tilespmem:$0x1F980] =	vst v63  }
.Ltmp7:
0x347: {  	_ = 	snop;
	(pc) =	sbr.rel @p1 .LBB2_5-.Ltmp7, $4  }
.Ltmp8:
0x348: {  	_ = 	snop;
	(pc) =	sbr.rel @!p1 .LBB2_8-.Ltmp8, $4  }
0x349: {  	_ =	swait.ge [sflag:s15], $0x4000  }
0x34a: {  	[sflag:s15] =	ssyncset.done $0x0  }
0x34b: {  	[sflag:s15] =	ssyncadd.s32 $0xFFFFC000  }
0x34c: {  	_ = 	snop  }
.LBB2_9:
0x34d: {  	_ =	sfence.sel $0x180000  }
0x34e: {  	[bflag:$0x0] =	sbarrier.arrive $0xFFFF  }
0x34f: {  	p0 =	sne.s32 s3, $0x0;
	_ =	strace $0x9000004D  }
0x350: {  	s0 =	sadd.s32 @!p0 $0x100000, s0;
	[bflag:$0x2] =	sbarrier.arrive $0xFFFF  }
0x351: {  	[sflag:s0] =	ssyncadd.tile.s32 @!p0 $0x1;
	_ =	shalt  }
.Lfunc_end2:
_tile_overlayer_lowered:
.L_overlay_start_2:
0x352: {  	(tag) =	ssettag $0x2  }
0x353: {  	s0 =	rddreg [dreg:$0x0];
	s2 =	stileid.u32  }
0x354: {  	s1 =	rddreg [dreg:$0x1];
	p0 =	sne.s32 s2, $0x0  }
0x355: {  	s3 =	rddreg [dreg:$0x2];
	[bflag:$0x3] =	sbarrier.arrive $0xFFFF;
	s2 =	simm.s32 @!p0 $0x1C02  }
0x356: {  	[timem:s3], [sflag:s2] =	dma.local @!p0 [hbm:s0], s1  }
0x357: {  	s0 =	simm.s32 @!p0 $0x2  }
0x358: {  	_ =	swait.ge @!p0 [sflag:s0], s1  }
0x359: {  	s1 =	ssub.s32 @!p0 $0x0, s1;
	[sflag:s0] =	ssyncset.done @!p0 $0x0  }
0x35a: {  	[sflag:s0] =	ssyncadd.s32 @!p0 s1  }
0x35b: {  	[bflag:$0x3] =	sbarrier.arrive $0xFFFF  }
0x35c: {  	_ =	shalt  }

// kernel: kernel.9.cloned.1.call-start
scs
__scs_entry_jumppad:
0x0: {  	(pc) =	sbr.rel $0x88, $3  }
0x1: {  	(tag) =	ssettag $0x0;
	lr =	simm.s32 $0x1  }
0x2: {  	[smem:$0x3F92] =	sst lr;
	_ =	strace $0xD0000000  }
0x3: {  	_ = 	snop  }
0x4: {  	_ = 	snop  }
0x5: {  	_ = 	snop  }
0x6: {  	_ = 	snop  }
0x7: {  	_ = 	snop  }
__scs_overlays_trampoline_lowered:
0x8: {  	[smem:$0x3FA1] =	sst s0  }
0x9: {  	[smem:$0x3FA2] =	sst s1  }
0xa: {  	[smem:$0x3FA3] =	sst s2  }
0xb: {  	[smem:$0x3FA4] =	sst s3  }
0xc: {  	[smem:$0x3FA5] =	sst s4  }
0xd: {  	[smem:$0x3FA6] =	sst s5  }
0xe: {  	[smem:$0x3FA7] =	sst s6  }
0xf: {  	[smem:$0x3FA8] =	sst s7  }
0x10: {  	[smem:$0x3FA9] =	sst s8  }
0x11: {  	[smem:$0x3FAA] =	sst s9;
	s0 =	simm.s32 @!p0 $0x0  }
0x12: {  	s1 =	sld [smem:$0x3F90];
	s0 =	simm.s32 @p0 $0x1  }
0x13: {  	[smem:$0x3FAB] =	sst s0;
	s0 =	simm.s32 @!p1 $0x0  }
0x14: {  	s2 =	sld [smem:$0x3F8F];
	s0 =	simm.s32 @p1 $0x1  }
0x15: {  	[smem:$0x3FAC] =	sst s0;
	s0 =	simm.s32 @!p2 $0x0  }
0x16: {  	s3 =	sld [smem:$0x3FDB];
	s0 =	simm.s32 @p2 $0x1  }
0x17: {  	s4 =	simm.s32 $0x1BF5;
	[smem:$0x3FAE] =	sst s0  }
0x18: {  	s0 =	sld [smem:$0x3F91];
	_ =	swait.ge [sflag:s4], $0x0  }
0x19: {  	s7 =	sld [smem:$0x3F92]  }
0x1a: {  	s8 =	sadd.s32 $0xFFFFE003, lr  }
0x1b: {  	s9 =	sadd.s32 $0xFFFFFEF7, lr;
	s5 =	simm.s32 $0xFFFFFFFF;
	p2 =	slt.u32 s8, $0xFFFFF086  }
0x1c: {  	p1 =	slt.u32 s9, $0xF7A;
	s5 =	simm.s32 @!p2 $0x0  }
0x1d: {  	s5 =	simm.s32 @p1 $0x1;
	p0 =	seq.s32 s7, s2  }
0x1e: {  	s7 =	smul.u32 @!p0 $0xF7A, s2;
	p2 =	seq.s32 @!p0 s5, $0x0  }
0x1f: {  	s9 =	smul.u32 $0xF7A, s1;
	s8 =	simm.s32 @!p0 $0x1BF5;
	p2 =	por !p2, p0  }
0x20: {  	[sflag:s8] =	ssyncset.s32 @!p0 $0xFFFFF086;
	s6 =	sadd.s32 @!p0 s3, s7;
	s7 =	simm.s32 @!p0 $0x108  }
0x21: {  	s3 =	sadd.s32 s3, s9;
	s6 =	sadd.s32 @!p0 $0x88, s6;
	s7 =	simm.s32 @p2 $0x1082  }
0x22: {  	[simem:s7], [sflag:s8] =	dma.local @!p0 [hbm:s6], $0xF7A  }
0x23: {  	s9 =	sor.u32 $0xD0000000, s2;
	s6 =	simm.s32 $0x108;
	_ =	swait.ge @!p0 [sflag:s8], $0x0  }
0x24: {  	s3 =	sadd.s32 $0x88, s3;
	s6 =	simm.s32 @!p1 $0x1082;
	[sflag:s4] =	ssyncset.s32 $0xFFFFF086  }
0x25: {  	[simem:s6], [sflag:s4] =	dma.local [hbm:s3], $0xF7A  }
0x26: {  	[smem:$0x3F92] =	sst s1;
	(tag) =	ssettag s2;
	_ =	strace s9  }
0x27: {  	s1 =	sld [smem:$0x3FA2]  }
0x28: {  	s2 =	sld [smem:$0x3FA3]  }
0x29: {  	s4 =	sld [smem:$0x3FA5]  }
0x2a: {  	p0 =	seq.s32 s5, $0x0;
	s5 =	sld [smem:$0x3FA6]  }
0x2b: {  	s6 =	sld [smem:$0x3FA7]  }
0x2c: {  	s7 =	sld [smem:$0x3FA8]  }
0x2d: {  	s3 =	simm.s32 $0x108;
	s8 =	sld [smem:$0x3FA9]  }
0x2e: {  	s3 =	simm.s32 @!p0 $0x1082;
	s9 =	sld [smem:$0x3FAA]  }
0x2f: {  	lr =	sadd.s32 s0, s3;
	s0 =	sld [smem:$0x3FA1]  }
0x30: {  	s3 =	sld [smem:$0x3FA4]  }
0x31: {  	[smem:$0x3FAD] =	sst s10  }
0x32: {  	s10 =	sld [smem:$0x3FAB];
	_ =	sdelay $0x3  }
0x33: {  	p0 =	seq.s32 s10, $0x1;
	s10 =	sld [smem:$0x3FAD];
	_ =	sdelay $0x3  }
0x34: {  	[smem:$0x3FAD] =	sst s10  }
0x35: {  	s10 =	sld [smem:$0x3FAC];
	_ =	sdelay $0x3  }
0x36: {  	p1 =	seq.s32 s10, $0x1;
	s10 =	sld [smem:$0x3FAD];
	_ =	sdelay $0x3  }
0x37: {  	[smem:$0x3FAD] =	sst s10  }
0x38: {  	s10 =	sld [smem:$0x3FAE]  }
0x39: {  	_ = 	snop;
	(pc) =	sbr.ind lr, $3  }
0x3a: {  	_ = 	snop  }
0x3b: {  	_ = 	snop  }
0x3c: {  	p2 =	seq.s32 s10, $0x1;
	s10 =	sld [smem:$0x3FAD]  }
0x3d: {  	_ =	shalt  }
0x3e: {  	_ =	shalt  }
0x3f: {  	_ =	shalt  }
0x40: {  	_ =	shalt  }
0x41: {  	_ =	shalt  }
0x42: {  	_ =	shalt  }
0x43: {  	_ =	shalt  }
0x44: {  	_ =	shalt  }
0x45: {  	_ =	shalt  }
0x46: {  	_ =	shalt  }
0x47: {  	_ =	shalt  }
0x48: {  	_ =	shalt  }
0x49: {  	_ =	shalt  }
0x4a: {  	_ =	shalt  }
0x4b: {  	_ =	shalt  }
0x4c: {  	_ =	shalt  }
0x4d: {  	_ =	shalt  }
0x4e: {  	_ =	shalt  }
0x4f: {  	_ =	shalt  }
0x50: {  	_ =	shalt  }
0x51: {  	_ =	shalt  }
0x52: {  	_ =	shalt  }
0x53: {  	_ =	shalt  }
0x54: {  	_ =	shalt  }
0x55: {  	_ =	shalt  }
0x56: {  	_ =	shalt  }
0x57: {  	_ =	shalt  }
0x58: {  	_ =	shalt  }
0x59: {  	_ =	shalt  }
0x5a: {  	_ =	shalt  }
0x5b: {  	_ =	shalt  }
0x5c: {  	_ =	shalt  }
0x5d: {  	_ =	shalt  }
0x5e: {  	_ =	shalt  }
0x5f: {  	_ =	shalt  }
0x60: {  	_ =	shalt  }
0x61: {  	_ =	shalt  }
0x62: {  	_ =	shalt  }
0x63: {  	_ =	shalt  }
0x64: {  	_ =	shalt  }
0x65: {  	_ =	shalt  }
0x66: {  	_ =	shalt  }
0x67: {  	_ =	shalt  }
0x68: {  	_ =	shalt  }
0x69: {  	_ =	shalt  }
0x6a: {  	_ =	shalt  }
0x6b: {  	_ =	shalt  }
0x6c: {  	_ =	shalt  }
0x6d: {  	_ =	shalt  }
0x6e: {  	_ =	shalt  }
0x6f: {  	_ =	shalt  }
0x70: {  	_ =	shalt  }
0x71: {  	_ =	shalt  }
0x72: {  	_ =	shalt  }
0x73: {  	_ =	shalt  }
0x74: {  	_ =	shalt  }
0x75: {  	_ =	shalt  }
0x76: {  	_ =	shalt  }
0x77: {  	_ =	shalt  }
0x78: {  	_ =	shalt  }
0x79: {  	_ =	shalt  }
0x7a: {  	_ =	shalt  }
0x7b: {  	_ =	shalt  }
0x7c: {  	_ =	shalt  }
0x7d: {  	_ =	shalt  }
0x7e: {  	_ =	shalt  }
0x7f: {  	_ =	shalt  }
0x80: {  	_ =	shalt  }
0x81: {  	_ =	shalt  }
0x82: {  	_ =	shalt  }
0x83: {  	_ =	shalt  }
0x84: {  	_ =	shalt  }
0x85: {  	_ =	shalt  }
0x86: {  	_ =	shalt  }
0x87: {  	_ =	shalt  }
.Lfunc_end0:
.L_simem_size_0:
called_computation_lowered:
.L_overlay_start_0:
0x88: {  	s2 =	sld [smem:$0x3FD9]  }
0x89: {  	s3 =	sld [smem:$0x3FFE];
	_ =	sdelay $0x1  }
0x8a: {  	s1 =	srdreg.scid  }
0x8b: {  	s0 =	sand.u32 $0x1, s1  }
0x8c: {  	s17 =	sshll.u32 s0, $0xA;
	s2 =	sadd.s32 s3, s2  }
0x8d: {  	s2 =	sadd.s32 s2, s17  }
0x8e: {  	[smem:$0x3FB9] =	sst s2  }
0x8f: {  	_ = 	snop  }
0x90: {  	s2 =	sld [smem:$0x3FD0];
	(tm) =	ssettm $0x1  }
0x91: {  	s18 =	sld [smem:$0x3FFB];
	_ =	sdelay $0x3  }
0x92: {  	_ =	strace s18  }
0x93: {  	s3 =	sld [smem:$0x3FFC];
	_ =	sdelay $0x3  }
0x94: {  	_ =	strace s3  }
0x95: {  	s3 =	sld [smem:$0x3FFD];
	_ =	sdelay $0x3  }
0x96: {  	_ =	strace s3  }
0x97: {  	_ =	strace $0x8FFFFFFF  }
0x98: {  	s19 =	sld [smem:$0x3FDB];
	_ =	sdelay $0x1  }
0x99: {  	s4 =	simm.s32 $_scs_section_size  }
0x9a: {  	s5 =	simm.s32 $_size__tile_overlayer_lowered;
	s6 =	simm.s32 $_tile_overlayer_lowered  }
0x9b: {  	s22 =	simm.s32 $0x1BFF;
	s21 =	sshll.u32 s6, $0x1;
	s3 =	sadd.s32 s4, s19  }
0x9c: {  	s7 =	simm.s32 $0x0;
	s20 =	sshll.u32 s5, $0x1;
	s5 =	sadd.s32 s21, s3  }
0x9d: {  	[timem:s7], [sflag:s22] =	dma.local [hbm:s5], s20  }
0x9e: {  	_ =	swait.ge [sflag:s22], s20  }
0x9f: {  	s4 =	ssub.s32 $0x0, s20;
	[sflag:s22] =	ssyncset.done $0x0  }
0xa0: {  	[sflag:s22] =	ssyncadd.s32 s4;
	_ =	sdelay $0x1  }
0xa1: {  	s23 =	simm.s32 $0x1B8B  }
0xa2: {  	_ =	swait.ge [sflag:s23], $0x1  }
0xa3: {  	[sflag:s23] =	ssyncset.done $0x0  }
0xa4: {  	s25 =	simm.s32 $0x1B8E;
	s24 =	sld [smem:$0x3FFE];
	[sflag:s23] =	ssyncadd.s32 $0xFFFFFFFF  }
0xa5: {  	s26 =	simm.s32 $execute0_lowered;
	[smem:$0x3FD2] =	sst s25  }
0xa6: {  	s5 =	sshll.u32 s26, $0x1;
	_ =	strace $0x80000046;
	[dreg:$0x1] =	wrdreg $0xFFFFFFFF  }
0xa7: {  	s28 =	simm.s32 $_size_execute0_lowered;
	s3 =	sadd.s32 s3, s5;
	[dreg:$0x0] =	wrdreg $0x0  }
0xa8: {  	s5 =	sshll.u32 s28, $0x1;
	[dreg:$0x2] =	wrdreg s3  }
0xa9: {  	[dreg:$0x3] =	wrdreg s5  }
0xaa: {  	[dreg:$0x4] =	wrdreg $0xC0  }
0xab: {  	_ =	task [dreg:s7], $0x5FFFF  }
0xac: {  	[dreg:$0x1] =	wrdreg $0xFFFFFFFF  }
0xad: {  	[dreg:$0x0] =	wrdreg $0x60  }
0xae: {  	[dreg:$0x2] =	wrdreg s2  }
0xaf: {  	[dreg:$0x3] =	wrdreg s24  }
0xb0: {  	[dreg:$0x4] =	wrdreg $0x9  }
0xb1: {  	_ =	task.clear_ibuf [dreg:s7], $0x5FFFF;
	_ =	strace $0x90000046  }
0xb2: {  	s29 =	simm.s32 $0x9;
	_ =	strace $0x80000048  }
0xb3: {  	_ =	swait.ge [sflag:s29], $0x1  }
0xb4: {  	[sflag:s29] =	ssyncadd.s32 $0xFFFFFFFF  }
0xb5: {  	_ =	strace $0x90000048  }
0xb6: {  	_ =	sfence  }
0xb7: {  	s30 =	sld [smem:$0x0];
	_ =	sdelay $0x2  }
0xb8: {  	s31 =	sshll.u32 s1, $0xD;
	s1 =	sshrl.u32 s1, $0x2  }
0xb9: {  	s3 =	sand.u32 $0x4000, s31;
	s1 =	sadd.s32 s1, s30  }
0xba: {  	s0 =	sor.u32 s3, s0;
	s1 =	sshll.u32 s1, $0x11  }
0xbb: {  	s0 =	sor.u32 s1, s0  }
0xbc: {  	s0 =	sadd.s32 $0x8F2B, s0  }
0xbd: {  	[sflag:s0] =	ssyncadd.remote.s32 $0x1  }
0xbe: {  	_ =	sfence.sel $0xFFFF  }
0xbf: {  	[dreg:$0x0] =	wrdreg $0xFFFFFFFF;
	(pc) =	sbr.abs _section_cstart, $3  }
0xc0: {  	[dreg:$0x1] =	wrdreg $0xFFFFFFFF  }
0xc1: {  	_ =	task.clear_ibuf [dreg:s7], $0x2FFFF;
	_ =	strace $0x9FFFFFFF  }
0xc2: {  	(tm) =	ssettm $0x7FFFFFFF  }
0xc3: {  	_ =	shalt  }
tec
execute0_lowered:
.L_overlay_start_1:
0x0: {  	(tag) =	ssettag $0x1  }
0x1: {  	s0 =	srdreg.scid;
	s4 =	rddreg [dreg:$0x0]  }
0x2: {  	s6 =	rddreg [dreg:$0x1];
	s1 =	stileid.u32  }
0x3: {  	s2 =	simm.s32 $0x0;
	s13 =	simm.s32 $0x80;
	s14 =	simm.s32 $0x400  }
0x4: {  	s15 =	simm.s32 $0x0;
	s5 =	sand.u32 $0x1, s0;
	s0 =	rddreg [dreg:$0x2]  }
0x5: {  	s18 =	simm.s32 $0x0;
	[smem:$0x7FF] =	sst s2;
	s3 =	sshll.u32 s5, $0x4  }
0x6: {  	s10 =	sshll.u32 s1, $0x7;
	s12 =	sadd.s32 $0x8400, s6;
	s7 =	sor.u32 s1, s3  }
0x7: {  	_ =	strace $0x80000047;
	s5 =	ssub.s32 $0x2, s5;
	s3 =	smul.u32 $0x280, s7  }
0x8: {  	s11 =	sshrl.u32 s5, $0x1;
	s9 =	sshrl.u32 s7, $0x3;
	s7 =	smul.u32 $0x4F0, s7  }
0x9: {  	s10 =	sand.u32 $0x380, s10;
	s11 =	ssub.s32 s5, s11;
	s9 =	smul.u32 $0x14000, s9  }
0xa: {  	s8 =	sadd.s32 s3, s6;
	s3 =	sadd.s32 $0x7E00, s6;
	s4 =	sadd.s32 s4, s7  }
0xb: {  	s29 =	sor.u32 s10, s9;
	s5 =	sadd.s32 $0x2E00, s8;
	s8 =	smax.u32 s11, $0x1  }
0xc: {  	s9 =	simm.s32 $0x1;
	s10 =	simm.s32 $0x2800;
	s31 =	sadd.s32 $0x50000, s29  }
0xd: {  	s11 =	simm.s32 $0x5000;
	s30 =	sshrl.u32 s29, $0x3;
	s7 =	sshrl.u32 s31, $0x3  }
0xe: {  	v0 =	vimm.f32 $1.000000000e+00;
	s6 =	sadd.s32 s12, s30;
	s7 =	sadd.s32 s12, s7;
	s12 =	simm.s32 $0x7780  }
.LBB2_1:
0xf: {  	[tilespmem:s2], [sflag:$0x1] =	stream.linear.gather [hbm4b:s3+s2], $0x2800, $0x38;
	[tilespmem:$0x8B80] =	vst v63  }
0x10: {  	_ =	swait.ge [sflag:s9], $0x2800  }
0x11: {  	[sflag:s9] =	ssyncset.done $0x0  }
0x12: {  	[sflag:s9] =	ssyncadd.s32 $0xFFFFD800  }
0x13: {  	[tilespmem:s10], [sflag:$0x1] =	stream.linear.gather [hbm4b:s3+s2], $0x2800, $0x38;
	[tilespmem:$0x8B80] =	vst v63  }
0x14: {  	_ =	swait.ge [sflag:s9], $0x2800  }
0x15: {  	[sflag:s9] =	ssyncset.done $0x0  }
0x16: {  	[sflag:s9] =	ssyncadd.s32 $0xFFFFD800  }
0x17: {  	[tilespmem:s11], [sflag:$0x1] =	stream.linear.gather [hbm4b:s4+s2], $0x2780, $0x38;
	[tilespmem:$0x8B80] =	vst v63  }
0x18: {  	_ =	swait.ge [sflag:s9], $0x2780  }
0x19: {  	[sflag:s9] =	ssyncset.done $0x0  }
0x1a: {  	[sflag:s9] =	ssyncadd.s32 $0xFFFFD880  }
0x1b: {  	[tilespmem:s12], [sflag:$0x1] =	stream.linear.gather [hbm4b:s5+s2], $0x1400, $0x38;
	[tilespmem:$0x8B80] =	vst v63  }
0x1c: {  	_ =	swait.ge [sflag:s9], $0x1400  }
0x1d: {  	[sflag:s9] =	ssyncset.done $0x0  }
0x1e: {  	s17 =	simm.s32 $0x0;
	s16 =	simm.s32 $0x40;
	[sflag:s9] =	ssyncadd.s32 $0xFFFFEC00  }
.LBB2_2:
0x1f: {  	p0 =	sne.s32 s16, $0x9DC0;
	v1 =	vld [tilespmem:s17+$0x5000];
	_ =	sdelay $0x3  }
.Ltmp0:
0x20: {  	(pc) =	sbr.rel @p0 .LBB2_2-.Ltmp0, $2  }
0x21: {  	_ =	sdelay $0x2  }
0x22: {  	s17 =	sshra.s32 s16, $0x2;
	s16 =	sadd.s32 $0x40, s16;
	[tilespmem:v1+s18+$0x0] =	vst.idx.add.f32.msk $0xffff, v0  }
0x23: {  	v1 =	vld [tilespmem:s17+$0x5000];
	_ =	sdelay $0x7  }
0x24: {  	s17 =	simm.s32 $0x0;
	s16 =	simm.s32 $0x40;
	[tilespmem:v1+s18+$0x0] =	vst.idx.add.f32.msk $0xffff, v0  }
.LBB2_4:
0x25: {  	p0 =	sne.s32 s16, $0x4FC0;
	v1 =	vld [tilespmem:s17+$0x7780];
	_ =	sdelay $0x3  }
.Ltmp1:
0x26: {  	(pc) =	sbr.rel @p0 .LBB2_4-.Ltmp1, $2  }
0x27: {  	_ =	sdelay $0x2  }
0x28: {  	s17 =	sshra.s32 s16, $0x2;
	s16 =	sadd.s32 $0x40, s16;
	[tilespmem:v1+s10+$0x0] =	vst.idx.add.f32.msk $0xffff, v0  }
0x29: {  	v1 =	vld [tilespmem:s17+$0x7780];
	_ =	sdelay $0x7  }
0x2a: {  	[tilespmem:v1+s10+$0x0] =	vst.idx.add.f32.msk $0xffff, v0  }
0x2b: {  	[hbm4b:s6+s13] =	stream.strided.scatter [tilespmem:s2], [sflag:$0x1], $0x2800, s14, s13, $0x38;
	[tilespmem:$0x8B80] =	vst v63  }
0x2c: {  	s15 =	sadd.s32 $0x1, s15;
	_ =	swait.ge [sflag:s9], $0x2800  }
0x2d: {  	p0 =	sne.s32 s15, s8;
	[sflag:s9] =	ssyncset.done $0x0  }
.Ltmp2:
0x2e: {  	[sflag:s9] =	ssyncadd.s32 $0xFFFFD800;
	(pc) =	sbr.rel @p0 .LBB2_1-.Ltmp2, $4  }
0x2f: {  	[hbm4b:s7+s13] =	stream.strided.scatter [tilespmem:s10], [sflag:$0x1], $0x2800, s14, s13, $0x38;
	[tilespmem:$0x8B80] =	vst v63  }
0x30: {  	_ =	swait.ge [sflag:s9], $0x2800  }
0x31: {  	[sflag:s9] =	ssyncset.done $0x0  }
0x32: {  	[sflag:s9] =	ssyncadd.s32 $0xFFFFD800  }
0x33: {  	_ =	sfence.sel $0x180000  }
0x34: {  	[bflag:$0x0] =	sbarrier.arrive $0xFFFF  }
0x35: {  	p0 =	sne.s32 s1, $0x0;
	_ =	strace $0x90000047  }
0x36: {  	s0 =	sadd.s32 @!p0 $0x100000, s0;
	[bflag:$0x2] =	sbarrier.arrive $0xFFFF  }
0x37: {  	[sflag:s0] =	ssyncadd.tile.s32 @!p0 $0x1;
	_ =	shalt  }
.Lfunc_end2:
_tile_overlayer_lowered:
.L_overlay_start_2:
0x38: {  	(tag) =	ssettag $0x2  }
0x39: {  	s0 =	rddreg [dreg:$0x0];
	s2 =	stileid.u32  }
0x3a: {  	s1 =	rddreg [dreg:$0x1];
	p0 =	sne.s32 s2, $0x0  }
0x3b: {  	s3 =	rddreg [dreg:$0x2];
	[bflag:$0x3] =	sbarrier.arrive $0xFFFF;
	s2 =	simm.s32 @!p0 $0x1C01  }
0x3c: {  	[timem:s3], [sflag:s2] =	dma.local @!p0 [hbm:s0], s1  }
0x3d: {  	s0 =	simm.s32 @!p0 $0x1  }
0x3e: {  	_ =	swait.ge @!p0 [sflag:s0], s1  }
0x3f: {  	s1 =	ssub.s32 @!p0 $0x0, s1;
	[sflag:s0] =	ssyncset.done @!p0 $0x0  }
0x40: {  	[sflag:s0] =	ssyncadd.s32 @!p0 s1  }
0x41: {  	[bflag:$0x3] =	sbarrier.arrive $0xFFFF  }
0x42: {  	_ =	shalt  }

</sc_bundles>
